<compile_context>
chip_gen: v7x
topology: tpu7x:2x2x1
jax: 0.10.2.dev20260603
libtpu: 0.0.44.dev20260713+nightly
codegen_flags: <defaults>
</compile_context>

<pallas_src>
import functools

import jax
import jax.numpy as jnp
from jax import lax
from jax.experimental import pallas as pl
from jax.experimental.pallas import tpu as pltpu
from jax.experimental.pallas import tpu_sc as plsc

_N = 50000
_C = 4
_V = 3
_D = 128
_W = _D // 2
_E = _N * _C * _V

_NC = 2
_NS = 16
_NW = _NC * _NS
_R = 128
_EPAD = -(-_E // (_NW * _R)) * (_NW * _R)
_PERW = _EPAD // _NW
_NCHUNK = _PERW // _R

_BN = 2000


def _norm(x):
    n = jnp.sqrt(jnp.sum(x * x, axis=-1, keepdims=True))
    return x / jnp.maximum(n, 1e-12)


def _pack(x):
    xh = x.astype(jnp.bfloat16)
    lo = pltpu.bitcast(xh[:, :_W], jnp.uint16).astype(jnp.uint32)
    hi = pltpu.bitcast(xh[:, _W:], jnp.uint16).astype(jnp.uint32)
    return pltpu.bitcast(lo | (hi << 16), jnp.int32)


def _unpack(w):
    wu = pltpu.bitcast(w, jnp.uint32)
    lo = pltpu.bitcast((wu & 0xFFFF).astype(jnp.uint16), jnp.bfloat16)
    hi = pltpu.bitcast((wu >> 16).astype(jnp.uint16), jnp.bfloat16)
    return jnp.concatenate([lo, hi], axis=1)


def _unpack_pairs(w):
    return jnp.concatenate([_unpack(w[:, :_W]), _unpack(w[:, _W:])], axis=0)


def _prep_body(emb_ref, wneg_ref, bneg_ref, out_ref):
    ev = _norm(emb_ref[:, :_D])
    od = _norm(emb_ref[:, _D:])
    t0 = jnp.concatenate([ev, od], axis=0)
    t1 = (
        jnp.dot(t0.astype(jnp.bfloat16), wneg_ref[...],
                preferred_element_type=jnp.float32)
        + bneg_ref[...]
    )
    out_ref[0] = _pack(t0)
    out_ref[1] = _pack(t1)


def _prep(emb, wneg, bneg2d):
    return pl.pallas_call(
        _prep_body,
        grid=(_N // _BN,),
        in_specs=[
            pl.BlockSpec((_BN // 2, 2 * _D), lambda i: (i, 0)),
            pl.BlockSpec((_D, _D), lambda i: (0, 0)),
            pl.BlockSpec((1, _D), lambda i: (0, 0)),
        ],
        out_specs=pl.BlockSpec((2, _BN, _W), lambda i: (0, i, 0)),
        out_shape=jax.ShapeDtypeStruct((2, _N, _W), jnp.int32),
    )(emb, wneg, bneg2d)


_NB = 3


def _sc_gather(table, idx):
    mesh = plsc.VectorSubcoreMesh(core_axis_name="c", subcore_axis_name="s")

    @functools.partial(
        pl.kernel,
        mesh=mesh,
        compiler_params=pltpu.CompilerParams(use_tc_tiling_on_sc=False),
        out_type=jax.ShapeDtypeStruct((_EPAD, _W), jnp.int32),
        scratch_types=[
            pltpu.VMEM((_NB, _R), jnp.int32),
            pltpu.VMEM((_NB, _R, _W), jnp.int32),
        ] + [pltpu.SemaphoreType.DMA] * (2 * _NB),
    )
    def gk(table_hbm, idx_hbm, out_hbm, idx_v, rows_v, *sems):
        sg, ss = sems[:_NB], sems[_NB:]
        wid = lax.axis_index("s") * _NC + lax.axis_index("c")
        base = wid * _PERW

        for b in range(_NB):
            pltpu.sync_copy(idx_hbm.at[pl.ds(base + b * _R, _R)], idx_v.at[b])
            pltpu.async_copy(table_hbm.at[idx_v.at[b]], rows_v.at[b], sg[b])

        def body(g, carry):
            for b in range(_NB):
                off = base + (g * _NB + b) * _R
                pltpu.make_async_copy(
                    table_hbm.at[idx_v.at[b]], rows_v.at[b], sg[b]).wait()
                st = pltpu.async_copy(
                    rows_v.at[b], out_hbm.at[pl.ds(off, _R)], ss[b])
                pltpu.sync_copy(
                    idx_hbm.at[pl.ds(off + _NB * _R, _R)], idx_v.at[b])
                st.wait()
                pltpu.async_copy(table_hbm.at[idx_v.at[b]], rows_v.at[b], sg[b])
            return carry

        lax.fori_loop(0, _NCHUNK // _NB - 1, body, 0)

        for b in range(_NB):
            off = base + (_NCHUNK - _NB + b) * _R
            pltpu.make_async_copy(
                table_hbm.at[idx_v.at[b]], rows_v.at[b], sg[b]).wait()
            pltpu.async_copy(
                rows_v.at[b], out_hbm.at[pl.ds(off, _R)], ss[b]).wait()

    return gk(table, idx)


def _combine_body(final, *refs):
    g_refs = refs[:_C * _V]
    (w1v_ref, b1v_ref, w2v_ref, b2v_ref,
     w1c_ref, b1c_ref, w2c_ref, b2c_ref,
     wneg_ref, bneg_ref, out_ref) = refs[_C * _V:]
    a1 = None
    a2 = None
    for c in range(_C):
        h1 = None
        h2 = None
        for j in range(_V):
            g = _unpack_pairs(g_refs[c * _V + j][...])
            d1 = jnp.dot(g, w1v_ref[j * _D:(j + 1) * _D, :],
                         preferred_element_type=jnp.float32)
            d2 = jnp.dot(g, w2v_ref[j * _D:(j + 1) * _D, :],
                         preferred_element_type=jnp.float32)
            h1 = d1 if h1 is None else h1 + d1
            h2 = d2 if h2 is None else h2 + d2
        ce = _norm(jax.nn.sigmoid(h1 + b1v_ref[...]) + h2 + b2v_ref[...])
        ce = ce.astype(jnp.bfloat16)
        d1 = jnp.dot(ce, w1c_ref[c * _D:(c + 1) * _D, :],
                     preferred_element_type=jnp.float32)
        d2 = jnp.dot(ce, w2c_ref[c * _D:(c + 1) * _D, :],
                     preferred_element_type=jnp.float32)
        a1 = d1 if a1 is None else a1 + d1
        a2 = d2 if a2 is None else a2 + d2
    v = _norm(jax.nn.sigmoid(a1 + b1c_ref[...]) + a2 + b2c_ref[...])
    if final:
        out_ref[...] = jnp.concatenate(
            [v[:_BN // 2], v[_BN // 2:]], axis=1)
    else:
        out_ref[0] = _pack(v)
        proj = (
            jnp.dot(v.astype(jnp.bfloat16), wneg_ref[...],
                    preferred_element_type=jnp.float32)
            + bneg_ref[...]
        )
        out_ref[1] = _pack(proj)


def _combine(g, w1v, b1v, w2v, b2v, w1c, b1c, w2c, b2c, wneg, bneg, final):
    def wspec(r):
        return pl.BlockSpec((r, _D), lambda i: (0, 0))

    def gspec(c, j):
        off = (j * _C + c) * (_N // _BN)
        return pl.BlockSpec((_BN // 2, _D), lambda i, o=off: (o + i, 0))

    bspec = pl.BlockSpec((1, _D), lambda i: (0, 0))
    if final:
        out_specs = pl.BlockSpec((_BN // 2, 2 * _D), lambda i: (i, 0))
        out_shape = jax.ShapeDtypeStruct((_N // 2, 2 * _D), jnp.float32)
    else:
        out_specs = pl.BlockSpec((2, _BN, _W), lambda i: (0, i, 0))
        out_shape = jax.ShapeDtypeStruct((2, _N, _W), jnp.int32)
    return pl.pallas_call(
        functools.partial(_combine_body, final),
        grid=(_N // _BN,),
        in_specs=[gspec(c, j) for c in range(_C) for j in range(_V)] + [
            wspec(_V * _D), bspec, wspec(_V * _D), bspec,
            wspec(_C * _D), bspec, wspec(_C * _D), bspec,
            wspec(_D), bspec,
        ],
        out_specs=out_specs,
        out_shape=out_shape,
    )(*([g] * (_C * _V)),
      w1v, b1v, w2v, b2v, w1c, b1c, w2c, b2c, wneg, bneg)


def kernel(lits, neg, emb, Wneg, bneg, W1v, b1v, W2v, b2v, W1c, b1c, W2c, b2c):
    l = lits.astype(jnp.int32)
    lperm = (l // _BN) * _BN + (l % _BN) // 2 + (l % 2) * (_BN // 2)
    idx = lperm + neg.astype(jnp.int32) * _N
    idx = jnp.transpose(idx, (2, 1, 0)).reshape(-1)
    idx = jnp.concatenate([idx, jnp.zeros((_EPAD - _E,), jnp.int32)])

    def r2(v):
        return v.reshape(1, _D)

    bf = jnp.bfloat16
    W1v, W2v, W1c, W2c, Wneg = (w.astype(bf) for w in (W1v, W2v, W1c, W2c, Wneg))

    t = _prep(emb.reshape(_N // 2, 2 * _D), Wneg, r2(bneg))
    for step in range(2):
        g = _sc_gather(t.reshape(2 * _N, _W), idx)
        g = g.reshape(_EPAD // 2, _D)
        t = _combine(g, W1v, r2(b1v), W2v, r2(b2v),
                     W1c, r2(b1c), W2c, r2(b2c), Wneg, r2(bneg),
                     final=(step == 1))
    return t.reshape(_N, _D)

# --- scband reference (transcript-rebuilt; emitter-appended) ---
"""Pipeline reference for scband-encoder-74689481278119 (READ-ONLY COPY).

The authoritative reference and input builder live on the scoring server;
editing this copy changes nothing except your own understanding.
"""

import jax, jax.numpy as jnp
import numpy as np

N = 50000   # num_variables (all ground)
C = 4       # max_clauses per variable
V = 3       # max_variables (literals) per clause
D = 128     # embedding_dim
MAX_ITERS = 2


def _normalize(x, eps=1e-12):
    n = jnp.sqrt(jnp.sum(x * x, axis=-1, keepdims=True))
    return x / jnp.maximum(n, eps)


def setup_inputs(seed: int = 0) -> dict:
    key = jax.random.key(seed)
    ks = jax.random.split(key, 10)
    s = 0.02
    lits = jax.random.randint(ks[0], (N, C, V), 0, N, dtype=jnp.int32)
    neg = jax.random.randint(ks[1], (N, C, V), 0, 2, dtype=jnp.int32)
    emb = jax.random.normal(ks[2], (N, D), dtype=jnp.float32)
    Wneg = jax.random.normal(ks[3], (D, D), dtype=jnp.float32) * s
    bneg = jnp.zeros((D,), jnp.float32)
    W1v = jax.random.normal(ks[4], (V * D, D), dtype=jnp.float32) * s
    b1v = jnp.zeros((D,), jnp.float32)
    W2v = jax.random.normal(ks[5], (V * D, D), dtype=jnp.float32) * s
    b2v = jnp.zeros((D,), jnp.float32)
    W1c = jax.random.normal(ks[6], (C * D, D), dtype=jnp.float32) * s
    b1c = jnp.zeros((D,), jnp.float32)
    W2c = jax.random.normal(ks[7], (C * D, D), dtype=jnp.float32) * s
    b2c = jnp.zeros((D,), jnp.float32)
    return {"lits": lits, "neg": neg, "emb": emb, "Wneg": Wneg, "bneg": bneg,
            "W1v": W1v, "b1v": b1v, "W2v": W2v, "b2v": b2v,
            "W1c": W1c, "b1c": b1c, "W2c": W2c, "b2c": b2c}


def _residual_combine(flat, W1, b1, W2, b2):
    # ResidualCombine: normalize(sigmoid(layer1(x)) + layer2(x))
    return _normalize(jax.nn.sigmoid(flat @ W1 + b1) + (flat @ W2 + b2))


def reference(lits, neg, emb, Wneg, bneg, W1v, b1v, W2v, b2v, W1c, b1c, W2c, b2c):
    # Tensorized Encoder.forward: every variable is a ground variable, so
    # initial embeddings are normalize(embedding(i)) for i in range(N).
    variables = _normalize(emb)                              # [N, D]
    for _ in range(MAX_ITERS):
        # _forward_clause: gather the V literal embeddings of each clause
        v = jnp.take(variables, lits, axis=0)                # [N, C, V, D] gather
        # negated literals pass through the negation linear layer
        vn = v @ Wneg + bneg
        v = jnp.where(neg[..., None] > 0, vn, v)
        # prepare_variables(permute=False) -> concat V embeddings; variable_combiner
        clause_in = v.reshape(N, C, V * D)
        clause_emb = _residual_combine(clause_in, W1v, b1v, W2v, b2v)  # [N, C, D]
        # prepare_clauses(permute=False) -> concat C clause embeddings; clause_combiner
        var_in = clause_emb.reshape(N, C * D)
        variables = _residual_combine(var_in, W1c, b1c, W2c, b2c)      # [N, D]
    return variables

if __name__ == "__main__":
    import jax
    _d = setup_inputs()
    print(jax.jit(kernel)(*tuple(_d.values())))

</pallas_src>

<mosaic_0001>
#map = affine_map<(d0, d1) -> (0, 0)>
#map1 = affine_map<(d0, d1) -> (0)>
module attributes {stable_mosaic.version = 14 : i64} {
  func.func @gk(%arg0: i32, %arg1: i32, %arg2: memref<100000x64xi32, #tpu.memory_space<hbm>>, %arg3: memref<602112xi32, #tpu.memory_space<hbm>>, %arg4: memref<602112x64xi32, #tpu.memory_space<hbm>>, %arg5: memref<3x128xi32, #tpu.memory_space<vmem>>, %arg6: memref<3x128x64xi32, #tpu.memory_space<vmem>>, %arg7: memref<!tpu.dma_semaphore, #tpu.memory_space<semaphore_mem>>, %arg8: memref<!tpu.dma_semaphore, #tpu.memory_space<semaphore_mem>>, %arg9: memref<!tpu.dma_semaphore, #tpu.memory_space<semaphore_mem>>, %arg10: memref<!tpu.dma_semaphore, #tpu.memory_space<semaphore_mem>>, %arg11: memref<!tpu.dma_semaphore, #tpu.memory_space<semaphore_mem>>, %arg12: memref<!tpu.dma_semaphore, #tpu.memory_space<semaphore_mem>>) attributes {dimension_semantics = [#tpu.dimension_semantics<core_parallel>, #tpu.dimension_semantics<subcore_parallel>], iteration_bounds = array<i64: 2, 16>, scalar_prefetch = 0 : i64, scratch_operands = 8 : i64, tpu.core_type = #tpu.core_type<sc_vector_subcore>, window_params = [{transform_indices = #map}, {transform_indices = #map1}, {transform_indices = #map}]} {
    %mul3A = arith.constant 2 : i32
    %mul3A_0 = arith.muli %arg1, %mul3A : i32
    %add3A = arith.addi %mul3A_0, %arg0 : i32
    %mul3A_1 = arith.constant 18816 : i32
    %mul3A_2 = arith.muli %add3A, %mul3A_1 : i32
    %add3A_3 = arith.constant 0 : i32
    %add3A_4 = arith.addi %mul3A_2, %add3A_3 : i32
    %run_scoped3A = arith.constant 0 : i32
    "tpu.region"() ({
      %run_scoped3A_170 = tpu.sem_alloc : memref<!tpu.dma_semaphore, #tpu.memory_space<semaphore_mem>>
      %dma_start3A_171 = arith.constant 0 : i32
      %dma_start3A_172 = tpu.memref_slice %arg5[%run_scoped3A, %dma_start3A_171] : memref<3x128xi32, #tpu.memory_space<vmem>> -> memref<1x128xi32, #tpu.memory_space<vmem>>
      %dma_start3A_173 = tpu.memref_squeeze %dma_start3A_172 : memref<1x128xi32, #tpu.memory_space<vmem>> -> memref<128xi32, #tpu.memory_space<vmem>>
      %dma_start3A_174 = tpu.memref_slice %arg3[%add3A_4] : memref<602112xi32, #tpu.memory_space<hbm>> -> memref<128xi32, #tpu.memory_space<hbm>>
      %dma_start3A_175 = arith.constant 0 : i32
      %dma_start3A_176 = tpu.memref_slice %arg5[%run_scoped3A, %dma_start3A_175] : memref<3x128xi32, #tpu.memory_space<vmem>> -> memref<1x128xi32, #tpu.memory_space<vmem>>
      %dma_start3A_177 = tpu.memref_squeeze %dma_start3A_176 : memref<1x128xi32, #tpu.memory_space<vmem>> -> memref<128xi32, #tpu.memory_space<vmem>>
      %dma_start3A_178 = tpu.memref_slice %arg3[%add3A_4] : memref<602112xi32, #tpu.memory_space<hbm>> -> memref<128xi32, #tpu.memory_space<hbm>>
      tpu.enqueue_dma source(%dma_start3A_178 : memref<128xi32, #tpu.memory_space<hbm>>) target(%dma_start3A_177 : memref<128xi32, #tpu.memory_space<vmem>>) target_semaphore(%run_scoped3A_170 : memref<!tpu.dma_semaphore, #tpu.memory_space<semaphore_mem>>)
      %dma_wait3A_179 = arith.constant 0 : i32
      %dma_wait3A_180 = tpu.memref_slice %arg5[%run_scoped3A, %dma_wait3A_179] : memref<3x128xi32, #tpu.memory_space<vmem>> -> memref<1x128xi32, #tpu.memory_space<vmem>>
      %dma_wait3A_181 = tpu.memref_squeeze %dma_wait3A_180 : memref<1x128xi32, #tpu.memory_space<vmem>> -> memref<128xi32, #tpu.memory_space<vmem>>
      %dma_wait3A_182 = tpu.memref_slice %arg3[%add3A_4] : memref<602112xi32, #tpu.memory_space<hbm>> -> memref<128xi32, #tpu.memory_space<hbm>>
      %dma_wait3A_183 = arith.constant 0 : i32
      %dma_wait3A_184 = tpu.memref_slice %arg5[%run_scoped3A, %dma_wait3A_183] : memref<3x128xi32, #tpu.memory_space<vmem>> -> memref<1x128xi32, #tpu.memory_space<vmem>>
      %dma_wait3A_185 = tpu.memref_squeeze %dma_wait3A_184 : memref<1x128xi32, #tpu.memory_space<vmem>> -> memref<128xi32, #tpu.memory_space<vmem>>
      %dma_wait3A_186 = tpu.memref_slice %arg3[%add3A_4] : memref<602112xi32, #tpu.memory_space<hbm>> -> memref<128xi32, #tpu.memory_space<hbm>>
      tpu.wait_dma2 semaphore(%run_scoped3A_170 : memref<!tpu.dma_semaphore, #tpu.memory_space<semaphore_mem>>) src(%dma_wait3A_186 : memref<128xi32, #tpu.memory_space<hbm>>) dst(%dma_wait3A_185 : memref<128xi32, #tpu.memory_space<vmem>>)
      tpu.yield
    }) : () -> ()
    %dma_start3A = arith.constant 0 : i32
    %dma_start3A_5 = arith.constant 0 : i32
    %dma_start3A_6 = arith.constant 0 : i32
    %dma_start3A_7 = arith.constant 0 : i32
    %dma_start3A_8 = tpu.memref_slice %arg6[%dma_start3A_5, %dma_start3A_6, %dma_start3A_7] : memref<3x128x64xi32, #tpu.memory_space<vmem>> -> memref<1x128x64xi32, #tpu.memory_space<vmem>>
    %dma_start3A_9 = tpu.memref_squeeze %dma_start3A_8 : memref<1x128x64xi32, #tpu.memory_space<vmem>> -> memref<128x64xi32, #tpu.memory_space<vmem>>
    %dma_start3A_10 = arith.constant 0 : i32
    %dma_start3A_11 = tpu.memref_slice %arg5[%dma_start3A, %dma_start3A_10] : memref<3x128xi32, #tpu.memory_space<vmem>> -> memref<1x128xi32, #tpu.memory_space<vmem>>
    %dma_start3A_12 = tpu.memref_squeeze %dma_start3A_11 : memref<1x128xi32, #tpu.memory_space<vmem>> -> memref<128xi32, #tpu.memory_space<vmem>>
    %dma_start3A_13 = arith.constant 0 : i32
    %dma_start3A_14 = arith.constant 0 : i32
    %dma_start3A_15 = tpu.memref_slice %arg2[%dma_start3A_13, %dma_start3A_14] : memref<100000x64xi32, #tpu.memory_space<hbm>> -> memref<100000x64xi32, #tpu.memory_space<hbm>>
    tpu.enqueue_indirect_dma source(%dma_start3A_15 : memref<100000x64xi32, #tpu.memory_space<hbm>>) target(%dma_start3A_9 : memref<128x64xi32, #tpu.memory_space<vmem>>) offsets(%dma_start3A_12 : memref<128xi32, #tpu.memory_space<vmem>>) semaphore(%arg7 : memref<!tpu.dma_semaphore, #tpu.memory_space<semaphore_mem>>)
    %add3A_16 = arith.constant 128 : i32
    %add3A_17 = arith.addi %mul3A_2, %add3A_16 : i32
    %run_scoped3A_18 = arith.constant 1 : i32
    "tpu.region"() ({
      %run_scoped3A_170 = tpu.sem_alloc : memref<!tpu.dma_semaphore, #tpu.memory_space<semaphore_mem>>
      %dma_start3A_171 = arith.constant 0 : i32
      %dma_start3A_172 = tpu.memref_slice %arg5[%run_scoped3A_18, %dma_start3A_171] : memref<3x128xi32, #tpu.memory_space<vmem>> -> memref<1x128xi32, #tpu.memory_space<vmem>>
      %dma_start3A_173 = tpu.memref_squeeze %dma_start3A_172 : memref<1x128xi32, #tpu.memory_space<vmem>> -> memref<128xi32, #tpu.memory_space<vmem>>
      %dma_start3A_174 = tpu.memref_slice %arg3[%add3A_17] : memref<602112xi32, #tpu.memory_space<hbm>> -> memref<128xi32, #tpu.memory_space<hbm>>
      %dma_start3A_175 = arith.constant 0 : i32
      %dma_start3A_176 = tpu.memref_slice %arg5[%run_scoped3A_18, %dma_start3A_175] : memref<3x128xi32, #tpu.memory_space<vmem>> -> memref<1x128xi32, #tpu.memory_space<vmem>>
      %dma_start3A_177 = tpu.memref_squeeze %dma_start3A_176 : memref<1x128xi32, #tpu.memory_space<vmem>> -> memref<128xi32, #tpu.memory_space<vmem>>
      %dma_start3A_178 = tpu.memref_slice %arg3[%add3A_17] : memref<602112xi32, #tpu.memory_space<hbm>> -> memref<128xi32, #tpu.memory_space<hbm>>
      tpu.enqueue_dma source(%dma_start3A_178 : memref<128xi32, #tpu.memory_space<hbm>>) target(%dma_start3A_177 : memref<128xi32, #tpu.memory_space<vmem>>) target_semaphore(%run_scoped3A_170 : memref<!tpu.dma_semaphore, #tpu.memory_space<semaphore_mem>>)
      %dma_wait3A_179 = arith.constant 0 : i32
      %dma_wait3A_180 = tpu.memref_slice %arg5[%run_scoped3A_18, %dma_wait3A_179] : memref<3x128xi32, #tpu.memory_space<vmem>> -> memref<1x128xi32, #tpu.memory_space<vmem>>
      %dma_wait3A_181 = tpu.memref_squeeze %dma_wait3A_180 : memref<1x128xi32, #tpu.memory_space<vmem>> -> memref<128xi32, #tpu.memory_space<vmem>>
      %dma_wait3A_182 = tpu.memref_slice %arg3[%add3A_17] : memref<602112xi32, #tpu.memory_space<hbm>> -> memref<128xi32, #tpu.memory_space<hbm>>
      %dma_wait3A_183 = arith.constant 0 : i32
      %dma_wait3A_184 = tpu.memref_slice %arg5[%run_scoped3A_18, %dma_wait3A_183] : memref<3x128xi32, #tpu.memory_space<vmem>> -> memref<1x128xi32, #tpu.memory_space<vmem>>
      %dma_wait3A_185 = tpu.memref_squeeze %dma_wait3A_184 : memref<1x128xi32, #tpu.memory_space<vmem>> -> memref<128xi32, #tpu.memory_space<vmem>>
      %dma_wait3A_186 = tpu.memref_slice %arg3[%add3A_17] : memref<602112xi32, #tpu.memory_space<hbm>> -> memref<128xi32, #tpu.memory_space<hbm>>
      tpu.wait_dma2 semaphore(%run_scoped3A_170 : memref<!tpu.dma_semaphore, #tpu.memory_space<semaphore_mem>>) src(%dma_wait3A_186 : memref<128xi32, #tpu.memory_space<hbm>>) dst(%dma_wait3A_185 : memref<128xi32, #tpu.memory_space<vmem>>)
      tpu.yield
    }) : () -> ()
    %dma_start3A_19 = arith.constant 1 : i32
    %dma_start3A_20 = arith.constant 1 : i32
    %dma_start3A_21 = arith.constant 0 : i32
    %dma_start3A_22 = arith.constant 0 : i32
    %dma_start3A_23 = tpu.memref_slice %arg6[%dma_start3A_20, %dma_start3A_21, %dma_start3A_22] : memref<3x128x64xi32, #tpu.memory_space<vmem>> -> memref<1x128x64xi32, #tpu.memory_space<vmem>>
    %dma_start3A_24 = tpu.memref_squeeze %dma_start3A_23 : memref<1x128x64xi32, #tpu.memory_space<vmem>> -> memref<128x64xi32, #tpu.memory_space<vmem>>
    %dma_start3A_25 = arith.constant 0 : i32
    %dma_start3A_26 = tpu.memref_slice %arg5[%dma_start3A_19, %dma_start3A_25] : memref<3x128xi32, #tpu.memory_space<vmem>> -> memref<1x128xi32, #tpu.memory_space<vmem>>
    %dma_start3A_27 = tpu.memref_squeeze %dma_start3A_26 : memref<1x128xi32, #tpu.memory_space<vmem>> -> memref<128xi32, #tpu.memory_space<vmem>>
    %dma_start3A_28 = arith.constant 0 : i32
    %dma_start3A_29 = arith.constant 0 : i32
    %dma_start3A_30 = tpu.memref_slice %arg2[%dma_start3A_28, %dma_start3A_29] : memref<100000x64xi32, #tpu.memory_space<hbm>> -> memref<100000x64xi32, #tpu.memory_space<hbm>>
    tpu.enqueue_indirect_dma source(%dma_start3A_30 : memref<100000x64xi32, #tpu.memory_space<hbm>>) target(%dma_start3A_24 : memref<128x64xi32, #tpu.memory_space<vmem>>) offsets(%dma_start3A_27 : memref<128xi32, #tpu.memory_space<vmem>>) semaphore(%arg8 : memref<!tpu.dma_semaphore, #tpu.memory_space<semaphore_mem>>)
    %add3A_31 = arith.constant 256 : i32
    %add3A_32 = arith.addi %mul3A_2, %add3A_31 : i32
    %run_scoped3A_33 = arith.constant 2 : i32
    "tpu.region"() ({
      %run_scoped3A_170 = tpu.sem_alloc : memref<!tpu.dma_semaphore, #tpu.memory_space<semaphore_mem>>
      %dma_start3A_171 = arith.constant 0 : i32
      %dma_start3A_172 = tpu.memref_slice %arg5[%run_scoped3A_33, %dma_start3A_171] : memref<3x128xi32, #tpu.memory_space<vmem>> -> memref<1x128xi32, #tpu.memory_space<vmem>>
      %dma_start3A_173 = tpu.memref_squeeze %dma_start3A_172 : memref<1x128xi32, #tpu.memory_space<vmem>> -> memref<128xi32, #tpu.memory_space<vmem>>
      %dma_start3A_174 = tpu.memref_slice %arg3[%add3A_32] : memref<602112xi32, #tpu.memory_space<hbm>> -> memref<128xi32, #tpu.memory_space<hbm>>
      %dma_start3A_175 = arith.constant 0 : i32
      %dma_start3A_176 = tpu.memref_slice %arg5[%run_scoped3A_33, %dma_start3A_175] : memref<3x128xi32, #tpu.memory_space<vmem>> -> memref<1x128xi32, #tpu.memory_space<vmem>>
      %dma_start3A_177 = tpu.memref_squeeze %dma_start3A_176 : memref<1x128xi32, #tpu.memory_space<vmem>> -> memref<128xi32, #tpu.memory_space<vmem>>
      %dma_start3A_178 = tpu.memref_slice %arg3[%add3A_32] : memref<602112xi32, #tpu.memory_space<hbm>> -> memref<128xi32, #tpu.memory_space<hbm>>
      tpu.enqueue_dma source(%dma_start3A_178 : memref<128xi32, #tpu.memory_space<hbm>>) target(%dma_start3A_177 : memref<128xi32, #tpu.memory_space<vmem>>) target_semaphore(%run_scoped3A_170 : memref<!tpu.dma_semaphore, #tpu.memory_space<semaphore_mem>>)
      %dma_wait3A_179 = arith.constant 0 : i32
      %dma_wait3A_180 = tpu.memref_slice %arg5[%run_scoped3A_33, %dma_wait3A_179] : memref<3x128xi32, #tpu.memory_space<vmem>> -> memref<1x128xi32, #tpu.memory_space<vmem>>
      %dma_wait3A_181 = tpu.memref_squeeze %dma_wait3A_180 : memref<1x128xi32, #tpu.memory_space<vmem>> -> memref<128xi32, #tpu.memory_space<vmem>>
      %dma_wait3A_182 = tpu.memref_slice %arg3[%add3A_32] : memref<602112xi32, #tpu.memory_space<hbm>> -> memref<128xi32, #tpu.memory_space<hbm>>
      %dma_wait3A_183 = arith.constant 0 : i32
      %dma_wait3A_184 = tpu.memref_slice %arg5[%run_scoped3A_33, %dma_wait3A_183] : memref<3x128xi32, #tpu.memory_space<vmem>> -> memref<1x128xi32, #tpu.memory_space<vmem>>
      %dma_wait3A_185 = tpu.memref_squeeze %dma_wait3A_184 : memref<1x128xi32, #tpu.memory_space<vmem>> -> memref<128xi32, #tpu.memory_space<vmem>>
      %dma_wait3A_186 = tpu.memref_slice %arg3[%add3A_32] : memref<602112xi32, #tpu.memory_space<hbm>> -> memref<128xi32, #tpu.memory_space<hbm>>
      tpu.wait_dma2 semaphore(%run_scoped3A_170 : memref<!tpu.dma_semaphore, #tpu.memory_space<semaphore_mem>>) src(%dma_wait3A_186 : memref<128xi32, #tpu.memory_space<hbm>>) dst(%dma_wait3A_185 : memref<128xi32, #tpu.memory_space<vmem>>)
      tpu.yield
    }) : () -> ()
    %dma_start3A_34 = arith.constant 2 : i32
    %dma_start3A_35 = arith.constant 2 : i32
    %dma_start3A_36 = arith.constant 0 : i32
    %dma_start3A_37 = arith.constant 0 : i32
    %dma_start3A_38 = tpu.memref_slice %arg6[%dma_start3A_35, %dma_start3A_36, %dma_start3A_37] : memref<3x128x64xi32, #tpu.memory_space<vmem>> -> memref<1x128x64xi32, #tpu.memory_space<vmem>>
    %dma_start3A_39 = tpu.memref_squeeze %dma_start3A_38 : memref<1x128x64xi32, #tpu.memory_space<vmem>> -> memref<128x64xi32, #tpu.memory_space<vmem>>
    %dma_start3A_40 = arith.constant 0 : i32
    %dma_start3A_41 = tpu.memref_slice %arg5[%dma_start3A_34, %dma_start3A_40] : memref<3x128xi32, #tpu.memory_space<vmem>> -> memref<1x128xi32, #tpu.memory_space<vmem>>
    %dma_start3A_42 = tpu.memref_squeeze %dma_start3A_41 : memref<1x128xi32, #tpu.memory_space<vmem>> -> memref<128xi32, #tpu.memory_space<vmem>>
    %dma_start3A_43 = arith.constant 0 : i32
    %dma_start3A_44 = arith.constant 0 : i32
    %dma_start3A_45 = tpu.memref_slice %arg2[%dma_start3A_43, %dma_start3A_44] : memref<100000x64xi32, #tpu.memory_space<hbm>> -> memref<100000x64xi32, #tpu.memory_space<hbm>>
    tpu.enqueue_indirect_dma source(%dma_start3A_45 : memref<100000x64xi32, #tpu.memory_space<hbm>>) target(%dma_start3A_39 : memref<128x64xi32, #tpu.memory_space<vmem>>) offsets(%dma_start3A_42 : memref<128xi32, #tpu.memory_space<vmem>>) semaphore(%arg9 : memref<!tpu.dma_semaphore, #tpu.memory_space<semaphore_mem>>)
    %scan3A = arith.constant 0 : i32
    %scan3A_46 = arith.constant 0 : i32
    %scan3A_47 = arith.constant 48 : i32
    %scan3A_48 = arith.addi %scan3A_46, %scan3A_47 : i32
    %scan3A_49 = arith.constant 1 : i32
    scf.for %scan3A_170 = %scan3A_46 to %scan3A_48 step %scan3A_49  : i32 {
      %mul3A_171 = arith.constant 3 : i32
      %mul3A_172 = arith.muli %scan3A_170, %mul3A_171 : i32
      %add3A_173 = arith.constant 0 : i32
      %add3A_174 = arith.addi %mul3A_172, %add3A_173 : i32
      %mul3A_175 = arith.constant 128 : i32
      %mul3A_176 = arith.muli %add3A_174, %mul3A_175 : i32
      %add3A_177 = arith.addi %mul3A_2, %mul3A_176 : i32
      %dma_wait3A_178 = arith.constant 0 : i32
      %dma_wait3A_179 = arith.constant 0 : i32
      %dma_wait3A_180 = arith.constant 0 : i32
      %dma_wait3A_181 = arith.constant 0 : i32
      %dma_wait3A_182 = tpu.memref_slice %arg6[%dma_wait3A_179, %dma_wait3A_180, %dma_wait3A_181] : memref<3x128x64xi32, #tpu.memory_space<vmem>> -> memref<1x128x64xi32, #tpu.memory_space<vmem>>
      %dma_wait3A_183 = tpu.memref_squeeze %dma_wait3A_182 : memref<1x128x64xi32, #tpu.memory_space<vmem>> -> memref<128x64xi32, #tpu.memory_space<vmem>>
      %dma_wait3A_184 = arith.constant 0 : i32
      %dma_wait3A_185 = tpu.memref_slice %arg5[%dma_wait3A_178, %dma_wait3A_184] : memref<3x128xi32, #tpu.memory_space<vmem>> -> memref<1x128xi32, #tpu.memory_space<vmem>>
      %dma_wait3A_186 = tpu.memref_squeeze %dma_wait3A_185 : memref<1x128xi32, #tpu.memory_space<vmem>> -> memref<128xi32, #tpu.memory_space<vmem>>
      %dma_wait3A_187 = arith.constant 0 : i32
      %dma_wait3A_188 = arith.constant 0 : i32
      %dma_wait3A_189 = tpu.memref_slice %arg2[%dma_wait3A_187, %dma_wait3A_188] : memref<100000x64xi32, #tpu.memory_space<hbm>> -> memref<100000x64xi32, #tpu.memory_space<hbm>>
      tpu.wait_indirect_dma semaphore(%arg7 : memref<!tpu.dma_semaphore, #tpu.memory_space<semaphore_mem>>) src(%dma_wait3A_189 : memref<100000x64xi32, #tpu.memory_space<hbm>>) dst(%dma_wait3A_183 : memref<128x64xi32, #tpu.memory_space<vmem>>)
      %dma_start3A_190 = arith.constant 0 : i32
      %dma_start3A_191 = arith.constant 0 : i32
      %dma_start3A_192 = arith.constant 0 : i32
      %dma_start3A_193 = tpu.memref_slice %arg6[%dma_start3A_190, %dma_start3A_191, %dma_start3A_192] : memref<3x128x64xi32, #tpu.memory_space<vmem>> -> memref<1x128x64xi32, #tpu.memory_space<vmem>>
      %dma_start3A_194 = tpu.memref_squeeze %dma_start3A_193 : memref<1x128x64xi32, #tpu.memory_space<vmem>> -> memref<128x64xi32, #tpu.memory_space<vmem>>
      %dma_start3A_195 = arith.constant 0 : i32
      %dma_start3A_196 = tpu.memref_slice %arg4[%add3A_177, %dma_start3A_195] : memref<602112x64xi32, #tpu.memory_space<hbm>> -> memref<128x64xi32, #tpu.memory_space<hbm>>
      %dma_start3A_197 = arith.constant 0 : i32
      %dma_start3A_198 = tpu.memref_slice %arg4[%add3A_177, %dma_start3A_197] : memref<602112x64xi32, #tpu.memory_space<hbm>> -> memref<128x64xi32, #tpu.memory_space<hbm>>
      %dma_start3A_199 = arith.constant 0 : i32
      %dma_start3A_200 = arith.constant 0 : i32
      %dma_start3A_201 = tpu.memref_slice %arg6[%dma_start3A_190, %dma_start3A_199, %dma_start3A_200] : memref<3x128x64xi32, #tpu.memory_space<vmem>> -> memref<1x128x64xi32, #tpu.memory_space<vmem>>
      %dma_start3A_202 = tpu.memref_squeeze %dma_start3A_201 : memref<1x128x64xi32, #tpu.memory_space<vmem>> -> memref<128x64xi32, #tpu.memory_space<vmem>>
      tpu.enqueue_dma source(%dma_start3A_202 : memref<128x64xi32, #tpu.memory_space<vmem>>) target(%dma_start3A_198 : memref<128x64xi32, #tpu.memory_space<hbm>>) target_semaphore(%arg10 : memref<!tpu.dma_semaphore, #tpu.memory_space<semaphore_mem>>)
      %add3A_203 = arith.constant 384 : i32
      %add3A_204 = arith.addi %add3A_177, %add3A_203 : i32
      %run_scoped3A_205 = arith.constant 0 : i32
      "tpu.region"() ({
        %run_scoped3A_351 = tpu.sem_alloc : memref<!tpu.dma_semaphore, #tpu.memory_space<semaphore_mem>>
        %dma_start3A_352 = arith.constant 0 : i32
        %dma_start3A_353 = tpu.memref_slice %arg5[%run_scoped3A_205, %dma_start3A_352] : memref<3x128xi32, #tpu.memory_space<vmem>> -> memref<1x128xi32, #tpu.memory_space<vmem>>
        %dma_start3A_354 = tpu.memref_squeeze %dma_start3A_353 : memref<1x128xi32, #tpu.memory_space<vmem>> -> memref<128xi32, #tpu.memory_space<vmem>>
        %dma_start3A_355 = tpu.memref_slice %arg3[%add3A_204] : memref<602112xi32, #tpu.memory_space<hbm>> -> memref<128xi32, #tpu.memory_space<hbm>>
        %dma_start3A_356 = arith.constant 0 : i32
        %dma_start3A_357 = tpu.memref_slice %arg5[%run_scoped3A_205, %dma_start3A_356] : memref<3x128xi32, #tpu.memory_space<vmem>> -> memref<1x128xi32, #tpu.memory_space<vmem>>
        %dma_start3A_358 = tpu.memref_squeeze %dma_start3A_357 : memref<1x128xi32, #tpu.memory_space<vmem>> -> memref<128xi32, #tpu.memory_space<vmem>>
        %dma_start3A_359 = tpu.memref_slice %arg3[%add3A_204] : memref<602112xi32, #tpu.memory_space<hbm>> -> memref<128xi32, #tpu.memory_space<hbm>>
        tpu.enqueue_dma source(%dma_start3A_359 : memref<128xi32, #tpu.memory_space<hbm>>) target(%dma_start3A_358 : memref<128xi32, #tpu.memory_space<vmem>>) target_semaphore(%run_scoped3A_351 : memref<!tpu.dma_semaphore, #tpu.memory_space<semaphore_mem>>)
        %dma_wait3A_360 = arith.constant 0 : i32
        %dma_wait3A_361 = tpu.memref_slice %arg5[%run_scoped3A_205, %dma_wait3A_360] : memref<3x128xi32, #tpu.memory_space<vmem>> -> memref<1x128xi32, #tpu.memory_space<vmem>>
        %dma_wait3A_362 = tpu.memref_squeeze %dma_wait3A_361 : memref<1x128xi32, #tpu.memory_space<vmem>> -> memref<128xi32, #tpu.memory_space<vmem>>
        %dma_wait3A_363 = tpu.memref_slice %arg3[%add3A_204] : memref<602112xi32, #tpu.memory_space<hbm>> -> memref<128xi32, #tpu.memory_space<hbm>>
        %dma_wait3A_364 = arith.constant 0 : i32
        %dma_wait3A_365 = tpu.memref_slice %arg5[%run_scoped3A_205, %dma_wait3A_364] : memref<3x128xi32, #tpu.memory_space<vmem>> -> memref<1x128xi32, #tpu.memory_space<vmem>>
        %dma_wait3A_366 = tpu.memref_squeeze %dma_wait3A_365 : memref<1x128xi32, #tpu.memory_space<vmem>> -> memref<128xi32, #tpu.memory_space<vmem>>
        %dma_wait3A_367 = tpu.memref_slice %arg3[%add3A_204] : memref<602112xi32, #tpu.memory_space<hbm>> -> memref<128xi32, #tpu.memory_space<hbm>>
        tpu.wait_dma2 semaphore(%run_scoped3A_351 : memref<!tpu.dma_semaphore, #tpu.memory_space<semaphore_mem>>) src(%dma_wait3A_367 : memref<128xi32, #tpu.memory_space<hbm>>) dst(%dma_wait3A_366 : memref<128xi32, #tpu.memory_space<vmem>>)
        tpu.yield
      }) : () -> ()
      %dma_wait3A_206 = arith.constant 0 : i32
      %dma_wait3A_207 = arith.constant 0 : i32
      %dma_wait3A_208 = arith.constant 0 : i32
      %dma_wait3A_209 = tpu.memref_slice %arg6[%dma_wait3A_206, %dma_wait3A_207, %dma_wait3A_208] : memref<3x128x64xi32, #tpu.memory_space<vmem>> -> memref<1x128x64xi32, #tpu.memory_space<vmem>>
      %dma_wait3A_210 = tpu.memref_squeeze %dma_wait3A_209 : memref<1x128x64xi32, #tpu.memory_space<vmem>> -> memref<128x64xi32, #tpu.memory_space<vmem>>
      %dma_wait3A_211 = arith.constant 0 : i32
      %dma_wait3A_212 = tpu.memref_slice %arg4[%add3A_177, %dma_wait3A_211] : memref<602112x64xi32, #tpu.memory_space<hbm>> -> memref<128x64xi32, #tpu.memory_space<hbm>>
      %dma_wait3A_213 = arith.constant 0 : i32
      %dma_wait3A_214 = tpu.memref_slice %arg4[%add3A_177, %dma_wait3A_213] : memref<602112x64xi32, #tpu.memory_space<hbm>> -> memref<128x64xi32, #tpu.memory_space<hbm>>
      %dma_wait3A_215 = arith.constant 0 : i32
      %dma_wait3A_216 = arith.constant 0 : i32
      %dma_wait3A_217 = tpu.memref_slice %arg6[%dma_wait3A_206, %dma_wait3A_215, %dma_wait3A_216] : memref<3x128x64xi32, #tpu.memory_space<vmem>> -> memref<1x128x64xi32, #tpu.memory_space<vmem>>
      %dma_wait3A_218 = tpu.memref_squeeze %dma_wait3A_217 : memref<1x128x64xi32, #tpu.memory_space<vmem>> -> memref<128x64xi32, #tpu.memory_space<vmem>>
      tpu.wait_dma2 semaphore(%arg10 : memref<!tpu.dma_semaphore, #tpu.memory_space<semaphore_mem>>) src(%dma_wait3A_218 : memref<128x64xi32, #tpu.memory_space<vmem>>) dst(%dma_wait3A_214 : memref<128x64xi32, #tpu.memory_space<hbm>>)
      %dma_start3A_219 = arith.constant 0 : i32
      %dma_start3A_220 = arith.constant 0 : i32
      %dma_start3A_221 = arith.constant 0 : i32
      %dma_start3A_222 = arith.constant 0 : i32
      %dma_start3A_223 = tpu.memref_slice %arg6[%dma_start3A_220, %dma_start3A_221, %dma_start3A_222] : memref<3x128x64xi32, #tpu.memory_space<vmem>> -> memref<1x128x64xi32, #tpu.memory_space<vmem>>
      %dma_start3A_224 = tpu.memref_squeeze %dma_start3A_223 : memref<1x128x64xi32, #tpu.memory_space<vmem>> -> memref<128x64xi32, #tpu.memory_space<vmem>>
      %dma_start3A_225 = arith.constant 0 : i32
      %dma_start3A_226 = tpu.memref_slice %arg5[%dma_start3A_219, %dma_start3A_225] : memref<3x128xi32, #tpu.memory_space<vmem>> -> memref<1x128xi32, #tpu.memory_space<vmem>>
      %dma_start3A_227 = tpu.memref_squeeze %dma_start3A_226 : memref<1x128xi32, #tpu.memory_space<vmem>> -> memref<128xi32, #tpu.memory_space<vmem>>
      %dma_start3A_228 = arith.constant 0 : i32
      %dma_start3A_229 = arith.constant 0 : i32
      %dma_start3A_230 = tpu.memref_slice %arg2[%dma_start3A_228, %dma_start3A_229] : memref<100000x64xi32, #tpu.memory_space<hbm>> -> memref<100000x64xi32, #tpu.memory_space<hbm>>
      tpu.enqueue_indirect_dma source(%dma_start3A_230 : memref<100000x64xi32, #tpu.memory_space<hbm>>) target(%dma_start3A_224 : memref<128x64xi32, #tpu.memory_space<vmem>>) offsets(%dma_start3A_227 : memref<128xi32, #tpu.memory_space<vmem>>) semaphore(%arg7 : memref<!tpu.dma_semaphore, #tpu.memory_space<semaphore_mem>>)
      %mul3A_231 = arith.constant 3 : i32
      %mul3A_232 = arith.muli %scan3A_170, %mul3A_231 : i32
      %add3A_233 = arith.constant 1 : i32
      %add3A_234 = arith.addi %mul3A_232, %add3A_233 : i32
      %mul3A_235 = arith.constant 128 : i32
      %mul3A_236 = arith.muli %add3A_234, %mul3A_235 : i32
      %add3A_237 = arith.addi %mul3A_2, %mul3A_236 : i32
      %dma_wait3A_238 = arith.constant 1 : i32
      %dma_wait3A_239 = arith.constant 1 : i32
      %dma_wait3A_240 = arith.constant 0 : i32
      %dma_wait3A_241 = arith.constant 0 : i32
      %dma_wait3A_242 = tpu.memref_slice %arg6[%dma_wait3A_239, %dma_wait3A_240, %dma_wait3A_241] : memref<3x128x64xi32, #tpu.memory_space<vmem>> -> memref<1x128x64xi32, #tpu.memory_space<vmem>>
      %dma_wait3A_243 = tpu.memref_squeeze %dma_wait3A_242 : memref<1x128x64xi32, #tpu.memory_space<vmem>> -> memref<128x64xi32, #tpu.memory_space<vmem>>
      %dma_wait3A_244 = arith.constant 0 : i32
      %dma_wait3A_245 = tpu.memref_slice %arg5[%dma_wait3A_238, %dma_wait3A_244] : memref<3x128xi32, #tpu.memory_space<vmem>> -> memref<1x128xi32, #tpu.memory_space<vmem>>
      %dma_wait3A_246 = tpu.memref_squeeze %dma_wait3A_245 : memref<1x128xi32, #tpu.memory_space<vmem>> -> memref<128xi32, #tpu.memory_space<vmem>>
      %dma_wait3A_247 = arith.constant 0 : i32
      %dma_wait3A_248 = arith.constant 0 : i32
      %dma_wait3A_249 = tpu.memref_slice %arg2[%dma_wait3A_247, %dma_wait3A_248] : memref<100000x64xi32, #tpu.memory_space<hbm>> -> memref<100000x64xi32, #tpu.memory_space<hbm>>
      tpu.wait_indirect_dma semaphore(%arg8 : memref<!tpu.dma_semaphore, #tpu.memory_space<semaphore_mem>>) src(%dma_wait3A_249 : memref<100000x64xi32, #tpu.memory_space<hbm>>) dst(%dma_wait3A_243 : memref<128x64xi32, #tpu.memory_space<vmem>>)
      %dma_start3A_250 = arith.constant 1 : i32
      %dma_start3A_251 = arith.constant 0 : i32
      %dma_start3A_252 = arith.constant 0 : i32
      %dma_start3A_253 = tpu.memref_slice %arg6[%dma_start3A_250, %dma_start3A_251, %dma_start3A_252] : memref<3x128x64xi32, #tpu.memory_space<vmem>> -> memref<1x128x64xi32, #tpu.memory_space<vmem>>
      %dma_start3A_254 = tpu.memref_squeeze %dma_start3A_253 : memref<1x128x64xi32, #tpu.memory_space<vmem>> -> memref<128x64xi32, #tpu.memory_space<vmem>>
      %dma_start3A_255 = arith.constant 0 : i32
      %dma_start3A_256 = tpu.memref_slice %arg4[%add3A_237, %dma_start3A_255] : memref<602112x64xi32, #tpu.memory_space<hbm>> -> memref<128x64xi32, #tpu.memory_space<hbm>>
      %dma_start3A_257 = arith.constant 0 : i32
      %dma_start3A_258 = tpu.memref_slice %arg4[%add3A_237, %dma_start3A_257] : memref<602112x64xi32, #tpu.memory_space<hbm>> -> memref<128x64xi32, #tpu.memory_space<hbm>>
      %dma_start3A_259 = arith.constant 0 : i32
      %dma_start3A_260 = arith.constant 0 : i32
      %dma_start3A_261 = tpu.memref_slice %arg6[%dma_start3A_250, %dma_start3A_259, %dma_start3A_260] : memref<3x128x64xi32, #tpu.memory_space<vmem>> -> memref<1x128x64xi32, #tpu.memory_space<vmem>>
      %dma_start3A_262 = tpu.memref_squeeze %dma_start3A_261 : memref<1x128x64xi32, #tpu.memory_space<vmem>> -> memref<128x64xi32, #tpu.memory_space<vmem>>
      tpu.enqueue_dma source(%dma_start3A_262 : memref<128x64xi32, #tpu.memory_space<vmem>>) target(%dma_start3A_258 : memref<128x64xi32, #tpu.memory_space<hbm>>) target_semaphore(%arg11 : memref<!tpu.dma_semaphore, #tpu.memory_space<semaphore_mem>>)
      %add3A_263 = arith.constant 384 : i32
      %add3A_264 = arith.addi %add3A_237, %add3A_263 : i32
      %run_scoped3A_265 = arith.constant 1 : i32
      "tpu.region"() ({
        %run_scoped3A_351 = tpu.sem_alloc : memref<!tpu.dma_semaphore, #tpu.memory_space<semaphore_mem>>
        %dma_start3A_352 = arith.constant 0 : i32
        %dma_start3A_353 = tpu.memref_slice %arg5[%run_scoped3A_265, %dma_start3A_352] : memref<3x128xi32, #tpu.memory_space<vmem>> -> memref<1x128xi32, #tpu.memory_space<vmem>>
        %dma_start3A_354 = tpu.memref_squeeze %dma_start3A_353 : memref<1x128xi32, #tpu.memory_space<vmem>> -> memref<128xi32, #tpu.memory_space<vmem>>
        %dma_start3A_355 = tpu.memref_slice %arg3[%add3A_264] : memref<602112xi32, #tpu.memory_space<hbm>> -> memref<128xi32, #tpu.memory_space<hbm>>
        %dma_start3A_356 = arith.constant 0 : i32
        %dma_start3A_357 = tpu.memref_slice %arg5[%run_scoped3A_265, %dma_start3A_356] : memref<3x128xi32, #tpu.memory_space<vmem>> -> memref<1x128xi32, #tpu.memory_space<vmem>>
        %dma_start3A_358 = tpu.memref_squeeze %dma_start3A_357 : memref<1x128xi32, #tpu.memory_space<vmem>> -> memref<128xi32, #tpu.memory_space<vmem>>
        %dma_start3A_359 = tpu.memref_slice %arg3[%add3A_264] : memref<602112xi32, #tpu.memory_space<hbm>> -> memref<128xi32, #tpu.memory_space<hbm>>
        tpu.enqueue_dma source(%dma_start3A_359 : memref<128xi32, #tpu.memory_space<hbm>>) target(%dma_start3A_358 : memref<128xi32, #tpu.memory_space<vmem>>) target_semaphore(%run_scoped3A_351 : memref<!tpu.dma_semaphore, #tpu.memory_space<semaphore_mem>>)
        %dma_wait3A_360 = arith.constant 0 : i32
        %dma_wait3A_361 = tpu.memref_slice %arg5[%run_scoped3A_265, %dma_wait3A_360] : memref<3x128xi32, #tpu.memory_space<vmem>> -> memref<1x128xi32, #tpu.memory_space<vmem>>
        %dma_wait3A_362 = tpu.memref_squeeze %dma_wait3A_361 : memref<1x128xi32, #tpu.memory_space<vmem>> -> memref<128xi32, #tpu.memory_space<vmem>>
        %dma_wait3A_363 = tpu.memref_slice %arg3[%add3A_264] : memref<602112xi32, #tpu.memory_space<hbm>> -> memref<128xi32, #tpu.memory_space<hbm>>
        %dma_wait3A_364 = arith.constant 0 : i32
        %dma_wait3A_365 = tpu.memref_slice %arg5[%run_scoped3A_265, %dma_wait3A_364] : memref<3x128xi32, #tpu.memory_space<vmem>> -> memref<1x128xi32, #tpu.memory_space<vmem>>
        %dma_wait3A_366 = tpu.memref_squeeze %dma_wait3A_365 : memref<1x128xi32, #tpu.memory_space<vmem>> -> memref<128xi32, #tpu.memory_space<vmem>>
        %dma_wait3A_367 = tpu.memref_slice %arg3[%add3A_264] : memref<602112xi32, #tpu.memory_space<hbm>> -> memref<128xi32, #tpu.memory_space<hbm>>
        tpu.wait_dma2 semaphore(%run_scoped3A_351 : memref<!tpu.dma_semaphore, #tpu.memory_space<semaphore_mem>>) src(%dma_wait3A_367 : memref<128xi32, #tpu.memory_space<hbm>>) dst(%dma_wait3A_366 : memref<128xi32, #tpu.memory_space<vmem>>)
        tpu.yield
      }) : () -> ()
      %dma_wait3A_266 = arith.constant 1 : i32
      %dma_wait3A_267 = arith.constant 0 : i32
      %dma_wait3A_268 = arith.constant 0 : i32
      %dma_wait3A_269 = tpu.memref_slice %arg6[%dma_wait3A_266, %dma_wait3A_267, %dma_wait3A_268] : memref<3x128x64xi32, #tpu.memory_space<vmem>> -> memref<1x128x64xi32, #tpu.memory_space<vmem>>
      %dma_wait3A_270 = tpu.memref_squeeze %dma_wait3A_269 : memref<1x128x64xi32, #tpu.memory_space<vmem>> -> memref<128x64xi32, #tpu.memory_space<vmem>>
      %dma_wait3A_271 = arith.constant 0 : i32
      %dma_wait3A_272 = tpu.memref_slice %arg4[%add3A_237, %dma_wait3A_271] : memref<602112x64xi32, #tpu.memory_space<hbm>> -> memref<128x64xi32, #tpu.memory_space<hbm>>
      %dma_wait3A_273 = arith.constant 0 : i32
      %dma_wait3A_274 = tpu.memref_slice %arg4[%add3A_237, %dma_wait3A_273] : memref<602112x64xi32, #tpu.memory_space<hbm>> -> memref<128x64xi32, #tpu.memory_space<hbm>>
      %dma_wait3A_275 = arith.constant 0 : i32
      %dma_wait3A_276 = arith.constant 0 : i32
      %dma_wait3A_277 = tpu.memref_slice %arg6[%dma_wait3A_266, %dma_wait3A_275, %dma_wait3A_276] : memref<3x128x64xi32, #tpu.memory_space<vmem>> -> memref<1x128x64xi32, #tpu.memory_space<vmem>>
      %dma_wait3A_278 = tpu.memref_squeeze %dma_wait3A_277 : memref<1x128x64xi32, #tpu.memory_space<vmem>> -> memref<128x64xi32, #tpu.memory_space<vmem>>
      tpu.wait_dma2 semaphore(%arg11 : memref<!tpu.dma_semaphore, #tpu.memory_space<semaphore_mem>>) src(%dma_wait3A_278 : memref<128x64xi32, #tpu.memory_space<vmem>>) dst(%dma_wait3A_274 : memref<128x64xi32, #tpu.memory_space<hbm>>)
      %dma_start3A_279 = arith.constant 1 : i32
      %dma_start3A_280 = arith.constant 1 : i32
      %dma_start3A_281 = arith.constant 0 : i32
      %dma_start3A_282 = arith.constant 0 : i32
      %dma_start3A_283 = tpu.memref_slice %arg6[%dma_start3A_280, %dma_start3A_281, %dma_start3A_282] : memref<3x128x64xi32, #tpu.memory_space<vmem>> -> memref<1x128x64xi32, #tpu.memory_space<vmem>>
      %dma_start3A_284 = tpu.memref_squeeze %dma_start3A_283 : memref<1x128x64xi32, #tpu.memory_space<vmem>> -> memref<128x64xi32, #tpu.memory_space<vmem>>
      %dma_start3A_285 = arith.constant 0 : i32
      %dma_start3A_286 = tpu.memref_slice %arg5[%dma_start3A_279, %dma_start3A_285] : memref<3x128xi32, #tpu.memory_space<vmem>> -> memref<1x128xi32, #tpu.memory_space<vmem>>
      %dma_start3A_287 = tpu.memref_squeeze %dma_start3A_286 : memref<1x128xi32, #tpu.memory_space<vmem>> -> memref<128xi32, #tpu.memory_space<vmem>>
      %dma_start3A_288 = arith.constant 0 : i32
      %dma_start3A_289 = arith.constant 0 : i32
      %dma_start3A_290 = tpu.memref_slice %arg2[%dma_start3A_288, %dma_start3A_289] : memref<100000x64xi32, #tpu.memory_space<hbm>> -> memref<100000x64xi32, #tpu.memory_space<hbm>>
      tpu.enqueue_indirect_dma source(%dma_start3A_290 : memref<100000x64xi32, #tpu.memory_space<hbm>>) target(%dma_start3A_284 : memref<128x64xi32, #tpu.memory_space<vmem>>) offsets(%dma_start3A_287 : memref<128xi32, #tpu.memory_space<vmem>>) semaphore(%arg8 : memref<!tpu.dma_semaphore, #tpu.memory_space<semaphore_mem>>)
      %mul3A_291 = arith.constant 3 : i32
      %mul3A_292 = arith.muli %scan3A_170, %mul3A_291 : i32
      %add3A_293 = arith.constant 2 : i32
      %add3A_294 = arith.addi %mul3A_292, %add3A_293 : i32
      %mul3A_295 = arith.constant 128 : i32
      %mul3A_296 = arith.muli %add3A_294, %mul3A_295 : i32
      %add3A_297 = arith.addi %mul3A_2, %mul3A_296 : i32
      %dma_wait3A_298 = arith.constant 2 : i32
      %dma_wait3A_299 = arith.constant 2 : i32
      %dma_wait3A_300 = arith.constant 0 : i32
      %dma_wait3A_301 = arith.constant 0 : i32
      %dma_wait3A_302 = tpu.memref_slice %arg6[%dma_wait3A_299, %dma_wait3A_300, %dma_wait3A_301] : memref<3x128x64xi32, #tpu.memory_space<vmem>> -> memref<1x128x64xi32, #tpu.memory_space<vmem>>
      %dma_wait3A_303 = tpu.memref_squeeze %dma_wait3A_302 : memref<1x128x64xi32, #tpu.memory_space<vmem>> -> memref<128x64xi32, #tpu.memory_space<vmem>>
      %dma_wait3A_304 = arith.constant 0 : i32
      %dma_wait3A_305 = tpu.memref_slice %arg5[%dma_wait3A_298, %dma_wait3A_304] : memref<3x128xi32, #tpu.memory_space<vmem>> -> memref<1x128xi32, #tpu.memory_space<vmem>>
      %dma_wait3A_306 = tpu.memref_squeeze %dma_wait3A_305 : memref<1x128xi32, #tpu.memory_space<vmem>> -> memref<128xi32, #tpu.memory_space<vmem>>
      %dma_wait3A_307 = arith.constant 0 : i32
      %dma_wait3A_308 = arith.constant 0 : i32
      %dma_wait3A_309 = tpu.memref_slice %arg2[%dma_wait3A_307, %dma_wait3A_308] : memref<100000x64xi32, #tpu.memory_space<hbm>> -> memref<100000x64xi32, #tpu.memory_space<hbm>>
      tpu.wait_indirect_dma semaphore(%arg9 : memref<!tpu.dma_semaphore, #tpu.memory_space<semaphore_mem>>) src(%dma_wait3A_309 : memref<100000x64xi32, #tpu.memory_space<hbm>>) dst(%dma_wait3A_303 : memref<128x64xi32, #tpu.memory_space<vmem>>)
      %dma_start3A_310 = arith.constant 2 : i32
      %dma_start3A_311 = arith.constant 0 : i32
      %dma_start3A_312 = arith.constant 0 : i32
      %dma_start3A_313 = tpu.memref_slice %arg6[%dma_start3A_310, %dma_start3A_311, %dma_start3A_312] : memref<3x128x64xi32, #tpu.memory_space<vmem>> -> memref<1x128x64xi32, #tpu.memory_space<vmem>>
      %dma_start3A_314 = tpu.memref_squeeze %dma_start3A_313 : memref<1x128x64xi32, #tpu.memory_space<vmem>> -> memref<128x64xi32, #tpu.memory_space<vmem>>
      %dma_start3A_315 = arith.constant 0 : i32
      %dma_start3A_316 = tpu.memref_slice %arg4[%add3A_297, %dma_start3A_315] : memref<602112x64xi32, #tpu.memory_space<hbm>> -> memref<128x64xi32, #tpu.memory_space<hbm>>
      %dma_start3A_317 = arith.constant 0 : i32
      %dma_start3A_318 = tpu.memref_slice %arg4[%add3A_297, %dma_start3A_317] : memref<602112x64xi32, #tpu.memory_space<hbm>> -> memref<128x64xi32, #tpu.memory_space<hbm>>
      %dma_start3A_319 = arith.constant 0 : i32
      %dma_start3A_320 = arith.constant 0 : i32
      %dma_start3A_321 = tpu.memref_slice %arg6[%dma_start3A_310, %dma_start3A_319, %dma_start3A_320] : memref<3x128x64xi32, #tpu.memory_space<vmem>> -> memref<1x128x64xi32, #tpu.memory_space<vmem>>
      %dma_start3A_322 = tpu.memref_squeeze %dma_start3A_321 : memref<1x128x64xi32, #tpu.memory_space<vmem>> -> memref<128x64xi32, #tpu.memory_space<vmem>>
      tpu.enqueue_dma source(%dma_start3A_322 : memref<128x64xi32, #tpu.memory_space<vmem>>) target(%dma_start3A_318 : memref<128x64xi32, #tpu.memory_space<hbm>>) target_semaphore(%arg12 : memref<!tpu.dma_semaphore, #tpu.memory_space<semaphore_mem>>)
      %add3A_323 = arith.constant 384 : i32
      %add3A_324 = arith.addi %add3A_297, %add3A_323 : i32
      %run_scoped3A_325 = arith.constant 2 : i32
      "tpu.region"() ({
        %run_scoped3A_351 = tpu.sem_alloc : memref<!tpu.dma_semaphore, #tpu.memory_space<semaphore_mem>>
        %dma_start3A_352 = arith.constant 0 : i32
        %dma_start3A_353 = tpu.memref_slice %arg5[%run_scoped3A_325, %dma_start3A_352] : memref<3x128xi32, #tpu.memory_space<vmem>> -> memref<1x128xi32, #tpu.memory_space<vmem>>
        %dma_start3A_354 = tpu.memref_squeeze %dma_start3A_353 : memref<1x128xi32, #tpu.memory_space<vmem>> -> memref<128xi32, #tpu.memory_space<vmem>>
        %dma_start3A_355 = tpu.memref_slice %arg3[%add3A_324] : memref<602112xi32, #tpu.memory_space<hbm>> -> memref<128xi32, #tpu.memory_space<hbm>>
        %dma_start3A_356 = arith.constant 0 : i32
        %dma_start3A_357 = tpu.memref_slice %arg5[%run_scoped3A_325, %dma_start3A_356] : memref<3x128xi32, #tpu.memory_space<vmem>> -> memref<1x128xi32, #tpu.memory_space<vmem>>
        %dma_start3A_358 = tpu.memref_squeeze %dma_start3A_357 : memref<1x128xi32, #tpu.memory_space<vmem>> -> memref<128xi32, #tpu.memory_space<vmem>>
        %dma_start3A_359 = tpu.memref_slice %arg3[%add3A_324] : memref<602112xi32, #tpu.memory_space<hbm>> -> memref<128xi32, #tpu.memory_space<hbm>>
        tpu.enqueue_dma source(%dma_start3A_359 : memref<128xi32, #tpu.memory_space<hbm>>) target(%dma_start3A_358 : memref<128xi32, #tpu.memory_space<vmem>>) target_semaphore(%run_scoped3A_351 : memref<!tpu.dma_semaphore, #tpu.memory_space<semaphore_mem>>)
        %dma_wait3A_360 = arith.constant 0 : i32
        %dma_wait3A_361 = tpu.memref_slice %arg5[%run_scoped3A_325, %dma_wait3A_360] : memref<3x128xi32, #tpu.memory_space<vmem>> -> memref<1x128xi32, #tpu.memory_space<vmem>>
        %dma_wait3A_362 = tpu.memref_squeeze %dma_wait3A_361 : memref<1x128xi32, #tpu.memory_space<vmem>> -> memref<128xi32, #tpu.memory_space<vmem>>
        %dma_wait3A_363 = tpu.memref_slice %arg3[%add3A_324] : memref<602112xi32, #tpu.memory_space<hbm>> -> memref<128xi32, #tpu.memory_space<hbm>>
        %dma_wait3A_364 = arith.constant 0 : i32
        %dma_wait3A_365 = tpu.memref_slice %arg5[%run_scoped3A_325, %dma_wait3A_364] : memref<3x128xi32, #tpu.memory_space<vmem>> -> memref<1x128xi32, #tpu.memory_space<vmem>>
        %dma_wait3A_366 = tpu.memref_squeeze %dma_wait3A_365 : memref<1x128xi32, #tpu.memory_space<vmem>> -> memref<128xi32, #tpu.memory_space<vmem>>
        %dma_wait3A_367 = tpu.memref_slice %arg3[%add3A_324] : memref<602112xi32, #tpu.memory_space<hbm>> -> memref<128xi32, #tpu.memory_space<hbm>>
        tpu.wait_dma2 semaphore(%run_scoped3A_351 : memref<!tpu.dma_semaphore, #tpu.memory_space<semaphore_mem>>) src(%dma_wait3A_367 : memref<128xi32, #tpu.memory_space<hbm>>) dst(%dma_wait3A_366 : memref<128xi32, #tpu.memory_space<vmem>>)
        tpu.yield
      }) : () -> ()
      %dma_wait3A_326 = arith.constant 2 : i32
      %dma_wait3A_327 = arith.constant 0 : i32
      %dma_wait3A_328 = arith.constant 0 : i32
      %dma_wait3A_329 = tpu.memref_slice %arg6[%dma_wait3A_326, %dma_wait3A_327, %dma_wait3A_328] : memref<3x128x64xi32, #tpu.memory_space<vmem>> -> memref<1x128x64xi32, #tpu.memory_space<vmem>>
      %dma_wait3A_330 = tpu.memref_squeeze %dma_wait3A_329 : memref<1x128x64xi32, #tpu.memory_space<vmem>> -> memref<128x64xi32, #tpu.memory_space<vmem>>
      %dma_wait3A_331 = arith.constant 0 : i32
      %dma_wait3A_332 = tpu.memref_slice %arg4[%add3A_297, %dma_wait3A_331] : memref<602112x64xi32, #tpu.memory_space<hbm>> -> memref<128x64xi32, #tpu.memory_space<hbm>>
      %dma_wait3A_333 = arith.constant 0 : i32
      %dma_wait3A_334 = tpu.memref_slice %arg4[%add3A_297, %dma_wait3A_333] : memref<602112x64xi32, #tpu.memory_space<hbm>> -> memref<128x64xi32, #tpu.memory_space<hbm>>
      %dma_wait3A_335 = arith.constant 0 : i32
      %dma_wait3A_336 = arith.constant 0 : i32
      %dma_wait3A_337 = tpu.memref_slice %arg6[%dma_wait3A_326, %dma_wait3A_335, %dma_wait3A_336] : memref<3x128x64xi32, #tpu.memory_space<vmem>> -> memref<1x128x64xi32, #tpu.memory_space<vmem>>
      %dma_wait3A_338 = tpu.memref_squeeze %dma_wait3A_337 : memref<1x128x64xi32, #tpu.memory_space<vmem>> -> memref<128x64xi32, #tpu.memory_space<vmem>>
      tpu.wait_dma2 semaphore(%arg12 : memref<!tpu.dma_semaphore, #tpu.memory_space<semaphore_mem>>) src(%dma_wait3A_338 : memref<128x64xi32, #tpu.memory_space<vmem>>) dst(%dma_wait3A_334 : memref<128x64xi32, #tpu.memory_space<hbm>>)
      %dma_start3A_339 = arith.constant 2 : i32
      %dma_start3A_340 = arith.constant 2 : i32
      %dma_start3A_341 = arith.constant 0 : i32
      %dma_start3A_342 = arith.constant 0 : i32
      %dma_start3A_343 = tpu.memref_slice %arg6[%dma_start3A_340, %dma_start3A_341, %dma_start3A_342] : memref<3x128x64xi32, #tpu.memory_space<vmem>> -> memref<1x128x64xi32, #tpu.memory_space<vmem>>
      %dma_start3A_344 = tpu.memref_squeeze %dma_start3A_343 : memref<1x128x64xi32, #tpu.memory_space<vmem>> -> memref<128x64xi32, #tpu.memory_space<vmem>>
      %dma_start3A_345 = arith.constant 0 : i32
      %dma_start3A_346 = tpu.memref_slice %arg5[%dma_start3A_339, %dma_start3A_345] : memref<3x128xi32, #tpu.memory_space<vmem>> -> memref<1x128xi32, #tpu.memory_space<vmem>>
      %dma_start3A_347 = tpu.memref_squeeze %dma_start3A_346 : memref<1x128xi32, #tpu.memory_space<vmem>> -> memref<128xi32, #tpu.memory_space<vmem>>
      %dma_start3A_348 = arith.constant 0 : i32
      %dma_start3A_349 = arith.constant 0 : i32
      %dma_start3A_350 = tpu.memref_slice %arg2[%dma_start3A_348, %dma_start3A_349] : memref<100000x64xi32, #tpu.memory_space<hbm>> -> memref<100000x64xi32, #tpu.memory_space<hbm>>
      tpu.enqueue_indirect_dma source(%dma_start3A_350 : memref<100000x64xi32, #tpu.memory_space<hbm>>) target(%dma_start3A_344 : memref<128x64xi32, #tpu.memory_space<vmem>>) offsets(%dma_start3A_347 : memref<128xi32, #tpu.memory_space<vmem>>) semaphore(%arg9 : memref<!tpu.dma_semaphore, #tpu.memory_space<semaphore_mem>>)
    }
    %scan3A_50 = arith.constant 48 : i32
    %add3A_51 = arith.constant 18432 : i32
    %add3A_52 = arith.addi %mul3A_2, %add3A_51 : i32
    %dma_wait3A = arith.constant 0 : i32
    %dma_wait3A_53 = arith.constant 0 : i32
    %dma_wait3A_54 = arith.constant 0 : i32
    %dma_wait3A_55 = arith.constant 0 : i32
    %dma_wait3A_56 = tpu.memref_slice %arg6[%dma_wait3A_53, %dma_wait3A_54, %dma_wait3A_55] : memref<3x128x64xi32, #tpu.memory_space<vmem>> -> memref<1x128x64xi32, #tpu.memory_space<vmem>>
    %dma_wait3A_57 = tpu.memref_squeeze %dma_wait3A_56 : memref<1x128x64xi32, #tpu.memory_space<vmem>> -> memref<128x64xi32, #tpu.memory_space<vmem>>
    %dma_wait3A_58 = arith.constant 0 : i32
    %dma_wait3A_59 = tpu.memref_slice %arg5[%dma_wait3A, %dma_wait3A_58] : memref<3x128xi32, #tpu.memory_space<vmem>> -> memref<1x128xi32, #tpu.memory_space<vmem>>
    %dma_wait3A_60 = tpu.memref_squeeze %dma_wait3A_59 : memref<1x128xi32, #tpu.memory_space<vmem>> -> memref<128xi32, #tpu.memory_space<vmem>>
    %dma_wait3A_61 = arith.constant 0 : i32
    %dma_wait3A_62 = arith.constant 0 : i32
    %dma_wait3A_63 = tpu.memref_slice %arg2[%dma_wait3A_61, %dma_wait3A_62] : memref<100000x64xi32, #tpu.memory_space<hbm>> -> memref<100000x64xi32, #tpu.memory_space<hbm>>
    tpu.wait_indirect_dma semaphore(%arg7 : memref<!tpu.dma_semaphore, #tpu.memory_space<semaphore_mem>>) src(%dma_wait3A_63 : memref<100000x64xi32, #tpu.memory_space<hbm>>) dst(%dma_wait3A_57 : memref<128x64xi32, #tpu.memory_space<vmem>>)
    %dma_start3A_64 = arith.constant 0 : i32
    %dma_start3A_65 = arith.constant 0 : i32
    %dma_start3A_66 = arith.constant 0 : i32
    %dma_start3A_67 = tpu.memref_slice %arg6[%dma_start3A_64, %dma_start3A_65, %dma_start3A_66] : memref<3x128x64xi32, #tpu.memory_space<vmem>> -> memref<1x128x64xi32, #tpu.memory_space<vmem>>
    %dma_start3A_68 = tpu.memref_squeeze %dma_start3A_67 : memref<1x128x64xi32, #tpu.memory_space<vmem>> -> memref<128x64xi32, #tpu.memory_space<vmem>>
    %dma_start3A_69 = arith.constant 0 : i32
    %dma_start3A_70 = tpu.memref_slice %arg4[%add3A_52, %dma_start3A_69] : memref<602112x64xi32, #tpu.memory_space<hbm>> -> memref<128x64xi32, #tpu.memory_space<hbm>>
    %dma_start3A_71 = arith.constant 0 : i32
    %dma_start3A_72 = tpu.memref_slice %arg4[%add3A_52, %dma_start3A_71] : memref<602112x64xi32, #tpu.memory_space<hbm>> -> memref<128x64xi32, #tpu.memory_space<hbm>>
    %dma_start3A_73 = arith.constant 0 : i32
    %dma_start3A_74 = arith.constant 0 : i32
    %dma_start3A_75 = tpu.memref_slice %arg6[%dma_start3A_64, %dma_start3A_73, %dma_start3A_74] : memref<3x128x64xi32, #tpu.memory_space<vmem>> -> memref<1x128x64xi32, #tpu.memory_space<vmem>>
    %dma_start3A_76 = tpu.memref_squeeze %dma_start3A_75 : memref<1x128x64xi32, #tpu.memory_space<vmem>> -> memref<128x64xi32, #tpu.memory_space<vmem>>
    tpu.enqueue_dma source(%dma_start3A_76 : memref<128x64xi32, #tpu.memory_space<vmem>>) target(%dma_start3A_72 : memref<128x64xi32, #tpu.memory_space<hbm>>) target_semaphore(%arg10 : memref<!tpu.dma_semaphore, #tpu.memory_space<semaphore_mem>>)
    %dma_wait3A_77 = arith.constant 0 : i32
    %dma_wait3A_78 = arith.constant 0 : i32
    %dma_wait3A_79 = arith.constant 0 : i32
    %dma_wait3A_80 = tpu.memref_slice %arg6[%dma_wait3A_77, %dma_wait3A_78, %dma_wait3A_79] : memref<3x128x64xi32, #tpu.memory_space<vmem>> -> memref<1x128x64xi32, #tpu.memory_space<vmem>>
    %dma_wait3A_81 = tpu.memref_squeeze %dma_wait3A_80 : memref<1x128x64xi32, #tpu.memory_space<vmem>> -> memref<128x64xi32, #tpu.memory_space<vmem>>
    %dma_wait3A_82 = arith.constant 0 : i32
    %dma_wait3A_83 = tpu.memref_slice %arg4[%add3A_52, %dma_wait3A_82] : memref<602112x64xi32, #tpu.memory_space<hbm>> -> memref<128x64xi32, #tpu.memory_space<hbm>>
    %dma_wait3A_84 = arith.constant 0 : i32
    %dma_wait3A_85 = tpu.memref_slice %arg4[%add3A_52, %dma_wait3A_84] : memref<602112x64xi32, #tpu.memory_space<hbm>> -> memref<128x64xi32, #tpu.memory_space<hbm>>
    %dma_wait3A_86 = arith.constant 0 : i32
    %dma_wait3A_87 = arith.constant 0 : i32
    %dma_wait3A_88 = tpu.memref_slice %arg6[%dma_wait3A_77, %dma_wait3A_86, %dma_wait3A_87] : memref<3x128x64xi32, #tpu.memory_space<vmem>> -> memref<1x128x64xi32, #tpu.memory_space<vmem>>
    %dma_wait3A_89 = tpu.memref_squeeze %dma_wait3A_88 : memref<1x128x64xi32, #tpu.memory_space<vmem>> -> memref<128x64xi32, #tpu.memory_space<vmem>>
    tpu.wait_dma2 semaphore(%arg10 : memref<!tpu.dma_semaphore, #tpu.memory_space<semaphore_mem>>) src(%dma_wait3A_89 : memref<128x64xi32, #tpu.memory_space<vmem>>) dst(%dma_wait3A_85 : memref<128x64xi32, #tpu.memory_space<hbm>>)
    %add3A_90 = arith.constant 18560 : i32
    %add3A_91 = arith.addi %mul3A_2, %add3A_90 : i32
    %dma_wait3A_92 = arith.constant 1 : i32
    %dma_wait3A_93 = arith.constant 1 : i32
    %dma_wait3A_94 = arith.constant 0 : i32
    %dma_wait3A_95 = arith.constant 0 : i32
    %dma_wait3A_96 = tpu.memref_slice %arg6[%dma_wait3A_93, %dma_wait3A_94, %dma_wait3A_95] : memref<3x128x64xi32, #tpu.memory_space<vmem>> -> memref<1x128x64xi32, #tpu.memory_space<vmem>>
    %dma_wait3A_97 = tpu.memref_squeeze %dma_wait3A_96 : memref<1x128x64xi32, #tpu.memory_space<vmem>> -> memref<128x64xi32, #tpu.memory_space<vmem>>
    %dma_wait3A_98 = arith.constant 0 : i32
    %dma_wait3A_99 = tpu.memref_slice %arg5[%dma_wait3A_92, %dma_wait3A_98] : memref<3x128xi32, #tpu.memory_space<vmem>> -> memref<1x128xi32, #tpu.memory_space<vmem>>
    %dma_wait3A_100 = tpu.memref_squeeze %dma_wait3A_99 : memref<1x128xi32, #tpu.memory_space<vmem>> -> memref<128xi32, #tpu.memory_space<vmem>>
    %dma_wait3A_101 = arith.constant 0 : i32
    %dma_wait3A_102 = arith.constant 0 : i32
    %dma_wait3A_103 = tpu.memref_slice %arg2[%dma_wait3A_101, %dma_wait3A_102] : memref<100000x64xi32, #tpu.memory_space<hbm>> -> memref<100000x64xi32, #tpu.memory_space<hbm>>
    tpu.wait_indirect_dma semaphore(%arg8 : memref<!tpu.dma_semaphore, #tpu.memory_space<semaphore_mem>>) src(%dma_wait3A_103 : memref<100000x64xi32, #tpu.memory_space<hbm>>) dst(%dma_wait3A_97 : memref<128x64xi32, #tpu.memory_space<vmem>>)
    %dma_start3A_104 = arith.constant 1 : i32
    %dma_start3A_105 = arith.constant 0 : i32
    %dma_start3A_106 = arith.constant 0 : i32
    %dma_start3A_107 = tpu.memref_slice %arg6[%dma_start3A_104, %dma_start3A_105, %dma_start3A_106] : memref<3x128x64xi32, #tpu.memory_space<vmem>> -> memref<1x128x64xi32, #tpu.memory_space<vmem>>
    %dma_start3A_108 = tpu.memref_squeeze %dma_start3A_107 : memref<1x128x64xi32, #tpu.memory_space<vmem>> -> memref<128x64xi32, #tpu.memory_space<vmem>>
    %dma_start3A_109 = arith.constant 0 : i32
    %dma_start3A_110 = tpu.memref_slice %arg4[%add3A_91, %dma_start3A_109] : memref<602112x64xi32, #tpu.memory_space<hbm>> -> memref<128x64xi32, #tpu.memory_space<hbm>>
    %dma_start3A_111 = arith.constant 0 : i32
    %dma_start3A_112 = tpu.memref_slice %arg4[%add3A_91, %dma_start3A_111] : memref<602112x64xi32, #tpu.memory_space<hbm>> -> memref<128x64xi32, #tpu.memory_space<hbm>>
    %dma_start3A_113 = arith.constant 0 : i32
    %dma_start3A_114 = arith.constant 0 : i32
    %dma_start3A_115 = tpu.memref_slice %arg6[%dma_start3A_104, %dma_start3A_113, %dma_start3A_114] : memref<3x128x64xi32, #tpu.memory_space<vmem>> -> memref<1x128x64xi32, #tpu.memory_space<vmem>>
    %dma_start3A_116 = tpu.memref_squeeze %dma_start3A_115 : memref<1x128x64xi32, #tpu.memory_space<vmem>> -> memref<128x64xi32, #tpu.memory_space<vmem>>
    tpu.enqueue_dma source(%dma_start3A_116 : memref<128x64xi32, #tpu.memory_space<vmem>>) target(%dma_start3A_112 : memref<128x64xi32, #tpu.memory_space<hbm>>) target_semaphore(%arg11 : memref<!tpu.dma_semaphore, #tpu.memory_space<semaphore_mem>>)
    %dma_wait3A_117 = arith.constant 1 : i32
    %dma_wait3A_118 = arith.constant 0 : i32
    %dma_wait3A_119 = arith.constant 0 : i32
    %dma_wait3A_120 = tpu.memref_slice %arg6[%dma_wait3A_117, %dma_wait3A_118, %dma_wait3A_119] : memref<3x128x64xi32, #tpu.memory_space<vmem>> -> memref<1x128x64xi32, #tpu.memory_space<vmem>>
    %dma_wait3A_121 = tpu.memref_squeeze %dma_wait3A_120 : memref<1x128x64xi32, #tpu.memory_space<vmem>> -> memref<128x64xi32, #tpu.memory_space<vmem>>
    %dma_wait3A_122 = arith.constant 0 : i32
    %dma_wait3A_123 = tpu.memref_slice %arg4[%add3A_91, %dma_wait3A_122] : memref<602112x64xi32, #tpu.memory_space<hbm>> -> memref<128x64xi32, #tpu.memory_space<hbm>>
    %dma_wait3A_124 = arith.constant 0 : i32
    %dma_wait3A_125 = tpu.memref_slice %arg4[%add3A_91, %dma_wait3A_124] : memref<602112x64xi32, #tpu.memory_space<hbm>> -> memref<128x64xi32, #tpu.memory_space<hbm>>
    %dma_wait3A_126 = arith.constant 0 : i32
    %dma_wait3A_127 = arith.constant 0 : i32
    %dma_wait3A_128 = tpu.memref_slice %arg6[%dma_wait3A_117, %dma_wait3A_126, %dma_wait3A_127] : memref<3x128x64xi32, #tpu.memory_space<vmem>> -> memref<1x128x64xi32, #tpu.memory_space<vmem>>
    %dma_wait3A_129 = tpu.memref_squeeze %dma_wait3A_128 : memref<1x128x64xi32, #tpu.memory_space<vmem>> -> memref<128x64xi32, #tpu.memory_space<vmem>>
    tpu.wait_dma2 semaphore(%arg11 : memref<!tpu.dma_semaphore, #tpu.memory_space<semaphore_mem>>) src(%dma_wait3A_129 : memref<128x64xi32, #tpu.memory_space<vmem>>) dst(%dma_wait3A_125 : memref<128x64xi32, #tpu.memory_space<hbm>>)
    %add3A_130 = arith.constant 18688 : i32
    %add3A_131 = arith.addi %mul3A_2, %add3A_130 : i32
    %dma_wait3A_132 = arith.constant 2 : i32
    %dma_wait3A_133 = arith.constant 2 : i32
    %dma_wait3A_134 = arith.constant 0 : i32
    %dma_wait3A_135 = arith.constant 0 : i32
    %dma_wait3A_136 = tpu.memref_slice %arg6[%dma_wait3A_133, %dma_wait3A_134, %dma_wait3A_135] : memref<3x128x64xi32, #tpu.memory_space<vmem>> -> memref<1x128x64xi32, #tpu.memory_space<vmem>>
    %dma_wait3A_137 = tpu.memref_squeeze %dma_wait3A_136 : memref<1x128x64xi32, #tpu.memory_space<vmem>> -> memref<128x64xi32, #tpu.memory_space<vmem>>
    %dma_wait3A_138 = arith.constant 0 : i32
    %dma_wait3A_139 = tpu.memref_slice %arg5[%dma_wait3A_132, %dma_wait3A_138] : memref<3x128xi32, #tpu.memory_space<vmem>> -> memref<1x128xi32, #tpu.memory_space<vmem>>
    %dma_wait3A_140 = tpu.memref_squeeze %dma_wait3A_139 : memref<1x128xi32, #tpu.memory_space<vmem>> -> memref<128xi32, #tpu.memory_space<vmem>>
    %dma_wait3A_141 = arith.constant 0 : i32
    %dma_wait3A_142 = arith.constant 0 : i32
    %dma_wait3A_143 = tpu.memref_slice %arg2[%dma_wait3A_141, %dma_wait3A_142] : memref<100000x64xi32, #tpu.memory_space<hbm>> -> memref<100000x64xi32, #tpu.memory_space<hbm>>
    tpu.wait_indirect_dma semaphore(%arg9 : memref<!tpu.dma_semaphore, #tpu.memory_space<semaphore_mem>>) src(%dma_wait3A_143 : memref<100000x64xi32, #tpu.memory_space<hbm>>) dst(%dma_wait3A_137 : memref<128x64xi32, #tpu.memory_space<vmem>>)
    %dma_start3A_144 = arith.constant 2 : i32
    %dma_start3A_145 = arith.constant 0 : i32
    %dma_start3A_146 = arith.constant 0 : i32
    %dma_start3A_147 = tpu.memref_slice %arg6[%dma_start3A_144, %dma_start3A_145, %dma_start3A_146] : memref<3x128x64xi32, #tpu.memory_space<vmem>> -> memref<1x128x64xi32, #tpu.memory_space<vmem>>
    %dma_start3A_148 = tpu.memref_squeeze %dma_start3A_147 : memref<1x128x64xi32, #tpu.memory_space<vmem>> -> memref<128x64xi32, #tpu.memory_space<vmem>>
    %dma_start3A_149 = arith.constant 0 : i32
    %dma_start3A_150 = tpu.memref_slice %arg4[%add3A_131, %dma_start3A_149] : memref<602112x64xi32, #tpu.memory_space<hbm>> -> memref<128x64xi32, #tpu.memory_space<hbm>>
    %dma_start3A_151 = arith.constant 0 : i32
    %dma_start3A_152 = tpu.memref_slice %arg4[%add3A_131, %dma_start3A_151] : memref<602112x64xi32, #tpu.memory_space<hbm>> -> memref<128x64xi32, #tpu.memory_space<hbm>>
    %dma_start3A_153 = arith.constant 0 : i32
    %dma_start3A_154 = arith.constant 0 : i32
    %dma_start3A_155 = tpu.memref_slice %arg6[%dma_start3A_144, %dma_start3A_153, %dma_start3A_154] : memref<3x128x64xi32, #tpu.memory_space<vmem>> -> memref<1x128x64xi32, #tpu.memory_space<vmem>>
    %dma_start3A_156 = tpu.memref_squeeze %dma_start3A_155 : memref<1x128x64xi32, #tpu.memory_space<vmem>> -> memref<128x64xi32, #tpu.memory_space<vmem>>
    tpu.enqueue_dma source(%dma_start3A_156 : memref<128x64xi32, #tpu.memory_space<vmem>>) target(%dma_start3A_152 : memref<128x64xi32, #tpu.memory_space<hbm>>) target_semaphore(%arg12 : memref<!tpu.dma_semaphore, #tpu.memory_space<semaphore_mem>>)
    %dma_wait3A_157 = arith.constant 2 : i32
    %dma_wait3A_158 = arith.constant 0 : i32
    %dma_wait3A_159 = arith.constant 0 : i32
    %dma_wait3A_160 = tpu.memref_slice %arg6[%dma_wait3A_157, %dma_wait3A_158, %dma_wait3A_159] : memref<3x128x64xi32, #tpu.memory_space<vmem>> -> memref<1x128x64xi32, #tpu.memory_space<vmem>>
    %dma_wait3A_161 = tpu.memref_squeeze %dma_wait3A_160 : memref<1x128x64xi32, #tpu.memory_space<vmem>> -> memref<128x64xi32, #tpu.memory_space<vmem>>
    %dma_wait3A_162 = arith.constant 0 : i32
    %dma_wait3A_163 = tpu.memref_slice %arg4[%add3A_131, %dma_wait3A_162] : memref<602112x64xi32, #tpu.memory_space<hbm>> -> memref<128x64xi32, #tpu.memory_space<hbm>>
    %dma_wait3A_164 = arith.constant 0 : i32
    %dma_wait3A_165 = tpu.memref_slice %arg4[%add3A_131, %dma_wait3A_164] : memref<602112x64xi32, #tpu.memory_space<hbm>> -> memref<128x64xi32, #tpu.memory_space<hbm>>
    %dma_wait3A_166 = arith.constant 0 : i32
    %dma_wait3A_167 = arith.constant 0 : i32
    %dma_wait3A_168 = tpu.memref_slice %arg6[%dma_wait3A_157, %dma_wait3A_166, %dma_wait3A_167] : memref<3x128x64xi32, #tpu.memory_space<vmem>> -> memref<1x128x64xi32, #tpu.memory_space<vmem>>
    %dma_wait3A_169 = tpu.memref_squeeze %dma_wait3A_168 : memref<1x128x64xi32, #tpu.memory_space<vmem>> -> memref<128x64xi32, #tpu.memory_space<vmem>>
    tpu.wait_dma2 semaphore(%arg12 : memref<!tpu.dma_semaphore, #tpu.memory_space<semaphore_mem>>) src(%dma_wait3A_169 : memref<128x64xi32, #tpu.memory_space<vmem>>) dst(%dma_wait3A_165 : memref<128x64xi32, #tpu.memory_space<hbm>>)
    return
  }
}

#map = affine_map<(d0, d1) -> (0, 0)>
#map1 = affine_map<(d0, d1) -> (0)>
module attributes {stable_mosaic.version = 14 : i64} {
  func.func @gk(%arg0: i32, %arg1: i32, %arg2: memref<100000x64xi32, #tpu.memory_space<hbm>>, %arg3: memref<602112xi32, #tpu.memory_space<hbm>>, %arg4: memref<602112x64xi32, #tpu.memory_space<hbm>>, %arg5: memref<3x128xi32, #tpu.memory_space<vmem>>, %arg6: memref<3x128x64xi32, #tpu.memory_space<vmem>>, %arg7: memref<!tpu.dma_semaphore, #tpu.memory_space<semaphore_mem>>, %arg8: memref<!tpu.dma_semaphore, #tpu.memory_space<semaphore_mem>>, %arg9: memref<!tpu.dma_semaphore, #tpu.memory_space<semaphore_mem>>, %arg10: memref<!tpu.dma_semaphore, #tpu.memory_space<semaphore_mem>>, %arg11: memref<!tpu.dma_semaphore, #tpu.memory_space<semaphore_mem>>, %arg12: memref<!tpu.dma_semaphore, #tpu.memory_space<semaphore_mem>>) attributes {dimension_semantics = [#tpu.dimension_semantics<core_parallel>, #tpu.dimension_semantics<subcore_parallel>], iteration_bounds = array<i64: 2, 16>, scalar_prefetch = 0 : i64, scratch_operands = 8 : i64, tpu.core_type = #tpu.core_type<sc_vector_subcore>, window_params = [{transform_indices = #map}, {transform_indices = #map1}, {transform_indices = #map}]} {
    %mul3A = arith.constant 2 : i32
    %mul3A_0 = arith.muli %arg1, %mul3A : i32
    %add3A = arith.addi %mul3A_0, %arg0 : i32
    %mul3A_1 = arith.constant 18816 : i32
    %mul3A_2 = arith.muli %add3A, %mul3A_1 : i32
    %add3A_3 = arith.constant 0 : i32
    %add3A_4 = arith.addi %mul3A_2, %add3A_3 : i32
    %run_scoped3A = arith.constant 0 : i32
    "tpu.region"() ({
      %run_scoped3A_170 = tpu.sem_alloc : memref<!tpu.dma_semaphore, #tpu.memory_space<semaphore_mem>>
      %dma_start3A_171 = arith.constant 0 : i32
      %dma_start3A_172 = tpu.memref_slice %arg5[%run_scoped3A, %dma_start3A_171] : memref<3x128xi32, #tpu.memory_space<vmem>> -> memref<1x128xi32, #tpu.memory_space<vmem>>
      %dma_start3A_173 = tpu.memref_squeeze %dma_start3A_172 : memref<1x128xi32, #tpu.memory_space<vmem>> -> memref<128xi32, #tpu.memory_space<vmem>>
      %dma_start3A_174 = tpu.memref_slice %arg3[%add3A_4] : memref<602112xi32, #tpu.memory_space<hbm>> -> memref<128xi32, #tpu.memory_space<hbm>>
      %dma_start3A_175 = arith.constant 0 : i32
      %dma_start3A_176 = tpu.memref_slice %arg5[%run_scoped3A, %dma_start3A_175] : memref<3x128xi32, #tpu.memory_space<vmem>> -> memref<1x128xi32, #tpu.memory_space<vmem>>
      %dma_start3A_177 = tpu.memref_squeeze %dma_start3A_176 : memref<1x128xi32, #tpu.memory_space<vmem>> -> memref<128xi32, #tpu.memory_space<vmem>>
      %dma_start3A_178 = tpu.memref_slice %arg3[%add3A_4] : memref<602112xi32, #tpu.memory_space<hbm>> -> memref<128xi32, #tpu.memory_space<hbm>>
      tpu.enqueue_dma source(%dma_start3A_178 : memref<128xi32, #tpu.memory_space<hbm>>) target(%dma_start3A_177 : memref<128xi32, #tpu.memory_space<vmem>>) target_semaphore(%run_scoped3A_170 : memref<!tpu.dma_semaphore, #tpu.memory_space<semaphore_mem>>)
      %dma_wait3A_179 = arith.constant 0 : i32
      %dma_wait3A_180 = tpu.memref_slice %arg5[%run_scoped3A, %dma_wait3A_179] : memref<3x128xi32, #tpu.memory_space<vmem>> -> memref<1x128xi32, #tpu.memory_space<vmem>>
      %dma_wait3A_181 = tpu.memref_squeeze %dma_wait3A_180 : memref<1x128xi32, #tpu.memory_space<vmem>> -> memref<128xi32, #tpu.memory_space<vmem>>
      %dma_wait3A_182 = tpu.memref_slice %arg3[%add3A_4] : memref<602112xi32, #tpu.memory_space<hbm>> -> memref<128xi32, #tpu.memory_space<hbm>>
      %dma_wait3A_183 = arith.constant 0 : i32
      %dma_wait3A_184 = tpu.memref_slice %arg5[%run_scoped3A, %dma_wait3A_183] : memref<3x128xi32, #tpu.memory_space<vmem>> -> memref<1x128xi32, #tpu.memory_space<vmem>>
      %dma_wait3A_185 = tpu.memref_squeeze %dma_wait3A_184 : memref<1x128xi32, #tpu.memory_space<vmem>> -> memref<128xi32, #tpu.memory_space<vmem>>
      %dma_wait3A_186 = tpu.memref_slice %arg3[%add3A_4] : memref<602112xi32, #tpu.memory_space<hbm>> -> memref<128xi32, #tpu.memory_space<hbm>>
      tpu.wait_dma2 semaphore(%run_scoped3A_170 : memref<!tpu.dma_semaphore, #tpu.memory_space<semaphore_mem>>) src(%dma_wait3A_186 : memref<128xi32, #tpu.memory_space<hbm>>) dst(%dma_wait3A_185 : memref<128xi32, #tpu.memory_space<vmem>>)
      tpu.yield
    }) : () -> ()
    %dma_start3A = arith.constant 0 : i32
    %dma_start3A_5 = arith.constant 0 : i32
    %dma_start3A_6 = arith.constant 0 : i32
    %dma_start3A_7 = arith.constant 0 : i32
    %dma_start3A_8 = tpu.memref_slice %arg6[%dma_start3A_5, %dma_start3A_6, %dma_start3A_7] : memref<3x128x64xi32, #tpu.memory_space<vmem>> -> memref<1x128x64xi32, #tpu.memory_space<vmem>>
    %dma_start3A_9 = tpu.memref_squeeze %dma_start3A_8 : memref<1x128x64xi32, #tpu.memory_space<vmem>> -> memref<128x64xi32, #tpu.memory_space<vmem>>
    %dma_start3A_10 = arith.constant 0 : i32
    %dma_start3A_11 = tpu.memref_slice %arg5[%dma_start3A, %dma_start3A_10] : memref<3x128xi32, #tpu.memory_space<vmem>> -> memref<1x128xi32, #tpu.memory_space<vmem>>
    %dma_start3A_12 = tpu.memref_squeeze %dma_start3A_11 : memref<1x128xi32, #tpu.memory_space<vmem>> -> memref<128xi32, #tpu.memory_space<vmem>>
    %dma_start3A_13 = arith.constant 0 : i32
    %dma_start3A_14 = arith.constant 0 : i32
    %dma_start3A_15 = tpu.memref_slice %arg2[%dma_start3A_13, %dma_start3A_14] : memref<100000x64xi32, #tpu.memory_space<hbm>> -> memref<100000x64xi32, #tpu.memory_space<hbm>>
    tpu.enqueue_indirect_dma source(%dma_start3A_15 : memref<100000x64xi32, #tpu.memory_space<hbm>>) target(%dma_start3A_9 : memref<128x64xi32, #tpu.memory_space<vmem>>) offsets(%dma_start3A_12 : memref<128xi32, #tpu.memory_space<vmem>>) semaphore(%arg7 : memref<!tpu.dma_semaphore, #tpu.memory_space<semaphore_mem>>)
    %add3A_16 = arith.constant 128 : i32
    %add3A_17 = arith.addi %mul3A_2, %add3A_16 : i32
    %run_scoped3A_18 = arith.constant 1 : i32
    "tpu.region"() ({
      %run_scoped3A_170 = tpu.sem_alloc : memref<!tpu.dma_semaphore, #tpu.memory_space<semaphore_mem>>
      %dma_start3A_171 = arith.constant 0 : i32
      %dma_start3A_172 = tpu.memref_slice %arg5[%run_scoped3A_18, %dma_start3A_171] : memref<3x128xi32, #tpu.memory_space<vmem>> -> memref<1x128xi32, #tpu.memory_space<vmem>>
      %dma_start3A_173 = tpu.memref_squeeze %dma_start3A_172 : memref<1x128xi32, #tpu.memory_space<vmem>> -> memref<128xi32, #tpu.memory_space<vmem>>
      %dma_start3A_174 = tpu.memref_slice %arg3[%add3A_17] : memref<602112xi32, #tpu.memory_space<hbm>> -> memref<128xi32, #tpu.memory_space<hbm>>
      %dma_start3A_175 = arith.constant 0 : i32
      %dma_start3A_176 = tpu.memref_slice %arg5[%run_scoped3A_18, %dma_start3A_175] : memref<3x128xi32, #tpu.memory_space<vmem>> -> memref<1x128xi32, #tpu.memory_space<vmem>>
      %dma_start3A_177 = tpu.memref_squeeze %dma_start3A_176 : memref<1x128xi32, #tpu.memory_space<vmem>> -> memref<128xi32, #tpu.memory_space<vmem>>
      %dma_start3A_178 = tpu.memref_slice %arg3[%add3A_17] : memref<602112xi32, #tpu.memory_space<hbm>> -> memref<128xi32, #tpu.memory_space<hbm>>
      tpu.enqueue_dma source(%dma_start3A_178 : memref<128xi32, #tpu.memory_space<hbm>>) target(%dma_start3A_177 : memref<128xi32, #tpu.memory_space<vmem>>) target_semaphore(%run_scoped3A_170 : memref<!tpu.dma_semaphore, #tpu.memory_space<semaphore_mem>>)
      %dma_wait3A_179 = arith.constant 0 : i32
      %dma_wait3A_180 = tpu.memref_slice %arg5[%run_scoped3A_18, %dma_wait3A_179] : memref<3x128xi32, #tpu.memory_space<vmem>> -> memref<1x128xi32, #tpu.memory_space<vmem>>
      %dma_wait3A_181 = tpu.memref_squeeze %dma_wait3A_180 : memref<1x128xi32, #tpu.memory_space<vmem>> -> memref<128xi32, #tpu.memory_space<vmem>>
      %dma_wait3A_182 = tpu.memref_slice %arg3[%add3A_17] : memref<602112xi32, #tpu.memory_space<hbm>> -> memref<128xi32, #tpu.memory_space<hbm>>
      %dma_wait3A_183 = arith.constant 0 : i32
      %dma_wait3A_184 = tpu.memref_slice %arg5[%run_scoped3A_18, %dma_wait3A_183] : memref<3x128xi32, #tpu.memory_space<vmem>> -> memref<1x128xi32, #tpu.memory_space<vmem>>
      %dma_wait3A_185 = tpu.memref_squeeze %dma_wait3A_184 : memref<1x128xi32, #tpu.memory_space<vmem>> -> memref<128xi32, #tpu.memory_space<vmem>>
      %dma_wait3A_186 = tpu.memref_slice %arg3[%add3A_17] : memref<602112xi32, #tpu.memory_space<hbm>> -> memref<128xi32, #tpu.memory_space<hbm>>
      tpu.wait_dma2 semaphore(%run_scoped3A_170 : memref<!tpu.dma_semaphore, #tpu.memory_space<semaphore_mem>>) src(%dma_wait3A_186 : memref<128xi32, #tpu.memory_space<hbm>>) dst(%dma_wait3A_185 : memref<128xi32, #tpu.memory_space<vmem>>)
      tpu.yield
    }) : () -> ()
    %dma_start3A_19 = arith.constant 1 : i32
    %dma_start3A_20 = arith.constant 1 : i32
    %dma_start3A_21 = arith.constant 0 : i32
    %dma_start3A_22 = arith.constant 0 : i32
    %dma_start3A_23 = tpu.memref_slice %arg6[%dma_start3A_20, %dma_start3A_21, %dma_start3A_22] : memref<3x128x64xi32, #tpu.memory_space<vmem>> -> memref<1x128x64xi32, #tpu.memory_space<vmem>>
    %dma_start3A_24 = tpu.memref_squeeze %dma_start3A_23 : memref<1x128x64xi32, #tpu.memory_space<vmem>> -> memref<128x64xi32, #tpu.memory_space<vmem>>
    %dma_start3A_25 = arith.constant 0 : i32
    %dma_start3A_26 = tpu.memref_slice %arg5[%dma_start3A_19, %dma_start3A_25] : memref<3x128xi32, #tpu.memory_space<vmem>> -> memref<1x128xi32, #tpu.memory_space<vmem>>
    %dma_start3A_27 = tpu.memref_squeeze %dma_start3A_26 : memref<1x128xi32, #tpu.memory_space<vmem>> -> memref<128xi32, #tpu.memory_space<vmem>>
    %dma_start3A_28 = arith.constant 0 : i32
    %dma_start3A_29 = arith.constant 0 : i32
    %dma_start3A_30 = tpu.memref_slice %arg2[%dma_start3A_28, %dma_start3A_29] : memref<100000x64xi32, #tpu.memory_space<hbm>> -> memref<100000x64xi32, #tpu.memory_space<hbm>>
    tpu.enqueue_indirect_dma source(%dma_start3A_30 : memref<100000x64xi32, #tpu.memory_space<hbm>>) target(%dma_start3A_24 : memref<128x64xi32, #tpu.memory_space<vmem>>) offsets(%dma_start3A_27 : memref<128xi32, #tpu.memory_space<vmem>>) semaphore(%arg8 : memref<!tpu.dma_semaphore, #tpu.memory_space<semaphore_mem>>)
    %add3A_31 = arith.constant 256 : i32
    %add3A_32 = arith.addi %mul3A_2, %add3A_31 : i32
    %run_scoped3A_33 = arith.constant 2 : i32
    "tpu.region"() ({
      %run_scoped3A_170 = tpu.sem_alloc : memref<!tpu.dma_semaphore, #tpu.memory_space<semaphore_mem>>
      %dma_start3A_171 = arith.constant 0 : i32
      %dma_start3A_172 = tpu.memref_slice %arg5[%run_scoped3A_33, %dma_start3A_171] : memref<3x128xi32, #tpu.memory_space<vmem>> -> memref<1x128xi32, #tpu.memory_space<vmem>>
      %dma_start3A_173 = tpu.memref_squeeze %dma_start3A_172 : memref<1x128xi32, #tpu.memory_space<vmem>> -> memref<128xi32, #tpu.memory_space<vmem>>
      %dma_start3A_174 = tpu.memref_slice %arg3[%add3A_32] : memref<602112xi32, #tpu.memory_space<hbm>> -> memref<128xi32, #tpu.memory_space<hbm>>
      %dma_start3A_175 = arith.constant 0 : i32
      %dma_start3A_176 = tpu.memref_slice %arg5[%run_scoped3A_33, %dma_start3A_175] : memref<3x128xi32, #tpu.memory_space<vmem>> -> memref<1x128xi32, #tpu.memory_space<vmem>>
      %dma_start3A_177 = tpu.memref_squeeze %dma_start3A_176 : memref<1x128xi32, #tpu.memory_space<vmem>> -> memref<128xi32, #tpu.memory_space<vmem>>
      %dma_start3A_178 = tpu.memref_slice %arg3[%add3A_32] : memref<602112xi32, #tpu.memory_space<hbm>> -> memref<128xi32, #tpu.memory_space<hbm>>
      tpu.enqueue_dma source(%dma_start3A_178 : memref<128xi32, #tpu.memory_space<hbm>>) target(%dma_start3A_177 : memref<128xi32, #tpu.memory_space<vmem>>) target_semaphore(%run_scoped3A_170 : memref<!tpu.dma_semaphore, #tpu.memory_space<semaphore_mem>>)
      %dma_wait3A_179 = arith.constant 0 : i32
      %dma_wait3A_180 = tpu.memref_slice %arg5[%run_scoped3A_33, %dma_wait3A_179] : memref<3x128xi32, #tpu.memory_space<vmem>> -> memref<1x128xi32, #tpu.memory_space<vmem>>
      %dma_wait3A_181 = tpu.memref_squeeze %dma_wait3A_180 : memref<1x128xi32, #tpu.memory_space<vmem>> -> memref<128xi32, #tpu.memory_space<vmem>>
      %dma_wait3A_182 = tpu.memref_slice %arg3[%add3A_32] : memref<602112xi32, #tpu.memory_space<hbm>> -> memref<128xi32, #tpu.memory_space<hbm>>
      %dma_wait3A_183 = arith.constant 0 : i32
      %dma_wait3A_184 = tpu.memref_slice %arg5[%run_scoped3A_33, %dma_wait3A_183] : memref<3x128xi32, #tpu.memory_space<vmem>> -> memref<1x128xi32, #tpu.memory_space<vmem>>
      %dma_wait3A_185 = tpu.memref_squeeze %dma_wait3A_184 : memref<1x128xi32, #tpu.memory_space<vmem>> -> memref<128xi32, #tpu.memory_space<vmem>>
      %dma_wait3A_186 = tpu.memref_slice %arg3[%add3A_32] : memref<602112xi32, #tpu.memory_space<hbm>> -> memref<128xi32, #tpu.memory_space<hbm>>
      tpu.wait_dma2 semaphore(%run_scoped3A_170 : memref<!tpu.dma_semaphore, #tpu.memory_space<semaphore_mem>>) src(%dma_wait3A_186 : memref<128xi32, #tpu.memory_space<hbm>>) dst(%dma_wait3A_185 : memref<128xi32, #tpu.memory_space<vmem>>)
      tpu.yield
    }) : () -> ()
    %dma_start3A_34 = arith.constant 2 : i32
    %dma_start3A_35 = arith.constant 2 : i32
    %dma_start3A_36 = arith.constant 0 : i32
    %dma_start3A_37 = arith.constant 0 : i32
    %dma_start3A_38 = tpu.memref_slice %arg6[%dma_start3A_35, %dma_start3A_36, %dma_start3A_37] : memref<3x128x64xi32, #tpu.memory_space<vmem>> -> memref<1x128x64xi32, #tpu.memory_space<vmem>>
    %dma_start3A_39 = tpu.memref_squeeze %dma_start3A_38 : memref<1x128x64xi32, #tpu.memory_space<vmem>> -> memref<128x64xi32, #tpu.memory_space<vmem>>
    %dma_start3A_40 = arith.constant 0 : i32
    %dma_start3A_41 = tpu.memref_slice %arg5[%dma_start3A_34, %dma_start3A_40] : memref<3x128xi32, #tpu.memory_space<vmem>> -> memref<1x128xi32, #tpu.memory_space<vmem>>
    %dma_start3A_42 = tpu.memref_squeeze %dma_start3A_41 : memref<1x128xi32, #tpu.memory_space<vmem>> -> memref<128xi32, #tpu.memory_space<vmem>>
    %dma_start3A_43 = arith.constant 0 : i32
    %dma_start3A_44 = arith.constant 0 : i32
    %dma_start3A_45 = tpu.memref_slice %arg2[%dma_start3A_43, %dma_start3A_44] : memref<100000x64xi32, #tpu.memory_space<hbm>> -> memref<100000x64xi32, #tpu.memory_space<hbm>>
    tpu.enqueue_indirect_dma source(%dma_start3A_45 : memref<100000x64xi32, #tpu.memory_space<hbm>>) target(%dma_start3A_39 : memref<128x64xi32, #tpu.memory_space<vmem>>) offsets(%dma_start3A_42 : memref<128xi32, #tpu.memory_space<vmem>>) semaphore(%arg9 : memref<!tpu.dma_semaphore, #tpu.memory_space<semaphore_mem>>)
    %scan3A = arith.constant 0 : i32
    %scan3A_46 = arith.constant 0 : i32
    %scan3A_47 = arith.constant 48 : i32
    %scan3A_48 = arith.addi %scan3A_46, %scan3A_47 : i32
    %scan3A_49 = arith.constant 1 : i32
    scf.for %scan3A_170 = %scan3A_46 to %scan3A_48 step %scan3A_49  : i32 {
      %mul3A_171 = arith.constant 3 : i32
      %mul3A_172 = arith.muli %scan3A_170, %mul3A_171 : i32
      %add3A_173 = arith.constant 0 : i32
      %add3A_174 = arith.addi %mul3A_172, %add3A_173 : i32
      %mul3A_175 = arith.constant 128 : i32
      %mul3A_176 = arith.muli %add3A_174, %mul3A_175 : i32
      %add3A_177 = arith.addi %mul3A_2, %mul3A_176 : i32
      %dma_wait3A_178 = arith.constant 0 : i32
      %dma_wait3A_179 = arith.constant 0 : i32
      %dma_wait3A_180 = arith.constant 0 : i32
      %dma_wait3A_181 = arith.constant 0 : i32
      %dma_wait3A_182 = tpu.memref_slice %arg6[%dma_wait3A_179, %dma_wait3A_180, %dma_wait3A_181] : memref<3x128x64xi32, #tpu.memory_space<vmem>> -> memref<1x128x64xi32, #tpu.memory_space<vmem>>
      %dma_wait3A_183 = tpu.memref_squeeze %dma_wait3A_182 : memref<1x128x64xi32, #tpu.memory_space<vmem>> -> memref<128x64xi32, #tpu.memory_space<vmem>>
      %dma_wait3A_184 = arith.constant 0 : i32
      %dma_wait3A_185 = tpu.memref_slice %arg5[%dma_wait3A_178, %dma_wait3A_184] : memref<3x128xi32, #tpu.memory_space<vmem>> -> memref<1x128xi32, #tpu.memory_space<vmem>>
      %dma_wait3A_186 = tpu.memref_squeeze %dma_wait3A_185 : memref<1x128xi32, #tpu.memory_space<vmem>> -> memref<128xi32, #tpu.memory_space<vmem>>
      %dma_wait3A_187 = arith.constant 0 : i32
      %dma_wait3A_188 = arith.constant 0 : i32
      %dma_wait3A_189 = tpu.memref_slice %arg2[%dma_wait3A_187, %dma_wait3A_188] : memref<100000x64xi32, #tpu.memory_space<hbm>> -> memref<100000x64xi32, #tpu.memory_space<hbm>>
      tpu.wait_indirect_dma semaphore(%arg7 : memref<!tpu.dma_semaphore, #tpu.memory_space<semaphore_mem>>) src(%dma_wait3A_189 : memref<100000x64xi32, #tpu.memory_space<hbm>>) dst(%dma_wait3A_183 : memref<128x64xi32, #tpu.memory_space<vmem>>)
      %dma_start3A_190 = arith.constant 0 : i32
      %dma_start3A_191 = arith.constant 0 : i32
      %dma_start3A_192 = arith.constant 0 : i32
      %dma_start3A_193 = tpu.memref_slice %arg6[%dma_start3A_190, %dma_start3A_191, %dma_start3A_192] : memref<3x128x64xi32, #tpu.memory_space<vmem>> -> memref<1x128x64xi32, #tpu.memory_space<vmem>>
      %dma_start3A_194 = tpu.memref_squeeze %dma_start3A_193 : memref<1x128x64xi32, #tpu.memory_space<vmem>> -> memref<128x64xi32, #tpu.memory_space<vmem>>
      %dma_start3A_195 = arith.constant 0 : i32
      %dma_start3A_196 = tpu.memref_slice %arg4[%add3A_177, %dma_start3A_195] : memref<602112x64xi32, #tpu.memory_space<hbm>> -> memref<128x64xi32, #tpu.memory_space<hbm>>
      %dma_start3A_197 = arith.constant 0 : i32
      %dma_start3A_198 = tpu.memref_slice %arg4[%add3A_177, %dma_start3A_197] : memref<602112x64xi32, #tpu.memory_space<hbm>> -> memref<128x64xi32, #tpu.memory_space<hbm>>
      %dma_start3A_199 = arith.constant 0 : i32
      %dma_start3A_200 = arith.constant 0 : i32
      %dma_start3A_201 = tpu.memref_slice %arg6[%dma_start3A_190, %dma_start3A_199, %dma_start3A_200] : memref<3x128x64xi32, #tpu.memory_space<vmem>> -> memref<1x128x64xi32, #tpu.memory_space<vmem>>
      %dma_start3A_202 = tpu.memref_squeeze %dma_start3A_201 : memref<1x128x64xi32, #tpu.memory_space<vmem>> -> memref<128x64xi32, #tpu.memory_space<vmem>>
      tpu.enqueue_dma source(%dma_start3A_202 : memref<128x64xi32, #tpu.memory_space<vmem>>) target(%dma_start3A_198 : memref<128x64xi32, #tpu.memory_space<hbm>>) target_semaphore(%arg10 : memref<!tpu.dma_semaphore, #tpu.memory_space<semaphore_mem>>)
      %add3A_203 = arith.constant 384 : i32
      %add3A_204 = arith.addi %add3A_177, %add3A_203 : i32
      %run_scoped3A_205 = arith.constant 0 : i32
      "tpu.region"() ({
        %run_scoped3A_351 = tpu.sem_alloc : memref<!tpu.dma_semaphore, #tpu.memory_space<semaphore_mem>>
        %dma_start3A_352 = arith.constant 0 : i32
        %dma_start3A_353 = tpu.memref_slice %arg5[%run_scoped3A_205, %dma_start3A_352] : memref<3x128xi32, #tpu.memory_space<vmem>> -> memref<1x128xi32, #tpu.memory_space<vmem>>
        %dma_start3A_354 = tpu.memref_squeeze %dma_start3A_353 : memref<1x128xi32, #tpu.memory_space<vmem>> -> memref<128xi32, #tpu.memory_space<vmem>>
        %dma_start3A_355 = tpu.memref_slice %arg3[%add3A_204] : memref<602112xi32, #tpu.memory_space<hbm>> -> memref<128xi32, #tpu.memory_space<hbm>>
        %dma_start3A_356 = arith.constant 0 : i32
        %dma_start3A_357 = tpu.memref_slice %arg5[%run_scoped3A_205, %dma_start3A_356] : memref<3x128xi32, #tpu.memory_space<vmem>> -> memref<1x128xi32, #tpu.memory_space<vmem>>
        %dma_start3A_358 = tpu.memref_squeeze %dma_start3A_357 : memref<1x128xi32, #tpu.memory_space<vmem>> -> memref<128xi32, #tpu.memory_space<vmem>>
        %dma_start3A_359 = tpu.memref_slice %arg3[%add3A_204] : memref<602112xi32, #tpu.memory_space<hbm>> -> memref<128xi32, #tpu.memory_space<hbm>>
        tpu.enqueue_dma source(%dma_start3A_359 : memref<128xi32, #tpu.memory_space<hbm>>) target(%dma_start3A_358 : memref<128xi32, #tpu.memory_space<vmem>>) target_semaphore(%run_scoped3A_351 : memref<!tpu.dma_semaphore, #tpu.memory_space<semaphore_mem>>)
        %dma_wait3A_360 = arith.constant 0 : i32
        %dma_wait3A_361 = tpu.memref_slice %arg5[%run_scoped3A_205, %dma_wait3A_360] : memref<3x128xi32, #tpu.memory_space<vmem>> -> memref<1x128xi32, #tpu.memory_space<vmem>>
        %dma_wait3A_362 = tpu.memref_squeeze %dma_wait3A_361 : memref<1x128xi32, #tpu.memory_space<vmem>> -> memref<128xi32, #tpu.memory_space<vmem>>
        %dma_wait3A_363 = tpu.memref_slice %arg3[%add3A_204] : memref<602112xi32, #tpu.memory_space<hbm>> -> memref<128xi32, #tpu.memory_space<hbm>>
        %dma_wait3A_364 = arith.constant 0 : i32
        %dma_wait3A_365 = tpu.memref_slice %arg5[%run_scoped3A_205, %dma_wait3A_364] : memref<3x128xi32, #tpu.memory_space<vmem>> -> memref<1x128xi32, #tpu.memory_space<vmem>>
        %dma_wait3A_366 = tpu.memref_squeeze %dma_wait3A_365 : memref<1x128xi32, #tpu.memory_space<vmem>> -> memref<128xi32, #tpu.memory_space<vmem>>
        %dma_wait3A_367 = tpu.memref_slice %arg3[%add3A_204] : memref<602112xi32, #tpu.memory_space<hbm>> -> memref<128xi32, #tpu.memory_space<hbm>>
        tpu.wait_dma2 semaphore(%run_scoped3A_351 : memref<!tpu.dma_semaphore, #tpu.memory_space<semaphore_mem>>) src(%dma_wait3A_367 : memref<128xi32, #tpu.memory_space<hbm>>) dst(%dma_wait3A_366 : memref<128xi32, #tpu.memory_space<vmem>>)
        tpu.yield
      }) : () -> ()
      %dma_wait3A_206 = arith.constant 0 : i32
      %dma_wait3A_207 = arith.constant 0 : i32
      %dma_wait3A_208 = arith.constant 0 : i32
      %dma_wait3A_209 = tpu.memref_slice %arg6[%dma_wait3A_206, %dma_wait3A_207, %dma_wait3A_208] : memref<3x128x64xi32, #tpu.memory_space<vmem>> -> memref<1x128x64xi32, #tpu.memory_space<vmem>>
      %dma_wait3A_210 = tpu.memref_squeeze %dma_wait3A_209 : memref<1x128x64xi32, #tpu.memory_space<vmem>> -> memref<128x64xi32, #tpu.memory_space<vmem>>
      %dma_wait3A_211 = arith.constant 0 : i32
      %dma_wait3A_212 = tpu.memref_slice %arg4[%add3A_177, %dma_wait3A_211] : memref<602112x64xi32, #tpu.memory_space<hbm>> -> memref<128x64xi32, #tpu.memory_space<hbm>>
      %dma_wait3A_213 = arith.constant 0 : i32
      %dma_wait3A_214 = tpu.memref_slice %arg4[%add3A_177, %dma_wait3A_213] : memref<602112x64xi32, #tpu.memory_space<hbm>> -> memref<128x64xi32, #tpu.memory_space<hbm>>
      %dma_wait3A_215 = arith.constant 0 : i32
      %dma_wait3A_216 = arith.constant 0 : i32
      %dma_wait3A_217 = tpu.memref_slice %arg6[%dma_wait3A_206, %dma_wait3A_215, %dma_wait3A_216] : memref<3x128x64xi32, #tpu.memory_space<vmem>> -> memref<1x128x64xi32, #tpu.memory_space<vmem>>
      %dma_wait3A_218 = tpu.memref_squeeze %dma_wait3A_217 : memref<1x128x64xi32, #tpu.memory_space<vmem>> -> memref<128x64xi32, #tpu.memory_space<vmem>>
      tpu.wait_dma2 semaphore(%arg10 : memref<!tpu.dma_semaphore, #tpu.memory_space<semaphore_mem>>) src(%dma_wait3A_218 : memref<128x64xi32, #tpu.memory_space<vmem>>) dst(%dma_wait3A_214 : memref<128x64xi32, #tpu.memory_space<hbm>>)
      %dma_start3A_219 = arith.constant 0 : i32
      %dma_start3A_220 = arith.constant 0 : i32
      %dma_start3A_221 = arith.constant 0 : i32
      %dma_start3A_222 = arith.constant 0 : i32
      %dma_start3A_223 = tpu.memref_slice %arg6[%dma_start3A_220, %dma_start3A_221, %dma_start3A_222] : memref<3x128x64xi32, #tpu.memory_space<vmem>> -> memref<1x128x64xi32, #tpu.memory_space<vmem>>
      %dma_start3A_224 = tpu.memref_squeeze %dma_start3A_223 : memref<1x128x64xi32, #tpu.memory_space<vmem>> -> memref<128x64xi32, #tpu.memory_space<vmem>>
      %dma_start3A_225 = arith.constant 0 : i32
      %dma_start3A_226 = tpu.memref_slice %arg5[%dma_start3A_219, %dma_start3A_225] : memref<3x128xi32, #tpu.memory_space<vmem>> -> memref<1x128xi32, #tpu.memory_space<vmem>>
      %dma_start3A_227 = tpu.memref_squeeze %dma_start3A_226 : memref<1x128xi32, #tpu.memory_space<vmem>> -> memref<128xi32, #tpu.memory_space<vmem>>
      %dma_start3A_228 = arith.constant 0 : i32
      %dma_start3A_229 = arith.constant 0 : i32
      %dma_start3A_230 = tpu.memref_slice %arg2[%dma_start3A_228, %dma_start3A_229] : memref<100000x64xi32, #tpu.memory_space<hbm>> -> memref<100000x64xi32, #tpu.memory_space<hbm>>
      tpu.enqueue_indirect_dma source(%dma_start3A_230 : memref<100000x64xi32, #tpu.memory_space<hbm>>) target(%dma_start3A_224 : memref<128x64xi32, #tpu.memory_space<vmem>>) offsets(%dma_start3A_227 : memref<128xi32, #tpu.memory_space<vmem>>) semaphore(%arg7 : memref<!tpu.dma_semaphore, #tpu.memory_space<semaphore_mem>>)
      %mul3A_231 = arith.constant 3 : i32
      %mul3A_232 = arith.muli %scan3A_170, %mul3A_231 : i32
      %add3A_233 = arith.constant 1 : i32
      %add3A_234 = arith.addi %mul3A_232, %add3A_233 : i32
      %mul3A_235 = arith.constant 128 : i32
      %mul3A_236 = arith.muli %add3A_234, %mul3A_235 : i32
      %add3A_237 = arith.addi %mul3A_2, %mul3A_236 : i32
      %dma_wait3A_238 = arith.constant 1 : i32
      %dma_wait3A_239 = arith.constant 1 : i32
      %dma_wait3A_240 = arith.constant 0 : i32
      %dma_wait3A_241 = arith.constant 0 : i32
      %dma_wait3A_242 = tpu.memref_slice %arg6[%dma_wait3A_239, %dma_wait3A_240, %dma_wait3A_241] : memref<3x128x64xi32, #tpu.memory_space<vmem>> -> memref<1x128x64xi32, #tpu.memory_space<vmem>>
      %dma_wait3A_243 = tpu.memref_squeeze %dma_wait3A_242 : memref<1x128x64xi32, #tpu.memory_space<vmem>> -> memref<128x64xi32, #tpu.memory_space<vmem>>
      %dma_wait3A_244 = arith.constant 0 : i32
      %dma_wait3A_245 = tpu.memref_slice %arg5[%dma_wait3A_238, %dma_wait3A_244] : memref<3x128xi32, #tpu.memory_space<vmem>> -> memref<1x128xi32, #tpu.memory_space<vmem>>
      %dma_wait3A_246 = tpu.memref_squeeze %dma_wait3A_245 : memref<1x128xi32, #tpu.memory_space<vmem>> -> memref<128xi32, #tpu.memory_space<vmem>>
      %dma_wait3A_247 = arith.constant 0 : i32
      %dma_wait3A_248 = arith.constant 0 : i32
      %dma_wait3A_249 = tpu.memref_slice %arg2[%dma_wait3A_247, %dma_wait3A_248] : memref<100000x64xi32, #tpu.memory_space<hbm>> -> memref<100000x64xi32, #tpu.memory_space<hbm>>
      tpu.wait_indirect_dma semaphore(%arg8 : memref<!tpu.dma_semaphore, #tpu.memory_space<semaphore_mem>>) src(%dma_wait3A_249 : memref<100000x64xi32, #tpu.memory_space<hbm>>) dst(%dma_wait3A_243 : memref<128x64xi32, #tpu.memory_space<vmem>>)
      %dma_start3A_250 = arith.constant 1 : i32
      %dma_start3A_251 = arith.constant 0 : i32
      %dma_start3A_252 = arith.constant 0 : i32
      %dma_start3A_253 = tpu.memref_slice %arg6[%dma_start3A_250, %dma_start3A_251, %dma_start3A_252] : memref<3x128x64xi32, #tpu.memory_space<vmem>> -> memref<1x128x64xi32, #tpu.memory_space<vmem>>
      %dma_start3A_254 = tpu.memref_squeeze %dma_start3A_253 : memref<1x128x64xi32, #tpu.memory_space<vmem>> -> memref<128x64xi32, #tpu.memory_space<vmem>>
      %dma_start3A_255 = arith.constant 0 : i32
      %dma_start3A_256 = tpu.memref_slice %arg4[%add3A_237, %dma_start3A_255] : memref<602112x64xi32, #tpu.memory_space<hbm>> -> memref<128x64xi32, #tpu.memory_space<hbm>>
      %dma_start3A_257 = arith.constant 0 : i32
      %dma_start3A_258 = tpu.memref_slice %arg4[%add3A_237, %dma_start3A_257] : memref<602112x64xi32, #tpu.memory_space<hbm>> -> memref<128x64xi32, #tpu.memory_space<hbm>>
      %dma_start3A_259 = arith.constant 0 : i32
      %dma_start3A_260 = arith.constant 0 : i32
      %dma_start3A_261 = tpu.memref_slice %arg6[%dma_start3A_250, %dma_start3A_259, %dma_start3A_260] : memref<3x128x64xi32, #tpu.memory_space<vmem>> -> memref<1x128x64xi32, #tpu.memory_space<vmem>>
      %dma_start3A_262 = tpu.memref_squeeze %dma_start3A_261 : memref<1x128x64xi32, #tpu.memory_space<vmem>> -> memref<128x64xi32, #tpu.memory_space<vmem>>
      tpu.enqueue_dma source(%dma_start3A_262 : memref<128x64xi32, #tpu.memory_space<vmem>>) target(%dma_start3A_258 : memref<128x64xi32, #tpu.memory_space<hbm>>) target_semaphore(%arg11 : memref<!tpu.dma_semaphore, #tpu.memory_space<semaphore_mem>>)
      %add3A_263 = arith.constant 384 : i32
      %add3A_264 = arith.addi %add3A_237, %add3A_263 : i32
      %run_scoped3A_265 = arith.constant 1 : i32
      "tpu.region"() ({
        %run_scoped3A_351 = tpu.sem_alloc : memref<!tpu.dma_semaphore, #tpu.memory_space<semaphore_mem>>
        %dma_start3A_352 = arith.constant 0 : i32
        %dma_start3A_353 = tpu.memref_slice %arg5[%run_scoped3A_265, %dma_start3A_352] : memref<3x128xi32, #tpu.memory_space<vmem>> -> memref<1x128xi32, #tpu.memory_space<vmem>>
        %dma_start3A_354 = tpu.memref_squeeze %dma_start3A_353 : memref<1x128xi32, #tpu.memory_space<vmem>> -> memref<128xi32, #tpu.memory_space<vmem>>
        %dma_start3A_355 = tpu.memref_slice %arg3[%add3A_264] : memref<602112xi32, #tpu.memory_space<hbm>> -> memref<128xi32, #tpu.memory_space<hbm>>
        %dma_start3A_356 = arith.constant 0 : i32
        %dma_start3A_357 = tpu.memref_slice %arg5[%run_scoped3A_265, %dma_start3A_356] : memref<3x128xi32, #tpu.memory_space<vmem>> -> memref<1x128xi32, #tpu.memory_space<vmem>>
        %dma_start3A_358 = tpu.memref_squeeze %dma_start3A_357 : memref<1x128xi32, #tpu.memory_space<vmem>> -> memref<128xi32, #tpu.memory_space<vmem>>
        %dma_start3A_359 = tpu.memref_slice %arg3[%add3A_264] : memref<602112xi32, #tpu.memory_space<hbm>> -> memref<128xi32, #tpu.memory_space<hbm>>
        tpu.enqueue_dma source(%dma_start3A_359 : memref<128xi32, #tpu.memory_space<hbm>>) target(%dma_start3A_358 : memref<128xi32, #tpu.memory_space<vmem>>) target_semaphore(%run_scoped3A_351 : memref<!tpu.dma_semaphore, #tpu.memory_space<semaphore_mem>>)
        %dma_wait3A_360 = arith.constant 0 : i32
        %dma_wait3A_361 = tpu.memref_slice %arg5[%run_scoped3A_265, %dma_wait3A_360] : memref<3x128xi32, #tpu.memory_space<vmem>> -> memref<1x128xi32, #tpu.memory_space<vmem>>
        %dma_wait3A_362 = tpu.memref_squeeze %dma_wait3A_361 : memref<1x128xi32, #tpu.memory_space<vmem>> -> memref<128xi32, #tpu.memory_space<vmem>>
        %dma_wait3A_363 = tpu.memref_slice %arg3[%add3A_264] : memref<602112xi32, #tpu.memory_space<hbm>> -> memref<128xi32, #tpu.memory_space<hbm>>
        %dma_wait3A_364 = arith.constant 0 : i32
        %dma_wait3A_365 = tpu.memref_slice %arg5[%run_scoped3A_265, %dma_wait3A_364] : memref<3x128xi32, #tpu.memory_space<vmem>> -> memref<1x128xi32, #tpu.memory_space<vmem>>
        %dma_wait3A_366 = tpu.memref_squeeze %dma_wait3A_365 : memref<1x128xi32, #tpu.memory_space<vmem>> -> memref<128xi32, #tpu.memory_space<vmem>>
        %dma_wait3A_367 = tpu.memref_slice %arg3[%add3A_264] : memref<602112xi32, #tpu.memory_space<hbm>> -> memref<128xi32, #tpu.memory_space<hbm>>
        tpu.wait_dma2 semaphore(%run_scoped3A_351 : memref<!tpu.dma_semaphore, #tpu.memory_space<semaphore_mem>>) src(%dma_wait3A_367 : memref<128xi32, #tpu.memory_space<hbm>>) dst(%dma_wait3A_366 : memref<128xi32, #tpu.memory_space<vmem>>)
        tpu.yield
      }) : () -> ()
      %dma_wait3A_266 = arith.constant 1 : i32
      %dma_wait3A_267 = arith.constant 0 : i32
      %dma_wait3A_268 = arith.constant 0 : i32
      %dma_wait3A_269 = tpu.memref_slice %arg6[%dma_wait3A_266, %dma_wait3A_267, %dma_wait3A_268] : memref<3x128x64xi32, #tpu.memory_space<vmem>> -> memref<1x128x64xi32, #tpu.memory_space<vmem>>
      %dma_wait3A_270 = tpu.memref_squeeze %dma_wait3A_269 : memref<1x128x64xi32, #tpu.memory_space<vmem>> -> memref<128x64xi32, #tpu.memory_space<vmem>>
      %dma_wait3A_271 = arith.constant 0 : i32
      %dma_wait3A_272 = tpu.memref_slice %arg4[%add3A_237, %dma_wait3A_271] : memref<602112x64xi32, #tpu.memory_space<hbm>> -> memref<128x64xi32, #tpu.memory_space<hbm>>
      %dma_wait3A_273 = arith.constant 0 : i32
      %dma_wait3A_274 = tpu.memref_slice %arg4[%add3A_237, %dma_wait3A_273] : memref<602112x64xi32, #tpu.memory_space<hbm>> -> memref<128x64xi32, #tpu.memory_space<hbm>>
      %dma_wait3A_275 = arith.constant 0 : i32
      %dma_wait3A_276 = arith.constant 0 : i32
      %dma_wait3A_277 = tpu.memref_slice %arg6[%dma_wait3A_266, %dma_wait3A_275, %dma_wait3A_276] : memref<3x128x64xi32, #tpu.memory_space<vmem>> -> memref<1x128x64xi32, #tpu.memory_space<vmem>>
      %dma_wait3A_278 = tpu.memref_squeeze %dma_wait3A_277 : memref<1x128x64xi32, #tpu.memory_space<vmem>> -> memref<128x64xi32, #tpu.memory_space<vmem>>
      tpu.wait_dma2 semaphore(%arg11 : memref<!tpu.dma_semaphore, #tpu.memory_space<semaphore_mem>>) src(%dma_wait3A_278 : memref<128x64xi32, #tpu.memory_space<vmem>>) dst(%dma_wait3A_274 : memref<128x64xi32, #tpu.memory_space<hbm>>)
      %dma_start3A_279 = arith.constant 1 : i32
      %dma_start3A_280 = arith.constant 1 : i32
      %dma_start3A_281 = arith.constant 0 : i32
      %dma_start3A_282 = arith.constant 0 : i32
      %dma_start3A_283 = tpu.memref_slice %arg6[%dma_start3A_280, %dma_start3A_281, %dma_start3A_282] : memref<3x128x64xi32, #tpu.memory_space<vmem>> -> memref<1x128x64xi32, #tpu.memory_space<vmem>>
      %dma_start3A_284 = tpu.memref_squeeze %dma_start3A_283 : memref<1x128x64xi32, #tpu.memory_space<vmem>> -> memref<128x64xi32, #tpu.memory_space<vmem>>
      %dma_start3A_285 = arith.constant 0 : i32
      %dma_start3A_286 = tpu.memref_slice %arg5[%dma_start3A_279, %dma_start3A_285] : memref<3x128xi32, #tpu.memory_space<vmem>> -> memref<1x128xi32, #tpu.memory_space<vmem>>
      %dma_start3A_287 = tpu.memref_squeeze %dma_start3A_286 : memref<1x128xi32, #tpu.memory_space<vmem>> -> memref<128xi32, #tpu.memory_space<vmem>>
      %dma_start3A_288 = arith.constant 0 : i32
      %dma_start3A_289 = arith.constant 0 : i32
      %dma_start3A_290 = tpu.memref_slice %arg2[%dma_start3A_288, %dma_start3A_289] : memref<100000x64xi32, #tpu.memory_space<hbm>> -> memref<100000x64xi32, #tpu.memory_space<hbm>>
      tpu.enqueue_indirect_dma source(%dma_start3A_290 : memref<100000x64xi32, #tpu.memory_space<hbm>>) target(%dma_start3A_284 : memref<128x64xi32, #tpu.memory_space<vmem>>) offsets(%dma_start3A_287 : memref<128xi32, #tpu.memory_space<vmem>>) semaphore(%arg8 : memref<!tpu.dma_semaphore, #tpu.memory_space<semaphore_mem>>)
      %mul3A_291 = arith.constant 3 : i32
      %mul3A_292 = arith.muli %scan3A_170, %mul3A_291 : i32
      %add3A_293 = arith.constant 2 : i32
      %add3A_294 = arith.addi %mul3A_292, %add3A_293 : i32
      %mul3A_295 = arith.constant 128 : i32
      %mul3A_296 = arith.muli %add3A_294, %mul3A_295 : i32
      %add3A_297 = arith.addi %mul3A_2, %mul3A_296 : i32
      %dma_wait3A_298 = arith.constant 2 : i32
      %dma_wait3A_299 = arith.constant 2 : i32
      %dma_wait3A_300 = arith.constant 0 : i32
      %dma_wait3A_301 = arith.constant 0 : i32
      %dma_wait3A_302 = tpu.memref_slice %arg6[%dma_wait3A_299, %dma_wait3A_300, %dma_wait3A_301] : memref<3x128x64xi32, #tpu.memory_space<vmem>> -> memref<1x128x64xi32, #tpu.memory_space<vmem>>
      %dma_wait3A_303 = tpu.memref_squeeze %dma_wait3A_302 : memref<1x128x64xi32, #tpu.memory_space<vmem>> -> memref<128x64xi32, #tpu.memory_space<vmem>>
      %dma_wait3A_304 = arith.constant 0 : i32
      %dma_wait3A_305 = tpu.memref_slice %arg5[%dma_wait3A_298, %dma_wait3A_304] : memref<3x128xi32, #tpu.memory_space<vmem>> -> memref<1x128xi32, #tpu.memory_space<vmem>>
      %dma_wait3A_306 = tpu.memref_squeeze %dma_wait3A_305 : memref<1x128xi32, #tpu.memory_space<vmem>> -> memref<128xi32, #tpu.memory_space<vmem>>
      %dma_wait3A_307 = arith.constant 0 : i32
      %dma_wait3A_308 = arith.constant 0 : i32
      %dma_wait3A_309 = tpu.memref_slice %arg2[%dma_wait3A_307, %dma_wait3A_308] : memref<100000x64xi32, #tpu.memory_space<hbm>> -> memref<100000x64xi32, #tpu.memory_space<hbm>>
      tpu.wait_indirect_dma semaphore(%arg9 : memref<!tpu.dma_semaphore, #tpu.memory_space<semaphore_mem>>) src(%dma_wait3A_309 : memref<100000x64xi32, #tpu.memory_space<hbm>>) dst(%dma_wait3A_303 : memref<128x64xi32, #tpu.memory_space<vmem>>)
      %dma_start3A_310 = arith.constant 2 : i32
      %dma_start3A_311 = arith.constant 0 : i32
      %dma_start3A_312 = arith.constant 0 : i32
      %dma_start3A_313 = tpu.memref_slice %arg6[%dma_start3A_310, %dma_start3A_311, %dma_start3A_312] : memref<3x128x64xi32, #tpu.memory_space<vmem>> -> memref<1x128x64xi32, #tpu.memory_space<vmem>>
      %dma_start3A_314 = tpu.memref_squeeze %dma_start3A_313 : memref<1x128x64xi32, #tpu.memory_space<vmem>> -> memref<128x64xi32, #tpu.memory_space<vmem>>
      %dma_start3A_315 = arith.constant 0 : i32
      %dma_start3A_316 = tpu.memref_slice %arg4[%add3A_297, %dma_start3A_315] : memref<602112x64xi32, #tpu.memory_space<hbm>> -> memref<128x64xi32, #tpu.memory_space<hbm>>
      %dma_start3A_317 = arith.constant 0 : i32
      %dma_start3A_318 = tpu.memref_slice %arg4[%add3A_297, %dma_start3A_317] : memref<602112x64xi32, #tpu.memory_space<hbm>> -> memref<128x64xi32, #tpu.memory_space<hbm>>
      %dma_start3A_319 = arith.constant 0 : i32
      %dma_start3A_320 = arith.constant 0 : i32
      %dma_start3A_321 = tpu.memref_slice %arg6[%dma_start3A_310, %dma_start3A_319, %dma_start3A_320] : memref<3x128x64xi32, #tpu.memory_space<vmem>> -> memref<1x128x64xi32, #tpu.memory_space<vmem>>
      %dma_start3A_322 = tpu.memref_squeeze %dma_start3A_321 : memref<1x128x64xi32, #tpu.memory_space<vmem>> -> memref<128x64xi32, #tpu.memory_space<vmem>>
      tpu.enqueue_dma source(%dma_start3A_322 : memref<128x64xi32, #tpu.memory_space<vmem>>) target(%dma_start3A_318 : memref<128x64xi32, #tpu.memory_space<hbm>>) target_semaphore(%arg12 : memref<!tpu.dma_semaphore, #tpu.memory_space<semaphore_mem>>)
      %add3A_323 = arith.constant 384 : i32
      %add3A_324 = arith.addi %add3A_297, %add3A_323 : i32
      %run_scoped3A_325 = arith.constant 2 : i32
      "tpu.region"() ({
        %run_scoped3A_351 = tpu.sem_alloc : memref<!tpu.dma_semaphore, #tpu.memory_space<semaphore_mem>>
        %dma_start3A_352 = arith.constant 0 : i32
        %dma_start3A_353 = tpu.memref_slice %arg5[%run_scoped3A_325, %dma_start3A_352] : memref<3x128xi32, #tpu.memory_space<vmem>> -> memref<1x128xi32, #tpu.memory_space<vmem>>
        %dma_start3A_354 = tpu.memref_squeeze %dma_start3A_353 : memref<1x128xi32, #tpu.memory_space<vmem>> -> memref<128xi32, #tpu.memory_space<vmem>>
        %dma_start3A_355 = tpu.memref_slice %arg3[%add3A_324] : memref<602112xi32, #tpu.memory_space<hbm>> -> memref<128xi32, #tpu.memory_space<hbm>>
        %dma_start3A_356 = arith.constant 0 : i32
        %dma_start3A_357 = tpu.memref_slice %arg5[%run_scoped3A_325, %dma_start3A_356] : memref<3x128xi32, #tpu.memory_space<vmem>> -> memref<1x128xi32, #tpu.memory_space<vmem>>
        %dma_start3A_358 = tpu.memref_squeeze %dma_start3A_357 : memref<1x128xi32, #tpu.memory_space<vmem>> -> memref<128xi32, #tpu.memory_space<vmem>>
        %dma_start3A_359 = tpu.memref_slice %arg3[%add3A_324] : memref<602112xi32, #tpu.memory_space<hbm>> -> memref<128xi32, #tpu.memory_space<hbm>>
        tpu.enqueue_dma source(%dma_start3A_359 : memref<128xi32, #tpu.memory_space<hbm>>) target(%dma_start3A_358 : memref<128xi32, #tpu.memory_space<vmem>>) target_semaphore(%run_scoped3A_351 : memref<!tpu.dma_semaphore, #tpu.memory_space<semaphore_mem>>)
        %dma_wait3A_360 = arith.constant 0 : i32
        %dma_wait3A_361 = tpu.memref_slice %arg5[%run_scoped3A_325, %dma_wait3A_360] : memref<3x128xi32, #tpu.memory_space<vmem>> -> memref<1x128xi32, #tpu.memory_space<vmem>>
        %dma_wait3A_362 = tpu.memref_squeeze %dma_wait3A_361 : memref<1x128xi32, #tpu.memory_space<vmem>> -> memref<128xi32, #tpu.memory_space<vmem>>
        %dma_wait3A_363 = tpu.memref_slice %arg3[%add3A_324] : memref<602112xi32, #tpu.memory_space<hbm>> -> memref<128xi32, #tpu.memory_space<hbm>>
        %dma_wait3A_364 = arith.constant 0 : i32
        %dma_wait3A_365 = tpu.memref_slice %arg5[%run_scoped3A_325, %dma_wait3A_364] : memref<3x128xi32, #tpu.memory_space<vmem>> -> memref<1x128xi32, #tpu.memory_space<vmem>>
        %dma_wait3A_366 = tpu.memref_squeeze %dma_wait3A_365 : memref<1x128xi32, #tpu.memory_space<vmem>> -> memref<128xi32, #tpu.memory_space<vmem>>
        %dma_wait3A_367 = tpu.memref_slice %arg3[%add3A_324] : memref<602112xi32, #tpu.memory_space<hbm>> -> memref<128xi32, #tpu.memory_space<hbm>>
        tpu.wait_dma2 semaphore(%run_scoped3A_351 : memref<!tpu.dma_semaphore, #tpu.memory_space<semaphore_mem>>) src(%dma_wait3A_367 : memref<128xi32, #tpu.memory_space<hbm>>) dst(%dma_wait3A_366 : memref<128xi32, #tpu.memory_space<vmem>>)
        tpu.yield
      }) : () -> ()
      %dma_wait3A_326 = arith.constant 2 : i32
      %dma_wait3A_327 = arith.constant 0 : i32
      %dma_wait3A_328 = arith.constant 0 : i32
      %dma_wait3A_329 = tpu.memref_slice %arg6[%dma_wait3A_326, %dma_wait3A_327, %dma_wait3A_328] : memref<3x128x64xi32, #tpu.memory_space<vmem>> -> memref<1x128x64xi32, #tpu.memory_space<vmem>>
      %dma_wait3A_330 = tpu.memref_squeeze %dma_wait3A_329 : memref<1x128x64xi32, #tpu.memory_space<vmem>> -> memref<128x64xi32, #tpu.memory_space<vmem>>
      %dma_wait3A_331 = arith.constant 0 : i32
      %dma_wait3A_332 = tpu.memref_slice %arg4[%add3A_297, %dma_wait3A_331] : memref<602112x64xi32, #tpu.memory_space<hbm>> -> memref<128x64xi32, #tpu.memory_space<hbm>>
      %dma_wait3A_333 = arith.constant 0 : i32
      %dma_wait3A_334 = tpu.memref_slice %arg4[%add3A_297, %dma_wait3A_333] : memref<602112x64xi32, #tpu.memory_space<hbm>> -> memref<128x64xi32, #tpu.memory_space<hbm>>
      %dma_wait3A_335 = arith.constant 0 : i32
      %dma_wait3A_336 = arith.constant 0 : i32
      %dma_wait3A_337 = tpu.memref_slice %arg6[%dma_wait3A_326, %dma_wait3A_335, %dma_wait3A_336] : memref<3x128x64xi32, #tpu.memory_space<vmem>> -> memref<1x128x64xi32, #tpu.memory_space<vmem>>
      %dma_wait3A_338 = tpu.memref_squeeze %dma_wait3A_337 : memref<1x128x64xi32, #tpu.memory_space<vmem>> -> memref<128x64xi32, #tpu.memory_space<vmem>>
      tpu.wait_dma2 semaphore(%arg12 : memref<!tpu.dma_semaphore, #tpu.memory_space<semaphore_mem>>) src(%dma_wait3A_338 : memref<128x64xi32, #tpu.memory_space<vmem>>) dst(%dma_wait3A_334 : memref<128x64xi32, #tpu.memory_space<hbm>>)
      %dma_start3A_339 = arith.constant 2 : i32
      %dma_start3A_340 = arith.constant 2 : i32
      %dma_start3A_341 = arith.constant 0 : i32
      %dma_start3A_342 = arith.constant 0 : i32
      %dma_start3A_343 = tpu.memref_slice %arg6[%dma_start3A_340, %dma_start3A_341, %dma_start3A_342] : memref<3x128x64xi32, #tpu.memory_space<vmem>> -> memref<1x128x64xi32, #tpu.memory_space<vmem>>
      %dma_start3A_344 = tpu.memref_squeeze %dma_start3A_343 : memref<1x128x64xi32, #tpu.memory_space<vmem>> -> memref<128x64xi32, #tpu.memory_space<vmem>>
      %dma_start3A_345 = arith.constant 0 : i32
      %dma_start3A_346 = tpu.memref_slice %arg5[%dma_start3A_339, %dma_start3A_345] : memref<3x128xi32, #tpu.memory_space<vmem>> -> memref<1x128xi32, #tpu.memory_space<vmem>>
      %dma_start3A_347 = tpu.memref_squeeze %dma_start3A_346 : memref<1x128xi32, #tpu.memory_space<vmem>> -> memref<128xi32, #tpu.memory_space<vmem>>
      %dma_start3A_348 = arith.constant 0 : i32
      %dma_start3A_349 = arith.constant 0 : i32
      %dma_start3A_350 = tpu.memref_slice %arg2[%dma_start3A_348, %dma_start3A_349] : memref<100000x64xi32, #tpu.memory_space<hbm>> -> memref<100000x64xi32, #tpu.memory_space<hbm>>
      tpu.enqueue_indirect_dma source(%dma_start3A_350 : memref<100000x64xi32, #tpu.memory_space<hbm>>) target(%dma_start3A_344 : memref<128x64xi32, #tpu.memory_space<vmem>>) offsets(%dma_start3A_347 : memref<128xi32, #tpu.memory_space<vmem>>) semaphore(%arg9 : memref<!tpu.dma_semaphore, #tpu.memory_space<semaphore_mem>>)
    }
    %scan3A_50 = arith.constant 48 : i32
    %add3A_51 = arith.constant 18432 : i32
    %add3A_52 = arith.addi %mul3A_2, %add3A_51 : i32
    %dma_wait3A = arith.constant 0 : i32
    %dma_wait3A_53 = arith.constant 0 : i32
    %dma_wait3A_54 = arith.constant 0 : i32
    %dma_wait3A_55 = arith.constant 0 : i32
    %dma_wait3A_56 = tpu.memref_slice %arg6[%dma_wait3A_53, %dma_wait3A_54, %dma_wait3A_55] : memref<3x128x64xi32, #tpu.memory_space<vmem>> -> memref<1x128x64xi32, #tpu.memory_space<vmem>>
    %dma_wait3A_57 = tpu.memref_squeeze %dma_wait3A_56 : memref<1x128x64xi32, #tpu.memory_space<vmem>> -> memref<128x64xi32, #tpu.memory_space<vmem>>
    %dma_wait3A_58 = arith.constant 0 : i32
    %dma_wait3A_59 = tpu.memref_slice %arg5[%dma_wait3A, %dma_wait3A_58] : memref<3x128xi32, #tpu.memory_space<vmem>> -> memref<1x128xi32, #tpu.memory_space<vmem>>
    %dma_wait3A_60 = tpu.memref_squeeze %dma_wait3A_59 : memref<1x128xi32, #tpu.memory_space<vmem>> -> memref<128xi32, #tpu.memory_space<vmem>>
    %dma_wait3A_61 = arith.constant 0 : i32
    %dma_wait3A_62 = arith.constant 0 : i32
    %dma_wait3A_63 = tpu.memref_slice %arg2[%dma_wait3A_61, %dma_wait3A_62] : memref<100000x64xi32, #tpu.memory_space<hbm>> -> memref<100000x64xi32, #tpu.memory_space<hbm>>
    tpu.wait_indirect_dma semaphore(%arg7 : memref<!tpu.dma_semaphore, #tpu.memory_space<semaphore_mem>>) src(%dma_wait3A_63 : memref<100000x64xi32, #tpu.memory_space<hbm>>) dst(%dma_wait3A_57 : memref<128x64xi32, #tpu.memory_space<vmem>>)
    %dma_start3A_64 = arith.constant 0 : i32
    %dma_start3A_65 = arith.constant 0 : i32
    %dma_start3A_66 = arith.constant 0 : i32
    %dma_start3A_67 = tpu.memref_slice %arg6[%dma_start3A_64, %dma_start3A_65, %dma_start3A_66] : memref<3x128x64xi32, #tpu.memory_space<vmem>> -> memref<1x128x64xi32, #tpu.memory_space<vmem>>
    %dma_start3A_68 = tpu.memref_squeeze %dma_start3A_67 : memref<1x128x64xi32, #tpu.memory_space<vmem>> -> memref<128x64xi32, #tpu.memory_space<vmem>>
    %dma_start3A_69 = arith.constant 0 : i32
    %dma_start3A_70 = tpu.memref_slice %arg4[%add3A_52, %dma_start3A_69] : memref<602112x64xi32, #tpu.memory_space<hbm>> -> memref<128x64xi32, #tpu.memory_space<hbm>>
    %dma_start3A_71 = arith.constant 0 : i32
    %dma_start3A_72 = tpu.memref_slice %arg4[%add3A_52, %dma_start3A_71] : memref<602112x64xi32, #tpu.memory_space<hbm>> -> memref<128x64xi32, #tpu.memory_space<hbm>>
    %dma_start3A_73 = arith.constant 0 : i32
    %dma_start3A_74 = arith.constant 0 : i32
    %dma_start3A_75 = tpu.memref_slice %arg6[%dma_start3A_64, %dma_start3A_73, %dma_start3A_74] : memref<3x128x64xi32, #tpu.memory_space<vmem>> -> memref<1x128x64xi32, #tpu.memory_space<vmem>>
    %dma_start3A_76 = tpu.memref_squeeze %dma_start3A_75 : memref<1x128x64xi32, #tpu.memory_space<vmem>> -> memref<128x64xi32, #tpu.memory_space<vmem>>
    tpu.enqueue_dma source(%dma_start3A_76 : memref<128x64xi32, #tpu.memory_space<vmem>>) target(%dma_start3A_72 : memref<128x64xi32, #tpu.memory_space<hbm>>) target_semaphore(%arg10 : memref<!tpu.dma_semaphore, #tpu.memory_space<semaphore_mem>>)
    %dma_wait3A_77 = arith.constant 0 : i32
    %dma_wait3A_78 = arith.constant 0 : i32
    %dma_wait3A_79 = arith.constant 0 : i32
    %dma_wait3A_80 = tpu.memref_slice %arg6[%dma_wait3A_77, %dma_wait3A_78, %dma_wait3A_79] : memref<3x128x64xi32, #tpu.memory_space<vmem>> -> memref<1x128x64xi32, #tpu.memory_space<vmem>>
    %dma_wait3A_81 = tpu.memref_squeeze %dma_wait3A_80 : memref<1x128x64xi32, #tpu.memory_space<vmem>> -> memref<128x64xi32, #tpu.memory_space<vmem>>
    %dma_wait3A_82 = arith.constant 0 : i32
    %dma_wait3A_83 = tpu.memref_slice %arg4[%add3A_52, %dma_wait3A_82] : memref<602112x64xi32, #tpu.memory_space<hbm>> -> memref<128x64xi32, #tpu.memory_space<hbm>>
    %dma_wait3A_84 = arith.constant 0 : i32
    %dma_wait3A_85 = tpu.memref_slice %arg4[%add3A_52, %dma_wait3A_84] : memref<602112x64xi32, #tpu.memory_space<hbm>> -> memref<128x64xi32, #tpu.memory_space<hbm>>
    %dma_wait3A_86 = arith.constant 0 : i32
    %dma_wait3A_87 = arith.constant 0 : i32
    %dma_wait3A_88 = tpu.memref_slice %arg6[%dma_wait3A_77, %dma_wait3A_86, %dma_wait3A_87] : memref<3x128x64xi32, #tpu.memory_space<vmem>> -> memref<1x128x64xi32, #tpu.memory_space<vmem>>
    %dma_wait3A_89 = tpu.memref_squeeze %dma_wait3A_88 : memref<1x128x64xi32, #tpu.memory_space<vmem>> -> memref<128x64xi32, #tpu.memory_space<vmem>>
    tpu.wait_dma2 semaphore(%arg10 : memref<!tpu.dma_semaphore, #tpu.memory_space<semaphore_mem>>) src(%dma_wait3A_89 : memref<128x64xi32, #tpu.memory_space<vmem>>) dst(%dma_wait3A_85 : memref<128x64xi32, #tpu.memory_space<hbm>>)
    %add3A_90 = arith.constant 18560 : i32
    %add3A_91 = arith.addi %mul3A_2, %add3A_90 : i32
    %dma_wait3A_92 = arith.constant 1 : i32
    %dma_wait3A_93 = arith.constant 1 : i32
    %dma_wait3A_94 = arith.constant 0 : i32
    %dma_wait3A_95 = arith.constant 0 : i32
    %dma_wait3A_96 = tpu.memref_slice %arg6[%dma_wait3A_93, %dma_wait3A_94, %dma_wait3A_95] : memref<3x128x64xi32, #tpu.memory_space<vmem>> -> memref<1x128x64xi32, #tpu.memory_space<vmem>>
    %dma_wait3A_97 = tpu.memref_squeeze %dma_wait3A_96 : memref<1x128x64xi32, #tpu.memory_space<vmem>> -> memref<128x64xi32, #tpu.memory_space<vmem>>
    %dma_wait3A_98 = arith.constant 0 : i32
    %dma_wait3A_99 = tpu.memref_slice %arg5[%dma_wait3A_92, %dma_wait3A_98] : memref<3x128xi32, #tpu.memory_space<vmem>> -> memref<1x128xi32, #tpu.memory_space<vmem>>
    %dma_wait3A_100 = tpu.memref_squeeze %dma_wait3A_99 : memref<1x128xi32, #tpu.memory_space<vmem>> -> memref<128xi32, #tpu.memory_space<vmem>>
    %dma_wait3A_101 = arith.constant 0 : i32
    %dma_wait3A_102 = arith.constant 0 : i32
    %dma_wait3A_103 = tpu.memref_slice %arg2[%dma_wait3A_101, %dma_wait3A_102] : memref<100000x64xi32, #tpu.memory_space<hbm>> -> memref<100000x64xi32, #tpu.memory_space<hbm>>
    tpu.wait_indirect_dma semaphore(%arg8 : memref<!tpu.dma_semaphore, #tpu.memory_space<semaphore_mem>>) src(%dma_wait3A_103 : memref<100000x64xi32, #tpu.memory_space<hbm>>) dst(%dma_wait3A_97 : memref<128x64xi32, #tpu.memory_space<vmem>>)
    %dma_start3A_104 = arith.constant 1 : i32
    %dma_start3A_105 = arith.constant 0 : i32
    %dma_start3A_106 = arith.constant 0 : i32
    %dma_start3A_107 = tpu.memref_slice %arg6[%dma_start3A_104, %dma_start3A_105, %dma_start3A_106] : memref<3x128x64xi32, #tpu.memory_space<vmem>> -> memref<1x128x64xi32, #tpu.memory_space<vmem>>
    %dma_start3A_108 = tpu.memref_squeeze %dma_start3A_107 : memref<1x128x64xi32, #tpu.memory_space<vmem>> -> memref<128x64xi32, #tpu.memory_space<vmem>>
    %dma_start3A_109 = arith.constant 0 : i32
    %dma_start3A_110 = tpu.memref_slice %arg4[%add3A_91, %dma_start3A_109] : memref<602112x64xi32, #tpu.memory_space<hbm>> -> memref<128x64xi32, #tpu.memory_space<hbm>>
    %dma_start3A_111 = arith.constant 0 : i32
    %dma_start3A_112 = tpu.memref_slice %arg4[%add3A_91, %dma_start3A_111] : memref<602112x64xi32, #tpu.memory_space<hbm>> -> memref<128x64xi32, #tpu.memory_space<hbm>>
    %dma_start3A_113 = arith.constant 0 : i32
    %dma_start3A_114 = arith.constant 0 : i32
    %dma_start3A_115 = tpu.memref_slice %arg6[%dma_start3A_104, %dma_start3A_113, %dma_start3A_114] : memref<3x128x64xi32, #tpu.memory_space<vmem>> -> memref<1x128x64xi32, #tpu.memory_space<vmem>>
    %dma_start3A_116 = tpu.memref_squeeze %dma_start3A_115 : memref<1x128x64xi32, #tpu.memory_space<vmem>> -> memref<128x64xi32, #tpu.memory_space<vmem>>
    tpu.enqueue_dma source(%dma_start3A_116 : memref<128x64xi32, #tpu.memory_space<vmem>>) target(%dma_start3A_112 : memref<128x64xi32, #tpu.memory_space<hbm>>) target_semaphore(%arg11 : memref<!tpu.dma_semaphore, #tpu.memory_space<semaphore_mem>>)
    %dma_wait3A_117 = arith.constant 1 : i32
    %dma_wait3A_118 = arith.constant 0 : i32
    %dma_wait3A_119 = arith.constant 0 : i32
    %dma_wait3A_120 = tpu.memref_slice %arg6[%dma_wait3A_117, %dma_wait3A_118, %dma_wait3A_119] : memref<3x128x64xi32, #tpu.memory_space<vmem>> -> memref<1x128x64xi32, #tpu.memory_space<vmem>>
    %dma_wait3A_121 = tpu.memref_squeeze %dma_wait3A_120 : memref<1x128x64xi32, #tpu.memory_space<vmem>> -> memref<128x64xi32, #tpu.memory_space<vmem>>
    %dma_wait3A_122 = arith.constant 0 : i32
    %dma_wait3A_123 = tpu.memref_slice %arg4[%add3A_91, %dma_wait3A_122] : memref<602112x64xi32, #tpu.memory_space<hbm>> -> memref<128x64xi32, #tpu.memory_space<hbm>>
    %dma_wait3A_124 = arith.constant 0 : i32
    %dma_wait3A_125 = tpu.memref_slice %arg4[%add3A_91, %dma_wait3A_124] : memref<602112x64xi32, #tpu.memory_space<hbm>> -> memref<128x64xi32, #tpu.memory_space<hbm>>
    %dma_wait3A_126 = arith.constant 0 : i32
    %dma_wait3A_127 = arith.constant 0 : i32
    %dma_wait3A_128 = tpu.memref_slice %arg6[%dma_wait3A_117, %dma_wait3A_126, %dma_wait3A_127] : memref<3x128x64xi32, #tpu.memory_space<vmem>> -> memref<1x128x64xi32, #tpu.memory_space<vmem>>
    %dma_wait3A_129 = tpu.memref_squeeze %dma_wait3A_128 : memref<1x128x64xi32, #tpu.memory_space<vmem>> -> memref<128x64xi32, #tpu.memory_space<vmem>>
    tpu.wait_dma2 semaphore(%arg11 : memref<!tpu.dma_semaphore, #tpu.memory_space<semaphore_mem>>) src(%dma_wait3A_129 : memref<128x64xi32, #tpu.memory_space<vmem>>) dst(%dma_wait3A_125 : memref<128x64xi32, #tpu.memory_space<hbm>>)
    %add3A_130 = arith.constant 18688 : i32
    %add3A_131 = arith.addi %mul3A_2, %add3A_130 : i32
    %dma_wait3A_132 = arith.constant 2 : i32
    %dma_wait3A_133 = arith.constant 2 : i32
    %dma_wait3A_134 = arith.constant 0 : i32
    %dma_wait3A_135 = arith.constant 0 : i32
    %dma_wait3A_136 = tpu.memref_slice %arg6[%dma_wait3A_133, %dma_wait3A_134, %dma_wait3A_135] : memref<3x128x64xi32, #tpu.memory_space<vmem>> -> memref<1x128x64xi32, #tpu.memory_space<vmem>>
    %dma_wait3A_137 = tpu.memref_squeeze %dma_wait3A_136 : memref<1x128x64xi32, #tpu.memory_space<vmem>> -> memref<128x64xi32, #tpu.memory_space<vmem>>
    %dma_wait3A_138 = arith.constant 0 : i32
    %dma_wait3A_139 = tpu.memref_slice %arg5[%dma_wait3A_132, %dma_wait3A_138] : memref<3x128xi32, #tpu.memory_space<vmem>> -> memref<1x128xi32, #tpu.memory_space<vmem>>
    %dma_wait3A_140 = tpu.memref_squeeze %dma_wait3A_139 : memref<1x128xi32, #tpu.memory_space<vmem>> -> memref<128xi32, #tpu.memory_space<vmem>>
    %dma_wait3A_141 = arith.constant 0 : i32
    %dma_wait3A_142 = arith.constant 0 : i32
    %dma_wait3A_143 = tpu.memref_slice %arg2[%dma_wait3A_141, %dma_wait3A_142] : memref<100000x64xi32, #tpu.memory_space<hbm>> -> memref<100000x64xi32, #tpu.memory_space<hbm>>
    tpu.wait_indirect_dma semaphore(%arg9 : memref<!tpu.dma_semaphore, #tpu.memory_space<semaphore_mem>>) src(%dma_wait3A_143 : memref<100000x64xi32, #tpu.memory_space<hbm>>) dst(%dma_wait3A_137 : memref<128x64xi32, #tpu.memory_space<vmem>>)
    %dma_start3A_144 = arith.constant 2 : i32
    %dma_start3A_145 = arith.constant 0 : i32
    %dma_start3A_146 = arith.constant 0 : i32
    %dma_start3A_147 = tpu.memref_slice %arg6[%dma_start3A_144, %dma_start3A_145, %dma_start3A_146] : memref<3x128x64xi32, #tpu.memory_space<vmem>> -> memref<1x128x64xi32, #tpu.memory_space<vmem>>
    %dma_start3A_148 = tpu.memref_squeeze %dma_start3A_147 : memref<1x128x64xi32, #tpu.memory_space<vmem>> -> memref<128x64xi32, #tpu.memory_space<vmem>>
    %dma_start3A_149 = arith.constant 0 : i32
    %dma_start3A_150 = tpu.memref_slice %arg4[%add3A_131, %dma_start3A_149] : memref<602112x64xi32, #tpu.memory_space<hbm>> -> memref<128x64xi32, #tpu.memory_space<hbm>>
    %dma_start3A_151 = arith.constant 0 : i32
    %dma_start3A_152 = tpu.memref_slice %arg4[%add3A_131, %dma_start3A_151] : memref<602112x64xi32, #tpu.memory_space<hbm>> -> memref<128x64xi32, #tpu.memory_space<hbm>>
    %dma_start3A_153 = arith.constant 0 : i32
    %dma_start3A_154 = arith.constant 0 : i32
    %dma_start3A_155 = tpu.memref_slice %arg6[%dma_start3A_144, %dma_start3A_153, %dma_start3A_154] : memref<3x128x64xi32, #tpu.memory_space<vmem>> -> memref<1x128x64xi32, #tpu.memory_space<vmem>>
    %dma_start3A_156 = tpu.memref_squeeze %dma_start3A_155 : memref<1x128x64xi32, #tpu.memory_space<vmem>> -> memref<128x64xi32, #tpu.memory_space<vmem>>
    tpu.enqueue_dma source(%dma_start3A_156 : memref<128x64xi32, #tpu.memory_space<vmem>>) target(%dma_start3A_152 : memref<128x64xi32, #tpu.memory_space<hbm>>) target_semaphore(%arg12 : memref<!tpu.dma_semaphore, #tpu.memory_space<semaphore_mem>>)
    %dma_wait3A_157 = arith.constant 2 : i32
    %dma_wait3A_158 = arith.constant 0 : i32
    %dma_wait3A_159 = arith.constant 0 : i32
    %dma_wait3A_160 = tpu.memref_slice %arg6[%dma_wait3A_157, %dma_wait3A_158, %dma_wait3A_159] : memref<3x128x64xi32, #tpu.memory_space<vmem>> -> memref<1x128x64xi32, #tpu.memory_space<vmem>>
    %dma_wait3A_161 = tpu.memref_squeeze %dma_wait3A_160 : memref<1x128x64xi32, #tpu.memory_space<vmem>> -> memref<128x64xi32, #tpu.memory_space<vmem>>
    %dma_wait3A_162 = arith.constant 0 : i32
    %dma_wait3A_163 = tpu.memref_slice %arg4[%add3A_131, %dma_wait3A_162] : memref<602112x64xi32, #tpu.memory_space<hbm>> -> memref<128x64xi32, #tpu.memory_space<hbm>>
    %dma_wait3A_164 = arith.constant 0 : i32
    %dma_wait3A_165 = tpu.memref_slice %arg4[%add3A_131, %dma_wait3A_164] : memref<602112x64xi32, #tpu.memory_space<hbm>> -> memref<128x64xi32, #tpu.memory_space<hbm>>
    %dma_wait3A_166 = arith.constant 0 : i32
    %dma_wait3A_167 = arith.constant 0 : i32
    %dma_wait3A_168 = tpu.memref_slice %arg6[%dma_wait3A_157, %dma_wait3A_166, %dma_wait3A_167] : memref<3x128x64xi32, #tpu.memory_space<vmem>> -> memref<1x128x64xi32, #tpu.memory_space<vmem>>
    %dma_wait3A_169 = tpu.memref_squeeze %dma_wait3A_168 : memref<1x128x64xi32, #tpu.memory_space<vmem>> -> memref<128x64xi32, #tpu.memory_space<vmem>>
    tpu.wait_dma2 semaphore(%arg12 : memref<!tpu.dma_semaphore, #tpu.memory_space<semaphore_mem>>) src(%dma_wait3A_169 : memref<128x64xi32, #tpu.memory_space<vmem>>) dst(%dma_wait3A_165 : memref<128x64xi32, #tpu.memory_space<hbm>>)
    return
  }
}

module attributes {stable_mosaic.version = 14 : i64} {
  func.func @_prep_body(%arg0: i32, %arg1: memref<1000x256xf32, #tpu.memory_space<vmem>>, %arg2: memref<128x128xbf16, #tpu.memory_space<vmem>>, %arg3: memref<1x128xf32, #tpu.memory_space<vmem>>, %arg4: memref<2x2000x64xi32, #tpu.memory_space<vmem>>) attributes {dimension_semantics = [#tpu.dimension_semantics<arbitrary>], iteration_bounds = array<i64: 25>, scalar_prefetch = 0 : i64, scratch_operands = 0 : i64, tpu.core_type = #tpu.core_type<tc>, window_params = [{transform_indices = @transform_0, window_bounds = array<i64: 1000, 256>}, {pipeline_mode = #tpu.pipeline_mode<synchronous>, transform_indices = @transform_1, window_bounds = array<i64: 128, 128>}, {pipeline_mode = #tpu.pipeline_mode<synchronous>, transform_indices = @transform_2, window_bounds = array<i64: 1, 128>}, {transform_indices = @transform_3, window_bounds = array<i64: 2, 2000, 64>}]} {
    %get3A = arith.constant 0 : index
    %get3A_0 = arith.constant 0 : index
    %get3A_1 = vector.load %arg1[%get3A, %get3A_0] : memref<1000x256xf32, #tpu.memory_space<vmem>>, vector<1000x128xf32>
    %mul3A = arith.mulf %get3A_1, %get3A_1 : vector<1000x128xf32>
    %reduce_sum3A = arith.constant dense<0.000000e+00> : vector<1000xf32>
    %reduce_sum3A_2 = vector.multi_reduction <add>, %mul3A, %reduce_sum3A [1] : vector<1000x128xf32> to vector<1000xf32>
    %broadcast_in_dim3A = vector.shape_cast %reduce_sum3A_2 : vector<1000xf32> to vector<1000x1xf32>
    %sqrt3A = math.sqrt %broadcast_in_dim3A : vector<1000x1xf32>
    %max3A = arith.constant 9.99999996E-13 : f32
    %max3A_3 = vector.broadcast %max3A : f32 to vector<1000x1xf32>
    %max3A_4 = arith.maximumf %sqrt3A, %max3A_3 : vector<1000x1xf32>
    %div3A = vector.broadcast %max3A_4 : vector<1000x1xf32> to vector<1000x128xf32>
    %div3A_5 = arith.divf %get3A_1, %div3A : vector<1000x128xf32>
    %get3A_6 = arith.constant 0 : index
    %get3A_7 = arith.constant 128 : index
    %get3A_8 = vector.load %arg1[%get3A_6, %get3A_7] : memref<1000x256xf32, #tpu.memory_space<vmem>>, vector<1000x128xf32>
    %mul3A_9 = arith.mulf %get3A_8, %get3A_8 : vector<1000x128xf32>
    %reduce_sum3A_10 = arith.constant dense<0.000000e+00> : vector<1000xf32>
    %reduce_sum3A_11 = vector.multi_reduction <add>, %mul3A_9, %reduce_sum3A_10 [1] : vector<1000x128xf32> to vector<1000xf32>
    %broadcast_in_dim3A_12 = vector.shape_cast %reduce_sum3A_11 : vector<1000xf32> to vector<1000x1xf32>
    %sqrt3A_13 = math.sqrt %broadcast_in_dim3A_12 : vector<1000x1xf32>
    %max3A_14 = arith.constant 9.99999996E-13 : f32
    %max3A_15 = vector.broadcast %max3A_14 : f32 to vector<1000x1xf32>
    %max3A_16 = arith.maximumf %sqrt3A_13, %max3A_15 : vector<1000x1xf32>
    %div3A_17 = vector.broadcast %max3A_16 : vector<1000x1xf32> to vector<1000x128xf32>
    %div3A_18 = arith.divf %get3A_8, %div3A_17 : vector<1000x128xf32>
    %concatenate3A = tpu.concatenate %div3A_5, %div3A_18 in 0 : vector<1000x128xf32>, vector<1000x128xf32> -> vector<2000x128xf32>
    %convert_element_type3A = arith.truncf %concatenate3A : vector<2000x128xf32> to vector<2000x128xbf16>
    %get3A_19 = arith.constant 0 : index
    %get3A_20 = arith.constant 0 : index
    %get3A_21 = vector.load %arg2[%get3A_19, %get3A_20] : memref<128x128xbf16, #tpu.memory_space<vmem>>, vector<128x128xbf16>
    %dot_general3A = arith.constant dense<0.000000e+00> : vector<2000x128xf32>
    %dot_general3A_22 = tpu.matmul %convert_element_type3A, %get3A_21, %dot_general3A {dimension_numbers = #tpu.dot_dimension_numbers<[1], [0], [0], [1], [0, 0, 1, 1], [], []>, transpose_lhs_hint = false} : vector<2000x128xbf16>, vector<128x128xbf16>, vector<2000x128xf32> -> vector<2000x128xf32>
    %get3A_23 = arith.constant 0 : index
    %get3A_24 = arith.constant 0 : index
    %get3A_25 = vector.load %arg3[%get3A_23, %get3A_24] : memref<1x128xf32, #tpu.memory_space<vmem>>, vector<1x128xf32>
    %add3A = vector.broadcast %get3A_25 : vector<1x128xf32> to vector<2000x128xf32>
    %add3A_26 = arith.addf %dot_general3A_22, %add3A : vector<2000x128xf32>
    %convert_element_type3A_27 = arith.truncf %concatenate3A : vector<2000x128xf32> to vector<2000x128xbf16>
    %slice3A = vector.extract_strided_slice %convert_element_type3A_27 {offsets = [0, 0], sizes = [2000, 64], strides = [1, 1]} : vector<2000x128xbf16> to vector<2000x64xbf16>
    %bitcast3A = tpu.bitcast %slice3A : vector<2000x64xbf16> -> vector<2000x64xi16>
    %convert_element_type3A_28 = arith.extui %bitcast3A : vector<2000x64xi16> to vector<2000x64xi32>
    %slice3A_29 = vector.extract_strided_slice %convert_element_type3A_27 {offsets = [0, 64], sizes = [2000, 64], strides = [1, 1]} : vector<2000x128xbf16> to vector<2000x64xbf16>
    %bitcast3A_30 = tpu.bitcast %slice3A_29 : vector<2000x64xbf16> -> vector<2000x64xi16>
    %convert_element_type3A_31 = arith.extui %bitcast3A_30 : vector<2000x64xi16> to vector<2000x64xi32>
    %shift_left3A = arith.constant 16 : i32
    %shift_left3A_32 = vector.broadcast %shift_left3A : i32 to vector<2000x64xi32>
    %shift_left3A_33 = arith.shli %convert_element_type3A_31, %shift_left3A_32 : vector<2000x64xi32>
    %or3A = arith.ori %convert_element_type3A_28, %shift_left3A_33 : vector<2000x64xi32>
    %bitcast3A_34 = tpu.bitcast %or3A : vector<2000x64xi32> -> vector<2000x64xi32>
    %swap3A = arith.constant 0 : index
    %swap3A_35 = arith.constant 0 : index
    %swap3A_36 = arith.constant 0 : index
    %swap3A_37 = vector.load %arg4[%swap3A, %swap3A_35, %swap3A_36] : memref<2x2000x64xi32, #tpu.memory_space<vmem>>, vector<1x2000x64xi32>
    %swap3A_38 = vector.shape_cast %swap3A_37 : vector<1x2000x64xi32> to vector<2000x64xi32>
    %swap3A_39 = vector.shape_cast %bitcast3A_34 : vector<2000x64xi32> to vector<1x2000x64xi32>
    tpu.vector_store %arg4[%swap3A, %swap3A_35, %swap3A_36], %swap3A_39 {strides = array<i32>} : memref<2x2000x64xi32, #tpu.memory_space<vmem>>, vector<1x2000x64xi32>,
    %convert_element_type3A_40 = arith.truncf %add3A_26 : vector<2000x128xf32> to vector<2000x128xbf16>
    %slice3A_41 = vector.extract_strided_slice %convert_element_type3A_40 {offsets = [0, 0], sizes = [2000, 64], strides = [1, 1]} : vector<2000x128xbf16> to vector<2000x64xbf16>
    %bitcast3A_42 = tpu.bitcast %slice3A_41 : vector<2000x64xbf16> -> vector<2000x64xi16>
    %convert_element_type3A_43 = arith.extui %bitcast3A_42 : vector<2000x64xi16> to vector<2000x64xi32>
    %slice3A_44 = vector.extract_strided_slice %convert_element_type3A_40 {offsets = [0, 64], sizes = [2000, 64], strides = [1, 1]} : vector<2000x128xbf16> to vector<2000x64xbf16>
    %bitcast3A_45 = tpu.bitcast %slice3A_44 : vector<2000x64xbf16> -> vector<2000x64xi16>
    %convert_element_type3A_46 = arith.extui %bitcast3A_45 : vector<2000x64xi16> to vector<2000x64xi32>
    %shift_left3A_47 = arith.constant 16 : i32
    %shift_left3A_48 = vector.broadcast %shift_left3A_47 : i32 to vector<2000x64xi32>
    %shift_left3A_49 = arith.shli %convert_element_type3A_46, %shift_left3A_48 : vector<2000x64xi32>
    %or3A_50 = arith.ori %convert_element_type3A_43, %shift_left3A_49 : vector<2000x64xi32>
    %bitcast3A_51 = tpu.bitcast %or3A_50 : vector<2000x64xi32> -> vector<2000x64xi32>
    %swap3A_52 = arith.constant 1 : index
    %swap3A_53 = arith.constant 0 : index
    %swap3A_54 = arith.constant 0 : index
    %swap3A_55 = vector.load %arg4[%swap3A_52, %swap3A_53, %swap3A_54] : memref<2x2000x64xi32, #tpu.memory_space<vmem>>, vector<1x2000x64xi32>
    %swap3A_56 = vector.shape_cast %swap3A_55 : vector<1x2000x64xi32> to vector<2000x64xi32>
    %swap3A_57 = vector.shape_cast %bitcast3A_51 : vector<2000x64xi32> to vector<1x2000x64xi32>
    tpu.vector_store %arg4[%swap3A_52, %swap3A_53, %swap3A_54], %swap3A_57 {strides = array<i32>} : memref<2x2000x64xi32, #tpu.memory_space<vmem>>, vector<1x2000x64xi32>,
    return
  }
  func.func @transform_0(%arg0: i32) -> (i32, i32) {
    %c0_i32 = arith.constant 0 : i32
    %c0_i32_0 = arith.constant 0 : i32
    return %arg0, %c0_i32 : i32, i32
  }
  func.func @transform_1(%arg0: i32) -> (i32, i32) {
    %c0_i32 = arith.constant 0 : i32
    %c0_i32_0 = arith.constant 0 : i32
    %c0_i32_1 = arith.constant 0 : i32
    return %c0_i32, %c0_i32_0 : i32, i32
  }
  func.func @transform_2(%arg0: i32) -> (i32, i32) {
    %c0_i32 = arith.constant 0 : i32
    %c0_i32_0 = arith.constant 0 : i32
    %c0_i32_1 = arith.constant 0 : i32
    return %c0_i32, %c0_i32_0 : i32, i32
  }
  func.func @transform_3(%arg0: i32) -> (i32, i32, i32) {
    %c0_i32 = arith.constant 0 : i32
    %c0_i32_0 = arith.constant 0 : i32
    %c0_i32_1 = arith.constant 0 : i32
    return %c0_i32, %arg0, %c0_i32_0 : i32, i32, i32
  }
}

module attributes {stable_mosaic.version = 14 : i64} {
  func.func @_combine_body(%arg0: i32, %arg1: memref<1000x128xi32, #tpu.memory_space<vmem>>, %arg2: memref<1000x128xi32, #tpu.memory_space<vmem>>, %arg3: memref<1000x128xi32, #tpu.memory_space<vmem>>, %arg4: memref<1000x128xi32, #tpu.memory_space<vmem>>, %arg5: memref<1000x128xi32, #tpu.memory_space<vmem>>, %arg6: memref<1000x128xi32, #tpu.memory_space<vmem>>, %arg7: memref<1000x128xi32, #tpu.memory_space<vmem>>, %arg8: memref<1000x128xi32, #tpu.memory_space<vmem>>, %arg9: memref<1000x128xi32, #tpu.memory_space<vmem>>, %arg10: memref<1000x128xi32, #tpu.memory_space<vmem>>, %arg11: memref<1000x128xi32, #tpu.memory_space<vmem>>, %arg12: memref<1000x128xi32, #tpu.memory_space<vmem>>, %arg13: memref<384x128xbf16, #tpu.memory_space<vmem>>, %arg14: memref<1x128xf32, #tpu.memory_space<vmem>>, %arg15: memref<384x128xbf16, #tpu.memory_space<vmem>>, %arg16: memref<1x128xf32, #tpu.memory_space<vmem>>, %arg17: memref<512x128xbf16, #tpu.memory_space<vmem>>, %arg18: memref<1x128xf32, #tpu.memory_space<vmem>>, %arg19: memref<512x128xbf16, #tpu.memory_space<vmem>>, %arg20: memref<1x128xf32, #tpu.memory_space<vmem>>, %arg21: memref<128x128xbf16, #tpu.memory_space<vmem>>, %arg22: memref<1x128xf32, #tpu.memory_space<vmem>>, %arg23: memref<2x2000x64xi32, #tpu.memory_space<vmem>>) attributes {dimension_semantics = [#tpu.dimension_semantics<arbitrary>], iteration_bounds = array<i64: 25>, scalar_prefetch = 0 : i64, scratch_operands = 0 : i64, tpu.core_type = #tpu.core_type<tc>, window_params = [{transform_indices = @transform_0, window_bounds = array<i64: 1000, 128>}, {transform_indices = @transform_1, window_bounds = array<i64: 1000, 128>}, {transform_indices = @transform_2, window_bounds = array<i64: 1000, 128>}, {transform_indices = @transform_3, window_bounds = array<i64: 1000, 128>}, {transform_indices = @transform_4, window_bounds = array<i64: 1000, 128>}, {transform_indices = @transform_5, window_bounds = array<i64: 1000, 128>}, {transform_indices = @transform_6, window_bounds = array<i64: 1000, 128>}, {transform_indices = @transform_7, window_bounds = array<i64: 1000, 128>}, {transform_indices = @transform_8, window_bounds = array<i64: 1000, 128>}, {transform_indices = @transform_9, window_bounds = array<i64: 1000, 128>}, {transform_indices = @transform_10, window_bounds = array<i64: 1000, 128>}, {transform_indices = @transform_11, window_bounds = array<i64: 1000, 128>}, {pipeline_mode = #tpu.pipeline_mode<synchronous>, transform_indices = @transform_12, window_bounds = array<i64: 384, 128>}, {pipeline_mode = #tpu.pipeline_mode<synchronous>, transform_indices = @transform_13, window_bounds = array<i64: 1, 128>}, {pipeline_mode = #tpu.pipeline_mode<synchronous>, transform_indices = @transform_14, window_bounds = array<i64: 384, 128>}, {pipeline_mode = #tpu.pipeline_mode<synchronous>, transform_indices = @transform_15, window_bounds = array<i64: 1, 128>}, {pipeline_mode = #tpu.pipeline_mode<synchronous>, transform_indices = @transform_16, window_bounds = array<i64: 512, 128>}, {pipeline_mode = #tpu.pipeline_mode<synchronous>, transform_indices = @transform_17, window_bounds = array<i64: 1, 128>}, {pipeline_mode = #tpu.pipeline_mode<synchronous>, transform_indices = @transform_18, window_bounds = array<i64: 512, 128>}, {pipeline_mode = #tpu.pipeline_mode<synchronous>, transform_indices = @transform_19, window_bounds = array<i64: 1, 128>}, {pipeline_mode = #tpu.pipeline_mode<synchronous>, transform_indices = @transform_20, window_bounds = array<i64: 128, 128>}, {pipeline_mode = #tpu.pipeline_mode<synchronous>, transform_indices = @transform_21, window_bounds = array<i64: 1, 128>}, {transform_indices = @transform_22, window_bounds = array<i64: 2, 2000, 64>}]} {
    %get3A = arith.constant 0 : index
    %get3A_0 = arith.constant 0 : index
    %get3A_1 = vector.load %arg1[%get3A, %get3A_0] : memref<1000x128xi32, #tpu.memory_space<vmem>>, vector<1000x128xi32>
    %slice3A = vector.extract_strided_slice %get3A_1 {offsets = [0, 0], sizes = [1000, 64], strides = [1, 1]} : vector<1000x128xi32> to vector<1000x64xi32>
    %bitcast3A = tpu.bitcast %slice3A : vector<1000x64xi32> -> vector<1000x64xi32>
    %and3A = arith.constant 65535 : i32
    %and3A_2 = vector.broadcast %and3A : i32 to vector<1000x64xi32>
    %and3A_3 = arith.andi %bitcast3A, %and3A_2 : vector<1000x64xi32>
    %convert_element_type3A = arith.trunci %and3A_3 : vector<1000x64xi32> to vector<1000x64xi16>
    %bitcast3A_4 = tpu.bitcast %convert_element_type3A : vector<1000x64xi16> -> vector<1000x64xbf16>
    %shift_right_logical3A = arith.constant 16 : i32
    %shift_right_logical3A_5 = vector.broadcast %shift_right_logical3A : i32 to vector<1000x64xi32>
    %shift_right_logical3A_6 = arith.shrui %bitcast3A, %shift_right_logical3A_5 : vector<1000x64xi32>
    %convert_element_type3A_7 = arith.trunci %shift_right_logical3A_6 : vector<1000x64xi32> to vector<1000x64xi16>
    %bitcast3A_8 = tpu.bitcast %convert_element_type3A_7 : vector<1000x64xi16> -> vector<1000x64xbf16>
    %concatenate3A = tpu.concatenate %bitcast3A_4, %bitcast3A_8 in 1 : vector<1000x64xbf16>, vector<1000x64xbf16> -> vector<1000x128xbf16>
    %slice3A_9 = vector.extract_strided_slice %get3A_1 {offsets = [0, 64], sizes = [1000, 64], strides = [1, 1]} : vector<1000x128xi32> to vector<1000x64xi32>
    %bitcast3A_10 = tpu.bitcast %slice3A_9 : vector<1000x64xi32> -> vector<1000x64xi32>
    %and3A_11 = arith.constant 65535 : i32
    %and3A_12 = vector.broadcast %and3A_11 : i32 to vector<1000x64xi32>
    %and3A_13 = arith.andi %bitcast3A_10, %and3A_12 : vector<1000x64xi32>
    %convert_element_type3A_14 = arith.trunci %and3A_13 : vector<1000x64xi32> to vector<1000x64xi16>
    %bitcast3A_15 = tpu.bitcast %convert_element_type3A_14 : vector<1000x64xi16> -> vector<1000x64xbf16>
    %shift_right_logical3A_16 = arith.constant 16 : i32
    %shift_right_logical3A_17 = vector.broadcast %shift_right_logical3A_16 : i32 to vector<1000x64xi32>
    %shift_right_logical3A_18 = arith.shrui %bitcast3A_10, %shift_right_logical3A_17 : vector<1000x64xi32>
    %convert_element_type3A_19 = arith.trunci %shift_right_logical3A_18 : vector<1000x64xi32> to vector<1000x64xi16>
    %bitcast3A_20 = tpu.bitcast %convert_element_type3A_19 : vector<1000x64xi16> -> vector<1000x64xbf16>
    %concatenate3A_21 = tpu.concatenate %bitcast3A_15, %bitcast3A_20 in 1 : vector<1000x64xbf16>, vector<1000x64xbf16> -> vector<1000x128xbf16>
    %concatenate3A_22 = tpu.concatenate %concatenate3A, %concatenate3A_21 in 0 : vector<1000x128xbf16>, vector<1000x128xbf16> -> vector<2000x128xbf16>
    %get3A_23 = arith.constant 0 : index
    %get3A_24 = arith.constant 0 : index
    %get3A_25 = vector.load %arg13[%get3A_23, %get3A_24] : memref<384x128xbf16, #tpu.memory_space<vmem>>, vector<128x128xbf16>
    %dot_general3A = arith.constant dense<0.000000e+00> : vector<2000x128xf32>
    %dot_general3A_26 = tpu.matmul %concatenate3A_22, %get3A_25, %dot_general3A {dimension_numbers = #tpu.dot_dimension_numbers<[1], [0], [0], [1], [0, 0, 1, 1], [], []>, transpose_lhs_hint = false} : vector<2000x128xbf16>, vector<128x128xbf16>, vector<2000x128xf32> -> vector<2000x128xf32>
    %get3A_27 = arith.constant 0 : index
    %get3A_28 = arith.constant 0 : index
    %get3A_29 = vector.load %arg15[%get3A_27, %get3A_28] : memref<384x128xbf16, #tpu.memory_space<vmem>>, vector<128x128xbf16>
    %dot_general3A_30 = arith.constant dense<0.000000e+00> : vector<2000x128xf32>
    %dot_general3A_31 = tpu.matmul %concatenate3A_22, %get3A_29, %dot_general3A_30 {dimension_numbers = #tpu.dot_dimension_numbers<[1], [0], [0], [1], [0, 0, 1, 1], [], []>, transpose_lhs_hint = false} : vector<2000x128xbf16>, vector<128x128xbf16>, vector<2000x128xf32> -> vector<2000x128xf32>
    %get3A_32 = arith.constant 0 : index
    %get3A_33 = arith.constant 0 : index
    %get3A_34 = vector.load %arg2[%get3A_32, %get3A_33] : memref<1000x128xi32, #tpu.memory_space<vmem>>, vector<1000x128xi32>
    %slice3A_35 = vector.extract_strided_slice %get3A_34 {offsets = [0, 0], sizes = [1000, 64], strides = [1, 1]} : vector<1000x128xi32> to vector<1000x64xi32>
    %bitcast3A_36 = tpu.bitcast %slice3A_35 : vector<1000x64xi32> -> vector<1000x64xi32>
    %and3A_37 = arith.constant 65535 : i32
    %and3A_38 = vector.broadcast %and3A_37 : i32 to vector<1000x64xi32>
    %and3A_39 = arith.andi %bitcast3A_36, %and3A_38 : vector<1000x64xi32>
    %convert_element_type3A_40 = arith.trunci %and3A_39 : vector<1000x64xi32> to vector<1000x64xi16>
    %bitcast3A_41 = tpu.bitcast %convert_element_type3A_40 : vector<1000x64xi16> -> vector<1000x64xbf16>
    %shift_right_logical3A_42 = arith.constant 16 : i32
    %shift_right_logical3A_43 = vector.broadcast %shift_right_logical3A_42 : i32 to vector<1000x64xi32>
    %shift_right_logical3A_44 = arith.shrui %bitcast3A_36, %shift_right_logical3A_43 : vector<1000x64xi32>
    %convert_element_type3A_45 = arith.trunci %shift_right_logical3A_44 : vector<1000x64xi32> to vector<1000x64xi16>
    %bitcast3A_46 = tpu.bitcast %convert_element_type3A_45 : vector<1000x64xi16> -> vector<1000x64xbf16>
    %concatenate3A_47 = tpu.concatenate %bitcast3A_41, %bitcast3A_46 in 1 : vector<1000x64xbf16>, vector<1000x64xbf16> -> vector<1000x128xbf16>
    %slice3A_48 = vector.extract_strided_slice %get3A_34 {offsets = [0, 64], sizes = [1000, 64], strides = [1, 1]} : vector<1000x128xi32> to vector<1000x64xi32>
    %bitcast3A_49 = tpu.bitcast %slice3A_48 : vector<1000x64xi32> -> vector<1000x64xi32>
    %and3A_50 = arith.constant 65535 : i32
    %and3A_51 = vector.broadcast %and3A_50 : i32 to vector<1000x64xi32>
    %and3A_52 = arith.andi %bitcast3A_49, %and3A_51 : vector<1000x64xi32>
    %convert_element_type3A_53 = arith.trunci %and3A_52 : vector<1000x64xi32> to vector<1000x64xi16>
    %bitcast3A_54 = tpu.bitcast %convert_element_type3A_53 : vector<1000x64xi16> -> vector<1000x64xbf16>
    %shift_right_logical3A_55 = arith.constant 16 : i32
    %shift_right_logical3A_56 = vector.broadcast %shift_right_logical3A_55 : i32 to vector<1000x64xi32>
    %shift_right_logical3A_57 = arith.shrui %bitcast3A_49, %shift_right_logical3A_56 : vector<1000x64xi32>
    %convert_element_type3A_58 = arith.trunci %shift_right_logical3A_57 : vector<1000x64xi32> to vector<1000x64xi16>
    %bitcast3A_59 = tpu.bitcast %convert_element_type3A_58 : vector<1000x64xi16> -> vector<1000x64xbf16>
    %concatenate3A_60 = tpu.concatenate %bitcast3A_54, %bitcast3A_59 in 1 : vector<1000x64xbf16>, vector<1000x64xbf16> -> vector<1000x128xbf16>
    %concatenate3A_61 = tpu.concatenate %concatenate3A_47, %concatenate3A_60 in 0 : vector<1000x128xbf16>, vector<1000x128xbf16> -> vector<2000x128xbf16>
    %get3A_62 = arith.constant 128 : index
    %get3A_63 = arith.constant 0 : index
    %get3A_64 = vector.load %arg13[%get3A_62, %get3A_63] : memref<384x128xbf16, #tpu.memory_space<vmem>>, vector<128x128xbf16>
    %dot_general3A_65 = arith.constant dense<0.000000e+00> : vector<2000x128xf32>
    %dot_general3A_66 = tpu.matmul %concatenate3A_61, %get3A_64, %dot_general3A_65 {dimension_numbers = #tpu.dot_dimension_numbers<[1], [0], [0], [1], [0, 0, 1, 1], [], []>, transpose_lhs_hint = false} : vector<2000x128xbf16>, vector<128x128xbf16>, vector<2000x128xf32> -> vector<2000x128xf32>
    %get3A_67 = arith.constant 128 : index
    %get3A_68 = arith.constant 0 : index
    %get3A_69 = vector.load %arg15[%get3A_67, %get3A_68] : memref<384x128xbf16, #tpu.memory_space<vmem>>, vector<128x128xbf16>
    %dot_general3A_70 = arith.constant dense<0.000000e+00> : vector<2000x128xf32>
    %dot_general3A_71 = tpu.matmul %concatenate3A_61, %get3A_69, %dot_general3A_70 {dimension_numbers = #tpu.dot_dimension_numbers<[1], [0], [0], [1], [0, 0, 1, 1], [], []>, transpose_lhs_hint = false} : vector<2000x128xbf16>, vector<128x128xbf16>, vector<2000x128xf32> -> vector<2000x128xf32>
    %add3A = arith.addf %dot_general3A_26, %dot_general3A_66 : vector<2000x128xf32>
    %add3A_72 = arith.addf %dot_general3A_31, %dot_general3A_71 : vector<2000x128xf32>
    %get3A_73 = arith.constant 0 : index
    %get3A_74 = arith.constant 0 : index
    %get3A_75 = vector.load %arg3[%get3A_73, %get3A_74] : memref<1000x128xi32, #tpu.memory_space<vmem>>, vector<1000x128xi32>
    %slice3A_76 = vector.extract_strided_slice %get3A_75 {offsets = [0, 0], sizes = [1000, 64], strides = [1, 1]} : vector<1000x128xi32> to vector<1000x64xi32>
    %bitcast3A_77 = tpu.bitcast %slice3A_76 : vector<1000x64xi32> -> vector<1000x64xi32>
    %and3A_78 = arith.constant 65535 : i32
    %and3A_79 = vector.broadcast %and3A_78 : i32 to vector<1000x64xi32>
    %and3A_80 = arith.andi %bitcast3A_77, %and3A_79 : vector<1000x64xi32>
    %convert_element_type3A_81 = arith.trunci %and3A_80 : vector<1000x64xi32> to vector<1000x64xi16>
    %bitcast3A_82 = tpu.bitcast %convert_element_type3A_81 : vector<1000x64xi16> -> vector<1000x64xbf16>
    %shift_right_logical3A_83 = arith.constant 16 : i32
    %shift_right_logical3A_84 = vector.broadcast %shift_right_logical3A_83 : i32 to vector<1000x64xi32>
    %shift_right_logical3A_85 = arith.shrui %bitcast3A_77, %shift_right_logical3A_84 : vector<1000x64xi32>
    %convert_element_type3A_86 = arith.trunci %shift_right_logical3A_85 : vector<1000x64xi32> to vector<1000x64xi16>
    %bitcast3A_87 = tpu.bitcast %convert_element_type3A_86 : vector<1000x64xi16> -> vector<1000x64xbf16>
    %concatenate3A_88 = tpu.concatenate %bitcast3A_82, %bitcast3A_87 in 1 : vector<1000x64xbf16>, vector<1000x64xbf16> -> vector<1000x128xbf16>
    %slice3A_89 = vector.extract_strided_slice %get3A_75 {offsets = [0, 64], sizes = [1000, 64], strides = [1, 1]} : vector<1000x128xi32> to vector<1000x64xi32>
    %bitcast3A_90 = tpu.bitcast %slice3A_89 : vector<1000x64xi32> -> vector<1000x64xi32>
    %and3A_91 = arith.constant 65535 : i32
    %and3A_92 = vector.broadcast %and3A_91 : i32 to vector<1000x64xi32>
    %and3A_93 = arith.andi %bitcast3A_90, %and3A_92 : vector<1000x64xi32>
    %convert_element_type3A_94 = arith.trunci %and3A_93 : vector<1000x64xi32> to vector<1000x64xi16>
    %bitcast3A_95 = tpu.bitcast %convert_element_type3A_94 : vector<1000x64xi16> -> vector<1000x64xbf16>
    %shift_right_logical3A_96 = arith.constant 16 : i32
    %shift_right_logical3A_97 = vector.broadcast %shift_right_logical3A_96 : i32 to vector<1000x64xi32>
    %shift_right_logical3A_98 = arith.shrui %bitcast3A_90, %shift_right_logical3A_97 : vector<1000x64xi32>
    %convert_element_type3A_99 = arith.trunci %shift_right_logical3A_98 : vector<1000x64xi32> to vector<1000x64xi16>
    %bitcast3A_100 = tpu.bitcast %convert_element_type3A_99 : vector<1000x64xi16> -> vector<1000x64xbf16>
    %concatenate3A_101 = tpu.concatenate %bitcast3A_95, %bitcast3A_100 in 1 : vector<1000x64xbf16>, vector<1000x64xbf16> -> vector<1000x128xbf16>
    %concatenate3A_102 = tpu.concatenate %concatenate3A_88, %concatenate3A_101 in 0 : vector<1000x128xbf16>, vector<1000x128xbf16> -> vector<2000x128xbf16>
    %get3A_103 = arith.constant 256 : index
    %get3A_104 = arith.constant 0 : index
    %get3A_105 = vector.load %arg13[%get3A_103, %get3A_104] : memref<384x128xbf16, #tpu.memory_space<vmem>>, vector<128x128xbf16>
    %dot_general3A_106 = arith.constant dense<0.000000e+00> : vector<2000x128xf32>
    %dot_general3A_107 = tpu.matmul %concatenate3A_102, %get3A_105, %dot_general3A_106 {dimension_numbers = #tpu.dot_dimension_numbers<[1], [0], [0], [1], [0, 0, 1, 1], [], []>, transpose_lhs_hint = false} : vector<2000x128xbf16>, vector<128x128xbf16>, vector<2000x128xf32> -> vector<2000x128xf32>
    %get3A_108 = arith.constant 256 : index
    %get3A_109 = arith.constant 0 : index
    %get3A_110 = vector.load %arg15[%get3A_108, %get3A_109] : memref<384x128xbf16, #tpu.memory_space<vmem>>, vector<128x128xbf16>
    %dot_general3A_111 = arith.constant dense<0.000000e+00> : vector<2000x128xf32>
    %dot_general3A_112 = tpu.matmul %concatenate3A_102, %get3A_110, %dot_general3A_111 {dimension_numbers = #tpu.dot_dimension_numbers<[1], [0], [0], [1], [0, 0, 1, 1], [], []>, transpose_lhs_hint = false} : vector<2000x128xbf16>, vector<128x128xbf16>, vector<2000x128xf32> -> vector<2000x128xf32>
    %add3A_113 = arith.addf %add3A, %dot_general3A_107 : vector<2000x128xf32>
    %add3A_114 = arith.addf %add3A_72, %dot_general3A_112 : vector<2000x128xf32>
    %get3A_115 = arith.constant 0 : index
    %get3A_116 = arith.constant 0 : index
    %get3A_117 = vector.load %arg14[%get3A_115, %get3A_116] : memref<1x128xf32, #tpu.memory_space<vmem>>, vector<1x128xf32>
    %add3A_118 = vector.broadcast %get3A_117 : vector<1x128xf32> to vector<2000x128xf32>
    %add3A_119 = arith.addf %add3A_113, %add3A_118 : vector<2000x128xf32>
    %logistic3A = arith.negf %add3A_119 : vector<2000x128xf32>
    %logistic3A_120 = math.exp %logistic3A : vector<2000x128xf32>
    %logistic3A_121 = arith.constant 1.000000e+00 : f32
    %logistic3A_122 = vector.broadcast %logistic3A_121 : f32 to vector<2000x128xf32>
    %logistic3A_123 = arith.addf %logistic3A_122, %logistic3A_120 : vector<2000x128xf32>
    %logistic3A_124 = arith.divf %logistic3A_122, %logistic3A_123 : vector<2000x128xf32>
    %add3A_125 = arith.addf %logistic3A_124, %add3A_114 : vector<2000x128xf32>
    %get3A_126 = arith.constant 0 : index
    %get3A_127 = arith.constant 0 : index
    %get3A_128 = vector.load %arg16[%get3A_126, %get3A_127] : memref<1x128xf32, #tpu.memory_space<vmem>>, vector<1x128xf32>
    %add3A_129 = vector.broadcast %get3A_128 : vector<1x128xf32> to vector<2000x128xf32>
    %add3A_130 = arith.addf %add3A_125, %add3A_129 : vector<2000x128xf32>
    %mul3A = arith.mulf %add3A_130, %add3A_130 : vector<2000x128xf32>
    %reduce_sum3A = arith.constant dense<0.000000e+00> : vector<2000xf32>
    %reduce_sum3A_131 = vector.multi_reduction <add>, %mul3A, %reduce_sum3A [1] : vector<2000x128xf32> to vector<2000xf32>
    %broadcast_in_dim3A = vector.shape_cast %reduce_sum3A_131 : vector<2000xf32> to vector<2000x1xf32>
    %sqrt3A = math.sqrt %broadcast_in_dim3A : vector<2000x1xf32>
    %max3A = arith.constant 9.99999996E-13 : f32
    %max3A_132 = vector.broadcast %max3A : f32 to vector<2000x1xf32>
    %max3A_133 = arith.maximumf %sqrt3A, %max3A_132 : vector<2000x1xf32>
    %div3A = vector.broadcast %max3A_133 : vector<2000x1xf32> to vector<2000x128xf32>
    %div3A_134 = arith.divf %add3A_130, %div3A : vector<2000x128xf32>
    %convert_element_type3A_135 = arith.truncf %div3A_134 : vector<2000x128xf32> to vector<2000x128xbf16>
    %get3A_136 = arith.constant 0 : index
    %get3A_137 = arith.constant 0 : index
    %get3A_138 = vector.load %arg17[%get3A_136, %get3A_137] : memref<512x128xbf16, #tpu.memory_space<vmem>>, vector<128x128xbf16>
    %dot_general3A_139 = arith.constant dense<0.000000e+00> : vector<2000x128xf32>
    %dot_general3A_140 = tpu.matmul %convert_element_type3A_135, %get3A_138, %dot_general3A_139 {dimension_numbers = #tpu.dot_dimension_numbers<[1], [0], [0], [1], [0, 0, 1, 1], [], []>, transpose_lhs_hint = false} : vector<2000x128xbf16>, vector<128x128xbf16>, vector<2000x128xf32> -> vector<2000x128xf32>
    %get3A_141 = arith.constant 0 : index
    %get3A_142 = arith.constant 0 : index
    %get3A_143 = vector.load %arg19[%get3A_141, %get3A_142] : memref<512x128xbf16, #tpu.memory_space<vmem>>, vector<128x128xbf16>
    %dot_general3A_144 = arith.constant dense<0.000000e+00> : vector<2000x128xf32>
    %dot_general3A_145 = tpu.matmul %convert_element_type3A_135, %get3A_143, %dot_general3A_144 {dimension_numbers = #tpu.dot_dimension_numbers<[1], [0], [0], [1], [0, 0, 1, 1], [], []>, transpose_lhs_hint = false} : vector<2000x128xbf16>, vector<128x128xbf16>, vector<2000x128xf32> -> vector<2000x128xf32>
    %get3A_146 = arith.constant 0 : index
    %get3A_147 = arith.constant 0 : index
    %get3A_148 = vector.load %arg4[%get3A_146, %get3A_147] : memref<1000x128xi32, #tpu.memory_space<vmem>>, vector<1000x128xi32>
    %slice3A_149 = vector.extract_strided_slice %get3A_148 {offsets = [0, 0], sizes = [1000, 64], strides = [1, 1]} : vector<1000x128xi32> to vector<1000x64xi32>
    %bitcast3A_150 = tpu.bitcast %slice3A_149 : vector<1000x64xi32> -> vector<1000x64xi32>
    %and3A_151 = arith.constant 65535 : i32
    %and3A_152 = vector.broadcast %and3A_151 : i32 to vector<1000x64xi32>
    %and3A_153 = arith.andi %bitcast3A_150, %and3A_152 : vector<1000x64xi32>
    %convert_element_type3A_154 = arith.trunci %and3A_153 : vector<1000x64xi32> to vector<1000x64xi16>
    %bitcast3A_155 = tpu.bitcast %convert_element_type3A_154 : vector<1000x64xi16> -> vector<1000x64xbf16>
    %shift_right_logical3A_156 = arith.constant 16 : i32
    %shift_right_logical3A_157 = vector.broadcast %shift_right_logical3A_156 : i32 to vector<1000x64xi32>
    %shift_right_logical3A_158 = arith.shrui %bitcast3A_150, %shift_right_logical3A_157 : vector<1000x64xi32>
    %convert_element_type3A_159 = arith.trunci %shift_right_logical3A_158 : vector<1000x64xi32> to vector<1000x64xi16>
    %bitcast3A_160 = tpu.bitcast %convert_element_type3A_159 : vector<1000x64xi16> -> vector<1000x64xbf16>
    %concatenate3A_161 = tpu.concatenate %bitcast3A_155, %bitcast3A_160 in 1 : vector<1000x64xbf16>, vector<1000x64xbf16> -> vector<1000x128xbf16>
    %slice3A_162 = vector.extract_strided_slice %get3A_148 {offsets = [0, 64], sizes = [1000, 64], strides = [1, 1]} : vector<1000x128xi32> to vector<1000x64xi32>
    %bitcast3A_163 = tpu.bitcast %slice3A_162 : vector<1000x64xi32> -> vector<1000x64xi32>
    %and3A_164 = arith.constant 65535 : i32
    %and3A_165 = vector.broadcast %and3A_164 : i32 to vector<1000x64xi32>
    %and3A_166 = arith.andi %bitcast3A_163, %and3A_165 : vector<1000x64xi32>
    %convert_element_type3A_167 = arith.trunci %and3A_166 : vector<1000x64xi32> to vector<1000x64xi16>
    %bitcast3A_168 = tpu.bitcast %convert_element_type3A_167 : vector<1000x64xi16> -> vector<1000x64xbf16>
    %shift_right_logical3A_169 = arith.constant 16 : i32
    %shift_right_logical3A_170 = vector.broadcast %shift_right_logical3A_169 : i32 to vector<1000x64xi32>
    %shift_right_logical3A_171 = arith.shrui %bitcast3A_163, %shift_right_logical3A_170 : vector<1000x64xi32>
    %convert_element_type3A_172 = arith.trunci %shift_right_logical3A_171 : vector<1000x64xi32> to vector<1000x64xi16>
    %bitcast3A_173 = tpu.bitcast %convert_element_type3A_172 : vector<1000x64xi16> -> vector<1000x64xbf16>
    %concatenate3A_174 = tpu.concatenate %bitcast3A_168, %bitcast3A_173 in 1 : vector<1000x64xbf16>, vector<1000x64xbf16> -> vector<1000x128xbf16>
    %concatenate3A_175 = tpu.concatenate %concatenate3A_161, %concatenate3A_174 in 0 : vector<1000x128xbf16>, vector<1000x128xbf16> -> vector<2000x128xbf16>
    %get3A_176 = arith.constant 0 : index
    %get3A_177 = arith.constant 0 : index
    %get3A_178 = vector.load %arg13[%get3A_176, %get3A_177] : memref<384x128xbf16, #tpu.memory_space<vmem>>, vector<128x128xbf16>
    %dot_general3A_179 = arith.constant dense<0.000000e+00> : vector<2000x128xf32>
    %dot_general3A_180 = tpu.matmul %concatenate3A_175, %get3A_178, %dot_general3A_179 {dimension_numbers = #tpu.dot_dimension_numbers<[1], [0], [0], [1], [0, 0, 1, 1], [], []>, transpose_lhs_hint = false} : vector<2000x128xbf16>, vector<128x128xbf16>, vector<2000x128xf32> -> vector<2000x128xf32>
    %get3A_181 = arith.constant 0 : index
    %get3A_182 = arith.constant 0 : index
    %get3A_183 = vector.load %arg15[%get3A_181, %get3A_182] : memref<384x128xbf16, #tpu.memory_space<vmem>>, vector<128x128xbf16>
    %dot_general3A_184 = arith.constant dense<0.000000e+00> : vector<2000x128xf32>
    %dot_general3A_185 = tpu.matmul %concatenate3A_175, %get3A_183, %dot_general3A_184 {dimension_numbers = #tpu.dot_dimension_numbers<[1], [0], [0], [1], [0, 0, 1, 1], [], []>, transpose_lhs_hint = false} : vector<2000x128xbf16>, vector<128x128xbf16>, vector<2000x128xf32> -> vector<2000x128xf32>
    %get3A_186 = arith.constant 0 : index
    %get3A_187 = arith.constant 0 : index
    %get3A_188 = vector.load %arg5[%get3A_186, %get3A_187] : memref<1000x128xi32, #tpu.memory_space<vmem>>, vector<1000x128xi32>
    %slice3A_189 = vector.extract_strided_slice %get3A_188 {offsets = [0, 0], sizes = [1000, 64], strides = [1, 1]} : vector<1000x128xi32> to vector<1000x64xi32>
    %bitcast3A_190 = tpu.bitcast %slice3A_189 : vector<1000x64xi32> -> vector<1000x64xi32>
    %and3A_191 = arith.constant 65535 : i32
    %and3A_192 = vector.broadcast %and3A_191 : i32 to vector<1000x64xi32>
    %and3A_193 = arith.andi %bitcast3A_190, %and3A_192 : vector<1000x64xi32>
    %convert_element_type3A_194 = arith.trunci %and3A_193 : vector<1000x64xi32> to vector<1000x64xi16>
    %bitcast3A_195 = tpu.bitcast %convert_element_type3A_194 : vector<1000x64xi16> -> vector<1000x64xbf16>
    %shift_right_logical3A_196 = arith.constant 16 : i32
    %shift_right_logical3A_197 = vector.broadcast %shift_right_logical3A_196 : i32 to vector<1000x64xi32>
    %shift_right_logical3A_198 = arith.shrui %bitcast3A_190, %shift_right_logical3A_197 : vector<1000x64xi32>
    %convert_element_type3A_199 = arith.trunci %shift_right_logical3A_198 : vector<1000x64xi32> to vector<1000x64xi16>
    %bitcast3A_200 = tpu.bitcast %convert_element_type3A_199 : vector<1000x64xi16> -> vector<1000x64xbf16>
    %concatenate3A_201 = tpu.concatenate %bitcast3A_195, %bitcast3A_200 in 1 : vector<1000x64xbf16>, vector<1000x64xbf16> -> vector<1000x128xbf16>
    %slice3A_202 = vector.extract_strided_slice %get3A_188 {offsets = [0, 64], sizes = [1000, 64], strides = [1, 1]} : vector<1000x128xi32> to vector<1000x64xi32>
    %bitcast3A_203 = tpu.bitcast %slice3A_202 : vector<1000x64xi32> -> vector<1000x64xi32>
    %and3A_204 = arith.constant 65535 : i32
    %and3A_205 = vector.broadcast %and3A_204 : i32 to vector<1000x64xi32>
    %and3A_206 = arith.andi %bitcast3A_203, %and3A_205 : vector<1000x64xi32>
    %convert_element_type3A_207 = arith.trunci %and3A_206 : vector<1000x64xi32> to vector<1000x64xi16>
    %bitcast3A_208 = tpu.bitcast %convert_element_type3A_207 : vector<1000x64xi16> -> vector<1000x64xbf16>
    %shift_right_logical3A_209 = arith.constant 16 : i32
    %shift_right_logical3A_210 = vector.broadcast %shift_right_logical3A_209 : i32 to vector<1000x64xi32>
    %shift_right_logical3A_211 = arith.shrui %bitcast3A_203, %shift_right_logical3A_210 : vector<1000x64xi32>
    %convert_element_type3A_212 = arith.trunci %shift_right_logical3A_211 : vector<1000x64xi32> to vector<1000x64xi16>
    %bitcast3A_213 = tpu.bitcast %convert_element_type3A_212 : vector<1000x64xi16> -> vector<1000x64xbf16>
    %concatenate3A_214 = tpu.concatenate %bitcast3A_208, %bitcast3A_213 in 1 : vector<1000x64xbf16>, vector<1000x64xbf16> -> vector<1000x128xbf16>
    %concatenate3A_215 = tpu.concatenate %concatenate3A_201, %concatenate3A_214 in 0 : vector<1000x128xbf16>, vector<1000x128xbf16> -> vector<2000x128xbf16>
    %get3A_216 = arith.constant 128 : index
    %get3A_217 = arith.constant 0 : index
    %get3A_218 = vector.load %arg13[%get3A_216, %get3A_217] : memref<384x128xbf16, #tpu.memory_space<vmem>>, vector<128x128xbf16>
    %dot_general3A_219 = arith.constant dense<0.000000e+00> : vector<2000x128xf32>
    %dot_general3A_220 = tpu.matmul %concatenate3A_215, %get3A_218, %dot_general3A_219 {dimension_numbers = #tpu.dot_dimension_numbers<[1], [0], [0], [1], [0, 0, 1, 1], [], []>, transpose_lhs_hint = false} : vector<2000x128xbf16>, vector<128x128xbf16>, vector<2000x128xf32> -> vector<2000x128xf32>
    %get3A_221 = arith.constant 128 : index
    %get3A_222 = arith.constant 0 : index
    %get3A_223 = vector.load %arg15[%get3A_221, %get3A_222] : memref<384x128xbf16, #tpu.memory_space<vmem>>, vector<128x128xbf16>
    %dot_general3A_224 = arith.constant dense<0.000000e+00> : vector<2000x128xf32>
    %dot_general3A_225 = tpu.matmul %concatenate3A_215, %get3A_223, %dot_general3A_224 {dimension_numbers = #tpu.dot_dimension_numbers<[1], [0], [0], [1], [0, 0, 1, 1], [], []>, transpose_lhs_hint = false} : vector<2000x128xbf16>, vector<128x128xbf16>, vector<2000x128xf32> -> vector<2000x128xf32>
    %add3A_226 = arith.addf %dot_general3A_180, %dot_general3A_220 : vector<2000x128xf32>
    %add3A_227 = arith.addf %dot_general3A_185, %dot_general3A_225 : vector<2000x128xf32>
    %get3A_228 = arith.constant 0 : index
    %get3A_229 = arith.constant 0 : index
    %get3A_230 = vector.load %arg6[%get3A_228, %get3A_229] : memref<1000x128xi32, #tpu.memory_space<vmem>>, vector<1000x128xi32>
    %slice3A_231 = vector.extract_strided_slice %get3A_230 {offsets = [0, 0], sizes = [1000, 64], strides = [1, 1]} : vector<1000x128xi32> to vector<1000x64xi32>
    %bitcast3A_232 = tpu.bitcast %slice3A_231 : vector<1000x64xi32> -> vector<1000x64xi32>
    %and3A_233 = arith.constant 65535 : i32
    %and3A_234 = vector.broadcast %and3A_233 : i32 to vector<1000x64xi32>
    %and3A_235 = arith.andi %bitcast3A_232, %and3A_234 : vector<1000x64xi32>
    %convert_element_type3A_236 = arith.trunci %and3A_235 : vector<1000x64xi32> to vector<1000x64xi16>
    %bitcast3A_237 = tpu.bitcast %convert_element_type3A_236 : vector<1000x64xi16> -> vector<1000x64xbf16>
    %shift_right_logical3A_238 = arith.constant 16 : i32
    %shift_right_logical3A_239 = vector.broadcast %shift_right_logical3A_238 : i32 to vector<1000x64xi32>
    %shift_right_logical3A_240 = arith.shrui %bitcast3A_232, %shift_right_logical3A_239 : vector<1000x64xi32>
    %convert_element_type3A_241 = arith.trunci %shift_right_logical3A_240 : vector<1000x64xi32> to vector<1000x64xi16>
    %bitcast3A_242 = tpu.bitcast %convert_element_type3A_241 : vector<1000x64xi16> -> vector<1000x64xbf16>
    %concatenate3A_243 = tpu.concatenate %bitcast3A_237, %bitcast3A_242 in 1 : vector<1000x64xbf16>, vector<1000x64xbf16> -> vector<1000x128xbf16>
    %slice3A_244 = vector.extract_strided_slice %get3A_230 {offsets = [0, 64], sizes = [1000, 64], strides = [1, 1]} : vector<1000x128xi32> to vector<1000x64xi32>
    %bitcast3A_245 = tpu.bitcast %slice3A_244 : vector<1000x64xi32> -> vector<1000x64xi32>
    %and3A_246 = arith.constant 65535 : i32
    %and3A_247 = vector.broadcast %and3A_246 : i32 to vector<1000x64xi32>
    %and3A_248 = arith.andi %bitcast3A_245, %and3A_247 : vector<1000x64xi32>
    %convert_element_type3A_249 = arith.trunci %and3A_248 : vector<1000x64xi32> to vector<1000x64xi16>
    %bitcast3A_250 = tpu.bitcast %convert_element_type3A_249 : vector<1000x64xi16> -> vector<1000x64xbf16>
    %shift_right_logical3A_251 = arith.constant 16 : i32
    %shift_right_logical3A_252 = vector.broadcast %shift_right_logical3A_251 : i32 to vector<1000x64xi32>
    %shift_right_logical3A_253 = arith.shrui %bitcast3A_245, %shift_right_logical3A_252 : vector<1000x64xi32>
    %convert_element_type3A_254 = arith.trunci %shift_right_logical3A_253 : vector<1000x64xi32> to vector<1000x64xi16>
    %bitcast3A_255 = tpu.bitcast %convert_element_type3A_254 : vector<1000x64xi16> -> vector<1000x64xbf16>
    %concatenate3A_256 = tpu.concatenate %bitcast3A_250, %bitcast3A_255 in 1 : vector<1000x64xbf16>, vector<1000x64xbf16> -> vector<1000x128xbf16>
    %concatenate3A_257 = tpu.concatenate %concatenate3A_243, %concatenate3A_256 in 0 : vector<1000x128xbf16>, vector<1000x128xbf16> -> vector<2000x128xbf16>
    %get3A_258 = arith.constant 256 : index
    %get3A_259 = arith.constant 0 : index
    %get3A_260 = vector.load %arg13[%get3A_258, %get3A_259] : memref<384x128xbf16, #tpu.memory_space<vmem>>, vector<128x128xbf16>
    %dot_general3A_261 = arith.constant dense<0.000000e+00> : vector<2000x128xf32>
    %dot_general3A_262 = tpu.matmul %concatenate3A_257, %get3A_260, %dot_general3A_261 {dimension_numbers = #tpu.dot_dimension_numbers<[1], [0], [0], [1], [0, 0, 1, 1], [], []>, transpose_lhs_hint = false} : vector<2000x128xbf16>, vector<128x128xbf16>, vector<2000x128xf32> -> vector<2000x128xf32>
    %get3A_263 = arith.constant 256 : index
    %get3A_264 = arith.constant 0 : index
    %get3A_265 = vector.load %arg15[%get3A_263, %get3A_264] : memref<384x128xbf16, #tpu.memory_space<vmem>>, vector<128x128xbf16>
    %dot_general3A_266 = arith.constant dense<0.000000e+00> : vector<2000x128xf32>
    %dot_general3A_267 = tpu.matmul %concatenate3A_257, %get3A_265, %dot_general3A_266 {dimension_numbers = #tpu.dot_dimension_numbers<[1], [0], [0], [1], [0, 0, 1, 1], [], []>, transpose_lhs_hint = false} : vector<2000x128xbf16>, vector<128x128xbf16>, vector<2000x128xf32> -> vector<2000x128xf32>
    %add3A_268 = arith.addf %add3A_226, %dot_general3A_262 : vector<2000x128xf32>
    %add3A_269 = arith.addf %add3A_227, %dot_general3A_267 : vector<2000x128xf32>
    %get3A_270 = arith.constant 0 : index
    %get3A_271 = arith.constant 0 : index
    %get3A_272 = vector.load %arg14[%get3A_270, %get3A_271] : memref<1x128xf32, #tpu.memory_space<vmem>>, vector<1x128xf32>
    %add3A_273 = vector.broadcast %get3A_272 : vector<1x128xf32> to vector<2000x128xf32>
    %add3A_274 = arith.addf %add3A_268, %add3A_273 : vector<2000x128xf32>
    %logistic3A_275 = arith.negf %add3A_274 : vector<2000x128xf32>
    %logistic3A_276 = math.exp %logistic3A_275 : vector<2000x128xf32>
    %logistic3A_277 = arith.constant 1.000000e+00 : f32
    %logistic3A_278 = vector.broadcast %logistic3A_277 : f32 to vector<2000x128xf32>
    %logistic3A_279 = arith.addf %logistic3A_278, %logistic3A_276 : vector<2000x128xf32>
    %logistic3A_280 = arith.divf %logistic3A_278, %logistic3A_279 : vector<2000x128xf32>
    %add3A_281 = arith.addf %logistic3A_280, %add3A_269 : vector<2000x128xf32>
    %get3A_282 = arith.constant 0 : index
    %get3A_283 = arith.constant 0 : index
    %get3A_284 = vector.load %arg16[%get3A_282, %get3A_283] : memref<1x128xf32, #tpu.memory_space<vmem>>, vector<1x128xf32>
    %add3A_285 = vector.broadcast %get3A_284 : vector<1x128xf32> to vector<2000x128xf32>
    %add3A_286 = arith.addf %add3A_281, %add3A_285 : vector<2000x128xf32>
    %mul3A_287 = arith.mulf %add3A_286, %add3A_286 : vector<2000x128xf32>
    %reduce_sum3A_288 = arith.constant dense<0.000000e+00> : vector<2000xf32>
    %reduce_sum3A_289 = vector.multi_reduction <add>, %mul3A_287, %reduce_sum3A_288 [1] : vector<2000x128xf32> to vector<2000xf32>
    %broadcast_in_dim3A_290 = vector.shape_cast %reduce_sum3A_289 : vector<2000xf32> to vector<2000x1xf32>
    %sqrt3A_291 = math.sqrt %broadcast_in_dim3A_290 : vector<2000x1xf32>
    %max3A_292 = arith.constant 9.99999996E-13 : f32
    %max3A_293 = vector.broadcast %max3A_292 : f32 to vector<2000x1xf32>
    %max3A_294 = arith.maximumf %sqrt3A_291, %max3A_293 : vector<2000x1xf32>
    %div3A_295 = vector.broadcast %max3A_294 : vector<2000x1xf32> to vector<2000x128xf32>
    %div3A_296 = arith.divf %add3A_286, %div3A_295 : vector<2000x128xf32>
    %convert_element_type3A_297 = arith.truncf %div3A_296 : vector<2000x128xf32> to vector<2000x128xbf16>
    %get3A_298 = arith.constant 128 : index
    %get3A_299 = arith.constant 0 : index
    %get3A_300 = vector.load %arg17[%get3A_298, %get3A_299] : memref<512x128xbf16, #tpu.memory_space<vmem>>, vector<128x128xbf16>
    %dot_general3A_301 = arith.constant dense<0.000000e+00> : vector<2000x128xf32>
    %dot_general3A_302 = tpu.matmul %convert_element_type3A_297, %get3A_300, %dot_general3A_301 {dimension_numbers = #tpu.dot_dimension_numbers<[1], [0], [0], [1], [0, 0, 1, 1], [], []>, transpose_lhs_hint = false} : vector<2000x128xbf16>, vector<128x128xbf16>, vector<2000x128xf32> -> vector<2000x128xf32>
    %get3A_303 = arith.constant 128 : index
    %get3A_304 = arith.constant 0 : index
    %get3A_305 = vector.load %arg19[%get3A_303, %get3A_304] : memref<512x128xbf16, #tpu.memory_space<vmem>>, vector<128x128xbf16>
    %dot_general3A_306 = arith.constant dense<0.000000e+00> : vector<2000x128xf32>
    %dot_general3A_307 = tpu.matmul %convert_element_type3A_297, %get3A_305, %dot_general3A_306 {dimension_numbers = #tpu.dot_dimension_numbers<[1], [0], [0], [1], [0, 0, 1, 1], [], []>, transpose_lhs_hint = false} : vector<2000x128xbf16>, vector<128x128xbf16>, vector<2000x128xf32> -> vector<2000x128xf32>
    %add3A_308 = arith.addf %dot_general3A_140, %dot_general3A_302 : vector<2000x128xf32>
    %add3A_309 = arith.addf %dot_general3A_145, %dot_general3A_307 : vector<2000x128xf32>
    %get3A_310 = arith.constant 0 : index
    %get3A_311 = arith.constant 0 : index
    %get3A_312 = vector.load %arg7[%get3A_310, %get3A_311] : memref<1000x128xi32, #tpu.memory_space<vmem>>, vector<1000x128xi32>
    %slice3A_313 = vector.extract_strided_slice %get3A_312 {offsets = [0, 0], sizes = [1000, 64], strides = [1, 1]} : vector<1000x128xi32> to vector<1000x64xi32>
    %bitcast3A_314 = tpu.bitcast %slice3A_313 : vector<1000x64xi32> -> vector<1000x64xi32>
    %and3A_315 = arith.constant 65535 : i32
    %and3A_316 = vector.broadcast %and3A_315 : i32 to vector<1000x64xi32>
    %and3A_317 = arith.andi %bitcast3A_314, %and3A_316 : vector<1000x64xi32>
    %convert_element_type3A_318 = arith.trunci %and3A_317 : vector<1000x64xi32> to vector<1000x64xi16>
    %bitcast3A_319 = tpu.bitcast %convert_element_type3A_318 : vector<1000x64xi16> -> vector<1000x64xbf16>
    %shift_right_logical3A_320 = arith.constant 16 : i32
    %shift_right_logical3A_321 = vector.broadcast %shift_right_logical3A_320 : i32 to vector<1000x64xi32>
    %shift_right_logical3A_322 = arith.shrui %bitcast3A_314, %shift_right_logical3A_321 : vector<1000x64xi32>
    %convert_element_type3A_323 = arith.trunci %shift_right_logical3A_322 : vector<1000x64xi32> to vector<1000x64xi16>
    %bitcast3A_324 = tpu.bitcast %convert_element_type3A_323 : vector<1000x64xi16> -> vector<1000x64xbf16>
    %concatenate3A_325 = tpu.concatenate %bitcast3A_319, %bitcast3A_324 in 1 : vector<1000x64xbf16>, vector<1000x64xbf16> -> vector<1000x128xbf16>
    %slice3A_326 = vector.extract_strided_slice %get3A_312 {offsets = [0, 64], sizes = [1000, 64], strides = [1, 1]} : vector<1000x128xi32> to vector<1000x64xi32>
    %bitcast3A_327 = tpu.bitcast %slice3A_326 : vector<1000x64xi32> -> vector<1000x64xi32>
    %and3A_328 = arith.constant 65535 : i32
    %and3A_329 = vector.broadcast %and3A_328 : i32 to vector<1000x64xi32>
    %and3A_330 = arith.andi %bitcast3A_327, %and3A_329 : vector<1000x64xi32>
    %convert_element_type3A_331 = arith.trunci %and3A_330 : vector<1000x64xi32> to vector<1000x64xi16>
    %bitcast3A_332 = tpu.bitcast %convert_element_type3A_331 : vector<1000x64xi16> -> vector<1000x64xbf16>
    %shift_right_logical3A_333 = arith.constant 16 : i32
    %shift_right_logical3A_334 = vector.broadcast %shift_right_logical3A_333 : i32 to vector<1000x64xi32>
    %shift_right_logical3A_335 = arith.shrui %bitcast3A_327, %shift_right_logical3A_334 : vector<1000x64xi32>
    %convert_element_type3A_336 = arith.trunci %shift_right_logical3A_335 : vector<1000x64xi32> to vector<1000x64xi16>
    %bitcast3A_337 = tpu.bitcast %convert_element_type3A_336 : vector<1000x64xi16> -> vector<1000x64xbf16>
    %concatenate3A_338 = tpu.concatenate %bitcast3A_332, %bitcast3A_337 in 1 : vector<1000x64xbf16>, vector<1000x64xbf16> -> vector<1000x128xbf16>
    %concatenate3A_339 = tpu.concatenate %concatenate3A_325, %concatenate3A_338 in 0 : vector<1000x128xbf16>, vector<1000x128xbf16> -> vector<2000x128xbf16>
    %get3A_340 = arith.constant 0 : index
    %get3A_341 = arith.constant 0 : index
    %get3A_342 = vector.load %arg13[%get3A_340, %get3A_341] : memref<384x128xbf16, #tpu.memory_space<vmem>>, vector<128x128xbf16>
    %dot_general3A_343 = arith.constant dense<0.000000e+00> : vector<2000x128xf32>
    %dot_general3A_344 = tpu.matmul %concatenate3A_339, %get3A_342, %dot_general3A_343 {dimension_numbers = #tpu.dot_dimension_numbers<[1], [0], [0], [1], [0, 0, 1, 1], [], []>, transpose_lhs_hint = false} : vector<2000x128xbf16>, vector<128x128xbf16>, vector<2000x128xf32> -> vector<2000x128xf32>
    %get3A_345 = arith.constant 0 : index
    %get3A_346 = arith.constant 0 : index
    %get3A_347 = vector.load %arg15[%get3A_345, %get3A_346] : memref<384x128xbf16, #tpu.memory_space<vmem>>, vector<128x128xbf16>
    %dot_general3A_348 = arith.constant dense<0.000000e+00> : vector<2000x128xf32>
    %dot_general3A_349 = tpu.matmul %concatenate3A_339, %get3A_347, %dot_general3A_348 {dimension_numbers = #tpu.dot_dimension_numbers<[1], [0], [0], [1], [0, 0, 1, 1], [], []>, transpose_lhs_hint = false} : vector<2000x128xbf16>, vector<128x128xbf16>, vector<2000x128xf32> -> vector<2000x128xf32>
    %get3A_350 = arith.constant 0 : index
    %get3A_351 = arith.constant 0 : index
    %get3A_352 = vector.load %arg8[%get3A_350, %get3A_351] : memref<1000x128xi32, #tpu.memory_space<vmem>>, vector<1000x128xi32>
    %slice3A_353 = vector.extract_strided_slice %get3A_352 {offsets = [0, 0], sizes = [1000, 64], strides = [1, 1]} : vector<1000x128xi32> to vector<1000x64xi32>
    %bitcast3A_354 = tpu.bitcast %slice3A_353 : vector<1000x64xi32> -> vector<1000x64xi32>
    %and3A_355 = arith.constant 65535 : i32
    %and3A_356 = vector.broadcast %and3A_355 : i32 to vector<1000x64xi32>
    %and3A_357 = arith.andi %bitcast3A_354, %and3A_356 : vector<1000x64xi32>
    %convert_element_type3A_358 = arith.trunci %and3A_357 : vector<1000x64xi32> to vector<1000x64xi16>
    %bitcast3A_359 = tpu.bitcast %convert_element_type3A_358 : vector<1000x64xi16> -> vector<1000x64xbf16>
    %shift_right_logical3A_360 = arith.constant 16 : i32
    %shift_right_logical3A_361 = vector.broadcast %shift_right_logical3A_360 : i32 to vector<1000x64xi32>
    %shift_right_logical3A_362 = arith.shrui %bitcast3A_354, %shift_right_logical3A_361 : vector<1000x64xi32>
    %convert_element_type3A_363 = arith.trunci %shift_right_logical3A_362 : vector<1000x64xi32> to vector<1000x64xi16>
    %bitcast3A_364 = tpu.bitcast %convert_element_type3A_363 : vector<1000x64xi16> -> vector<1000x64xbf16>
    %concatenate3A_365 = tpu.concatenate %bitcast3A_359, %bitcast3A_364 in 1 : vector<1000x64xbf16>, vector<1000x64xbf16> -> vector<1000x128xbf16>
    %slice3A_366 = vector.extract_strided_slice %get3A_352 {offsets = [0, 64], sizes = [1000, 64], strides = [1, 1]} : vector<1000x128xi32> to vector<1000x64xi32>
    %bitcast3A_367 = tpu.bitcast %slice3A_366 : vector<1000x64xi32> -> vector<1000x64xi32>
    %and3A_368 = arith.constant 65535 : i32
    %and3A_369 = vector.broadcast %and3A_368 : i32 to vector<1000x64xi32>
    %and3A_370 = arith.andi %bitcast3A_367, %and3A_369 : vector<1000x64xi32>
    %convert_element_type3A_371 = arith.trunci %and3A_370 : vector<1000x64xi32> to vector<1000x64xi16>
    %bitcast3A_372 = tpu.bitcast %convert_element_type3A_371 : vector<1000x64xi16> -> vector<1000x64xbf16>
    %shift_right_logical3A_373 = arith.constant 16 : i32
    %shift_right_logical3A_374 = vector.broadcast %shift_right_logical3A_373 : i32 to vector<1000x64xi32>
    %shift_right_logical3A_375 = arith.shrui %bitcast3A_367, %shift_right_logical3A_374 : vector<1000x64xi32>
    %convert_element_type3A_376 = arith.trunci %shift_right_logical3A_375 : vector<1000x64xi32> to vector<1000x64xi16>
    %bitcast3A_377 = tpu.bitcast %convert_element_type3A_376 : vector<1000x64xi16> -> vector<1000x64xbf16>
    %concatenate3A_378 = tpu.concatenate %bitcast3A_372, %bitcast3A_377 in 1 : vector<1000x64xbf16>, vector<1000x64xbf16> -> vector<1000x128xbf16>
    %concatenate3A_379 = tpu.concatenate %concatenate3A_365, %concatenate3A_378 in 0 : vector<1000x128xbf16>, vector<1000x128xbf16> -> vector<2000x128xbf16>
    %get3A_380 = arith.constant 128 : index
    %get3A_381 = arith.constant 0 : index
    %get3A_382 = vector.load %arg13[%get3A_380, %get3A_381] : memref<384x128xbf16, #tpu.memory_space<vmem>>, vector<128x128xbf16>
    %dot_general3A_383 = arith.constant dense<0.000000e+00> : vector<2000x128xf32>
    %dot_general3A_384 = tpu.matmul %concatenate3A_379, %get3A_382, %dot_general3A_383 {dimension_numbers = #tpu.dot_dimension_numbers<[1], [0], [0], [1], [0, 0, 1, 1], [], []>, transpose_lhs_hint = false} : vector<2000x128xbf16>, vector<128x128xbf16>, vector<2000x128xf32> -> vector<2000x128xf32>
    %get3A_385 = arith.constant 128 : index
    %get3A_386 = arith.constant 0 : index
    %get3A_387 = vector.load %arg15[%get3A_385, %get3A_386] : memref<384x128xbf16, #tpu.memory_space<vmem>>, vector<128x128xbf16>
    %dot_general3A_388 = arith.constant dense<0.000000e+00> : vector<2000x128xf32>
    %dot_general3A_389 = tpu.matmul %concatenate3A_379, %get3A_387, %dot_general3A_388 {dimension_numbers = #tpu.dot_dimension_numbers<[1], [0], [0], [1], [0, 0, 1, 1], [], []>, transpose_lhs_hint = false} : vector<2000x128xbf16>, vector<128x128xbf16>, vector<2000x128xf32> -> vector<2000x128xf32>
    %add3A_390 = arith.addf %dot_general3A_344, %dot_general3A_384 : vector<2000x128xf32>
    %add3A_391 = arith.addf %dot_general3A_349, %dot_general3A_389 : vector<2000x128xf32>
    %get3A_392 = arith.constant 0 : index
    %get3A_393 = arith.constant 0 : index
    %get3A_394 = vector.load %arg9[%get3A_392, %get3A_393] : memref<1000x128xi32, #tpu.memory_space<vmem>>, vector<1000x128xi32>
    %slice3A_395 = vector.extract_strided_slice %get3A_394 {offsets = [0, 0], sizes = [1000, 64], strides = [1, 1]} : vector<1000x128xi32> to vector<1000x64xi32>
    %bitcast3A_396 = tpu.bitcast %slice3A_395 : vector<1000x64xi32> -> vector<1000x64xi32>
    %and3A_397 = arith.constant 65535 : i32
    %and3A_398 = vector.broadcast %and3A_397 : i32 to vector<1000x64xi32>
    %and3A_399 = arith.andi %bitcast3A_396, %and3A_398 : vector<1000x64xi32>
    %convert_element_type3A_400 = arith.trunci %and3A_399 : vector<1000x64xi32> to vector<1000x64xi16>
    %bitcast3A_401 = tpu.bitcast %convert_element_type3A_400 : vector<1000x64xi16> -> vector<1000x64xbf16>
    %shift_right_logical3A_402 = arith.constant 16 : i32
    %shift_right_logical3A_403 = vector.broadcast %shift_right_logical3A_402 : i32 to vector<1000x64xi32>
    %shift_right_logical3A_404 = arith.shrui %bitcast3A_396, %shift_right_logical3A_403 : vector<1000x64xi32>
    %convert_element_type3A_405 = arith.trunci %shift_right_logical3A_404 : vector<1000x64xi32> to vector<1000x64xi16>
    %bitcast3A_406 = tpu.bitcast %convert_element_type3A_405 : vector<1000x64xi16> -> vector<1000x64xbf16>
    %concatenate3A_407 = tpu.concatenate %bitcast3A_401, %bitcast3A_406 in 1 : vector<1000x64xbf16>, vector<1000x64xbf16> -> vector<1000x128xbf16>
    %slice3A_408 = vector.extract_strided_slice %get3A_394 {offsets = [0, 64], sizes = [1000, 64], strides = [1, 1]} : vector<1000x128xi32> to vector<1000x64xi32>
    %bitcast3A_409 = tpu.bitcast %slice3A_408 : vector<1000x64xi32> -> vector<1000x64xi32>
    %and3A_410 = arith.constant 65535 : i32
    %and3A_411 = vector.broadcast %and3A_410 : i32 to vector<1000x64xi32>
    %and3A_412 = arith.andi %bitcast3A_409, %and3A_411 : vector<1000x64xi32>
    %convert_element_type3A_413 = arith.trunci %and3A_412 : vector<1000x64xi32> to vector<1000x64xi16>
    %bitcast3A_414 = tpu.bitcast %convert_element_type3A_413 : vector<1000x64xi16> -> vector<1000x64xbf16>
    %shift_right_logical3A_415 = arith.constant 16 : i32
    %shift_right_logical3A_416 = vector.broadcast %shift_right_logical3A_415 : i32 to vector<1000x64xi32>
    %shift_right_logical3A_417 = arith.shrui %bitcast3A_409, %shift_right_logical3A_416 : vector<1000x64xi32>
    %convert_element_type3A_418 = arith.trunci %shift_right_logical3A_417 : vector<1000x64xi32> to vector<1000x64xi16>
    %bitcast3A_419 = tpu.bitcast %convert_element_type3A_418 : vector<1000x64xi16> -> vector<1000x64xbf16>
    %concatenate3A_420 = tpu.concatenate %bitcast3A_414, %bitcast3A_419 in 1 : vector<1000x64xbf16>, vector<1000x64xbf16> -> vector<1000x128xbf16>
    %concatenate3A_421 = tpu.concatenate %concatenate3A_407, %concatenate3A_420 in 0 : vector<1000x128xbf16>, vector<1000x128xbf16> -> vector<2000x128xbf16>
    %get3A_422 = arith.constant 256 : index
    %get3A_423 = arith.constant 0 : index
    %get3A_424 = vector.load %arg13[%get3A_422, %get3A_423] : memref<384x128xbf16, #tpu.memory_space<vmem>>, vector<128x128xbf16>
    %dot_general3A_425 = arith.constant dense<0.000000e+00> : vector<2000x128xf32>
    %dot_general3A_426 = tpu.matmul %concatenate3A_421, %get3A_424, %dot_general3A_425 {dimension_numbers = #tpu.dot_dimension_numbers<[1], [0], [0], [1], [0, 0, 1, 1], [], []>, transpose_lhs_hint = false} : vector<2000x128xbf16>, vector<128x128xbf16>, vector<2000x128xf32> -> vector<2000x128xf32>
    %get3A_427 = arith.constant 256 : index
    %get3A_428 = arith.constant 0 : index
    %get3A_429 = vector.load %arg15[%get3A_427, %get3A_428] : memref<384x128xbf16, #tpu.memory_space<vmem>>, vector<128x128xbf16>
    %dot_general3A_430 = arith.constant dense<0.000000e+00> : vector<2000x128xf32>
    %dot_general3A_431 = tpu.matmul %concatenate3A_421, %get3A_429, %dot_general3A_430 {dimension_numbers = #tpu.dot_dimension_numbers<[1], [0], [0], [1], [0, 0, 1, 1], [], []>, transpose_lhs_hint = false} : vector<2000x128xbf16>, vector<128x128xbf16>, vector<2000x128xf32> -> vector<2000x128xf32>
    %add3A_432 = arith.addf %add3A_390, %dot_general3A_426 : vector<2000x128xf32>
    %add3A_433 = arith.addf %add3A_391, %dot_general3A_431 : vector<2000x128xf32>
    %get3A_434 = arith.constant 0 : index
    %get3A_435 = arith.constant 0 : index
    %get3A_436 = vector.load %arg14[%get3A_434, %get3A_435] : memref<1x128xf32, #tpu.memory_space<vmem>>, vector<1x128xf32>
    %add3A_437 = vector.broadcast %get3A_436 : vector<1x128xf32> to vector<2000x128xf32>
    %add3A_438 = arith.addf %add3A_432, %add3A_437 : vector<2000x128xf32>
    %logistic3A_439 = arith.negf %add3A_438 : vector<2000x128xf32>
    %logistic3A_440 = math.exp %logistic3A_439 : vector<2000x128xf32>
    %logistic3A_441 = arith.constant 1.000000e+00 : f32
    %logistic3A_442 = vector.broadcast %logistic3A_441 : f32 to vector<2000x128xf32>
    %logistic3A_443 = arith.addf %logistic3A_442, %logistic3A_440 : vector<2000x128xf32>
    %logistic3A_444 = arith.divf %logistic3A_442, %logistic3A_443 : vector<2000x128xf32>
    %add3A_445 = arith.addf %logistic3A_444, %add3A_433 : vector<2000x128xf32>
    %get3A_446 = arith.constant 0 : index
    %get3A_447 = arith.constant 0 : index
    %get3A_448 = vector.load %arg16[%get3A_446, %get3A_447] : memref<1x128xf32, #tpu.memory_space<vmem>>, vector<1x128xf32>
    %add3A_449 = vector.broadcast %get3A_448 : vector<1x128xf32> to vector<2000x128xf32>
    %add3A_450 = arith.addf %add3A_445, %add3A_449 : vector<2000x128xf32>
    %mul3A_451 = arith.mulf %add3A_450, %add3A_450 : vector<2000x128xf32>
    %reduce_sum3A_452 = arith.constant dense<0.000000e+00> : vector<2000xf32>
    %reduce_sum3A_453 = vector.multi_reduction <add>, %mul3A_451, %reduce_sum3A_452 [1] : vector<2000x128xf32> to vector<2000xf32>
    %broadcast_in_dim3A_454 = vector.shape_cast %reduce_sum3A_453 : vector<2000xf32> to vector<2000x1xf32>
    %sqrt3A_455 = math.sqrt %broadcast_in_dim3A_454 : vector<2000x1xf32>
    %max3A_456 = arith.constant 9.99999996E-13 : f32
    %max3A_457 = vector.broadcast %max3A_456 : f32 to vector<2000x1xf32>
    %max3A_458 = arith.maximumf %sqrt3A_455, %max3A_457 : vector<2000x1xf32>
    %div3A_459 = vector.broadcast %max3A_458 : vector<2000x1xf32> to vector<2000x128xf32>
    %div3A_460 = arith.divf %add3A_450, %div3A_459 : vector<2000x128xf32>
    %convert_element_type3A_461 = arith.truncf %div3A_460 : vector<2000x128xf32> to vector<2000x128xbf16>
    %get3A_462 = arith.constant 256 : index
    %get3A_463 = arith.constant 0 : index
    %get3A_464 = vector.load %arg17[%get3A_462, %get3A_463] : memref<512x128xbf16, #tpu.memory_space<vmem>>, vector<128x128xbf16>
    %dot_general3A_465 = arith.constant dense<0.000000e+00> : vector<2000x128xf32>
    %dot_general3A_466 = tpu.matmul %convert_element_type3A_461, %get3A_464, %dot_general3A_465 {dimension_numbers = #tpu.dot_dimension_numbers<[1], [0], [0], [1], [0, 0, 1, 1], [], []>, transpose_lhs_hint = false} : vector<2000x128xbf16>, vector<128x128xbf16>, vector<2000x128xf32> -> vector<2000x128xf32>
    %get3A_467 = arith.constant 256 : index
    %get3A_468 = arith.constant 0 : index
    %get3A_469 = vector.load %arg19[%get3A_467, %get3A_468] : memref<512x128xbf16, #tpu.memory_space<vmem>>, vector<128x128xbf16>
    %dot_general3A_470 = arith.constant dense<0.000000e+00> : vector<2000x128xf32>
    %dot_general3A_471 = tpu.matmul %convert_element_type3A_461, %get3A_469, %dot_general3A_470 {dimension_numbers = #tpu.dot_dimension_numbers<[1], [0], [0], [1], [0, 0, 1, 1], [], []>, transpose_lhs_hint = false} : vector<2000x128xbf16>, vector<128x128xbf16>, vector<2000x128xf32> -> vector<2000x128xf32>
    %add3A_472 = arith.addf %add3A_308, %dot_general3A_466 : vector<2000x128xf32>
    %add3A_473 = arith.addf %add3A_309, %dot_general3A_471 : vector<2000x128xf32>
    %get3A_474 = arith.constant 0 : index
    %get3A_475 = arith.constant 0 : index
    %get3A_476 = vector.load %arg10[%get3A_474, %get3A_475] : memref<1000x128xi32, #tpu.memory_space<vmem>>, vector<1000x128xi32>
    %slice3A_477 = vector.extract_strided_slice %get3A_476 {offsets = [0, 0], sizes = [1000, 64], strides = [1, 1]} : vector<1000x128xi32> to vector<1000x64xi32>
    %bitcast3A_478 = tpu.bitcast %slice3A_477 : vector<1000x64xi32> -> vector<1000x64xi32>
    %and3A_479 = arith.constant 65535 : i32
    %and3A_480 = vector.broadcast %and3A_479 : i32 to vector<1000x64xi32>
    %and3A_481 = arith.andi %bitcast3A_478, %and3A_480 : vector<1000x64xi32>
    %convert_element_type3A_482 = arith.trunci %and3A_481 : vector<1000x64xi32> to vector<1000x64xi16>
    %bitcast3A_483 = tpu.bitcast %convert_element_type3A_482 : vector<1000x64xi16> -> vector<1000x64xbf16>
    %shift_right_logical3A_484 = arith.constant 16 : i32
    %shift_right_logical3A_485 = vector.broadcast %shift_right_logical3A_484 : i32 to vector<1000x64xi32>
    %shift_right_logical3A_486 = arith.shrui %bitcast3A_478, %shift_right_logical3A_485 : vector<1000x64xi32>
    %convert_element_type3A_487 = arith.trunci %shift_right_logical3A_486 : vector<1000x64xi32> to vector<1000x64xi16>
    %bitcast3A_488 = tpu.bitcast %convert_element_type3A_487 : vector<1000x64xi16> -> vector<1000x64xbf16>
    %concatenate3A_489 = tpu.concatenate %bitcast3A_483, %bitcast3A_488 in 1 : vector<1000x64xbf16>, vector<1000x64xbf16> -> vector<1000x128xbf16>
    %slice3A_490 = vector.extract_strided_slice %get3A_476 {offsets = [0, 64], sizes = [1000, 64], strides = [1, 1]} : vector<1000x128xi32> to vector<1000x64xi32>
    %bitcast3A_491 = tpu.bitcast %slice3A_490 : vector<1000x64xi32> -> vector<1000x64xi32>
    %and3A_492 = arith.constant 65535 : i32
    %and3A_493 = vector.broadcast %and3A_492 : i32 to vector<1000x64xi32>
    %and3A_494 = arith.andi %bitcast3A_491, %and3A_493 : vector<1000x64xi32>
    %convert_element_type3A_495 = arith.trunci %and3A_494 : vector<1000x64xi32> to vector<1000x64xi16>
    %bitcast3A_496 = tpu.bitcast %convert_element_type3A_495 : vector<1000x64xi16> -> vector<1000x64xbf16>
    %shift_right_logical3A_497 = arith.constant 16 : i32
    %shift_right_logical3A_498 = vector.broadcast %shift_right_logical3A_497 : i32 to vector<1000x64xi32>
    %shift_right_logical3A_499 = arith.shrui %bitcast3A_491, %shift_right_logical3A_498 : vector<1000x64xi32>
    %convert_element_type3A_500 = arith.trunci %shift_right_logical3A_499 : vector<1000x64xi32> to vector<1000x64xi16>
    %bitcast3A_501 = tpu.bitcast %convert_element_type3A_500 : vector<1000x64xi16> -> vector<1000x64xbf16>
    %concatenate3A_502 = tpu.concatenate %bitcast3A_496, %bitcast3A_501 in 1 : vector<1000x64xbf16>, vector<1000x64xbf16> -> vector<1000x128xbf16>
    %concatenate3A_503 = tpu.concatenate %concatenate3A_489, %concatenate3A_502 in 0 : vector<1000x128xbf16>, vector<1000x128xbf16> -> vector<2000x128xbf16>
    %get3A_504 = arith.constant 0 : index
    %get3A_505 = arith.constant 0 : index
    %get3A_506 = vector.load %arg13[%get3A_504, %get3A_505] : memref<384x128xbf16, #tpu.memory_space<vmem>>, vector<128x128xbf16>
    %dot_general3A_507 = arith.constant dense<0.000000e+00> : vector<2000x128xf32>
    %dot_general3A_508 = tpu.matmul %concatenate3A_503, %get3A_506, %dot_general3A_507 {dimension_numbers = #tpu.dot_dimension_numbers<[1], [0], [0], [1], [0, 0, 1, 1], [], []>, transpose_lhs_hint = false} : vector<2000x128xbf16>, vector<128x128xbf16>, vector<2000x128xf32> -> vector<2000x128xf32>
    %get3A_509 = arith.constant 0 : index
    %get3A_510 = arith.constant 0 : index
    %get3A_511 = vector.load %arg15[%get3A_509, %get3A_510] : memref<384x128xbf16, #tpu.memory_space<vmem>>, vector<128x128xbf16>
    %dot_general3A_512 = arith.constant dense<0.000000e+00> : vector<2000x128xf32>
    %dot_general3A_513 = tpu.matmul %concatenate3A_503, %get3A_511, %dot_general3A_512 {dimension_numbers = #tpu.dot_dimension_numbers<[1], [0], [0], [1], [0, 0, 1, 1], [], []>, transpose_lhs_hint = false} : vector<2000x128xbf16>, vector<128x128xbf16>, vector<2000x128xf32> -> vector<2000x128xf32>
    %get3A_514 = arith.constant 0 : index
    %get3A_515 = arith.constant 0 : index
    %get3A_516 = vector.load %arg11[%get3A_514, %get3A_515] : memref<1000x128xi32, #tpu.memory_space<vmem>>, vector<1000x128xi32>
    %slice3A_517 = vector.extract_strided_slice %get3A_516 {offsets = [0, 0], sizes = [1000, 64], strides = [1, 1]} : vector<1000x128xi32> to vector<1000x64xi32>
    %bitcast3A_518 = tpu.bitcast %slice3A_517 : vector<1000x64xi32> -> vector<1000x64xi32>
    %and3A_519 = arith.constant 65535 : i32
    %and3A_520 = vector.broadcast %and3A_519 : i32 to vector<1000x64xi32>
    %and3A_521 = arith.andi %bitcast3A_518, %and3A_520 : vector<1000x64xi32>
    %convert_element_type3A_522 = arith.trunci %and3A_521 : vector<1000x64xi32> to vector<1000x64xi16>
    %bitcast3A_523 = tpu.bitcast %convert_element_type3A_522 : vector<1000x64xi16> -> vector<1000x64xbf16>
    %shift_right_logical3A_524 = arith.constant 16 : i32
    %shift_right_logical3A_525 = vector.broadcast %shift_right_logical3A_524 : i32 to vector<1000x64xi32>
    %shift_right_logical3A_526 = arith.shrui %bitcast3A_518, %shift_right_logical3A_525 : vector<1000x64xi32>
    %convert_element_type3A_527 = arith.trunci %shift_right_logical3A_526 : vector<1000x64xi32> to vector<1000x64xi16>
    %bitcast3A_528 = tpu.bitcast %convert_element_type3A_527 : vector<1000x64xi16> -> vector<1000x64xbf16>
    %concatenate3A_529 = tpu.concatenate %bitcast3A_523, %bitcast3A_528 in 1 : vector<1000x64xbf16>, vector<1000x64xbf16> -> vector<1000x128xbf16>
    %slice3A_530 = vector.extract_strided_slice %get3A_516 {offsets = [0, 64], sizes = [1000, 64], strides = [1, 1]} : vector<1000x128xi32> to vector<1000x64xi32>
    %bitcast3A_531 = tpu.bitcast %slice3A_530 : vector<1000x64xi32> -> vector<1000x64xi32>
    %and3A_532 = arith.constant 65535 : i32
    %and3A_533 = vector.broadcast %and3A_532 : i32 to vector<1000x64xi32>
    %and3A_534 = arith.andi %bitcast3A_531, %and3A_533 : vector<1000x64xi32>
    %convert_element_type3A_535 = arith.trunci %and3A_534 : vector<1000x64xi32> to vector<1000x64xi16>
    %bitcast3A_536 = tpu.bitcast %convert_element_type3A_535 : vector<1000x64xi16> -> vector<1000x64xbf16>
    %shift_right_logical3A_537 = arith.constant 16 : i32
    %shift_right_logical3A_538 = vector.broadcast %shift_right_logical3A_537 : i32 to vector<1000x64xi32>
    %shift_right_logical3A_539 = arith.shrui %bitcast3A_531, %shift_right_logical3A_538 : vector<1000x64xi32>
    %convert_element_type3A_540 = arith.trunci %shift_right_logical3A_539 : vector<1000x64xi32> to vector<1000x64xi16>
    %bitcast3A_541 = tpu.bitcast %convert_element_type3A_540 : vector<1000x64xi16> -> vector<1000x64xbf16>
    %concatenate3A_542 = tpu.concatenate %bitcast3A_536, %bitcast3A_541 in 1 : vector<1000x64xbf16>, vector<1000x64xbf16> -> vector<1000x128xbf16>
    %concatenate3A_543 = tpu.concatenate %concatenate3A_529, %concatenate3A_542 in 0 : vector<1000x128xbf16>, vector<1000x128xbf16> -> vector<2000x128xbf16>
    %get3A_544 = arith.constant 128 : index
    %get3A_545 = arith.constant 0 : index
    %get3A_546 = vector.load %arg13[%get3A_544, %get3A_545] : memref<384x128xbf16, #tpu.memory_space<vmem>>, vector<128x128xbf16>
    %dot_general3A_547 = arith.constant dense<0.000000e+00> : vector<2000x128xf32>
    %dot_general3A_548 = tpu.matmul %concatenate3A_543, %get3A_546, %dot_general3A_547 {dimension_numbers = #tpu.dot_dimension_numbers<[1], [0], [0], [1], [0, 0, 1, 1], [], []>, transpose_lhs_hint = false} : vector<2000x128xbf16>, vector<128x128xbf16>, vector<2000x128xf32> -> vector<2000x128xf32>
    %get3A_549 = arith.constant 128 : index
    %get3A_550 = arith.constant 0 : index
    %get3A_551 = vector.load %arg15[%get3A_549, %get3A_550] : memref<384x128xbf16, #tpu.memory_space<vmem>>, vector<128x128xbf16>
    %dot_general3A_552 = arith.constant dense<0.000000e+00> : vector<2000x128xf32>
    %dot_general3A_553 = tpu.matmul %concatenate3A_543, %get3A_551, %dot_general3A_552 {dimension_numbers = #tpu.dot_dimension_numbers<[1], [0], [0], [1], [0, 0, 1, 1], [], []>, transpose_lhs_hint = false} : vector<2000x128xbf16>, vector<128x128xbf16>, vector<2000x128xf32> -> vector<2000x128xf32>
    %add3A_554 = arith.addf %dot_general3A_508, %dot_general3A_548 : vector<2000x128xf32>
    %add3A_555 = arith.addf %dot_general3A_513, %dot_general3A_553 : vector<2000x128xf32>
    %get3A_556 = arith.constant 0 : index
    %get3A_557 = arith.constant 0 : index
    %get3A_558 = vector.load %arg12[%get3A_556, %get3A_557] : memref<1000x128xi32, #tpu.memory_space<vmem>>, vector<1000x128xi32>
    %slice3A_559 = vector.extract_strided_slice %get3A_558 {offsets = [0, 0], sizes = [1000, 64], strides = [1, 1]} : vector<1000x128xi32> to vector<1000x64xi32>
    %bitcast3A_560 = tpu.bitcast %slice3A_559 : vector<1000x64xi32> -> vector<1000x64xi32>
    %and3A_561 = arith.constant 65535 : i32
    %and3A_562 = vector.broadcast %and3A_561 : i32 to vector<1000x64xi32>
    %and3A_563 = arith.andi %bitcast3A_560, %and3A_562 : vector<1000x64xi32>
    %convert_element_type3A_564 = arith.trunci %and3A_563 : vector<1000x64xi32> to vector<1000x64xi16>
    %bitcast3A_565 = tpu.bitcast %convert_element_type3A_564 : vector<1000x64xi16> -> vector<1000x64xbf16>
    %shift_right_logical3A_566 = arith.constant 16 : i32
    %shift_right_logical3A_567 = vector.broadcast %shift_right_logical3A_566 : i32 to vector<1000x64xi32>
    %shift_right_logical3A_568 = arith.shrui %bitcast3A_560, %shift_right_logical3A_567 : vector<1000x64xi32>
    %convert_element_type3A_569 = arith.trunci %shift_right_logical3A_568 : vector<1000x64xi32> to vector<1000x64xi16>
    %bitcast3A_570 = tpu.bitcast %convert_element_type3A_569 : vector<1000x64xi16> -> vector<1000x64xbf16>
    %concatenate3A_571 = tpu.concatenate %bitcast3A_565, %bitcast3A_570 in 1 : vector<1000x64xbf16>, vector<1000x64xbf16> -> vector<1000x128xbf16>
    %slice3A_572 = vector.extract_strided_slice %get3A_558 {offsets = [0, 64], sizes = [1000, 64], strides = [1, 1]} : vector<1000x128xi32> to vector<1000x64xi32>
    %bitcast3A_573 = tpu.bitcast %slice3A_572 : vector<1000x64xi32> -> vector<1000x64xi32>
    %and3A_574 = arith.constant 65535 : i32
    %and3A_575 = vector.broadcast %and3A_574 : i32 to vector<1000x64xi32>
    %and3A_576 = arith.andi %bitcast3A_573, %and3A_575 : vector<1000x64xi32>
    %convert_element_type3A_577 = arith.trunci %and3A_576 : vector<1000x64xi32> to vector<1000x64xi16>
    %bitcast3A_578 = tpu.bitcast %convert_element_type3A_577 : vector<1000x64xi16> -> vector<1000x64xbf16>
    %shift_right_logical3A_579 = arith.constant 16 : i32
    %shift_right_logical3A_580 = vector.broadcast %shift_right_logical3A_579 : i32 to vector<1000x64xi32>
    %shift_right_logical3A_581 = arith.shrui %bitcast3A_573, %shift_right_logical3A_580 : vector<1000x64xi32>
    %convert_element_type3A_582 = arith.trunci %shift_right_logical3A_581 : vector<1000x64xi32> to vector<1000x64xi16>
    %bitcast3A_583 = tpu.bitcast %convert_element_type3A_582 : vector<1000x64xi16> -> vector<1000x64xbf16>
    %concatenate3A_584 = tpu.concatenate %bitcast3A_578, %bitcast3A_583 in 1 : vector<1000x64xbf16>, vector<1000x64xbf16> -> vector<1000x128xbf16>
    %concatenate3A_585 = tpu.concatenate %concatenate3A_571, %concatenate3A_584 in 0 : vector<1000x128xbf16>, vector<1000x128xbf16> -> vector<2000x128xbf16>
    %get3A_586 = arith.constant 256 : index
    %get3A_587 = arith.constant 0 : index
    %get3A_588 = vector.load %arg13[%get3A_586, %get3A_587] : memref<384x128xbf16, #tpu.memory_space<vmem>>, vector<128x128xbf16>
    %dot_general3A_589 = arith.constant dense<0.000000e+00> : vector<2000x128xf32>
    %dot_general3A_590 = tpu.matmul %concatenate3A_585, %get3A_588, %dot_general3A_589 {dimension_numbers = #tpu.dot_dimension_numbers<[1], [0], [0], [1], [0, 0, 1, 1], [], []>, transpose_lhs_hint = false} : vector<2000x128xbf16>, vector<128x128xbf16>, vector<2000x128xf32> -> vector<2000x128xf32>
    %get3A_591 = arith.constant 256 : index
    %get3A_592 = arith.constant 0 : index
    %get3A_593 = vector.load %arg15[%get3A_591, %get3A_592] : memref<384x128xbf16, #tpu.memory_space<vmem>>, vector<128x128xbf16>
    %dot_general3A_594 = arith.constant dense<0.000000e+00> : vector<2000x128xf32>
    %dot_general3A_595 = tpu.matmul %concatenate3A_585, %get3A_593, %dot_general3A_594 {dimension_numbers = #tpu.dot_dimension_numbers<[1], [0], [0], [1], [0, 0, 1, 1], [], []>, transpose_lhs_hint = false} : vector<2000x128xbf16>, vector<128x128xbf16>, vector<2000x128xf32> -> vector<2000x128xf32>
    %add3A_596 = arith.addf %add3A_554, %dot_general3A_590 : vector<2000x128xf32>
    %add3A_597 = arith.addf %add3A_555, %dot_general3A_595 : vector<2000x128xf32>
    %get3A_598 = arith.constant 0 : index
    %get3A_599 = arith.constant 0 : index
    %get3A_600 = vector.load %arg14[%get3A_598, %get3A_599] : memref<1x128xf32, #tpu.memory_space<vmem>>, vector<1x128xf32>
    %add3A_601 = vector.broadcast %get3A_600 : vector<1x128xf32> to vector<2000x128xf32>
    %add3A_602 = arith.addf %add3A_596, %add3A_601 : vector<2000x128xf32>
    %logistic3A_603 = arith.negf %add3A_602 : vector<2000x128xf32>
    %logistic3A_604 = math.exp %logistic3A_603 : vector<2000x128xf32>
    %logistic3A_605 = arith.constant 1.000000e+00 : f32
    %logistic3A_606 = vector.broadcast %logistic3A_605 : f32 to vector<2000x128xf32>
    %logistic3A_607 = arith.addf %logistic3A_606, %logistic3A_604 : vector<2000x128xf32>
    %logistic3A_608 = arith.divf %logistic3A_606, %logistic3A_607 : vector<2000x128xf32>
    %add3A_609 = arith.addf %logistic3A_608, %add3A_597 : vector<2000x128xf32>
    %get3A_610 = arith.constant 0 : index
    %get3A_611 = arith.constant 0 : index
    %get3A_612 = vector.load %arg16[%get3A_610, %get3A_611] : memref<1x128xf32, #tpu.memory_space<vmem>>, vector<1x128xf32>
    %add3A_613 = vector.broadcast %get3A_612 : vector<1x128xf32> to vector<2000x128xf32>
    %add3A_614 = arith.addf %add3A_609, %add3A_613 : vector<2000x128xf32>
    %mul3A_615 = arith.mulf %add3A_614, %add3A_614 : vector<2000x128xf32>
    %reduce_sum3A_616 = arith.constant dense<0.000000e+00> : vector<2000xf32>
    %reduce_sum3A_617 = vector.multi_reduction <add>, %mul3A_615, %reduce_sum3A_616 [1] : vector<2000x128xf32> to vector<2000xf32>
    %broadcast_in_dim3A_618 = vector.shape_cast %reduce_sum3A_617 : vector<2000xf32> to vector<2000x1xf32>
    %sqrt3A_619 = math.sqrt %broadcast_in_dim3A_618 : vector<2000x1xf32>
    %max3A_620 = arith.constant 9.99999996E-13 : f32
    %max3A_621 = vector.broadcast %max3A_620 : f32 to vector<2000x1xf32>
    %max3A_622 = arith.maximumf %sqrt3A_619, %max3A_621 : vector<2000x1xf32>
    %div3A_623 = vector.broadcast %max3A_622 : vector<2000x1xf32> to vector<2000x128xf32>
    %div3A_624 = arith.divf %add3A_614, %div3A_623 : vector<2000x128xf32>
    %convert_element_type3A_625 = arith.truncf %div3A_624 : vector<2000x128xf32> to vector<2000x128xbf16>
    %get3A_626 = arith.constant 384 : index
    %get3A_627 = arith.constant 0 : index
    %get3A_628 = vector.load %arg17[%get3A_626, %get3A_627] : memref<512x128xbf16, #tpu.memory_space<vmem>>, vector<128x128xbf16>
    %dot_general3A_629 = arith.constant dense<0.000000e+00> : vector<2000x128xf32>
    %dot_general3A_630 = tpu.matmul %convert_element_type3A_625, %get3A_628, %dot_general3A_629 {dimension_numbers = #tpu.dot_dimension_numbers<[1], [0], [0], [1], [0, 0, 1, 1], [], []>, transpose_lhs_hint = false} : vector<2000x128xbf16>, vector<128x128xbf16>, vector<2000x128xf32> -> vector<2000x128xf32>
    %get3A_631 = arith.constant 384 : index
    %get3A_632 = arith.constant 0 : index
    %get3A_633 = vector.load %arg19[%get3A_631, %get3A_632] : memref<512x128xbf16, #tpu.memory_space<vmem>>, vector<128x128xbf16>
    %dot_general3A_634 = arith.constant dense<0.000000e+00> : vector<2000x128xf32>
    %dot_general3A_635 = tpu.matmul %convert_element_type3A_625, %get3A_633, %dot_general3A_634 {dimension_numbers = #tpu.dot_dimension_numbers<[1], [0], [0], [1], [0, 0, 1, 1], [], []>, transpose_lhs_hint = false} : vector<2000x128xbf16>, vector<128x128xbf16>, vector<2000x128xf32> -> vector<2000x128xf32>
    %add3A_636 = arith.addf %add3A_472, %dot_general3A_630 : vector<2000x128xf32>
    %add3A_637 = arith.addf %add3A_473, %dot_general3A_635 : vector<2000x128xf32>
    %get3A_638 = arith.constant 0 : index
    %get3A_639 = arith.constant 0 : index
    %get3A_640 = vector.load %arg18[%get3A_638, %get3A_639] : memref<1x128xf32, #tpu.memory_space<vmem>>, vector<1x128xf32>
    %add3A_641 = vector.broadcast %get3A_640 : vector<1x128xf32> to vector<2000x128xf32>
    %add3A_642 = arith.addf %add3A_636, %add3A_641 : vector<2000x128xf32>
    %logistic3A_643 = arith.negf %add3A_642 : vector<2000x128xf32>
    %logistic3A_644 = math.exp %logistic3A_643 : vector<2000x128xf32>
    %logistic3A_645 = arith.constant 1.000000e+00 : f32
    %logistic3A_646 = vector.broadcast %logistic3A_645 : f32 to vector<2000x128xf32>
    %logistic3A_647 = arith.addf %logistic3A_646, %logistic3A_644 : vector<2000x128xf32>
    %logistic3A_648 = arith.divf %logistic3A_646, %logistic3A_647 : vector<2000x128xf32>
    %add3A_649 = arith.addf %logistic3A_648, %add3A_637 : vector<2000x128xf32>
    %get3A_650 = arith.constant 0 : index
    %get3A_651 = arith.constant 0 : index
    %get3A_652 = vector.load %arg20[%get3A_650, %get3A_651] : memref<1x128xf32, #tpu.memory_space<vmem>>, vector<1x128xf32>
    %add3A_653 = vector.broadcast %get3A_652 : vector<1x128xf32> to vector<2000x128xf32>
    %add3A_654 = arith.addf %add3A_649, %add3A_653 : vector<2000x128xf32>
    %mul3A_655 = arith.mulf %add3A_654, %add3A_654 : vector<2000x128xf32>
    %reduce_sum3A_656 = arith.constant dense<0.000000e+00> : vector<2000xf32>
    %reduce_sum3A_657 = vector.multi_reduction <add>, %mul3A_655, %reduce_sum3A_656 [1] : vector<2000x128xf32> to vector<2000xf32>
    %broadcast_in_dim3A_658 = vector.shape_cast %reduce_sum3A_657 : vector<2000xf32> to vector<2000x1xf32>
    %sqrt3A_659 = math.sqrt %broadcast_in_dim3A_658 : vector<2000x1xf32>
    %max3A_660 = arith.constant 9.99999996E-13 : f32
    %max3A_661 = vector.broadcast %max3A_660 : f32 to vector<2000x1xf32>
    %max3A_662 = arith.maximumf %sqrt3A_659, %max3A_661 : vector<2000x1xf32>
    %div3A_663 = vector.broadcast %max3A_662 : vector<2000x1xf32> to vector<2000x128xf32>
    %div3A_664 = arith.divf %add3A_654, %div3A_663 : vector<2000x128xf32>
    %convert_element_type3A_665 = arith.truncf %div3A_664 : vector<2000x128xf32> to vector<2000x128xbf16>
    %slice3A_666 = vector.extract_strided_slice %convert_element_type3A_665 {offsets = [0, 0], sizes = [2000, 64], strides = [1, 1]} : vector<2000x128xbf16> to vector<2000x64xbf16>
    %bitcast3A_667 = tpu.bitcast %slice3A_666 : vector<2000x64xbf16> -> vector<2000x64xi16>
    %convert_element_type3A_668 = arith.extui %bitcast3A_667 : vector<2000x64xi16> to vector<2000x64xi32>
    %slice3A_669 = vector.extract_strided_slice %convert_element_type3A_665 {offsets = [0, 64], sizes = [2000, 64], strides = [1, 1]} : vector<2000x128xbf16> to vector<2000x64xbf16>
    %bitcast3A_670 = tpu.bitcast %slice3A_669 : vector<2000x64xbf16> -> vector<2000x64xi16>
    %convert_element_type3A_671 = arith.extui %bitcast3A_670 : vector<2000x64xi16> to vector<2000x64xi32>
    %shift_left3A = arith.constant 16 : i32
    %shift_left3A_672 = vector.broadcast %shift_left3A : i32 to vector<2000x64xi32>
    %shift_left3A_673 = arith.shli %convert_element_type3A_671, %shift_left3A_672 : vector<2000x64xi32>
    %or3A = arith.ori %convert_element_type3A_668, %shift_left3A_673 : vector<2000x64xi32>
    %bitcast3A_674 = tpu.bitcast %or3A : vector<2000x64xi32> -> vector<2000x64xi32>
    %swap3A = arith.constant 0 : index
    %swap3A_675 = arith.constant 0 : index
    %swap3A_676 = arith.constant 0 : index
    %swap3A_677 = vector.load %arg23[%swap3A, %swap3A_675, %swap3A_676] : memref<2x2000x64xi32, #tpu.memory_space<vmem>>, vector<1x2000x64xi32>
    %swap3A_678 = vector.shape_cast %swap3A_677 : vector<1x2000x64xi32> to vector<2000x64xi32>
    %swap3A_679 = vector.shape_cast %bitcast3A_674 : vector<2000x64xi32> to vector<1x2000x64xi32>
    tpu.vector_store %arg23[%swap3A, %swap3A_675, %swap3A_676], %swap3A_679 {strides = array<i32>} : memref<2x2000x64xi32, #tpu.memory_space<vmem>>, vector<1x2000x64xi32>,
    %convert_element_type3A_680 = arith.truncf %div3A_664 : vector<2000x128xf32> to vector<2000x128xbf16>
    %get3A_681 = arith.constant 0 : index
    %get3A_682 = arith.constant 0 : index
    %get3A_683 = vector.load %arg21[%get3A_681, %get3A_682] : memref<128x128xbf16, #tpu.memory_space<vmem>>, vector<128x128xbf16>
    %dot_general3A_684 = arith.constant dense<0.000000e+00> : vector<2000x128xf32>
    %dot_general3A_685 = tpu.matmul %convert_element_type3A_680, %get3A_683, %dot_general3A_684 {dimension_numbers = #tpu.dot_dimension_numbers<[1], [0], [0], [1], [0, 0, 1, 1], [], []>, transpose_lhs_hint = false} : vector<2000x128xbf16>, vector<128x128xbf16>, vector<2000x128xf32> -> vector<2000x128xf32>
    %get3A_686 = arith.constant 0 : index
    %get3A_687 = arith.constant 0 : index
    %get3A_688 = vector.load %arg22[%get3A_686, %get3A_687] : memref<1x128xf32, #tpu.memory_space<vmem>>, vector<1x128xf32>
    %add3A_689 = vector.broadcast %get3A_688 : vector<1x128xf32> to vector<2000x128xf32>
    %add3A_690 = arith.addf %dot_general3A_685, %add3A_689 : vector<2000x128xf32>
    %convert_element_type3A_691 = arith.truncf %add3A_690 : vector<2000x128xf32> to vector<2000x128xbf16>
    %slice3A_692 = vector.extract_strided_slice %convert_element_type3A_691 {offsets = [0, 0], sizes = [2000, 64], strides = [1, 1]} : vector<2000x128xbf16> to vector<2000x64xbf16>
    %bitcast3A_693 = tpu.bitcast %slice3A_692 : vector<2000x64xbf16> -> vector<2000x64xi16>
    %convert_element_type3A_694 = arith.extui %bitcast3A_693 : vector<2000x64xi16> to vector<2000x64xi32>
    %slice3A_695 = vector.extract_strided_slice %convert_element_type3A_691 {offsets = [0, 64], sizes = [2000, 64], strides = [1, 1]} : vector<2000x128xbf16> to vector<2000x64xbf16>
    %bitcast3A_696 = tpu.bitcast %slice3A_695 : vector<2000x64xbf16> -> vector<2000x64xi16>
    %convert_element_type3A_697 = arith.extui %bitcast3A_696 : vector<2000x64xi16> to vector<2000x64xi32>
    %shift_left3A_698 = arith.constant 16 : i32
    %shift_left3A_699 = vector.broadcast %shift_left3A_698 : i32 to vector<2000x64xi32>
    %shift_left3A_700 = arith.shli %convert_element_type3A_697, %shift_left3A_699 : vector<2000x64xi32>
    %or3A_701 = arith.ori %convert_element_type3A_694, %shift_left3A_700 : vector<2000x64xi32>
    %bitcast3A_702 = tpu.bitcast %or3A_701 : vector<2000x64xi32> -> vector<2000x64xi32>
    %swap3A_703 = arith.constant 1 : index
    %swap3A_704 = arith.constant 0 : index
    %swap3A_705 = arith.constant 0 : index
    %swap3A_706 = vector.load %arg23[%swap3A_703, %swap3A_704, %swap3A_705] : memref<2x2000x64xi32, #tpu.memory_space<vmem>>, vector<1x2000x64xi32>
    %swap3A_707 = vector.shape_cast %swap3A_706 : vector<1x2000x64xi32> to vector<2000x64xi32>
    %swap3A_708 = vector.shape_cast %bitcast3A_702 : vector<2000x64xi32> to vector<1x2000x64xi32>
    tpu.vector_store %arg23[%swap3A_703, %swap3A_704, %swap3A_705], %swap3A_708 {strides = array<i32>} : memref<2x2000x64xi32, #tpu.memory_space<vmem>>, vector<1x2000x64xi32>,
    return
  }
  func.func @transform_0(%arg0: i32) -> (i32, i32) {
    %add3A = arith.constant 0 : i32
    %add3A_0 = arith.addi %add3A, %arg0 : i32
    %c0_i32 = arith.constant 0 : i32
    %c0_i32_1 = arith.constant 0 : i32
    return %add3A_0, %c0_i32 : i32, i32
  }
  func.func @transform_1(%arg0: i32) -> (i32, i32) {
    %add3A = arith.constant 100 : i32
    %add3A_0 = arith.addi %add3A, %arg0 : i32
    %c0_i32 = arith.constant 0 : i32
    %c0_i32_1 = arith.constant 0 : i32
    return %add3A_0, %c0_i32 : i32, i32
  }
  func.func @transform_2(%arg0: i32) -> (i32, i32) {
    %add3A = arith.constant 200 : i32
    %add3A_0 = arith.addi %add3A, %arg0 : i32
    %c0_i32 = arith.constant 0 : i32
    %c0_i32_1 = arith.constant 0 : i32
    return %add3A_0, %c0_i32 : i32, i32
  }
  func.func @transform_3(%arg0: i32) -> (i32, i32) {
    %add3A = arith.constant 25 : i32
    %add3A_0 = arith.addi %add3A, %arg0 : i32
    %c0_i32 = arith.constant 0 : i32
    %c0_i32_1 = arith.constant 0 : i32
    return %add3A_0, %c0_i32 : i32, i32
  }
  func.func @transform_4(%arg0: i32) -> (i32, i32) {
    %add3A = arith.constant 125 : i32
    %add3A_0 = arith.addi %add3A, %arg0 : i32
    %c0_i32 = arith.constant 0 : i32
    %c0_i32_1 = arith.constant 0 : i32
    return %add3A_0, %c0_i32 : i32, i32
  }
  func.func @transform_5(%arg0: i32) -> (i32, i32) {
    %add3A = arith.constant 225 : i32
    %add3A_0 = arith.addi %add3A, %arg0 : i32
    %c0_i32 = arith.constant 0 : i32
    %c0_i32_1 = arith.constant 0 : i32
    return %add3A_0, %c0_i32 : i32, i32
  }
  func.func @transform_6(%arg0: i32) -> (i32, i32) {
    %add3A = arith.constant 50 : i32
    %add3A_0 = arith.addi %add3A, %arg0 : i32
    %c0_i32 = arith.constant 0 : i32
    %c0_i32_1 = arith.constant 0 : i32
    return %add3A_0, %c0_i32 : i32, i32
  }
  func.func @transform_7(%arg0: i32) -> (i32, i32) {
    %add3A = arith.constant 150 : i32
    %add3A_0 = arith.addi %add3A, %arg0 : i32
    %c0_i32 = arith.constant 0 : i32
    %c0_i32_1 = arith.constant 0 : i32
    return %add3A_0, %c0_i32 : i32, i32
  }
  func.func @transform_8(%arg0: i32) -> (i32, i32) {
    %add3A = arith.constant 250 : i32
    %add3A_0 = arith.addi %add3A, %arg0 : i32
    %c0_i32 = arith.constant 0 : i32
    %c0_i32_1 = arith.constant 0 : i32
    return %add3A_0, %c0_i32 : i32, i32
  }
  func.func @transform_9(%arg0: i32) -> (i32, i32) {
    %add3A = arith.constant 75 : i32
    %add3A_0 = arith.addi %add3A, %arg0 : i32
    %c0_i32 = arith.constant 0 : i32
    %c0_i32_1 = arith.constant 0 : i32
    return %add3A_0, %c0_i32 : i32, i32
  }
  func.func @transform_10(%arg0: i32) -> (i32, i32) {
    %add3A = arith.constant 175 : i32
    %add3A_0 = arith.addi %add3A, %arg0 : i32
    %c0_i32 = arith.constant 0 : i32
    %c0_i32_1 = arith.constant 0 : i32
    return %add3A_0, %c0_i32 : i32, i32
  }
  func.func @transform_11(%arg0: i32) -> (i32, i32) {
    %add3A = arith.constant 275 : i32
    %add3A_0 = arith.addi %add3A, %arg0 : i32
    %c0_i32 = arith.constant 0 : i32
    %c0_i32_1 = arith.constant 0 : i32
    return %add3A_0, %c0_i32 : i32, i32
  }
  func.func @transform_12(%arg0: i32) -> (i32, i32) {
    %c0_i32 = arith.constant 0 : i32
    %c0_i32_0 = arith.constant 0 : i32
    %c0_i32_1 = arith.constant 0 : i32
    return %c0_i32, %c0_i32_0 : i32, i32
  }
  func.func @transform_13(%arg0: i32) -> (i32, i32) {
    %c0_i32 = arith.constant 0 : i32
    %c0_i32_0 = arith.constant 0 : i32
    %c0_i32_1 = arith.constant 0 : i32
    return %c0_i32, %c0_i32_0 : i32, i32
  }
  func.func @transform_14(%arg0: i32) -> (i32, i32) {
    %c0_i32 = arith.constant 0 : i32
    %c0_i32_0 = arith.constant 0 : i32
    %c0_i32_1 = arith.constant 0 : i32
    return %c0_i32, %c0_i32_0 : i32, i32
  }
  func.func @transform_15(%arg0: i32) -> (i32, i32) {
    %c0_i32 = arith.constant 0 : i32
    %c0_i32_0 = arith.constant 0 : i32
    %c0_i32_1 = arith.constant 0 : i32
    return %c0_i32, %c0_i32_0 : i32, i32
  }
  func.func @transform_16(%arg0: i32) -> (i32, i32) {
    %c0_i32 = arith.constant 0 : i32
    %c0_i32_0 = arith.constant 0 : i32
    %c0_i32_1 = arith.constant 0 : i32
    return %c0_i32, %c0_i32_0 : i32, i32
  }
  func.func @transform_17(%arg0: i32) -> (i32, i32) {
    %c0_i32 = arith.constant 0 : i32
    %c0_i32_0 = arith.constant 0 : i32
    %c0_i32_1 = arith.constant 0 : i32
    return %c0_i32, %c0_i32_0 : i32, i32
  }
  func.func @transform_18(%arg0: i32) -> (i32, i32) {
    %c0_i32 = arith.constant 0 : i32
    %c0_i32_0 = arith.constant 0 : i32
    %c0_i32_1 = arith.constant 0 : i32
    return %c0_i32, %c0_i32_0 : i32, i32
  }
  func.func @transform_19(%arg0: i32) -> (i32, i32) {
    %c0_i32 = arith.constant 0 : i32
    %c0_i32_0 = arith.constant 0 : i32
    %c0_i32_1 = arith.constant 0 : i32
    return %c0_i32, %c0_i32_0 : i32, i32
  }
  func.func @transform_20(%arg0: i32) -> (i32, i32) {
    %c0_i32 = arith.constant 0 : i32
    %c0_i32_0 = arith.constant 0 : i32
    %c0_i32_1 = arith.constant 0 : i32
    return %c0_i32, %c0_i32_0 : i32, i32
  }
  func.func @transform_21(%arg0: i32) -> (i32, i32) {
    %c0_i32 = arith.constant 0 : i32
    %c0_i32_0 = arith.constant 0 : i32
    %c0_i32_1 = arith.constant 0 : i32
    return %c0_i32, %c0_i32_0 : i32, i32
  }
  func.func @transform_22(%arg0: i32) -> (i32, i32, i32) {
    %c0_i32 = arith.constant 0 : i32
    %c0_i32_0 = arith.constant 0 : i32
    %c0_i32_1 = arith.constant 0 : i32
    return %c0_i32, %arg0, %c0_i32_0 : i32, i32, i32
  }
}

module attributes {stable_mosaic.version = 14 : i64} {
  func.func @_combine_body(%arg0: i32, %arg1: memref<1000x128xi32, #tpu.memory_space<vmem>>, %arg2: memref<1000x128xi32, #tpu.memory_space<vmem>>, %arg3: memref<1000x128xi32, #tpu.memory_space<vmem>>, %arg4: memref<1000x128xi32, #tpu.memory_space<vmem>>, %arg5: memref<1000x128xi32, #tpu.memory_space<vmem>>, %arg6: memref<1000x128xi32, #tpu.memory_space<vmem>>, %arg7: memref<1000x128xi32, #tpu.memory_space<vmem>>, %arg8: memref<1000x128xi32, #tpu.memory_space<vmem>>, %arg9: memref<1000x128xi32, #tpu.memory_space<vmem>>, %arg10: memref<1000x128xi32, #tpu.memory_space<vmem>>, %arg11: memref<1000x128xi32, #tpu.memory_space<vmem>>, %arg12: memref<1000x128xi32, #tpu.memory_space<vmem>>, %arg13: memref<384x128xbf16, #tpu.memory_space<vmem>>, %arg14: memref<1x128xf32, #tpu.memory_space<vmem>>, %arg15: memref<384x128xbf16, #tpu.memory_space<vmem>>, %arg16: memref<1x128xf32, #tpu.memory_space<vmem>>, %arg17: memref<512x128xbf16, #tpu.memory_space<vmem>>, %arg18: memref<1x128xf32, #tpu.memory_space<vmem>>, %arg19: memref<512x128xbf16, #tpu.memory_space<vmem>>, %arg20: memref<1x128xf32, #tpu.memory_space<vmem>>, %arg21: memref<128x128xbf16, #tpu.memory_space<vmem>>, %arg22: memref<1x128xf32, #tpu.memory_space<vmem>>, %arg23: memref<1000x256xf32, #tpu.memory_space<vmem>>) attributes {dimension_semantics = [#tpu.dimension_semantics<arbitrary>], iteration_bounds = array<i64: 25>, scalar_prefetch = 0 : i64, scratch_operands = 0 : i64, tpu.core_type = #tpu.core_type<tc>, window_params = [{transform_indices = @transform_0, window_bounds = array<i64: 1000, 128>}, {transform_indices = @transform_1, window_bounds = array<i64: 1000, 128>}, {transform_indices = @transform_2, window_bounds = array<i64: 1000, 128>}, {transform_indices = @transform_3, window_bounds = array<i64: 1000, 128>}, {transform_indices = @transform_4, window_bounds = array<i64: 1000, 128>}, {transform_indices = @transform_5, window_bounds = array<i64: 1000, 128>}, {transform_indices = @transform_6, window_bounds = array<i64: 1000, 128>}, {transform_indices = @transform_7, window_bounds = array<i64: 1000, 128>}, {transform_indices = @transform_8, window_bounds = array<i64: 1000, 128>}, {transform_indices = @transform_9, window_bounds = array<i64: 1000, 128>}, {transform_indices = @transform_10, window_bounds = array<i64: 1000, 128>}, {transform_indices = @transform_11, window_bounds = array<i64: 1000, 128>}, {pipeline_mode = #tpu.pipeline_mode<synchronous>, transform_indices = @transform_12, window_bounds = array<i64: 384, 128>}, {pipeline_mode = #tpu.pipeline_mode<synchronous>, transform_indices = @transform_13, window_bounds = array<i64: 1, 128>}, {pipeline_mode = #tpu.pipeline_mode<synchronous>, transform_indices = @transform_14, window_bounds = array<i64: 384, 128>}, {pipeline_mode = #tpu.pipeline_mode<synchronous>, transform_indices = @transform_15, window_bounds = array<i64: 1, 128>}, {pipeline_mode = #tpu.pipeline_mode<synchronous>, transform_indices = @transform_16, window_bounds = array<i64: 512, 128>}, {pipeline_mode = #tpu.pipeline_mode<synchronous>, transform_indices = @transform_17, window_bounds = array<i64: 1, 128>}, {pipeline_mode = #tpu.pipeline_mode<synchronous>, transform_indices = @transform_18, window_bounds = array<i64: 512, 128>}, {pipeline_mode = #tpu.pipeline_mode<synchronous>, transform_indices = @transform_19, window_bounds = array<i64: 1, 128>}, {pipeline_mode = #tpu.pipeline_mode<synchronous>, transform_indices = @transform_20, window_bounds = array<i64: 128, 128>}, {pipeline_mode = #tpu.pipeline_mode<synchronous>, transform_indices = @transform_21, window_bounds = array<i64: 1, 128>}, {transform_indices = @transform_22, window_bounds = array<i64: 1000, 256>}]} {
    %get3A = arith.constant 0 : index
    %get3A_0 = arith.constant 0 : index
    %get3A_1 = vector.load %arg1[%get3A, %get3A_0] : memref<1000x128xi32, #tpu.memory_space<vmem>>, vector<1000x128xi32>
    %slice3A = vector.extract_strided_slice %get3A_1 {offsets = [0, 0], sizes = [1000, 64], strides = [1, 1]} : vector<1000x128xi32> to vector<1000x64xi32>
    %bitcast3A = tpu.bitcast %slice3A : vector<1000x64xi32> -> vector<1000x64xi32>
    %and3A = arith.constant 65535 : i32
    %and3A_2 = vector.broadcast %and3A : i32 to vector<1000x64xi32>
    %and3A_3 = arith.andi %bitcast3A, %and3A_2 : vector<1000x64xi32>
    %convert_element_type3A = arith.trunci %and3A_3 : vector<1000x64xi32> to vector<1000x64xi16>
    %bitcast3A_4 = tpu.bitcast %convert_element_type3A : vector<1000x64xi16> -> vector<1000x64xbf16>
    %shift_right_logical3A = arith.constant 16 : i32
    %shift_right_logical3A_5 = vector.broadcast %shift_right_logical3A : i32 to vector<1000x64xi32>
    %shift_right_logical3A_6 = arith.shrui %bitcast3A, %shift_right_logical3A_5 : vector<1000x64xi32>
    %convert_element_type3A_7 = arith.trunci %shift_right_logical3A_6 : vector<1000x64xi32> to vector<1000x64xi16>
    %bitcast3A_8 = tpu.bitcast %convert_element_type3A_7 : vector<1000x64xi16> -> vector<1000x64xbf16>
    %concatenate3A = tpu.concatenate %bitcast3A_4, %bitcast3A_8 in 1 : vector<1000x64xbf16>, vector<1000x64xbf16> -> vector<1000x128xbf16>
    %slice3A_9 = vector.extract_strided_slice %get3A_1 {offsets = [0, 64], sizes = [1000, 64], strides = [1, 1]} : vector<1000x128xi32> to vector<1000x64xi32>
    %bitcast3A_10 = tpu.bitcast %slice3A_9 : vector<1000x64xi32> -> vector<1000x64xi32>
    %and3A_11 = arith.constant 65535 : i32
    %and3A_12 = vector.broadcast %and3A_11 : i32 to vector<1000x64xi32>
    %and3A_13 = arith.andi %bitcast3A_10, %and3A_12 : vector<1000x64xi32>
    %convert_element_type3A_14 = arith.trunci %and3A_13 : vector<1000x64xi32> to vector<1000x64xi16>
    %bitcast3A_15 = tpu.bitcast %convert_element_type3A_14 : vector<1000x64xi16> -> vector<1000x64xbf16>
    %shift_right_logical3A_16 = arith.constant 16 : i32
    %shift_right_logical3A_17 = vector.broadcast %shift_right_logical3A_16 : i32 to vector<1000x64xi32>
    %shift_right_logical3A_18 = arith.shrui %bitcast3A_10, %shift_right_logical3A_17 : vector<1000x64xi32>
    %convert_element_type3A_19 = arith.trunci %shift_right_logical3A_18 : vector<1000x64xi32> to vector<1000x64xi16>
    %bitcast3A_20 = tpu.bitcast %convert_element_type3A_19 : vector<1000x64xi16> -> vector<1000x64xbf16>
    %concatenate3A_21 = tpu.concatenate %bitcast3A_15, %bitcast3A_20 in 1 : vector<1000x64xbf16>, vector<1000x64xbf16> -> vector<1000x128xbf16>
    %concatenate3A_22 = tpu.concatenate %concatenate3A, %concatenate3A_21 in 0 : vector<1000x128xbf16>, vector<1000x128xbf16> -> vector<2000x128xbf16>
    %get3A_23 = arith.constant 0 : index
    %get3A_24 = arith.constant 0 : index
    %get3A_25 = vector.load %arg13[%get3A_23, %get3A_24] : memref<384x128xbf16, #tpu.memory_space<vmem>>, vector<128x128xbf16>
    %dot_general3A = arith.constant dense<0.000000e+00> : vector<2000x128xf32>
    %dot_general3A_26 = tpu.matmul %concatenate3A_22, %get3A_25, %dot_general3A {dimension_numbers = #tpu.dot_dimension_numbers<[1], [0], [0], [1], [0, 0, 1, 1], [], []>, transpose_lhs_hint = false} : vector<2000x128xbf16>, vector<128x128xbf16>, vector<2000x128xf32> -> vector<2000x128xf32>
    %get3A_27 = arith.constant 0 : index
    %get3A_28 = arith.constant 0 : index
    %get3A_29 = vector.load %arg15[%get3A_27, %get3A_28] : memref<384x128xbf16, #tpu.memory_space<vmem>>, vector<128x128xbf16>
    %dot_general3A_30 = arith.constant dense<0.000000e+00> : vector<2000x128xf32>
    %dot_general3A_31 = tpu.matmul %concatenate3A_22, %get3A_29, %dot_general3A_30 {dimension_numbers = #tpu.dot_dimension_numbers<[1], [0], [0], [1], [0, 0, 1, 1], [], []>, transpose_lhs_hint = false} : vector<2000x128xbf16>, vector<128x128xbf16>, vector<2000x128xf32> -> vector<2000x128xf32>
    %get3A_32 = arith.constant 0 : index
    %get3A_33 = arith.constant 0 : index
    %get3A_34 = vector.load %arg2[%get3A_32, %get3A_33] : memref<1000x128xi32, #tpu.memory_space<vmem>>, vector<1000x128xi32>
    %slice3A_35 = vector.extract_strided_slice %get3A_34 {offsets = [0, 0], sizes = [1000, 64], strides = [1, 1]} : vector<1000x128xi32> to vector<1000x64xi32>
    %bitcast3A_36 = tpu.bitcast %slice3A_35 : vector<1000x64xi32> -> vector<1000x64xi32>
    %and3A_37 = arith.constant 65535 : i32
    %and3A_38 = vector.broadcast %and3A_37 : i32 to vector<1000x64xi32>
    %and3A_39 = arith.andi %bitcast3A_36, %and3A_38 : vector<1000x64xi32>
    %convert_element_type3A_40 = arith.trunci %and3A_39 : vector<1000x64xi32> to vector<1000x64xi16>
    %bitcast3A_41 = tpu.bitcast %convert_element_type3A_40 : vector<1000x64xi16> -> vector<1000x64xbf16>
    %shift_right_logical3A_42 = arith.constant 16 : i32
    %shift_right_logical3A_43 = vector.broadcast %shift_right_logical3A_42 : i32 to vector<1000x64xi32>
    %shift_right_logical3A_44 = arith.shrui %bitcast3A_36, %shift_right_logical3A_43 : vector<1000x64xi32>
    %convert_element_type3A_45 = arith.trunci %shift_right_logical3A_44 : vector<1000x64xi32> to vector<1000x64xi16>
    %bitcast3A_46 = tpu.bitcast %convert_element_type3A_45 : vector<1000x64xi16> -> vector<1000x64xbf16>
    %concatenate3A_47 = tpu.concatenate %bitcast3A_41, %bitcast3A_46 in 1 : vector<1000x64xbf16>, vector<1000x64xbf16> -> vector<1000x128xbf16>
    %slice3A_48 = vector.extract_strided_slice %get3A_34 {offsets = [0, 64], sizes = [1000, 64], strides = [1, 1]} : vector<1000x128xi32> to vector<1000x64xi32>
    %bitcast3A_49 = tpu.bitcast %slice3A_48 : vector<1000x64xi32> -> vector<1000x64xi32>
    %and3A_50 = arith.constant 65535 : i32
    %and3A_51 = vector.broadcast %and3A_50 : i32 to vector<1000x64xi32>
    %and3A_52 = arith.andi %bitcast3A_49, %and3A_51 : vector<1000x64xi32>
    %convert_element_type3A_53 = arith.trunci %and3A_52 : vector<1000x64xi32> to vector<1000x64xi16>
    %bitcast3A_54 = tpu.bitcast %convert_element_type3A_53 : vector<1000x64xi16> -> vector<1000x64xbf16>
    %shift_right_logical3A_55 = arith.constant 16 : i32
    %shift_right_logical3A_56 = vector.broadcast %shift_right_logical3A_55 : i32 to vector<1000x64xi32>
    %shift_right_logical3A_57 = arith.shrui %bitcast3A_49, %shift_right_logical3A_56 : vector<1000x64xi32>
    %convert_element_type3A_58 = arith.trunci %shift_right_logical3A_57 : vector<1000x64xi32> to vector<1000x64xi16>
    %bitcast3A_59 = tpu.bitcast %convert_element_type3A_58 : vector<1000x64xi16> -> vector<1000x64xbf16>
    %concatenate3A_60 = tpu.concatenate %bitcast3A_54, %bitcast3A_59 in 1 : vector<1000x64xbf16>, vector<1000x64xbf16> -> vector<1000x128xbf16>
    %concatenate3A_61 = tpu.concatenate %concatenate3A_47, %concatenate3A_60 in 0 : vector<1000x128xbf16>, vector<1000x128xbf16> -> vector<2000x128xbf16>
    %get3A_62 = arith.constant 128 : index
    %get3A_63 = arith.constant 0 : index
    %get3A_64 = vector.load %arg13[%get3A_62, %get3A_63] : memref<384x128xbf16, #tpu.memory_space<vmem>>, vector<128x128xbf16>
    %dot_general3A_65 = arith.constant dense<0.000000e+00> : vector<2000x128xf32>
    %dot_general3A_66 = tpu.matmul %concatenate3A_61, %get3A_64, %dot_general3A_65 {dimension_numbers = #tpu.dot_dimension_numbers<[1], [0], [0], [1], [0, 0, 1, 1], [], []>, transpose_lhs_hint = false} : vector<2000x128xbf16>, vector<128x128xbf16>, vector<2000x128xf32> -> vector<2000x128xf32>
    %get3A_67 = arith.constant 128 : index
    %get3A_68 = arith.constant 0 : index
    %get3A_69 = vector.load %arg15[%get3A_67, %get3A_68] : memref<384x128xbf16, #tpu.memory_space<vmem>>, vector<128x128xbf16>
    %dot_general3A_70 = arith.constant dense<0.000000e+00> : vector<2000x128xf32>
    %dot_general3A_71 = tpu.matmul %concatenate3A_61, %get3A_69, %dot_general3A_70 {dimension_numbers = #tpu.dot_dimension_numbers<[1], [0], [0], [1], [0, 0, 1, 1], [], []>, transpose_lhs_hint = false} : vector<2000x128xbf16>, vector<128x128xbf16>, vector<2000x128xf32> -> vector<2000x128xf32>
    %add3A = arith.addf %dot_general3A_26, %dot_general3A_66 : vector<2000x128xf32>
    %add3A_72 = arith.addf %dot_general3A_31, %dot_general3A_71 : vector<2000x128xf32>
    %get3A_73 = arith.constant 0 : index
    %get3A_74 = arith.constant 0 : index
    %get3A_75 = vector.load %arg3[%get3A_73, %get3A_74] : memref<1000x128xi32, #tpu.memory_space<vmem>>, vector<1000x128xi32>
    %slice3A_76 = vector.extract_strided_slice %get3A_75 {offsets = [0, 0], sizes = [1000, 64], strides = [1, 1]} : vector<1000x128xi32> to vector<1000x64xi32>
    %bitcast3A_77 = tpu.bitcast %slice3A_76 : vector<1000x64xi32> -> vector<1000x64xi32>
    %and3A_78 = arith.constant 65535 : i32
    %and3A_79 = vector.broadcast %and3A_78 : i32 to vector<1000x64xi32>
    %and3A_80 = arith.andi %bitcast3A_77, %and3A_79 : vector<1000x64xi32>
    %convert_element_type3A_81 = arith.trunci %and3A_80 : vector<1000x64xi32> to vector<1000x64xi16>
    %bitcast3A_82 = tpu.bitcast %convert_element_type3A_81 : vector<1000x64xi16> -> vector<1000x64xbf16>
    %shift_right_logical3A_83 = arith.constant 16 : i32
    %shift_right_logical3A_84 = vector.broadcast %shift_right_logical3A_83 : i32 to vector<1000x64xi32>
    %shift_right_logical3A_85 = arith.shrui %bitcast3A_77, %shift_right_logical3A_84 : vector<1000x64xi32>
    %convert_element_type3A_86 = arith.trunci %shift_right_logical3A_85 : vector<1000x64xi32> to vector<1000x64xi16>
    %bitcast3A_87 = tpu.bitcast %convert_element_type3A_86 : vector<1000x64xi16> -> vector<1000x64xbf16>
    %concatenate3A_88 = tpu.concatenate %bitcast3A_82, %bitcast3A_87 in 1 : vector<1000x64xbf16>, vector<1000x64xbf16> -> vector<1000x128xbf16>
    %slice3A_89 = vector.extract_strided_slice %get3A_75 {offsets = [0, 64], sizes = [1000, 64], strides = [1, 1]} : vector<1000x128xi32> to vector<1000x64xi32>
    %bitcast3A_90 = tpu.bitcast %slice3A_89 : vector<1000x64xi32> -> vector<1000x64xi32>
    %and3A_91 = arith.constant 65535 : i32
    %and3A_92 = vector.broadcast %and3A_91 : i32 to vector<1000x64xi32>
    %and3A_93 = arith.andi %bitcast3A_90, %and3A_92 : vector<1000x64xi32>
    %convert_element_type3A_94 = arith.trunci %and3A_93 : vector<1000x64xi32> to vector<1000x64xi16>
    %bitcast3A_95 = tpu.bitcast %convert_element_type3A_94 : vector<1000x64xi16> -> vector<1000x64xbf16>
    %shift_right_logical3A_96 = arith.constant 16 : i32
    %shift_right_logical3A_97 = vector.broadcast %shift_right_logical3A_96 : i32 to vector<1000x64xi32>
    %shift_right_logical3A_98 = arith.shrui %bitcast3A_90, %shift_right_logical3A_97 : vector<1000x64xi32>
    %convert_element_type3A_99 = arith.trunci %shift_right_logical3A_98 : vector<1000x64xi32> to vector<1000x64xi16>
    %bitcast3A_100 = tpu.bitcast %convert_element_type3A_99 : vector<1000x64xi16> -> vector<1000x64xbf16>
    %concatenate3A_101 = tpu.concatenate %bitcast3A_95, %bitcast3A_100 in 1 : vector<1000x64xbf16>, vector<1000x64xbf16> -> vector<1000x128xbf16>
    %concatenate3A_102 = tpu.concatenate %concatenate3A_88, %concatenate3A_101 in 0 : vector<1000x128xbf16>, vector<1000x128xbf16> -> vector<2000x128xbf16>
    %get3A_103 = arith.constant 256 : index
    %get3A_104 = arith.constant 0 : index
    %get3A_105 = vector.load %arg13[%get3A_103, %get3A_104] : memref<384x128xbf16, #tpu.memory_space<vmem>>, vector<128x128xbf16>
    %dot_general3A_106 = arith.constant dense<0.000000e+00> : vector<2000x128xf32>
    %dot_general3A_107 = tpu.matmul %concatenate3A_102, %get3A_105, %dot_general3A_106 {dimension_numbers = #tpu.dot_dimension_numbers<[1], [0], [0], [1], [0, 0, 1, 1], [], []>, transpose_lhs_hint = false} : vector<2000x128xbf16>, vector<128x128xbf16>, vector<2000x128xf32> -> vector<2000x128xf32>
    %get3A_108 = arith.constant 256 : index
    %get3A_109 = arith.constant 0 : index
    %get3A_110 = vector.load %arg15[%get3A_108, %get3A_109] : memref<384x128xbf16, #tpu.memory_space<vmem>>, vector<128x128xbf16>
    %dot_general3A_111 = arith.constant dense<0.000000e+00> : vector<2000x128xf32>
    %dot_general3A_112 = tpu.matmul %concatenate3A_102, %get3A_110, %dot_general3A_111 {dimension_numbers = #tpu.dot_dimension_numbers<[1], [0], [0], [1], [0, 0, 1, 1], [], []>, transpose_lhs_hint = false} : vector<2000x128xbf16>, vector<128x128xbf16>, vector<2000x128xf32> -> vector<2000x128xf32>
    %add3A_113 = arith.addf %add3A, %dot_general3A_107 : vector<2000x128xf32>
    %add3A_114 = arith.addf %add3A_72, %dot_general3A_112 : vector<2000x128xf32>
    %get3A_115 = arith.constant 0 : index
    %get3A_116 = arith.constant 0 : index
    %get3A_117 = vector.load %arg14[%get3A_115, %get3A_116] : memref<1x128xf32, #tpu.memory_space<vmem>>, vector<1x128xf32>
    %add3A_118 = vector.broadcast %get3A_117 : vector<1x128xf32> to vector<2000x128xf32>
    %add3A_119 = arith.addf %add3A_113, %add3A_118 : vector<2000x128xf32>
    %logistic3A = arith.negf %add3A_119 : vector<2000x128xf32>
    %logistic3A_120 = math.exp %logistic3A : vector<2000x128xf32>
    %logistic3A_121 = arith.constant 1.000000e+00 : f32
    %logistic3A_122 = vector.broadcast %logistic3A_121 : f32 to vector<2000x128xf32>
    %logistic3A_123 = arith.addf %logistic3A_122, %logistic3A_120 : vector<2000x128xf32>
    %logistic3A_124 = arith.divf %logistic3A_122, %logistic3A_123 : vector<2000x128xf32>
    %add3A_125 = arith.addf %logistic3A_124, %add3A_114 : vector<2000x128xf32>
    %get3A_126 = arith.constant 0 : index
    %get3A_127 = arith.constant 0 : index
    %get3A_128 = vector.load %arg16[%get3A_126, %get3A_127] : memref<1x128xf32, #tpu.memory_space<vmem>>, vector<1x128xf32>
    %add3A_129 = vector.broadcast %get3A_128 : vector<1x128xf32> to vector<2000x128xf32>
    %add3A_130 = arith.addf %add3A_125, %add3A_129 : vector<2000x128xf32>
    %mul3A = arith.mulf %add3A_130, %add3A_130 : vector<2000x128xf32>
    %reduce_sum3A = arith.constant dense<0.000000e+00> : vector<2000xf32>
    %reduce_sum3A_131 = vector.multi_reduction <add>, %mul3A, %reduce_sum3A [1] : vector<2000x128xf32> to vector<2000xf32>
    %broadcast_in_dim3A = vector.shape_cast %reduce_sum3A_131 : vector<2000xf32> to vector<2000x1xf32>
    %sqrt3A = math.sqrt %broadcast_in_dim3A : vector<2000x1xf32>
    %max3A = arith.constant 9.99999996E-13 : f32
    %max3A_132 = vector.broadcast %max3A : f32 to vector<2000x1xf32>
    %max3A_133 = arith.maximumf %sqrt3A, %max3A_132 : vector<2000x1xf32>
    %div3A = vector.broadcast %max3A_133 : vector<2000x1xf32> to vector<2000x128xf32>
    %div3A_134 = arith.divf %add3A_130, %div3A : vector<2000x128xf32>
    %convert_element_type3A_135 = arith.truncf %div3A_134 : vector<2000x128xf32> to vector<2000x128xbf16>
    %get3A_136 = arith.constant 0 : index
    %get3A_137 = arith.constant 0 : index
    %get3A_138 = vector.load %arg17[%get3A_136, %get3A_137] : memref<512x128xbf16, #tpu.memory_space<vmem>>, vector<128x128xbf16>
    %dot_general3A_139 = arith.constant dense<0.000000e+00> : vector<2000x128xf32>
    %dot_general3A_140 = tpu.matmul %convert_element_type3A_135, %get3A_138, %dot_general3A_139 {dimension_numbers = #tpu.dot_dimension_numbers<[1], [0], [0], [1], [0, 0, 1, 1], [], []>, transpose_lhs_hint = false} : vector<2000x128xbf16>, vector<128x128xbf16>, vector<2000x128xf32> -> vector<2000x128xf32>
    %get3A_141 = arith.constant 0 : index
    %get3A_142 = arith.constant 0 : index
    %get3A_143 = vector.load %arg19[%get3A_141, %get3A_142] : memref<512x128xbf16, #tpu.memory_space<vmem>>, vector<128x128xbf16>
    %dot_general3A_144 = arith.constant dense<0.000000e+00> : vector<2000x128xf32>
    %dot_general3A_145 = tpu.matmul %convert_element_type3A_135, %get3A_143, %dot_general3A_144 {dimension_numbers = #tpu.dot_dimension_numbers<[1], [0], [0], [1], [0, 0, 1, 1], [], []>, transpose_lhs_hint = false} : vector<2000x128xbf16>, vector<128x128xbf16>, vector<2000x128xf32> -> vector<2000x128xf32>
    %get3A_146 = arith.constant 0 : index
    %get3A_147 = arith.constant 0 : index
    %get3A_148 = vector.load %arg4[%get3A_146, %get3A_147] : memref<1000x128xi32, #tpu.memory_space<vmem>>, vector<1000x128xi32>
    %slice3A_149 = vector.extract_strided_slice %get3A_148 {offsets = [0, 0], sizes = [1000, 64], strides = [1, 1]} : vector<1000x128xi32> to vector<1000x64xi32>
    %bitcast3A_150 = tpu.bitcast %slice3A_149 : vector<1000x64xi32> -> vector<1000x64xi32>
    %and3A_151 = arith.constant 65535 : i32
    %and3A_152 = vector.broadcast %and3A_151 : i32 to vector<1000x64xi32>
    %and3A_153 = arith.andi %bitcast3A_150, %and3A_152 : vector<1000x64xi32>
    %convert_element_type3A_154 = arith.trunci %and3A_153 : vector<1000x64xi32> to vector<1000x64xi16>
    %bitcast3A_155 = tpu.bitcast %convert_element_type3A_154 : vector<1000x64xi16> -> vector<1000x64xbf16>
    %shift_right_logical3A_156 = arith.constant 16 : i32
    %shift_right_logical3A_157 = vector.broadcast %shift_right_logical3A_156 : i32 to vector<1000x64xi32>
    %shift_right_logical3A_158 = arith.shrui %bitcast3A_150, %shift_right_logical3A_157 : vector<1000x64xi32>
    %convert_element_type3A_159 = arith.trunci %shift_right_logical3A_158 : vector<1000x64xi32> to vector<1000x64xi16>
    %bitcast3A_160 = tpu.bitcast %convert_element_type3A_159 : vector<1000x64xi16> -> vector<1000x64xbf16>
    %concatenate3A_161 = tpu.concatenate %bitcast3A_155, %bitcast3A_160 in 1 : vector<1000x64xbf16>, vector<1000x64xbf16> -> vector<1000x128xbf16>
    %slice3A_162 = vector.extract_strided_slice %get3A_148 {offsets = [0, 64], sizes = [1000, 64], strides = [1, 1]} : vector<1000x128xi32> to vector<1000x64xi32>
    %bitcast3A_163 = tpu.bitcast %slice3A_162 : vector<1000x64xi32> -> vector<1000x64xi32>
    %and3A_164 = arith.constant 65535 : i32
    %and3A_165 = vector.broadcast %and3A_164 : i32 to vector<1000x64xi32>
    %and3A_166 = arith.andi %bitcast3A_163, %and3A_165 : vector<1000x64xi32>
    %convert_element_type3A_167 = arith.trunci %and3A_166 : vector<1000x64xi32> to vector<1000x64xi16>
    %bitcast3A_168 = tpu.bitcast %convert_element_type3A_167 : vector<1000x64xi16> -> vector<1000x64xbf16>
    %shift_right_logical3A_169 = arith.constant 16 : i32
    %shift_right_logical3A_170 = vector.broadcast %shift_right_logical3A_169 : i32 to vector<1000x64xi32>
    %shift_right_logical3A_171 = arith.shrui %bitcast3A_163, %shift_right_logical3A_170 : vector<1000x64xi32>
    %convert_element_type3A_172 = arith.trunci %shift_right_logical3A_171 : vector<1000x64xi32> to vector<1000x64xi16>
    %bitcast3A_173 = tpu.bitcast %convert_element_type3A_172 : vector<1000x64xi16> -> vector<1000x64xbf16>
    %concatenate3A_174 = tpu.concatenate %bitcast3A_168, %bitcast3A_173 in 1 : vector<1000x64xbf16>, vector<1000x64xbf16> -> vector<1000x128xbf16>
    %concatenate3A_175 = tpu.concatenate %concatenate3A_161, %concatenate3A_174 in 0 : vector<1000x128xbf16>, vector<1000x128xbf16> -> vector<2000x128xbf16>
    %get3A_176 = arith.constant 0 : index
    %get3A_177 = arith.constant 0 : index
    %get3A_178 = vector.load %arg13[%get3A_176, %get3A_177] : memref<384x128xbf16, #tpu.memory_space<vmem>>, vector<128x128xbf16>
    %dot_general3A_179 = arith.constant dense<0.000000e+00> : vector<2000x128xf32>
    %dot_general3A_180 = tpu.matmul %concatenate3A_175, %get3A_178, %dot_general3A_179 {dimension_numbers = #tpu.dot_dimension_numbers<[1], [0], [0], [1], [0, 0, 1, 1], [], []>, transpose_lhs_hint = false} : vector<2000x128xbf16>, vector<128x128xbf16>, vector<2000x128xf32> -> vector<2000x128xf32>
    %get3A_181 = arith.constant 0 : index
    %get3A_182 = arith.constant 0 : index
    %get3A_183 = vector.load %arg15[%get3A_181, %get3A_182] : memref<384x128xbf16, #tpu.memory_space<vmem>>, vector<128x128xbf16>
    %dot_general3A_184 = arith.constant dense<0.000000e+00> : vector<2000x128xf32>
    %dot_general3A_185 = tpu.matmul %concatenate3A_175, %get3A_183, %dot_general3A_184 {dimension_numbers = #tpu.dot_dimension_numbers<[1], [0], [0], [1], [0, 0, 1, 1], [], []>, transpose_lhs_hint = false} : vector<2000x128xbf16>, vector<128x128xbf16>, vector<2000x128xf32> -> vector<2000x128xf32>
    %get3A_186 = arith.constant 0 : index
    %get3A_187 = arith.constant 0 : index
    %get3A_188 = vector.load %arg5[%get3A_186, %get3A_187] : memref<1000x128xi32, #tpu.memory_space<vmem>>, vector<1000x128xi32>
    %slice3A_189 = vector.extract_strided_slice %get3A_188 {offsets = [0, 0], sizes = [1000, 64], strides = [1, 1]} : vector<1000x128xi32> to vector<1000x64xi32>
    %bitcast3A_190 = tpu.bitcast %slice3A_189 : vector<1000x64xi32> -> vector<1000x64xi32>
    %and3A_191 = arith.constant 65535 : i32
    %and3A_192 = vector.broadcast %and3A_191 : i32 to vector<1000x64xi32>
    %and3A_193 = arith.andi %bitcast3A_190, %and3A_192 : vector<1000x64xi32>
    %convert_element_type3A_194 = arith.trunci %and3A_193 : vector<1000x64xi32> to vector<1000x64xi16>
    %bitcast3A_195 = tpu.bitcast %convert_element_type3A_194 : vector<1000x64xi16> -> vector<1000x64xbf16>
    %shift_right_logical3A_196 = arith.constant 16 : i32
    %shift_right_logical3A_197 = vector.broadcast %shift_right_logical3A_196 : i32 to vector<1000x64xi32>
    %shift_right_logical3A_198 = arith.shrui %bitcast3A_190, %shift_right_logical3A_197 : vector<1000x64xi32>
    %convert_element_type3A_199 = arith.trunci %shift_right_logical3A_198 : vector<1000x64xi32> to vector<1000x64xi16>
    %bitcast3A_200 = tpu.bitcast %convert_element_type3A_199 : vector<1000x64xi16> -> vector<1000x64xbf16>
    %concatenate3A_201 = tpu.concatenate %bitcast3A_195, %bitcast3A_200 in 1 : vector<1000x64xbf16>, vector<1000x64xbf16> -> vector<1000x128xbf16>
    %slice3A_202 = vector.extract_strided_slice %get3A_188 {offsets = [0, 64], sizes = [1000, 64], strides = [1, 1]} : vector<1000x128xi32> to vector<1000x64xi32>
    %bitcast3A_203 = tpu.bitcast %slice3A_202 : vector<1000x64xi32> -> vector<1000x64xi32>
    %and3A_204 = arith.constant 65535 : i32
    %and3A_205 = vector.broadcast %and3A_204 : i32 to vector<1000x64xi32>
    %and3A_206 = arith.andi %bitcast3A_203, %and3A_205 : vector<1000x64xi32>
    %convert_element_type3A_207 = arith.trunci %and3A_206 : vector<1000x64xi32> to vector<1000x64xi16>
    %bitcast3A_208 = tpu.bitcast %convert_element_type3A_207 : vector<1000x64xi16> -> vector<1000x64xbf16>
    %shift_right_logical3A_209 = arith.constant 16 : i32
    %shift_right_logical3A_210 = vector.broadcast %shift_right_logical3A_209 : i32 to vector<1000x64xi32>
    %shift_right_logical3A_211 = arith.shrui %bitcast3A_203, %shift_right_logical3A_210 : vector<1000x64xi32>
    %convert_element_type3A_212 = arith.trunci %shift_right_logical3A_211 : vector<1000x64xi32> to vector<1000x64xi16>
    %bitcast3A_213 = tpu.bitcast %convert_element_type3A_212 : vector<1000x64xi16> -> vector<1000x64xbf16>
    %concatenate3A_214 = tpu.concatenate %bitcast3A_208, %bitcast3A_213 in 1 : vector<1000x64xbf16>, vector<1000x64xbf16> -> vector<1000x128xbf16>
    %concatenate3A_215 = tpu.concatenate %concatenate3A_201, %concatenate3A_214 in 0 : vector<1000x128xbf16>, vector<1000x128xbf16> -> vector<2000x128xbf16>
    %get3A_216 = arith.constant 128 : index
    %get3A_217 = arith.constant 0 : index
    %get3A_218 = vector.load %arg13[%get3A_216, %get3A_217] : memref<384x128xbf16, #tpu.memory_space<vmem>>, vector<128x128xbf16>
    %dot_general3A_219 = arith.constant dense<0.000000e+00> : vector<2000x128xf32>
    %dot_general3A_220 = tpu.matmul %concatenate3A_215, %get3A_218, %dot_general3A_219 {dimension_numbers = #tpu.dot_dimension_numbers<[1], [0], [0], [1], [0, 0, 1, 1], [], []>, transpose_lhs_hint = false} : vector<2000x128xbf16>, vector<128x128xbf16>, vector<2000x128xf32> -> vector<2000x128xf32>
    %get3A_221 = arith.constant 128 : index
    %get3A_222 = arith.constant 0 : index
    %get3A_223 = vector.load %arg15[%get3A_221, %get3A_222] : memref<384x128xbf16, #tpu.memory_space<vmem>>, vector<128x128xbf16>
    %dot_general3A_224 = arith.constant dense<0.000000e+00> : vector<2000x128xf32>
    %dot_general3A_225 = tpu.matmul %concatenate3A_215, %get3A_223, %dot_general3A_224 {dimension_numbers = #tpu.dot_dimension_numbers<[1], [0], [0], [1], [0, 0, 1, 1], [], []>, transpose_lhs_hint = false} : vector<2000x128xbf16>, vector<128x128xbf16>, vector<2000x128xf32> -> vector<2000x128xf32>
    %add3A_226 = arith.addf %dot_general3A_180, %dot_general3A_220 : vector<2000x128xf32>
    %add3A_227 = arith.addf %dot_general3A_185, %dot_general3A_225 : vector<2000x128xf32>
    %get3A_228 = arith.constant 0 : index
    %get3A_229 = arith.constant 0 : index
    %get3A_230 = vector.load %arg6[%get3A_228, %get3A_229] : memref<1000x128xi32, #tpu.memory_space<vmem>>, vector<1000x128xi32>
    %slice3A_231 = vector.extract_strided_slice %get3A_230 {offsets = [0, 0], sizes = [1000, 64], strides = [1, 1]} : vector<1000x128xi32> to vector<1000x64xi32>
    %bitcast3A_232 = tpu.bitcast %slice3A_231 : vector<1000x64xi32> -> vector<1000x64xi32>
    %and3A_233 = arith.constant 65535 : i32
    %and3A_234 = vector.broadcast %and3A_233 : i32 to vector<1000x64xi32>
    %and3A_235 = arith.andi %bitcast3A_232, %and3A_234 : vector<1000x64xi32>
    %convert_element_type3A_236 = arith.trunci %and3A_235 : vector<1000x64xi32> to vector<1000x64xi16>
    %bitcast3A_237 = tpu.bitcast %convert_element_type3A_236 : vector<1000x64xi16> -> vector<1000x64xbf16>
    %shift_right_logical3A_238 = arith.constant 16 : i32
    %shift_right_logical3A_239 = vector.broadcast %shift_right_logical3A_238 : i32 to vector<1000x64xi32>
    %shift_right_logical3A_240 = arith.shrui %bitcast3A_232, %shift_right_logical3A_239 : vector<1000x64xi32>
    %convert_element_type3A_241 = arith.trunci %shift_right_logical3A_240 : vector<1000x64xi32> to vector<1000x64xi16>
    %bitcast3A_242 = tpu.bitcast %convert_element_type3A_241 : vector<1000x64xi16> -> vector<1000x64xbf16>
    %concatenate3A_243 = tpu.concatenate %bitcast3A_237, %bitcast3A_242 in 1 : vector<1000x64xbf16>, vector<1000x64xbf16> -> vector<1000x128xbf16>
    %slice3A_244 = vector.extract_strided_slice %get3A_230 {offsets = [0, 64], sizes = [1000, 64], strides = [1, 1]} : vector<1000x128xi32> to vector<1000x64xi32>
    %bitcast3A_245 = tpu.bitcast %slice3A_244 : vector<1000x64xi32> -> vector<1000x64xi32>
    %and3A_246 = arith.constant 65535 : i32
    %and3A_247 = vector.broadcast %and3A_246 : i32 to vector<1000x64xi32>
    %and3A_248 = arith.andi %bitcast3A_245, %and3A_247 : vector<1000x64xi32>
    %convert_element_type3A_249 = arith.trunci %and3A_248 : vector<1000x64xi32> to vector<1000x64xi16>
    %bitcast3A_250 = tpu.bitcast %convert_element_type3A_249 : vector<1000x64xi16> -> vector<1000x64xbf16>
    %shift_right_logical3A_251 = arith.constant 16 : i32
    %shift_right_logical3A_252 = vector.broadcast %shift_right_logical3A_251 : i32 to vector<1000x64xi32>
    %shift_right_logical3A_253 = arith.shrui %bitcast3A_245, %shift_right_logical3A_252 : vector<1000x64xi32>
    %convert_element_type3A_254 = arith.trunci %shift_right_logical3A_253 : vector<1000x64xi32> to vector<1000x64xi16>
    %bitcast3A_255 = tpu.bitcast %convert_element_type3A_254 : vector<1000x64xi16> -> vector<1000x64xbf16>
    %concatenate3A_256 = tpu.concatenate %bitcast3A_250, %bitcast3A_255 in 1 : vector<1000x64xbf16>, vector<1000x64xbf16> -> vector<1000x128xbf16>
    %concatenate3A_257 = tpu.concatenate %concatenate3A_243, %concatenate3A_256 in 0 : vector<1000x128xbf16>, vector<1000x128xbf16> -> vector<2000x128xbf16>
    %get3A_258 = arith.constant 256 : index
    %get3A_259 = arith.constant 0 : index
    %get3A_260 = vector.load %arg13[%get3A_258, %get3A_259] : memref<384x128xbf16, #tpu.memory_space<vmem>>, vector<128x128xbf16>
    %dot_general3A_261 = arith.constant dense<0.000000e+00> : vector<2000x128xf32>
    %dot_general3A_262 = tpu.matmul %concatenate3A_257, %get3A_260, %dot_general3A_261 {dimension_numbers = #tpu.dot_dimension_numbers<[1], [0], [0], [1], [0, 0, 1, 1], [], []>, transpose_lhs_hint = false} : vector<2000x128xbf16>, vector<128x128xbf16>, vector<2000x128xf32> -> vector<2000x128xf32>
    %get3A_263 = arith.constant 256 : index
    %get3A_264 = arith.constant 0 : index
    %get3A_265 = vector.load %arg15[%get3A_263, %get3A_264] : memref<384x128xbf16, #tpu.memory_space<vmem>>, vector<128x128xbf16>
    %dot_general3A_266 = arith.constant dense<0.000000e+00> : vector<2000x128xf32>
    %dot_general3A_267 = tpu.matmul %concatenate3A_257, %get3A_265, %dot_general3A_266 {dimension_numbers = #tpu.dot_dimension_numbers<[1], [0], [0], [1], [0, 0, 1, 1], [], []>, transpose_lhs_hint = false} : vector<2000x128xbf16>, vector<128x128xbf16>, vector<2000x128xf32> -> vector<2000x128xf32>
    %add3A_268 = arith.addf %add3A_226, %dot_general3A_262 : vector<2000x128xf32>
    %add3A_269 = arith.addf %add3A_227, %dot_general3A_267 : vector<2000x128xf32>
    %get3A_270 = arith.constant 0 : index
    %get3A_271 = arith.constant 0 : index
    %get3A_272 = vector.load %arg14[%get3A_270, %get3A_271] : memref<1x128xf32, #tpu.memory_space<vmem>>, vector<1x128xf32>
    %add3A_273 = vector.broadcast %get3A_272 : vector<1x128xf32> to vector<2000x128xf32>
    %add3A_274 = arith.addf %add3A_268, %add3A_273 : vector<2000x128xf32>
    %logistic3A_275 = arith.negf %add3A_274 : vector<2000x128xf32>
    %logistic3A_276 = math.exp %logistic3A_275 : vector<2000x128xf32>
    %logistic3A_277 = arith.constant 1.000000e+00 : f32
    %logistic3A_278 = vector.broadcast %logistic3A_277 : f32 to vector<2000x128xf32>
    %logistic3A_279 = arith.addf %logistic3A_278, %logistic3A_276 : vector<2000x128xf32>
    %logistic3A_280 = arith.divf %logistic3A_278, %logistic3A_279 : vector<2000x128xf32>
    %add3A_281 = arith.addf %logistic3A_280, %add3A_269 : vector<2000x128xf32>
    %get3A_282 = arith.constant 0 : index
    %get3A_283 = arith.constant 0 : index
    %get3A_284 = vector.load %arg16[%get3A_282, %get3A_283] : memref<1x128xf32, #tpu.memory_space<vmem>>, vector<1x128xf32>
    %add3A_285 = vector.broadcast %get3A_284 : vector<1x128xf32> to vector<2000x128xf32>
    %add3A_286 = arith.addf %add3A_281, %add3A_285 : vector<2000x128xf32>
    %mul3A_287 = arith.mulf %add3A_286, %add3A_286 : vector<2000x128xf32>
    %reduce_sum3A_288 = arith.constant dense<0.000000e+00> : vector<2000xf32>
    %reduce_sum3A_289 = vector.multi_reduction <add>, %mul3A_287, %reduce_sum3A_288 [1] : vector<2000x128xf32> to vector<2000xf32>
    %broadcast_in_dim3A_290 = vector.shape_cast %reduce_sum3A_289 : vector<2000xf32> to vector<2000x1xf32>
    %sqrt3A_291 = math.sqrt %broadcast_in_dim3A_290 : vector<2000x1xf32>
    %max3A_292 = arith.constant 9.99999996E-13 : f32
    %max3A_293 = vector.broadcast %max3A_292 : f32 to vector<2000x1xf32>
    %max3A_294 = arith.maximumf %sqrt3A_291, %max3A_293 : vector<2000x1xf32>
    %div3A_295 = vector.broadcast %max3A_294 : vector<2000x1xf32> to vector<2000x128xf32>
    %div3A_296 = arith.divf %add3A_286, %div3A_295 : vector<2000x128xf32>
    %convert_element_type3A_297 = arith.truncf %div3A_296 : vector<2000x128xf32> to vector<2000x128xbf16>
    %get3A_298 = arith.constant 128 : index
    %get3A_299 = arith.constant 0 : index
    %get3A_300 = vector.load %arg17[%get3A_298, %get3A_299] : memref<512x128xbf16, #tpu.memory_space<vmem>>, vector<128x128xbf16>
    %dot_general3A_301 = arith.constant dense<0.000000e+00> : vector<2000x128xf32>
    %dot_general3A_302 = tpu.matmul %convert_element_type3A_297, %get3A_300, %dot_general3A_301 {dimension_numbers = #tpu.dot_dimension_numbers<[1], [0], [0], [1], [0, 0, 1, 1], [], []>, transpose_lhs_hint = false} : vector<2000x128xbf16>, vector<128x128xbf16>, vector<2000x128xf32> -> vector<2000x128xf32>
    %get3A_303 = arith.constant 128 : index
    %get3A_304 = arith.constant 0 : index
    %get3A_305 = vector.load %arg19[%get3A_303, %get3A_304] : memref<512x128xbf16, #tpu.memory_space<vmem>>, vector<128x128xbf16>
    %dot_general3A_306 = arith.constant dense<0.000000e+00> : vector<2000x128xf32>
    %dot_general3A_307 = tpu.matmul %convert_element_type3A_297, %get3A_305, %dot_general3A_306 {dimension_numbers = #tpu.dot_dimension_numbers<[1], [0], [0], [1], [0, 0, 1, 1], [], []>, transpose_lhs_hint = false} : vector<2000x128xbf16>, vector<128x128xbf16>, vector<2000x128xf32> -> vector<2000x128xf32>
    %add3A_308 = arith.addf %dot_general3A_140, %dot_general3A_302 : vector<2000x128xf32>
    %add3A_309 = arith.addf %dot_general3A_145, %dot_general3A_307 : vector<2000x128xf32>
    %get3A_310 = arith.constant 0 : index
    %get3A_311 = arith.constant 0 : index
    %get3A_312 = vector.load %arg7[%get3A_310, %get3A_311] : memref<1000x128xi32, #tpu.memory_space<vmem>>, vector<1000x128xi32>
    %slice3A_313 = vector.extract_strided_slice %get3A_312 {offsets = [0, 0], sizes = [1000, 64], strides = [1, 1]} : vector<1000x128xi32> to vector<1000x64xi32>
    %bitcast3A_314 = tpu.bitcast %slice3A_313 : vector<1000x64xi32> -> vector<1000x64xi32>
    %and3A_315 = arith.constant 65535 : i32
    %and3A_316 = vector.broadcast %and3A_315 : i32 to vector<1000x64xi32>
    %and3A_317 = arith.andi %bitcast3A_314, %and3A_316 : vector<1000x64xi32>
    %convert_element_type3A_318 = arith.trunci %and3A_317 : vector<1000x64xi32> to vector<1000x64xi16>
    %bitcast3A_319 = tpu.bitcast %convert_element_type3A_318 : vector<1000x64xi16> -> vector<1000x64xbf16>
    %shift_right_logical3A_320 = arith.constant 16 : i32
    %shift_right_logical3A_321 = vector.broadcast %shift_right_logical3A_320 : i32 to vector<1000x64xi32>
    %shift_right_logical3A_322 = arith.shrui %bitcast3A_314, %shift_right_logical3A_321 : vector<1000x64xi32>
    %convert_element_type3A_323 = arith.trunci %shift_right_logical3A_322 : vector<1000x64xi32> to vector<1000x64xi16>
    %bitcast3A_324 = tpu.bitcast %convert_element_type3A_323 : vector<1000x64xi16> -> vector<1000x64xbf16>
    %concatenate3A_325 = tpu.concatenate %bitcast3A_319, %bitcast3A_324 in 1 : vector<1000x64xbf16>, vector<1000x64xbf16> -> vector<1000x128xbf16>
    %slice3A_326 = vector.extract_strided_slice %get3A_312 {offsets = [0, 64], sizes = [1000, 64], strides = [1, 1]} : vector<1000x128xi32> to vector<1000x64xi32>
    %bitcast3A_327 = tpu.bitcast %slice3A_326 : vector<1000x64xi32> -> vector<1000x64xi32>
    %and3A_328 = arith.constant 65535 : i32
    %and3A_329 = vector.broadcast %and3A_328 : i32 to vector<1000x64xi32>
    %and3A_330 = arith.andi %bitcast3A_327, %and3A_329 : vector<1000x64xi32>
    %convert_element_type3A_331 = arith.trunci %and3A_330 : vector<1000x64xi32> to vector<1000x64xi16>
    %bitcast3A_332 = tpu.bitcast %convert_element_type3A_331 : vector<1000x64xi16> -> vector<1000x64xbf16>
    %shift_right_logical3A_333 = arith.constant 16 : i32
    %shift_right_logical3A_334 = vector.broadcast %shift_right_logical3A_333 : i32 to vector<1000x64xi32>
    %shift_right_logical3A_335 = arith.shrui %bitcast3A_327, %shift_right_logical3A_334 : vector<1000x64xi32>
    %convert_element_type3A_336 = arith.trunci %shift_right_logical3A_335 : vector<1000x64xi32> to vector<1000x64xi16>
    %bitcast3A_337 = tpu.bitcast %convert_element_type3A_336 : vector<1000x64xi16> -> vector<1000x64xbf16>
    %concatenate3A_338 = tpu.concatenate %bitcast3A_332, %bitcast3A_337 in 1 : vector<1000x64xbf16>, vector<1000x64xbf16> -> vector<1000x128xbf16>
    %concatenate3A_339 = tpu.concatenate %concatenate3A_325, %concatenate3A_338 in 0 : vector<1000x128xbf16>, vector<1000x128xbf16> -> vector<2000x128xbf16>
    %get3A_340 = arith.constant 0 : index
    %get3A_341 = arith.constant 0 : index
    %get3A_342 = vector.load %arg13[%get3A_340, %get3A_341] : memref<384x128xbf16, #tpu.memory_space<vmem>>, vector<128x128xbf16>
    %dot_general3A_343 = arith.constant dense<0.000000e+00> : vector<2000x128xf32>
    %dot_general3A_344 = tpu.matmul %concatenate3A_339, %get3A_342, %dot_general3A_343 {dimension_numbers = #tpu.dot_dimension_numbers<[1], [0], [0], [1], [0, 0, 1, 1], [], []>, transpose_lhs_hint = false} : vector<2000x128xbf16>, vector<128x128xbf16>, vector<2000x128xf32> -> vector<2000x128xf32>
    %get3A_345 = arith.constant 0 : index
    %get3A_346 = arith.constant 0 : index
    %get3A_347 = vector.load %arg15[%get3A_345, %get3A_346] : memref<384x128xbf16, #tpu.memory_space<vmem>>, vector<128x128xbf16>
    %dot_general3A_348 = arith.constant dense<0.000000e+00> : vector<2000x128xf32>
    %dot_general3A_349 = tpu.matmul %concatenate3A_339, %get3A_347, %dot_general3A_348 {dimension_numbers = #tpu.dot_dimension_numbers<[1], [0], [0], [1], [0, 0, 1, 1], [], []>, transpose_lhs_hint = false} : vector<2000x128xbf16>, vector<128x128xbf16>, vector<2000x128xf32> -> vector<2000x128xf32>
    %get3A_350 = arith.constant 0 : index
    %get3A_351 = arith.constant 0 : index
    %get3A_352 = vector.load %arg8[%get3A_350, %get3A_351] : memref<1000x128xi32, #tpu.memory_space<vmem>>, vector<1000x128xi32>
    %slice3A_353 = vector.extract_strided_slice %get3A_352 {offsets = [0, 0], sizes = [1000, 64], strides = [1, 1]} : vector<1000x128xi32> to vector<1000x64xi32>
    %bitcast3A_354 = tpu.bitcast %slice3A_353 : vector<1000x64xi32> -> vector<1000x64xi32>
    %and3A_355 = arith.constant 65535 : i32
    %and3A_356 = vector.broadcast %and3A_355 : i32 to vector<1000x64xi32>
    %and3A_357 = arith.andi %bitcast3A_354, %and3A_356 : vector<1000x64xi32>
    %convert_element_type3A_358 = arith.trunci %and3A_357 : vector<1000x64xi32> to vector<1000x64xi16>
    %bitcast3A_359 = tpu.bitcast %convert_element_type3A_358 : vector<1000x64xi16> -> vector<1000x64xbf16>
    %shift_right_logical3A_360 = arith.constant 16 : i32
    %shift_right_logical3A_361 = vector.broadcast %shift_right_logical3A_360 : i32 to vector<1000x64xi32>
    %shift_right_logical3A_362 = arith.shrui %bitcast3A_354, %shift_right_logical3A_361 : vector<1000x64xi32>
    %convert_element_type3A_363 = arith.trunci %shift_right_logical3A_362 : vector<1000x64xi32> to vector<1000x64xi16>
    %bitcast3A_364 = tpu.bitcast %convert_element_type3A_363 : vector<1000x64xi16> -> vector<1000x64xbf16>
    %concatenate3A_365 = tpu.concatenate %bitcast3A_359, %bitcast3A_364 in 1 : vector<1000x64xbf16>, vector<1000x64xbf16> -> vector<1000x128xbf16>
    %slice3A_366 = vector.extract_strided_slice %get3A_352 {offsets = [0, 64], sizes = [1000, 64], strides = [1, 1]} : vector<1000x128xi32> to vector<1000x64xi32>
    %bitcast3A_367 = tpu.bitcast %slice3A_366 : vector<1000x64xi32> -> vector<1000x64xi32>
    %and3A_368 = arith.constant 65535 : i32
    %and3A_369 = vector.broadcast %and3A_368 : i32 to vector<1000x64xi32>
    %and3A_370 = arith.andi %bitcast3A_367, %and3A_369 : vector<1000x64xi32>
    %convert_element_type3A_371 = arith.trunci %and3A_370 : vector<1000x64xi32> to vector<1000x64xi16>
    %bitcast3A_372 = tpu.bitcast %convert_element_type3A_371 : vector<1000x64xi16> -> vector<1000x64xbf16>
    %shift_right_logical3A_373 = arith.constant 16 : i32
    %shift_right_logical3A_374 = vector.broadcast %shift_right_logical3A_373 : i32 to vector<1000x64xi32>
    %shift_right_logical3A_375 = arith.shrui %bitcast3A_367, %shift_right_logical3A_374 : vector<1000x64xi32>
    %convert_element_type3A_376 = arith.trunci %shift_right_logical3A_375 : vector<1000x64xi32> to vector<1000x64xi16>
    %bitcast3A_377 = tpu.bitcast %convert_element_type3A_376 : vector<1000x64xi16> -> vector<1000x64xbf16>
    %concatenate3A_378 = tpu.concatenate %bitcast3A_372, %bitcast3A_377 in 1 : vector<1000x64xbf16>, vector<1000x64xbf16> -> vector<1000x128xbf16>
    %concatenate3A_379 = tpu.concatenate %concatenate3A_365, %concatenate3A_378 in 0 : vector<1000x128xbf16>, vector<1000x128xbf16> -> vector<2000x128xbf16>
    %get3A_380 = arith.constant 128 : index
    %get3A_381 = arith.constant 0 : index
    %get3A_382 = vector.load %arg13[%get3A_380, %get3A_381] : memref<384x128xbf16, #tpu.memory_space<vmem>>, vector<128x128xbf16>
    %dot_general3A_383 = arith.constant dense<0.000000e+00> : vector<2000x128xf32>
    %dot_general3A_384 = tpu.matmul %concatenate3A_379, %get3A_382, %dot_general3A_383 {dimension_numbers = #tpu.dot_dimension_numbers<[1], [0], [0], [1], [0, 0, 1, 1], [], []>, transpose_lhs_hint = false} : vector<2000x128xbf16>, vector<128x128xbf16>, vector<2000x128xf32> -> vector<2000x128xf32>
    %get3A_385 = arith.constant 128 : index
    %get3A_386 = arith.constant 0 : index
    %get3A_387 = vector.load %arg15[%get3A_385, %get3A_386] : memref<384x128xbf16, #tpu.memory_space<vmem>>, vector<128x128xbf16>
    %dot_general3A_388 = arith.constant dense<0.000000e+00> : vector<2000x128xf32>
    %dot_general3A_389 = tpu.matmul %concatenate3A_379, %get3A_387, %dot_general3A_388 {dimension_numbers = #tpu.dot_dimension_numbers<[1], [0], [0], [1], [0, 0, 1, 1], [], []>, transpose_lhs_hint = false} : vector<2000x128xbf16>, vector<128x128xbf16>, vector<2000x128xf32> -> vector<2000x128xf32>
    %add3A_390 = arith.addf %dot_general3A_344, %dot_general3A_384 : vector<2000x128xf32>
    %add3A_391 = arith.addf %dot_general3A_349, %dot_general3A_389 : vector<2000x128xf32>
    %get3A_392 = arith.constant 0 : index
    %get3A_393 = arith.constant 0 : index
    %get3A_394 = vector.load %arg9[%get3A_392, %get3A_393] : memref<1000x128xi32, #tpu.memory_space<vmem>>, vector<1000x128xi32>
    %slice3A_395 = vector.extract_strided_slice %get3A_394 {offsets = [0, 0], sizes = [1000, 64], strides = [1, 1]} : vector<1000x128xi32> to vector<1000x64xi32>
    %bitcast3A_396 = tpu.bitcast %slice3A_395 : vector<1000x64xi32> -> vector<1000x64xi32>
    %and3A_397 = arith.constant 65535 : i32
    %and3A_398 = vector.broadcast %and3A_397 : i32 to vector<1000x64xi32>
    %and3A_399 = arith.andi %bitcast3A_396, %and3A_398 : vector<1000x64xi32>
    %convert_element_type3A_400 = arith.trunci %and3A_399 : vector<1000x64xi32> to vector<1000x64xi16>
    %bitcast3A_401 = tpu.bitcast %convert_element_type3A_400 : vector<1000x64xi16> -> vector<1000x64xbf16>
    %shift_right_logical3A_402 = arith.constant 16 : i32
    %shift_right_logical3A_403 = vector.broadcast %shift_right_logical3A_402 : i32 to vector<1000x64xi32>
    %shift_right_logical3A_404 = arith.shrui %bitcast3A_396, %shift_right_logical3A_403 : vector<1000x64xi32>
    %convert_element_type3A_405 = arith.trunci %shift_right_logical3A_404 : vector<1000x64xi32> to vector<1000x64xi16>
    %bitcast3A_406 = tpu.bitcast %convert_element_type3A_405 : vector<1000x64xi16> -> vector<1000x64xbf16>
    %concatenate3A_407 = tpu.concatenate %bitcast3A_401, %bitcast3A_406 in 1 : vector<1000x64xbf16>, vector<1000x64xbf16> -> vector<1000x128xbf16>
    %slice3A_408 = vector.extract_strided_slice %get3A_394 {offsets = [0, 64], sizes = [1000, 64], strides = [1, 1]} : vector<1000x128xi32> to vector<1000x64xi32>
    %bitcast3A_409 = tpu.bitcast %slice3A_408 : vector<1000x64xi32> -> vector<1000x64xi32>
    %and3A_410 = arith.constant 65535 : i32
    %and3A_411 = vector.broadcast %and3A_410 : i32 to vector<1000x64xi32>
    %and3A_412 = arith.andi %bitcast3A_409, %and3A_411 : vector<1000x64xi32>
    %convert_element_type3A_413 = arith.trunci %and3A_412 : vector<1000x64xi32> to vector<1000x64xi16>
    %bitcast3A_414 = tpu.bitcast %convert_element_type3A_413 : vector<1000x64xi16> -> vector<1000x64xbf16>
    %shift_right_logical3A_415 = arith.constant 16 : i32
    %shift_right_logical3A_416 = vector.broadcast %shift_right_logical3A_415 : i32 to vector<1000x64xi32>
    %shift_right_logical3A_417 = arith.shrui %bitcast3A_409, %shift_right_logical3A_416 : vector<1000x64xi32>
    %convert_element_type3A_418 = arith.trunci %shift_right_logical3A_417 : vector<1000x64xi32> to vector<1000x64xi16>
    %bitcast3A_419 = tpu.bitcast %convert_element_type3A_418 : vector<1000x64xi16> -> vector<1000x64xbf16>
    %concatenate3A_420 = tpu.concatenate %bitcast3A_414, %bitcast3A_419 in 1 : vector<1000x64xbf16>, vector<1000x64xbf16> -> vector<1000x128xbf16>
    %concatenate3A_421 = tpu.concatenate %concatenate3A_407, %concatenate3A_420 in 0 : vector<1000x128xbf16>, vector<1000x128xbf16> -> vector<2000x128xbf16>
    %get3A_422 = arith.constant 256 : index
    %get3A_423 = arith.constant 0 : index
    %get3A_424 = vector.load %arg13[%get3A_422, %get3A_423] : memref<384x128xbf16, #tpu.memory_space<vmem>>, vector<128x128xbf16>
    %dot_general3A_425 = arith.constant dense<0.000000e+00> : vector<2000x128xf32>
    %dot_general3A_426 = tpu.matmul %concatenate3A_421, %get3A_424, %dot_general3A_425 {dimension_numbers = #tpu.dot_dimension_numbers<[1], [0], [0], [1], [0, 0, 1, 1], [], []>, transpose_lhs_hint = false} : vector<2000x128xbf16>, vector<128x128xbf16>, vector<2000x128xf32> -> vector<2000x128xf32>
    %get3A_427 = arith.constant 256 : index
    %get3A_428 = arith.constant 0 : index
    %get3A_429 = vector.load %arg15[%get3A_427, %get3A_428] : memref<384x128xbf16, #tpu.memory_space<vmem>>, vector<128x128xbf16>
    %dot_general3A_430 = arith.constant dense<0.000000e+00> : vector<2000x128xf32>
    %dot_general3A_431 = tpu.matmul %concatenate3A_421, %get3A_429, %dot_general3A_430 {dimension_numbers = #tpu.dot_dimension_numbers<[1], [0], [0], [1], [0, 0, 1, 1], [], []>, transpose_lhs_hint = false} : vector<2000x128xbf16>, vector<128x128xbf16>, vector<2000x128xf32> -> vector<2000x128xf32>
    %add3A_432 = arith.addf %add3A_390, %dot_general3A_426 : vector<2000x128xf32>
    %add3A_433 = arith.addf %add3A_391, %dot_general3A_431 : vector<2000x128xf32>
    %get3A_434 = arith.constant 0 : index
    %get3A_435 = arith.constant 0 : index
    %get3A_436 = vector.load %arg14[%get3A_434, %get3A_435] : memref<1x128xf32, #tpu.memory_space<vmem>>, vector<1x128xf32>
    %add3A_437 = vector.broadcast %get3A_436 : vector<1x128xf32> to vector<2000x128xf32>
    %add3A_438 = arith.addf %add3A_432, %add3A_437 : vector<2000x128xf32>
    %logistic3A_439 = arith.negf %add3A_438 : vector<2000x128xf32>
    %logistic3A_440 = math.exp %logistic3A_439 : vector<2000x128xf32>
    %logistic3A_441 = arith.constant 1.000000e+00 : f32
    %logistic3A_442 = vector.broadcast %logistic3A_441 : f32 to vector<2000x128xf32>
    %logistic3A_443 = arith.addf %logistic3A_442, %logistic3A_440 : vector<2000x128xf32>
    %logistic3A_444 = arith.divf %logistic3A_442, %logistic3A_443 : vector<2000x128xf32>
    %add3A_445 = arith.addf %logistic3A_444, %add3A_433 : vector<2000x128xf32>
    %get3A_446 = arith.constant 0 : index
    %get3A_447 = arith.constant 0 : index
    %get3A_448 = vector.load %arg16[%get3A_446, %get3A_447] : memref<1x128xf32, #tpu.memory_space<vmem>>, vector<1x128xf32>
    %add3A_449 = vector.broadcast %get3A_448 : vector<1x128xf32> to vector<2000x128xf32>
    %add3A_450 = arith.addf %add3A_445, %add3A_449 : vector<2000x128xf32>
    %mul3A_451 = arith.mulf %add3A_450, %add3A_450 : vector<2000x128xf32>
    %reduce_sum3A_452 = arith.constant dense<0.000000e+00> : vector<2000xf32>
    %reduce_sum3A_453 = vector.multi_reduction <add>, %mul3A_451, %reduce_sum3A_452 [1] : vector<2000x128xf32> to vector<2000xf32>
    %broadcast_in_dim3A_454 = vector.shape_cast %reduce_sum3A_453 : vector<2000xf32> to vector<2000x1xf32>
    %sqrt3A_455 = math.sqrt %broadcast_in_dim3A_454 : vector<2000x1xf32>
    %max3A_456 = arith.constant 9.99999996E-13 : f32
    %max3A_457 = vector.broadcast %max3A_456 : f32 to vector<2000x1xf32>
    %max3A_458 = arith.maximumf %sqrt3A_455, %max3A_457 : vector<2000x1xf32>
    %div3A_459 = vector.broadcast %max3A_458 : vector<2000x1xf32> to vector<2000x128xf32>
    %div3A_460 = arith.divf %add3A_450, %div3A_459 : vector<2000x128xf32>
    %convert_element_type3A_461 = arith.truncf %div3A_460 : vector<2000x128xf32> to vector<2000x128xbf16>
    %get3A_462 = arith.constant 256 : index
    %get3A_463 = arith.constant 0 : index
    %get3A_464 = vector.load %arg17[%get3A_462, %get3A_463] : memref<512x128xbf16, #tpu.memory_space<vmem>>, vector<128x128xbf16>
    %dot_general3A_465 = arith.constant dense<0.000000e+00> : vector<2000x128xf32>
    %dot_general3A_466 = tpu.matmul %convert_element_type3A_461, %get3A_464, %dot_general3A_465 {dimension_numbers = #tpu.dot_dimension_numbers<[1], [0], [0], [1], [0, 0, 1, 1], [], []>, transpose_lhs_hint = false} : vector<2000x128xbf16>, vector<128x128xbf16>, vector<2000x128xf32> -> vector<2000x128xf32>
    %get3A_467 = arith.constant 256 : index
    %get3A_468 = arith.constant 0 : index
    %get3A_469 = vector.load %arg19[%get3A_467, %get3A_468] : memref<512x128xbf16, #tpu.memory_space<vmem>>, vector<128x128xbf16>
    %dot_general3A_470 = arith.constant dense<0.000000e+00> : vector<2000x128xf32>
    %dot_general3A_471 = tpu.matmul %convert_element_type3A_461, %get3A_469, %dot_general3A_470 {dimension_numbers = #tpu.dot_dimension_numbers<[1], [0], [0], [1], [0, 0, 1, 1], [], []>, transpose_lhs_hint = false} : vector<2000x128xbf16>, vector<128x128xbf16>, vector<2000x128xf32> -> vector<2000x128xf32>
    %add3A_472 = arith.addf %add3A_308, %dot_general3A_466 : vector<2000x128xf32>
    %add3A_473 = arith.addf %add3A_309, %dot_general3A_471 : vector<2000x128xf32>
    %get3A_474 = arith.constant 0 : index
    %get3A_475 = arith.constant 0 : index
    %get3A_476 = vector.load %arg10[%get3A_474, %get3A_475] : memref<1000x128xi32, #tpu.memory_space<vmem>>, vector<1000x128xi32>
    %slice3A_477 = vector.extract_strided_slice %get3A_476 {offsets = [0, 0], sizes = [1000, 64], strides = [1, 1]} : vector<1000x128xi32> to vector<1000x64xi32>
    %bitcast3A_478 = tpu.bitcast %slice3A_477 : vector<1000x64xi32> -> vector<1000x64xi32>
    %and3A_479 = arith.constant 65535 : i32
    %and3A_480 = vector.broadcast %and3A_479 : i32 to vector<1000x64xi32>
    %and3A_481 = arith.andi %bitcast3A_478, %and3A_480 : vector<1000x64xi32>
    %convert_element_type3A_482 = arith.trunci %and3A_481 : vector<1000x64xi32> to vector<1000x64xi16>
    %bitcast3A_483 = tpu.bitcast %convert_element_type3A_482 : vector<1000x64xi16> -> vector<1000x64xbf16>
    %shift_right_logical3A_484 = arith.constant 16 : i32
    %shift_right_logical3A_485 = vector.broadcast %shift_right_logical3A_484 : i32 to vector<1000x64xi32>
    %shift_right_logical3A_486 = arith.shrui %bitcast3A_478, %shift_right_logical3A_485 : vector<1000x64xi32>
    %convert_element_type3A_487 = arith.trunci %shift_right_logical3A_486 : vector<1000x64xi32> to vector<1000x64xi16>
    %bitcast3A_488 = tpu.bitcast %convert_element_type3A_487 : vector<1000x64xi16> -> vector<1000x64xbf16>
    %concatenate3A_489 = tpu.concatenate %bitcast3A_483, %bitcast3A_488 in 1 : vector<1000x64xbf16>, vector<1000x64xbf16> -> vector<1000x128xbf16>
    %slice3A_490 = vector.extract_strided_slice %get3A_476 {offsets = [0, 64], sizes = [1000, 64], strides = [1, 1]} : vector<1000x128xi32> to vector<1000x64xi32>
    %bitcast3A_491 = tpu.bitcast %slice3A_490 : vector<1000x64xi32> -> vector<1000x64xi32>
    %and3A_492 = arith.constant 65535 : i32
    %and3A_493 = vector.broadcast %and3A_492 : i32 to vector<1000x64xi32>
    %and3A_494 = arith.andi %bitcast3A_491, %and3A_493 : vector<1000x64xi32>
    %convert_element_type3A_495 = arith.trunci %and3A_494 : vector<1000x64xi32> to vector<1000x64xi16>
    %bitcast3A_496 = tpu.bitcast %convert_element_type3A_495 : vector<1000x64xi16> -> vector<1000x64xbf16>
    %shift_right_logical3A_497 = arith.constant 16 : i32
    %shift_right_logical3A_498 = vector.broadcast %shift_right_logical3A_497 : i32 to vector<1000x64xi32>
    %shift_right_logical3A_499 = arith.shrui %bitcast3A_491, %shift_right_logical3A_498 : vector<1000x64xi32>
    %convert_element_type3A_500 = arith.trunci %shift_right_logical3A_499 : vector<1000x64xi32> to vector<1000x64xi16>
    %bitcast3A_501 = tpu.bitcast %convert_element_type3A_500 : vector<1000x64xi16> -> vector<1000x64xbf16>
    %concatenate3A_502 = tpu.concatenate %bitcast3A_496, %bitcast3A_501 in 1 : vector<1000x64xbf16>, vector<1000x64xbf16> -> vector<1000x128xbf16>
    %concatenate3A_503 = tpu.concatenate %concatenate3A_489, %concatenate3A_502 in 0 : vector<1000x128xbf16>, vector<1000x128xbf16> -> vector<2000x128xbf16>
    %get3A_504 = arith.constant 0 : index
    %get3A_505 = arith.constant 0 : index
    %get3A_506 = vector.load %arg13[%get3A_504, %get3A_505] : memref<384x128xbf16, #tpu.memory_space<vmem>>, vector<128x128xbf16>
    %dot_general3A_507 = arith.constant dense<0.000000e+00> : vector<2000x128xf32>
    %dot_general3A_508 = tpu.matmul %concatenate3A_503, %get3A_506, %dot_general3A_507 {dimension_numbers = #tpu.dot_dimension_numbers<[1], [0], [0], [1], [0, 0, 1, 1], [], []>, transpose_lhs_hint = false} : vector<2000x128xbf16>, vector<128x128xbf16>, vector<2000x128xf32> -> vector<2000x128xf32>
    %get3A_509 = arith.constant 0 : index
    %get3A_510 = arith.constant 0 : index
    %get3A_511 = vector.load %arg15[%get3A_509, %get3A_510] : memref<384x128xbf16, #tpu.memory_space<vmem>>, vector<128x128xbf16>
    %dot_general3A_512 = arith.constant dense<0.000000e+00> : vector<2000x128xf32>
    %dot_general3A_513 = tpu.matmul %concatenate3A_503, %get3A_511, %dot_general3A_512 {dimension_numbers = #tpu.dot_dimension_numbers<[1], [0], [0], [1], [0, 0, 1, 1], [], []>, transpose_lhs_hint = false} : vector<2000x128xbf16>, vector<128x128xbf16>, vector<2000x128xf32> -> vector<2000x128xf32>
    %get3A_514 = arith.constant 0 : index
    %get3A_515 = arith.constant 0 : index
    %get3A_516 = vector.load %arg11[%get3A_514, %get3A_515] : memref<1000x128xi32, #tpu.memory_space<vmem>>, vector<1000x128xi32>
    %slice3A_517 = vector.extract_strided_slice %get3A_516 {offsets = [0, 0], sizes = [1000, 64], strides = [1, 1]} : vector<1000x128xi32> to vector<1000x64xi32>
    %bitcast3A_518 = tpu.bitcast %slice3A_517 : vector<1000x64xi32> -> vector<1000x64xi32>
    %and3A_519 = arith.constant 65535 : i32
    %and3A_520 = vector.broadcast %and3A_519 : i32 to vector<1000x64xi32>
    %and3A_521 = arith.andi %bitcast3A_518, %and3A_520 : vector<1000x64xi32>
    %convert_element_type3A_522 = arith.trunci %and3A_521 : vector<1000x64xi32> to vector<1000x64xi16>
    %bitcast3A_523 = tpu.bitcast %convert_element_type3A_522 : vector<1000x64xi16> -> vector<1000x64xbf16>
    %shift_right_logical3A_524 = arith.constant 16 : i32
    %shift_right_logical3A_525 = vector.broadcast %shift_right_logical3A_524 : i32 to vector<1000x64xi32>
    %shift_right_logical3A_526 = arith.shrui %bitcast3A_518, %shift_right_logical3A_525 : vector<1000x64xi32>
    %convert_element_type3A_527 = arith.trunci %shift_right_logical3A_526 : vector<1000x64xi32> to vector<1000x64xi16>
    %bitcast3A_528 = tpu.bitcast %convert_element_type3A_527 : vector<1000x64xi16> -> vector<1000x64xbf16>
    %concatenate3A_529 = tpu.concatenate %bitcast3A_523, %bitcast3A_528 in 1 : vector<1000x64xbf16>, vector<1000x64xbf16> -> vector<1000x128xbf16>
    %slice3A_530 = vector.extract_strided_slice %get3A_516 {offsets = [0, 64], sizes = [1000, 64], strides = [1, 1]} : vector<1000x128xi32> to vector<1000x64xi32>
    %bitcast3A_531 = tpu.bitcast %slice3A_530 : vector<1000x64xi32> -> vector<1000x64xi32>
    %and3A_532 = arith.constant 65535 : i32
    %and3A_533 = vector.broadcast %and3A_532 : i32 to vector<1000x64xi32>
    %and3A_534 = arith.andi %bitcast3A_531, %and3A_533 : vector<1000x64xi32>
    %convert_element_type3A_535 = arith.trunci %and3A_534 : vector<1000x64xi32> to vector<1000x64xi16>
    %bitcast3A_536 = tpu.bitcast %convert_element_type3A_535 : vector<1000x64xi16> -> vector<1000x64xbf16>
    %shift_right_logical3A_537 = arith.constant 16 : i32
    %shift_right_logical3A_538 = vector.broadcast %shift_right_logical3A_537 : i32 to vector<1000x64xi32>
    %shift_right_logical3A_539 = arith.shrui %bitcast3A_531, %shift_right_logical3A_538 : vector<1000x64xi32>
    %convert_element_type3A_540 = arith.trunci %shift_right_logical3A_539 : vector<1000x64xi32> to vector<1000x64xi16>
    %bitcast3A_541 = tpu.bitcast %convert_element_type3A_540 : vector<1000x64xi16> -> vector<1000x64xbf16>
    %concatenate3A_542 = tpu.concatenate %bitcast3A_536, %bitcast3A_541 in 1 : vector<1000x64xbf16>, vector<1000x64xbf16> -> vector<1000x128xbf16>
    %concatenate3A_543 = tpu.concatenate %concatenate3A_529, %concatenate3A_542 in 0 : vector<1000x128xbf16>, vector<1000x128xbf16> -> vector<2000x128xbf16>
    %get3A_544 = arith.constant 128 : index
    %get3A_545 = arith.constant 0 : index
    %get3A_546 = vector.load %arg13[%get3A_544, %get3A_545] : memref<384x128xbf16, #tpu.memory_space<vmem>>, vector<128x128xbf16>
    %dot_general3A_547 = arith.constant dense<0.000000e+00> : vector<2000x128xf32>
    %dot_general3A_548 = tpu.matmul %concatenate3A_543, %get3A_546, %dot_general3A_547 {dimension_numbers = #tpu.dot_dimension_numbers<[1], [0], [0], [1], [0, 0, 1, 1], [], []>, transpose_lhs_hint = false} : vector<2000x128xbf16>, vector<128x128xbf16>, vector<2000x128xf32> -> vector<2000x128xf32>
    %get3A_549 = arith.constant 128 : index
    %get3A_550 = arith.constant 0 : index
    %get3A_551 = vector.load %arg15[%get3A_549, %get3A_550] : memref<384x128xbf16, #tpu.memory_space<vmem>>, vector<128x128xbf16>
    %dot_general3A_552 = arith.constant dense<0.000000e+00> : vector<2000x128xf32>
    %dot_general3A_553 = tpu.matmul %concatenate3A_543, %get3A_551, %dot_general3A_552 {dimension_numbers = #tpu.dot_dimension_numbers<[1], [0], [0], [1], [0, 0, 1, 1], [], []>, transpose_lhs_hint = false} : vector<2000x128xbf16>, vector<128x128xbf16>, vector<2000x128xf32> -> vector<2000x128xf32>
    %add3A_554 = arith.addf %dot_general3A_508, %dot_general3A_548 : vector<2000x128xf32>
    %add3A_555 = arith.addf %dot_general3A_513, %dot_general3A_553 : vector<2000x128xf32>
    %get3A_556 = arith.constant 0 : index
    %get3A_557 = arith.constant 0 : index
    %get3A_558 = vector.load %arg12[%get3A_556, %get3A_557] : memref<1000x128xi32, #tpu.memory_space<vmem>>, vector<1000x128xi32>
    %slice3A_559 = vector.extract_strided_slice %get3A_558 {offsets = [0, 0], sizes = [1000, 64], strides = [1, 1]} : vector<1000x128xi32> to vector<1000x64xi32>
    %bitcast3A_560 = tpu.bitcast %slice3A_559 : vector<1000x64xi32> -> vector<1000x64xi32>
    %and3A_561 = arith.constant 65535 : i32
    %and3A_562 = vector.broadcast %and3A_561 : i32 to vector<1000x64xi32>
    %and3A_563 = arith.andi %bitcast3A_560, %and3A_562 : vector<1000x64xi32>
    %convert_element_type3A_564 = arith.trunci %and3A_563 : vector<1000x64xi32> to vector<1000x64xi16>
    %bitcast3A_565 = tpu.bitcast %convert_element_type3A_564 : vector<1000x64xi16> -> vector<1000x64xbf16>
    %shift_right_logical3A_566 = arith.constant 16 : i32
    %shift_right_logical3A_567 = vector.broadcast %shift_right_logical3A_566 : i32 to vector<1000x64xi32>
    %shift_right_logical3A_568 = arith.shrui %bitcast3A_560, %shift_right_logical3A_567 : vector<1000x64xi32>
    %convert_element_type3A_569 = arith.trunci %shift_right_logical3A_568 : vector<1000x64xi32> to vector<1000x64xi16>
    %bitcast3A_570 = tpu.bitcast %convert_element_type3A_569 : vector<1000x64xi16> -> vector<1000x64xbf16>
    %concatenate3A_571 = tpu.concatenate %bitcast3A_565, %bitcast3A_570 in 1 : vector<1000x64xbf16>, vector<1000x64xbf16> -> vector<1000x128xbf16>
    %slice3A_572 = vector.extract_strided_slice %get3A_558 {offsets = [0, 64], sizes = [1000, 64], strides = [1, 1]} : vector<1000x128xi32> to vector<1000x64xi32>
    %bitcast3A_573 = tpu.bitcast %slice3A_572 : vector<1000x64xi32> -> vector<1000x64xi32>
    %and3A_574 = arith.constant 65535 : i32
    %and3A_575 = vector.broadcast %and3A_574 : i32 to vector<1000x64xi32>
    %and3A_576 = arith.andi %bitcast3A_573, %and3A_575 : vector<1000x64xi32>
    %convert_element_type3A_577 = arith.trunci %and3A_576 : vector<1000x64xi32> to vector<1000x64xi16>
    %bitcast3A_578 = tpu.bitcast %convert_element_type3A_577 : vector<1000x64xi16> -> vector<1000x64xbf16>
    %shift_right_logical3A_579 = arith.constant 16 : i32
    %shift_right_logical3A_580 = vector.broadcast %shift_right_logical3A_579 : i32 to vector<1000x64xi32>
    %shift_right_logical3A_581 = arith.shrui %bitcast3A_573, %shift_right_logical3A_580 : vector<1000x64xi32>
    %convert_element_type3A_582 = arith.trunci %shift_right_logical3A_581 : vector<1000x64xi32> to vector<1000x64xi16>
    %bitcast3A_583 = tpu.bitcast %convert_element_type3A_582 : vector<1000x64xi16> -> vector<1000x64xbf16>
    %concatenate3A_584 = tpu.concatenate %bitcast3A_578, %bitcast3A_583 in 1 : vector<1000x64xbf16>, vector<1000x64xbf16> -> vector<1000x128xbf16>
    %concatenate3A_585 = tpu.concatenate %concatenate3A_571, %concatenate3A_584 in 0 : vector<1000x128xbf16>, vector<1000x128xbf16> -> vector<2000x128xbf16>
    %get3A_586 = arith.constant 256 : index
    %get3A_587 = arith.constant 0 : index
    %get3A_588 = vector.load %arg13[%get3A_586, %get3A_587] : memref<384x128xbf16, #tpu.memory_space<vmem>>, vector<128x128xbf16>
    %dot_general3A_589 = arith.constant dense<0.000000e+00> : vector<2000x128xf32>
    %dot_general3A_590 = tpu.matmul %concatenate3A_585, %get3A_588, %dot_general3A_589 {dimension_numbers = #tpu.dot_dimension_numbers<[1], [0], [0], [1], [0, 0, 1, 1], [], []>, transpose_lhs_hint = false} : vector<2000x128xbf16>, vector<128x128xbf16>, vector<2000x128xf32> -> vector<2000x128xf32>
    %get3A_591 = arith.constant 256 : index
    %get3A_592 = arith.constant 0 : index
    %get3A_593 = vector.load %arg15[%get3A_591, %get3A_592] : memref<384x128xbf16, #tpu.memory_space<vmem>>, vector<128x128xbf16>
    %dot_general3A_594 = arith.constant dense<0.000000e+00> : vector<2000x128xf32>
    %dot_general3A_595 = tpu.matmul %concatenate3A_585, %get3A_593, %dot_general3A_594 {dimension_numbers = #tpu.dot_dimension_numbers<[1], [0], [0], [1], [0, 0, 1, 1], [], []>, transpose_lhs_hint = false} : vector<2000x128xbf16>, vector<128x128xbf16>, vector<2000x128xf32> -> vector<2000x128xf32>
    %add3A_596 = arith.addf %add3A_554, %dot_general3A_590 : vector<2000x128xf32>
    %add3A_597 = arith.addf %add3A_555, %dot_general3A_595 : vector<2000x128xf32>
    %get3A_598 = arith.constant 0 : index
    %get3A_599 = arith.constant 0 : index
    %get3A_600 = vector.load %arg14[%get3A_598, %get3A_599] : memref<1x128xf32, #tpu.memory_space<vmem>>, vector<1x128xf32>
    %add3A_601 = vector.broadcast %get3A_600 : vector<1x128xf32> to vector<2000x128xf32>
    %add3A_602 = arith.addf %add3A_596, %add3A_601 : vector<2000x128xf32>
    %logistic3A_603 = arith.negf %add3A_602 : vector<2000x128xf32>
    %logistic3A_604 = math.exp %logistic3A_603 : vector<2000x128xf32>
    %logistic3A_605 = arith.constant 1.000000e+00 : f32
    %logistic3A_606 = vector.broadcast %logistic3A_605 : f32 to vector<2000x128xf32>
    %logistic3A_607 = arith.addf %logistic3A_606, %logistic3A_604 : vector<2000x128xf32>
    %logistic3A_608 = arith.divf %logistic3A_606, %logistic3A_607 : vector<2000x128xf32>
    %add3A_609 = arith.addf %logistic3A_608, %add3A_597 : vector<2000x128xf32>
    %get3A_610 = arith.constant 0 : index
    %get3A_611 = arith.constant 0 : index
    %get3A_612 = vector.load %arg16[%get3A_610, %get3A_611] : memref<1x128xf32, #tpu.memory_space<vmem>>, vector<1x128xf32>
    %add3A_613 = vector.broadcast %get3A_612 : vector<1x128xf32> to vector<2000x128xf32>
    %add3A_614 = arith.addf %add3A_609, %add3A_613 : vector<2000x128xf32>
    %mul3A_615 = arith.mulf %add3A_614, %add3A_614 : vector<2000x128xf32>
    %reduce_sum3A_616 = arith.constant dense<0.000000e+00> : vector<2000xf32>
    %reduce_sum3A_617 = vector.multi_reduction <add>, %mul3A_615, %reduce_sum3A_616 [1] : vector<2000x128xf32> to vector<2000xf32>
    %broadcast_in_dim3A_618 = vector.shape_cast %reduce_sum3A_617 : vector<2000xf32> to vector<2000x1xf32>
    %sqrt3A_619 = math.sqrt %broadcast_in_dim3A_618 : vector<2000x1xf32>
    %max3A_620 = arith.constant 9.99999996E-13 : f32
    %max3A_621 = vector.broadcast %max3A_620 : f32 to vector<2000x1xf32>
    %max3A_622 = arith.maximumf %sqrt3A_619, %max3A_621 : vector<2000x1xf32>
    %div3A_623 = vector.broadcast %max3A_622 : vector<2000x1xf32> to vector<2000x128xf32>
    %div3A_624 = arith.divf %add3A_614, %div3A_623 : vector<2000x128xf32>
    %convert_element_type3A_625 = arith.truncf %div3A_624 : vector<2000x128xf32> to vector<2000x128xbf16>
    %get3A_626 = arith.constant 384 : index
    %get3A_627 = arith.constant 0 : index
    %get3A_628 = vector.load %arg17[%get3A_626, %get3A_627] : memref<512x128xbf16, #tpu.memory_space<vmem>>, vector<128x128xbf16>
    %dot_general3A_629 = arith.constant dense<0.000000e+00> : vector<2000x128xf32>
    %dot_general3A_630 = tpu.matmul %convert_element_type3A_625, %get3A_628, %dot_general3A_629 {dimension_numbers = #tpu.dot_dimension_numbers<[1], [0], [0], [1], [0, 0, 1, 1], [], []>, transpose_lhs_hint = false} : vector<2000x128xbf16>, vector<128x128xbf16>, vector<2000x128xf32> -> vector<2000x128xf32>
    %get3A_631 = arith.constant 384 : index
    %get3A_632 = arith.constant 0 : index
    %get3A_633 = vector.load %arg19[%get3A_631, %get3A_632] : memref<512x128xbf16, #tpu.memory_space<vmem>>, vector<128x128xbf16>
    %dot_general3A_634 = arith.constant dense<0.000000e+00> : vector<2000x128xf32>
    %dot_general3A_635 = tpu.matmul %convert_element_type3A_625, %get3A_633, %dot_general3A_634 {dimension_numbers = #tpu.dot_dimension_numbers<[1], [0], [0], [1], [0, 0, 1, 1], [], []>, transpose_lhs_hint = false} : vector<2000x128xbf16>, vector<128x128xbf16>, vector<2000x128xf32> -> vector<2000x128xf32>
    %add3A_636 = arith.addf %add3A_472, %dot_general3A_630 : vector<2000x128xf32>
    %add3A_637 = arith.addf %add3A_473, %dot_general3A_635 : vector<2000x128xf32>
    %get3A_638 = arith.constant 0 : index
    %get3A_639 = arith.constant 0 : index
    %get3A_640 = vector.load %arg18[%get3A_638, %get3A_639] : memref<1x128xf32, #tpu.memory_space<vmem>>, vector<1x128xf32>
    %add3A_641 = vector.broadcast %get3A_640 : vector<1x128xf32> to vector<2000x128xf32>
    %add3A_642 = arith.addf %add3A_636, %add3A_641 : vector<2000x128xf32>
    %logistic3A_643 = arith.negf %add3A_642 : vector<2000x128xf32>
    %logistic3A_644 = math.exp %logistic3A_643 : vector<2000x128xf32>
    %logistic3A_645 = arith.constant 1.000000e+00 : f32
    %logistic3A_646 = vector.broadcast %logistic3A_645 : f32 to vector<2000x128xf32>
    %logistic3A_647 = arith.addf %logistic3A_646, %logistic3A_644 : vector<2000x128xf32>
    %logistic3A_648 = arith.divf %logistic3A_646, %logistic3A_647 : vector<2000x128xf32>
    %add3A_649 = arith.addf %logistic3A_648, %add3A_637 : vector<2000x128xf32>
    %get3A_650 = arith.constant 0 : index
    %get3A_651 = arith.constant 0 : index
    %get3A_652 = vector.load %arg20[%get3A_650, %get3A_651] : memref<1x128xf32, #tpu.memory_space<vmem>>, vector<1x128xf32>
    %add3A_653 = vector.broadcast %get3A_652 : vector<1x128xf32> to vector<2000x128xf32>
    %add3A_654 = arith.addf %add3A_649, %add3A_653 : vector<2000x128xf32>
    %mul3A_655 = arith.mulf %add3A_654, %add3A_654 : vector<2000x128xf32>
    %reduce_sum3A_656 = arith.constant dense<0.000000e+00> : vector<2000xf32>
    %reduce_sum3A_657 = vector.multi_reduction <add>, %mul3A_655, %reduce_sum3A_656 [1] : vector<2000x128xf32> to vector<2000xf32>
    %broadcast_in_dim3A_658 = vector.shape_cast %reduce_sum3A_657 : vector<2000xf32> to vector<2000x1xf32>
    %sqrt3A_659 = math.sqrt %broadcast_in_dim3A_658 : vector<2000x1xf32>
    %max3A_660 = arith.constant 9.99999996E-13 : f32
    %max3A_661 = vector.broadcast %max3A_660 : f32 to vector<2000x1xf32>
    %max3A_662 = arith.maximumf %sqrt3A_659, %max3A_661 : vector<2000x1xf32>
    %div3A_663 = vector.broadcast %max3A_662 : vector<2000x1xf32> to vector<2000x128xf32>
    %div3A_664 = arith.divf %add3A_654, %div3A_663 : vector<2000x128xf32>
    %slice3A_665 = vector.extract_strided_slice %div3A_664 {offsets = [0, 0], sizes = [1000, 128], strides = [1, 1]} : vector<2000x128xf32> to vector<1000x128xf32>
    %slice3A_666 = vector.extract_strided_slice %div3A_664 {offsets = [1000, 0], sizes = [1000, 128], strides = [1, 1]} : vector<2000x128xf32> to vector<1000x128xf32>
    %concatenate3A_667 = tpu.concatenate %slice3A_665, %slice3A_666 in 1 : vector<1000x128xf32>, vector<1000x128xf32> -> vector<1000x256xf32>
    %swap3A = arith.constant 0 : index
    %swap3A_668 = arith.constant 0 : index
    %swap3A_669 = vector.load %arg23[%swap3A, %swap3A_668] : memref<1000x256xf32, #tpu.memory_space<vmem>>, vector<1000x256xf32>
    tpu.vector_store %arg23[%swap3A, %swap3A_668], %concatenate3A_667 {strides = array<i32>} : memref<1000x256xf32, #tpu.memory_space<vmem>>, vector<1000x256xf32>,
    return
  }
  func.func @transform_0(%arg0: i32) -> (i32, i32) {
    %add3A = arith.constant 0 : i32
    %add3A_0 = arith.addi %add3A, %arg0 : i32
    %c0_i32 = arith.constant 0 : i32
    %c0_i32_1 = arith.constant 0 : i32
    return %add3A_0, %c0_i32 : i32, i32
  }
  func.func @transform_1(%arg0: i32) -> (i32, i32) {
    %add3A = arith.constant 100 : i32
    %add3A_0 = arith.addi %add3A, %arg0 : i32
    %c0_i32 = arith.constant 0 : i32
    %c0_i32_1 = arith.constant 0 : i32
    return %add3A_0, %c0_i32 : i32, i32
  }
  func.func @transform_2(%arg0: i32) -> (i32, i32) {
    %add3A = arith.constant 200 : i32
    %add3A_0 = arith.addi %add3A, %arg0 : i32
    %c0_i32 = arith.constant 0 : i32
    %c0_i32_1 = arith.constant 0 : i32
    return %add3A_0, %c0_i32 : i32, i32
  }
  func.func @transform_3(%arg0: i32) -> (i32, i32) {
    %add3A = arith.constant 25 : i32
    %add3A_0 = arith.addi %add3A, %arg0 : i32
    %c0_i32 = arith.constant 0 : i32
    %c0_i32_1 = arith.constant 0 : i32
    return %add3A_0, %c0_i32 : i32, i32
  }
  func.func @transform_4(%arg0: i32) -> (i32, i32) {
    %add3A = arith.constant 125 : i32
    %add3A_0 = arith.addi %add3A, %arg0 : i32
    %c0_i32 = arith.constant 0 : i32
    %c0_i32_1 = arith.constant 0 : i32
    return %add3A_0, %c0_i32 : i32, i32
  }
  func.func @transform_5(%arg0: i32) -> (i32, i32) {
    %add3A = arith.constant 225 : i32
    %add3A_0 = arith.addi %add3A, %arg0 : i32
    %c0_i32 = arith.constant 0 : i32
    %c0_i32_1 = arith.constant 0 : i32
    return %add3A_0, %c0_i32 : i32, i32
  }
  func.func @transform_6(%arg0: i32) -> (i32, i32) {
    %add3A = arith.constant 50 : i32
    %add3A_0 = arith.addi %add3A, %arg0 : i32
    %c0_i32 = arith.constant 0 : i32
    %c0_i32_1 = arith.constant 0 : i32
    return %add3A_0, %c0_i32 : i32, i32
  }
  func.func @transform_7(%arg0: i32) -> (i32, i32) {
    %add3A = arith.constant 150 : i32
    %add3A_0 = arith.addi %add3A, %arg0 : i32
    %c0_i32 = arith.constant 0 : i32
    %c0_i32_1 = arith.constant 0 : i32
    return %add3A_0, %c0_i32 : i32, i32
  }
  func.func @transform_8(%arg0: i32) -> (i32, i32) {
    %add3A = arith.constant 250 : i32
    %add3A_0 = arith.addi %add3A, %arg0 : i32
    %c0_i32 = arith.constant 0 : i32
    %c0_i32_1 = arith.constant 0 : i32
    return %add3A_0, %c0_i32 : i32, i32
  }
  func.func @transform_9(%arg0: i32) -> (i32, i32) {
    %add3A = arith.constant 75 : i32
    %add3A_0 = arith.addi %add3A, %arg0 : i32
    %c0_i32 = arith.constant 0 : i32
    %c0_i32_1 = arith.constant 0 : i32
    return %add3A_0, %c0_i32 : i32, i32
  }
  func.func @transform_10(%arg0: i32) -> (i32, i32) {
    %add3A = arith.constant 175 : i32
    %add3A_0 = arith.addi %add3A, %arg0 : i32
    %c0_i32 = arith.constant 0 : i32
    %c0_i32_1 = arith.constant 0 : i32
    return %add3A_0, %c0_i32 : i32, i32
  }
  func.func @transform_11(%arg0: i32) -> (i32, i32) {
    %add3A = arith.constant 275 : i32
    %add3A_0 = arith.addi %add3A, %arg0 : i32
    %c0_i32 = arith.constant 0 : i32
    %c0_i32_1 = arith.constant 0 : i32
    return %add3A_0, %c0_i32 : i32, i32
  }
  func.func @transform_12(%arg0: i32) -> (i32, i32) {
    %c0_i32 = arith.constant 0 : i32
    %c0_i32_0 = arith.constant 0 : i32
    %c0_i32_1 = arith.constant 0 : i32
    return %c0_i32, %c0_i32_0 : i32, i32
  }
  func.func @transform_13(%arg0: i32) -> (i32, i32) {
    %c0_i32 = arith.constant 0 : i32
    %c0_i32_0 = arith.constant 0 : i32
    %c0_i32_1 = arith.constant 0 : i32
    return %c0_i32, %c0_i32_0 : i32, i32
  }
  func.func @transform_14(%arg0: i32) -> (i32, i32) {
    %c0_i32 = arith.constant 0 : i32
    %c0_i32_0 = arith.constant 0 : i32
    %c0_i32_1 = arith.constant 0 : i32
    return %c0_i32, %c0_i32_0 : i32, i32
  }
  func.func @transform_15(%arg0: i32) -> (i32, i32) {
    %c0_i32 = arith.constant 0 : i32
    %c0_i32_0 = arith.constant 0 : i32
    %c0_i32_1 = arith.constant 0 : i32
    return %c0_i32, %c0_i32_0 : i32, i32
  }
  func.func @transform_16(%arg0: i32) -> (i32, i32) {
    %c0_i32 = arith.constant 0 : i32
    %c0_i32_0 = arith.constant 0 : i32
    %c0_i32_1 = arith.constant 0 : i32
    return %c0_i32, %c0_i32_0 : i32, i32
  }
  func.func @transform_17(%arg0: i32) -> (i32, i32) {
    %c0_i32 = arith.constant 0 : i32
    %c0_i32_0 = arith.constant 0 : i32
    %c0_i32_1 = arith.constant 0 : i32
    return %c0_i32, %c0_i32_0 : i32, i32
  }
  func.func @transform_18(%arg0: i32) -> (i32, i32) {
    %c0_i32 = arith.constant 0 : i32
    %c0_i32_0 = arith.constant 0 : i32
    %c0_i32_1 = arith.constant 0 : i32
    return %c0_i32, %c0_i32_0 : i32, i32
  }
  func.func @transform_19(%arg0: i32) -> (i32, i32) {
    %c0_i32 = arith.constant 0 : i32
    %c0_i32_0 = arith.constant 0 : i32
    %c0_i32_1 = arith.constant 0 : i32
    return %c0_i32, %c0_i32_0 : i32, i32
  }
  func.func @transform_20(%arg0: i32) -> (i32, i32) {
    %c0_i32 = arith.constant 0 : i32
    %c0_i32_0 = arith.constant 0 : i32
    %c0_i32_1 = arith.constant 0 : i32
    return %c0_i32, %c0_i32_0 : i32, i32
  }
  func.func @transform_21(%arg0: i32) -> (i32, i32) {
    %c0_i32 = arith.constant 0 : i32
    %c0_i32_0 = arith.constant 0 : i32
    %c0_i32_1 = arith.constant 0 : i32
    return %c0_i32, %c0_i32_0 : i32, i32
  }
  func.func @transform_22(%arg0: i32) -> (i32, i32) {
    %c0_i32 = arith.constant 0 : i32
    %c0_i32_0 = arith.constant 0 : i32
    return %arg0, %c0_i32 : i32, i32
  }
}

</mosaic_0001>

<sc_bundles>
// kernel: kernel.10.cloned.1.call-start
scs
__scs_entry_jumppad:
0x0: {  	(pc) =	sbr.rel $0x88, $3  }
0x1: {  	(tag) =	ssettag $0x0;
	lr =	simm.s32 $0x1  }
0x2: {  	[smem:$0x3F94] =	sst lr;
	_ =	strace $0xD0000000  }
0x3: {  	_ = 	snop  }
0x4: {  	_ = 	snop  }
0x5: {  	_ = 	snop  }
0x6: {  	_ = 	snop  }
0x7: {  	_ = 	snop  }
__scs_overlays_trampoline_lowered:
0x8: {  	[smem:$0x3FA3] =	sst s0  }
0x9: {  	[smem:$0x3FA4] =	sst s1  }
0xa: {  	[smem:$0x3FA5] =	sst s2  }
0xb: {  	[smem:$0x3FA6] =	sst s3  }
0xc: {  	[smem:$0x3FA7] =	sst s4  }
0xd: {  	[smem:$0x3FA8] =	sst s5  }
0xe: {  	[smem:$0x3FA9] =	sst s6  }
0xf: {  	[smem:$0x3FAA] =	sst s7  }
0x10: {  	[smem:$0x3FAB] =	sst s8  }
0x11: {  	[smem:$0x3FAC] =	sst s9;
	s0 =	simm.s32 @!p0 $0x0  }
0x12: {  	s1 =	sld [smem:$0x3F92];
	s0 =	simm.s32 @p0 $0x1  }
0x13: {  	[smem:$0x3FAD] =	sst s0;
	s0 =	simm.s32 @!p1 $0x0  }
0x14: {  	s2 =	sld [smem:$0x3F91];
	s0 =	simm.s32 @p1 $0x1  }
0x15: {  	[smem:$0x3FAE] =	sst s0;
	s0 =	simm.s32 @!p2 $0x0  }
0x16: {  	s3 =	sld [smem:$0x3FDB];
	s0 =	simm.s32 @p2 $0x1  }
0x17: {  	s4 =	simm.s32 $0x1BF5;
	[smem:$0x3FB0] =	sst s0  }
0x18: {  	s0 =	sld [smem:$0x3F93];
	_ =	swait.ge [sflag:s4], $0x0  }
0x19: {  	s7 =	sld [smem:$0x3F94]  }
0x1a: {  	s8 =	sadd.s32 $0xFFFFE003, lr  }
0x1b: {  	s9 =	sadd.s32 $0xFFFFFEF7, lr;
	s5 =	simm.s32 $0xFFFFFFFF;
	p2 =	slt.u32 s8, $0xFFFFF086  }
0x1c: {  	p1 =	slt.u32 s9, $0xF7A;
	s5 =	simm.s32 @!p2 $0x0  }
0x1d: {  	s5 =	simm.s32 @p1 $0x1;
	p0 =	seq.s32 s7, s2  }
0x1e: {  	s7 =	smul.u32 @!p0 $0xF7A, s2;
	p2 =	seq.s32 @!p0 s5, $0x0  }
0x1f: {  	s9 =	smul.u32 $0xF7A, s1;
	s8 =	simm.s32 @!p0 $0x1BF5;
	p2 =	por !p2, p0  }
0x20: {  	[sflag:s8] =	ssyncset.s32 @!p0 $0xFFFFF086;
	s6 =	sadd.s32 @!p0 s3, s7;
	s7 =	simm.s32 @!p0 $0x108  }
0x21: {  	s3 =	sadd.s32 s3, s9;
	s6 =	sadd.s32 @!p0 $0x88, s6;
	s7 =	simm.s32 @p2 $0x1082  }
0x22: {  	[simem:s7], [sflag:s8] =	dma.local @!p0 [hbm:s6], $0xF7A  }
0x23: {  	s9 =	sor.u32 $0xD0000000, s2;
	s6 =	simm.s32 $0x108;
	_ =	swait.ge @!p0 [sflag:s8], $0x0  }
0x24: {  	s3 =	sadd.s32 $0x88, s3;
	s6 =	simm.s32 @!p1 $0x1082;
	[sflag:s4] =	ssyncset.s32 $0xFFFFF086  }
0x25: {  	[simem:s6], [sflag:s4] =	dma.local [hbm:s3], $0xF7A  }
0x26: {  	[smem:$0x3F94] =	sst s1;
	(tag) =	ssettag s2;
	_ =	strace s9  }
0x27: {  	s1 =	sld [smem:$0x3FA4]  }
0x28: {  	s2 =	sld [smem:$0x3FA5]  }
0x29: {  	s4 =	sld [smem:$0x3FA7]  }
0x2a: {  	p0 =	seq.s32 s5, $0x0;
	s5 =	sld [smem:$0x3FA8]  }
0x2b: {  	s6 =	sld [smem:$0x3FA9]  }
0x2c: {  	s7 =	sld [smem:$0x3FAA]  }
0x2d: {  	s3 =	simm.s32 $0x108;
	s8 =	sld [smem:$0x3FAB]  }
0x2e: {  	s3 =	simm.s32 @!p0 $0x1082;
	s9 =	sld [smem:$0x3FAC]  }
0x2f: {  	lr =	sadd.s32 s0, s3;
	s0 =	sld [smem:$0x3FA3]  }
0x30: {  	s3 =	sld [smem:$0x3FA6]  }
0x31: {  	[smem:$0x3FAF] =	sst s10  }
0x32: {  	s10 =	sld [smem:$0x3FAD];
	_ =	sdelay $0x3  }
0x33: {  	p0 =	seq.s32 s10, $0x1;
	s10 =	sld [smem:$0x3FAF];
	_ =	sdelay $0x3  }
0x34: {  	[smem:$0x3FAF] =	sst s10  }
0x35: {  	s10 =	sld [smem:$0x3FAE];
	_ =	sdelay $0x3  }
0x36: {  	p1 =	seq.s32 s10, $0x1;
	s10 =	sld [smem:$0x3FAF];
	_ =	sdelay $0x3  }
0x37: {  	[smem:$0x3FAF] =	sst s10  }
0x38: {  	s10 =	sld [smem:$0x3FB0]  }
0x39: {  	_ = 	snop;
	(pc) =	sbr.ind lr, $3  }
0x3a: {  	_ = 	snop  }
0x3b: {  	_ = 	snop  }
0x3c: {  	p2 =	seq.s32 s10, $0x1;
	s10 =	sld [smem:$0x3FAF]  }
0x3d: {  	_ =	shalt  }
0x3e: {  	_ =	shalt  }
0x3f: {  	_ =	shalt  }
0x40: {  	_ =	shalt  }
0x41: {  	_ =	shalt  }
0x42: {  	_ =	shalt  }
0x43: {  	_ =	shalt  }
0x44: {  	_ =	shalt  }
0x45: {  	_ =	shalt  }
0x46: {  	_ =	shalt  }
0x47: {  	_ =	shalt  }
0x48: {  	_ =	shalt  }
0x49: {  	_ =	shalt  }
0x4a: {  	_ =	shalt  }
0x4b: {  	_ =	shalt  }
0x4c: {  	_ =	shalt  }
0x4d: {  	_ =	shalt  }
0x4e: {  	_ =	shalt  }
0x4f: {  	_ =	shalt  }
0x50: {  	_ =	shalt  }
0x51: {  	_ =	shalt  }
0x52: {  	_ =	shalt  }
0x53: {  	_ =	shalt  }
0x54: {  	_ =	shalt  }
0x55: {  	_ =	shalt  }
0x56: {  	_ =	shalt  }
0x57: {  	_ =	shalt  }
0x58: {  	_ =	shalt  }
0x59: {  	_ =	shalt  }
0x5a: {  	_ =	shalt  }
0x5b: {  	_ =	shalt  }
0x5c: {  	_ =	shalt  }
0x5d: {  	_ =	shalt  }
0x5e: {  	_ =	shalt  }
0x5f: {  	_ =	shalt  }
0x60: {  	_ =	shalt  }
0x61: {  	_ =	shalt  }
0x62: {  	_ =	shalt  }
0x63: {  	_ =	shalt  }
0x64: {  	_ =	shalt  }
0x65: {  	_ =	shalt  }
0x66: {  	_ =	shalt  }
0x67: {  	_ =	shalt  }
0x68: {  	_ =	shalt  }
0x69: {  	_ =	shalt  }
0x6a: {  	_ =	shalt  }
0x6b: {  	_ =	shalt  }
0x6c: {  	_ =	shalt  }
0x6d: {  	_ =	shalt  }
0x6e: {  	_ =	shalt  }
0x6f: {  	_ =	shalt  }
0x70: {  	_ =	shalt  }
0x71: {  	_ =	shalt  }
0x72: {  	_ =	shalt  }
0x73: {  	_ =	shalt  }
0x74: {  	_ =	shalt  }
0x75: {  	_ =	shalt  }
0x76: {  	_ =	shalt  }
0x77: {  	_ =	shalt  }
0x78: {  	_ =	shalt  }
0x79: {  	_ =	shalt  }
0x7a: {  	_ =	shalt  }
0x7b: {  	_ =	shalt  }
0x7c: {  	_ =	shalt  }
0x7d: {  	_ =	shalt  }
0x7e: {  	_ =	shalt  }
0x7f: {  	_ =	shalt  }
0x80: {  	_ =	shalt  }
0x81: {  	_ =	shalt  }
0x82: {  	_ =	shalt  }
0x83: {  	_ =	shalt  }
0x84: {  	_ =	shalt  }
0x85: {  	_ =	shalt  }
0x86: {  	_ =	shalt  }
0x87: {  	_ =	shalt  }
.Lfunc_end0:
.L_simem_size_0:
called_computation.1_lowered:
.L_overlay_start_0:
0x88: {  	s2 =	sld [smem:$0x3FD9]  }
0x89: {  	s3 =	sld [smem:$0x3FFE];
	_ =	sdelay $0x1  }
0x8a: {  	s1 =	srdreg.scid  }
0x8b: {  	s0 =	sand.u32 $0x1, s1  }
0x8c: {  	s17 =	sshll.u32 s0, $0xA;
	s2 =	sadd.s32 s3, s2  }
0x8d: {  	s2 =	sadd.s32 s2, s17  }
0x8e: {  	[smem:$0x3FBB] =	sst s2  }
0x8f: {  	_ = 	snop  }
0x90: {  	s2 =	sld [smem:$0x3FD0];
	(tm) =	ssettm $0x1  }
0x91: {  	s18 =	sld [smem:$0x3FFB];
	_ =	sdelay $0x3  }
0x92: {  	_ =	strace s18  }
0x93: {  	s3 =	sld [smem:$0x3FFC];
	_ =	sdelay $0x3  }
0x94: {  	_ =	strace s3  }
0x95: {  	s3 =	sld [smem:$0x3FFD];
	_ =	sdelay $0x3  }
0x96: {  	_ =	strace s3  }
0x97: {  	_ =	strace $0x8FFFFFFF  }
0x98: {  	s19 =	sld [smem:$0x3FDB];
	_ =	sdelay $0x1  }
0x99: {  	s4 =	simm.s32 $_scs_section_size  }
0x9a: {  	s5 =	simm.s32 $_size__tile_overlayer_lowered;
	s6 =	simm.s32 $_tile_overlayer_lowered  }
0x9b: {  	s22 =	simm.s32 $0x1BFF;
	s21 =	sshll.u32 s6, $0x1;
	s3 =	sadd.s32 s4, s19  }
0x9c: {  	s7 =	simm.s32 $0x0;
	s20 =	sshll.u32 s5, $0x1;
	s5 =	sadd.s32 s21, s3  }
0x9d: {  	[timem:s7], [sflag:s22] =	dma.local [hbm:s5], s20  }
0x9e: {  	_ =	swait.ge [sflag:s22], s20  }
0x9f: {  	s4 =	ssub.s32 $0x0, s20;
	[sflag:s22] =	ssyncset.done $0x0  }
0xa0: {  	[sflag:s22] =	ssyncadd.s32 s4;
	_ =	sdelay $0x1  }
0xa1: {  	s23 =	simm.s32 $0x1B8B  }
0xa2: {  	_ =	swait.ge [sflag:s23], $0x1  }
0xa3: {  	[sflag:s23] =	ssyncset.done $0x0  }
0xa4: {  	s25 =	simm.s32 $0x1B8E;
	s24 =	sld [smem:$0x3FFE];
	[sflag:s23] =	ssyncadd.s32 $0xFFFFFFFF  }
0xa5: {  	s26 =	simm.s32 $execute0_lowered;
	[smem:$0x3FD2] =	sst s25  }
0xa6: {  	s5 =	sshll.u32 s26, $0x1;
	_ =	strace $0x80000049;
	[dreg:$0x1] =	wrdreg $0xFFFFFFFF  }
0xa7: {  	s28 =	simm.s32 $_size_execute0_lowered;
	s3 =	sadd.s32 s3, s5;
	[dreg:$0x0] =	wrdreg $0x0  }
0xa8: {  	s5 =	sshll.u32 s28, $0x1;
	[dreg:$0x2] =	wrdreg s3  }
0xa9: {  	[dreg:$0x3] =	wrdreg s5  }
0xaa: {  	[dreg:$0x4] =	wrdreg $0xC0  }
0xab: {  	_ =	task [dreg:s7], $0x5FFFF  }
0xac: {  	[dreg:$0x1] =	wrdreg $0xFFFFFFFF  }
0xad: {  	[dreg:$0x0] =	wrdreg $0x60  }
0xae: {  	[dreg:$0x2] =	wrdreg s2  }
0xaf: {  	[dreg:$0x3] =	wrdreg s24  }
0xb0: {  	[dreg:$0x4] =	wrdreg $0x9  }
0xb1: {  	_ =	task.clear_ibuf [dreg:s7], $0x5FFFF;
	_ =	strace $0x90000049  }
0xb2: {  	s29 =	simm.s32 $0x9;
	_ =	strace $0x8000004B  }
0xb3: {  	_ =	swait.ge [sflag:s29], $0x1  }
0xb4: {  	[sflag:s29] =	ssyncadd.s32 $0xFFFFFFFF  }
0xb5: {  	_ =	strace $0x9000004B  }
0xb6: {  	_ =	sfence  }
0xb7: {  	s30 =	sld [smem:$0x0];
	_ =	sdelay $0x2  }
0xb8: {  	s31 =	sshll.u32 s1, $0xD;
	s1 =	sshrl.u32 s1, $0x2  }
0xb9: {  	s3 =	sand.u32 $0x4000, s31;
	s1 =	sadd.s32 s1, s30  }
0xba: {  	s0 =	sor.u32 s3, s0;
	s1 =	sshll.u32 s1, $0x11  }
0xbb: {  	s0 =	sor.u32 s1, s0  }
0xbc: {  	s0 =	sadd.s32 $0x8F2B, s0  }
0xbd: {  	[sflag:s0] =	ssyncadd.remote.s32 $0x1  }
0xbe: {  	_ =	sfence.sel $0xFFFF  }
0xbf: {  	[dreg:$0x0] =	wrdreg $0xFFFFFFFF;
	(pc) =	sbr.abs _section_cstart, $3  }
0xc0: {  	[dreg:$0x1] =	wrdreg $0xFFFFFFFF  }
0xc1: {  	_ =	task.clear_ibuf [dreg:s7], $0x2FFFF;
	_ =	strace $0x9FFFFFFF  }
0xc2: {  	(tm) =	ssettm $0x7FFFFFFF  }
0xc3: {  	_ =	shalt  }
tec
execute0_lowered:
.L_overlay_start_1:
0x0: {  	(tag) =	ssettag $0x1  }
0x1: {  	s2 =	rddreg [dreg:$0x0]  }
0x2: {  	s0 =	srdreg.scid;
	s13 =	stileid.u32  }
0x3: {  	s1 =	rddreg [dreg:$0x1];
	s3 =	simm.s32 $0x0;
	s28 =	simm.s32 $0x5  }
0x4: {  	s29 =	simm.s32 $0x3;
	s30 =	simm.s32 $0x6;
	s31 =	simm.s32 $0x0  }
0x5: {  	s0 =	sand.u32 $0x1, s0;
	s4 =	sshll.u32 s13, $0x1;
	s8 =	smul.u32 $0x9300, s13  }
0x6: {  	[smem:$0x7FF] =	sst s3;
	s5 =	sor.u32 s0, s4;
	s10 =	smul.u32 $0x4980, s0  }
0x7: {  	_ =	strace $0x8000004A;
	s16 =	ssub.s32 $0x2, s0;
	s0 =	smul.u32 $0x24C00, s0  }
0x8: {  	s4 =	sadd.s32 $0x4000, s1;
	s6 =	smul.u32 $0x4980, s5;
	s9 =	sshrl.u32 s16, $0x1  }
0x9: {  	s1 =	sadd.s32 $0x16600, s1;
	s7 =	smul.u32 $0x126000, s5;
	s11 =	ssub.s32 s16, s9  }
0xa: {  	s19 =	sadd.s32 s10, s8;
	s16 =	smul.u32 $0x49800, s13;
	s6 =	sshrl.u32 s6, $0x3  }
0xb: {  	s17 =	sshrl.u32 s7, $0x3;
	s22 =	sshll.u32 s19, $0x3;
	s11 =	smax.u32 s11, $0x1  }
0xc: {  	s25 =	sadd.s32 $0x280, s19;
	s14 =	sadd.s32 $0x200, s19;
	s5 =	sadd.s32 s4, s6  }
0xd: {  	s6 =	sadd.s32 s1, s17;
	s24 =	sadd.s32 s1, s22;
	s8 =	sshrl.u32 s25, $0x3  }
0xe: {  	s26 =	sshrl.u32 s14, $0x3;
	s1 =	sadd.s32 s16, s1;
	s17 =	sadd.s32 $0x180, s19  }
0xf: {  	s19 =	simm.s32 $0x80;
	s22 =	simm.s32 $0x100;
	s25 =	simm.s32 $0x4  }
0x10: {  	s18 =	sadd.s32 $0x10, s5;
	s20 =	sadd.s32 $0x20, s5;
	s21 =	sadd.s32 $0x24000, s6  }
0x11: {  	s23 =	sadd.s32 $0x24400, s6;
	s6 =	sadd.s32 $0x24800, s6;
	[dreg:$0x3] =	wrdreg s18  }
0x12: {  	s12 =	sadd.s32 $0x800, s24;
	s13 =	sadd.s32 s8, s4;
	[dreg:$0x4] =	wrdreg s20  }
0x13: {  	s14 =	sadd.s32 $0x400, s24;
	s15 =	sadd.s32 s26, s4;
	[dreg:$0x5] =	wrdreg s21  }
0x14: {  	s16 =	sadd.s32 s0, s1;
	s24 =	simm.s32 $0x1;
	[dreg:$0x6] =	wrdreg s23  }
0x15: {  	s26 =	simm.s32 $0x2;
	[dreg:$0x7] =	wrdreg s6;
	s18 =	simm.s32 $0x7  }
0x16: {  	s20 =	simm.s32 $0x180;
	s21 =	simm.s32 $0x2180;
	s23 =	simm.s32 $0x4180  }
.LBB2_1:
0x17: {  	[tilespmem:s3], [sflag:$0x7] =	stream.linear.gather [hbm4b:s5+s3], $0x80, $0x38;
	[tilespmem:$0x6180] =	vst v63  }
0x18: {  	_ =	swait.ge [sflag:s18], $0x80  }
0x19: {  	[sflag:s18] =	ssyncset.done $0x0  }
0x1a: {  	[sflag:s18] =	ssyncadd.s32 $0xFFFFFF80  }
0x1b: {  	[tilespmem:s20], [sflag:$0x1] =	stream.indirect.gather [hbm4b:s2+s19], $0x40, s3, s19, $0xb8;
	[tilespmem:$0x6180] =	vst v63  }
0x1c: {  	s0 =	rddreg [dreg:$0x3]  }
0x1d: {  	[tilespmem:s19], [sflag:$0x7] =	stream.linear.gather [hbm4b:s0+s3], $0x80, $0x38;
	[tilespmem:$0x6180] =	vst v63  }
0x1e: {  	_ =	swait.ge [sflag:s18], $0x80  }
0x1f: {  	[sflag:s18] =	ssyncset.done $0x0  }
0x20: {  	[sflag:s18] =	ssyncadd.s32 $0xFFFFFF80  }
0x21: {  	[tilespmem:s21], [sflag:$0x2] =	stream.indirect.gather [hbm4b:s2+s19], $0x40, s19, s19, $0xb8;
	[tilespmem:$0x6180] =	vst v63  }
0x22: {  	s6 =	rddreg [dreg:$0x4]  }
0x23: {  	[tilespmem:s22], [sflag:$0x7] =	stream.linear.gather [hbm4b:s6+s3], $0x80, $0x38;
	[tilespmem:$0x6180] =	vst v63  }
0x24: {  	_ =	swait.ge [sflag:s18], $0x80  }
0x25: {  	[sflag:s18] =	ssyncset.done $0x0  }
0x26: {  	[sflag:s18] =	ssyncadd.s32 $0xFFFFFF80  }
0x27: {  	[tilespmem:s23], [sflag:$0x3] =	stream.indirect.gather [hbm4b:s2+s19], $0x40, s22, s19, $0xb8;
	[tilespmem:$0x6180] =	vst v63  }
0x28: {  	_ =	swait.ge [sflag:s24], $0x2000  }
0x29: {  	[sflag:s24] =	ssyncset.done $0x0  }
0x2a: {  	s7 =	sadd.s32 $0x0, s16;
	s1 =	sshrl.u32 s17, $0x3;
	[sflag:s24] =	ssyncadd.s32 $0xFFFFE000  }
0x2b: {  	[hbm4b:s7+s3] =	stream.linear.scatter [tilespmem:s20], [sflag:$0x4], $0x2000, $0x38;
	[tilespmem:$0x6180] =	vst v63  }
0x2c: {  	s8 =	sadd.s32 s4, s1  }
0x2d: {  	[tilespmem:s3], [sflag:$0x7] =	stream.linear.gather [hbm4b:s8+s3], $0x80, $0x38;
	[tilespmem:$0x6180] =	vst v63  }
0x2e: {  	_ =	swait.ge [sflag:s18], $0x80  }
0x2f: {  	[sflag:s18] =	ssyncset.done $0x0  }
0x30: {  	[sflag:s18] =	ssyncadd.s32 $0xFFFFFF80  }
0x31: {  	_ =	swait.ge [sflag:s25], $0x2000  }
0x32: {  	[sflag:s25] =	ssyncset.done $0x0  }
0x33: {  	[sflag:s25] =	ssyncadd.s32 $0xFFFFE000  }
0x34: {  	[tilespmem:s20], [sflag:$0x1] =	stream.indirect.gather [hbm4b:s2+s19], $0x40, s3, s19, $0xb8;
	[tilespmem:$0x6180] =	vst v63  }
0x35: {  	_ =	swait.ge [sflag:s26], $0x2000  }
0x36: {  	[sflag:s26] =	ssyncset.done $0x0  }
0x37: {  	s9 =	sadd.s32 $0x0, s14;
	[sflag:s26] =	ssyncadd.s32 $0xFFFFE000  }
0x38: {  	[hbm4b:s9+s3] =	stream.linear.scatter [tilespmem:s21], [sflag:$0x5], $0x2000, $0x38;
	[tilespmem:$0x6180] =	vst v63  }
0x39: {  	_ = 	snop  }
0x3a: {  	[tilespmem:s19], [sflag:$0x7] =	stream.linear.gather [hbm4b:s15+s3], $0x80, $0x38;
	[tilespmem:$0x6180] =	vst v63  }
0x3b: {  	_ =	swait.ge [sflag:s18], $0x80  }
0x3c: {  	[sflag:s18] =	ssyncset.done $0x0  }
0x3d: {  	[sflag:s18] =	ssyncadd.s32 $0xFFFFFF80  }
0x3e: {  	_ =	swait.ge [sflag:s28], $0x2000  }
0x3f: {  	[sflag:s28] =	ssyncset.done $0x0  }
0x40: {  	[sflag:s28] =	ssyncadd.s32 $0xFFFFE000  }
0x41: {  	[tilespmem:s21], [sflag:$0x2] =	stream.indirect.gather [hbm4b:s2+s19], $0x40, s19, s19, $0xb8;
	[tilespmem:$0x6180] =	vst v63  }
0x42: {  	_ =	swait.ge [sflag:s29], $0x2000  }
0x43: {  	[sflag:s29] =	ssyncset.done $0x0  }
0x44: {  	s10 =	sadd.s32 $0x0, s12;
	[sflag:s29] =	ssyncadd.s32 $0xFFFFE000  }
0x45: {  	[hbm4b:s10+s3] =	stream.linear.scatter [tilespmem:s23], [sflag:$0x6], $0x2000, $0x38;
	[tilespmem:$0x6180] =	vst v63  }
0x46: {  	_ = 	snop  }
0x47: {  	[tilespmem:s22], [sflag:$0x7] =	stream.linear.gather [hbm4b:s13+s3], $0x80, $0x38;
	[tilespmem:$0x6180] =	vst v63  }
0x48: {  	_ =	swait.ge [sflag:s18], $0x80  }
0x49: {  	[sflag:s18] =	ssyncset.done $0x0  }
0x4a: {  	[sflag:s18] =	ssyncadd.s32 $0xFFFFFF80  }
0x4b: {  	_ =	swait.ge [sflag:s30], $0x2000  }
0x4c: {  	s1 =	simm.s32 $0xC00;
	s0 =	sadd.s32 $0x180, s17;
	[sflag:s30] =	ssyncset.done $0x0  }
0x4d: {  	s6 =	sadd.s32 $0x30, s13;
	s7 =	sadd.s32 $0x30, s15;
	[sflag:s30] =	ssyncadd.s32 $0xFFFFE000  }
.LBB2_2:
0x4e: {  	[tilespmem:s23], [sflag:$0x3] =	stream.indirect.gather [hbm4b:s2+s19], $0x40, s22, s19, $0xb8;
	[tilespmem:$0x6180] =	vst v63  }
0x4f: {  	s8 =	smov.u32 s1  }
0x50: {  	p0 =	sne.s32 s1, $0x23400;
	s1 =	sadd.s32 $0xC00, s1;
	_ =	swait.ge [sflag:s24], $0x2000  }
0x51: {  	[sflag:s24] =	ssyncset.done $0x0  }
0x52: {  	s10 =	sshrl.u32 s0, $0x3;
	s9 =	sadd.s32 s8, s16;
	[sflag:s24] =	ssyncadd.s32 $0xFFFFE000  }
0x53: {  	[hbm4b:s9+s3] =	stream.linear.scatter [tilespmem:s20], [sflag:$0x4], $0x2000, $0x38;
	[tilespmem:$0x6180] =	vst v63  }
0x54: {  	s9 =	sadd.s32 s4, s10  }
0x55: {  	[tilespmem:s3], [sflag:$0x7] =	stream.linear.gather [hbm4b:s9+s3], $0x80, $0x38;
	[tilespmem:$0x6180] =	vst v63  }
0x56: {  	_ =	swait.ge [sflag:s18], $0x80  }
0x57: {  	[sflag:s18] =	ssyncset.done $0x0  }
0x58: {  	[sflag:s18] =	ssyncadd.s32 $0xFFFFFF80  }
0x59: {  	_ =	swait.ge [sflag:s25], $0x2000  }
0x5a: {  	[sflag:s25] =	ssyncset.done $0x0  }
0x5b: {  	[sflag:s25] =	ssyncadd.s32 $0xFFFFE000  }
0x5c: {  	[tilespmem:s20], [sflag:$0x1] =	stream.indirect.gather [hbm4b:s2+s19], $0x40, s3, s19, $0xb8;
	[tilespmem:$0x6180] =	vst v63  }
0x5d: {  	_ =	swait.ge [sflag:s26], $0x2000  }
0x5e: {  	[sflag:s26] =	ssyncset.done $0x0  }
0x5f: {  	s9 =	sadd.s32 s8, s14;
	[sflag:s26] =	ssyncadd.s32 $0xFFFFE000  }
0x60: {  	[hbm4b:s9+s3] =	stream.linear.scatter [tilespmem:s21], [sflag:$0x5], $0x2000, $0x38;
	[tilespmem:$0x6180] =	vst v63  }
0x61: {  	_ = 	snop  }
0x62: {  	[tilespmem:s19], [sflag:$0x7] =	stream.linear.gather [hbm4b:s7+s3], $0x80, $0x38;
	[tilespmem:$0x6180] =	vst v63  }
0x63: {  	_ =	swait.ge [sflag:s18], $0x80  }
0x64: {  	[sflag:s18] =	ssyncset.done $0x0  }
0x65: {  	[sflag:s18] =	ssyncadd.s32 $0xFFFFFF80  }
0x66: {  	_ =	swait.ge [sflag:s28], $0x2000  }
0x67: {  	[sflag:s28] =	ssyncset.done $0x0  }
0x68: {  	[sflag:s28] =	ssyncadd.s32 $0xFFFFE000  }
0x69: {  	[tilespmem:s21], [sflag:$0x2] =	stream.indirect.gather [hbm4b:s2+s19], $0x40, s19, s19, $0xb8;
	[tilespmem:$0x6180] =	vst v63  }
0x6a: {  	_ =	swait.ge [sflag:s29], $0x2000  }
0x6b: {  	[sflag:s29] =	ssyncset.done $0x0  }
0x6c: {  	s8 =	sadd.s32 s8, s12;
	[sflag:s29] =	ssyncadd.s32 $0xFFFFE000  }
0x6d: {  	[hbm4b:s8+s3] =	stream.linear.scatter [tilespmem:s23], [sflag:$0x6], $0x2000, $0x38;
	[tilespmem:$0x6180] =	vst v63  }
0x6e: {  	_ = 	snop  }
0x6f: {  	[tilespmem:s22], [sflag:$0x7] =	stream.linear.gather [hbm4b:s6+s3], $0x80, $0x38;
	[tilespmem:$0x6180] =	vst v63  }
0x70: {  	_ =	swait.ge [sflag:s18], $0x80  }
.Ltmp0:
0x71: {  	[sflag:s18] =	ssyncset.done $0x0;
	(pc) =	sbr.rel @p0 .LBB2_2-.Ltmp0, $4  }
0x72: {  	[sflag:s18] =	ssyncadd.s32 $0xFFFFFF80  }
0x73: {  	_ =	swait.ge [sflag:s30], $0x2000  }
0x74: {  	s0 =	sadd.s32 $0x180, s0;
	[sflag:s30] =	ssyncset.done $0x0  }
0x75: {  	s7 =	sadd.s32 $0x30, s7;
	s6 =	sadd.s32 $0x30, s6;
	[sflag:s30] =	ssyncadd.s32 $0xFFFFE000  }
0x76: {  	[tilespmem:s23], [sflag:$0x3] =	stream.indirect.gather [hbm4b:s2+s19], $0x40, s22, s19, $0xb8;
	[tilespmem:$0x6180] =	vst v63  }
0x77: {  	_ =	swait.ge [sflag:s24], $0x2000  }
0x78: {  	[sflag:s24] =	ssyncset.done $0x0  }
0x79: {  	s0 =	rddreg [dreg:$0x5];
	[sflag:s24] =	ssyncadd.s32 $0xFFFFE000  }
0x7a: {  	[hbm4b:s0+s3] =	stream.linear.scatter [tilespmem:s20], [sflag:$0x4], $0x2000, $0x38;
	[tilespmem:$0x6180] =	vst v63  }
0x7b: {  	_ =	swait.ge [sflag:s25], $0x2000  }
0x7c: {  	[sflag:s25] =	ssyncset.done $0x0  }
0x7d: {  	[sflag:s25] =	ssyncadd.s32 $0xFFFFE000  }
0x7e: {  	_ =	swait.ge [sflag:s26], $0x2000  }
0x7f: {  	[sflag:s26] =	ssyncset.done $0x0  }
0x80: {  	s9 =	rddreg [dreg:$0x6];
	[sflag:s26] =	ssyncadd.s32 $0xFFFFE000  }
0x81: {  	[hbm4b:s9+s3] =	stream.linear.scatter [tilespmem:s21], [sflag:$0x5], $0x2000, $0x38;
	[tilespmem:$0x6180] =	vst v63  }
0x82: {  	_ =	swait.ge [sflag:s28], $0x2000  }
0x83: {  	[sflag:s28] =	ssyncset.done $0x0  }
0x84: {  	[sflag:s28] =	ssyncadd.s32 $0xFFFFE000  }
0x85: {  	s31 =	sadd.s32 $0x1, s31;
	_ =	swait.ge [sflag:s29], $0x2000  }
0x86: {  	p0 =	sne.s32 s31, s11;
	[sflag:s29] =	ssyncset.done $0x0  }
.Ltmp1:
0x87: {  	s10 =	rddreg [dreg:$0x7];
	[sflag:s29] =	ssyncadd.s32 $0xFFFFE000;
	(pc) =	sbr.rel @p0 .LBB2_1-.Ltmp1, $4  }
0x88: {  	[hbm4b:s10+s3] =	stream.linear.scatter [tilespmem:s23], [sflag:$0x6], $0x2000, $0x38;
	[tilespmem:$0x6180] =	vst v63  }
0x89: {  	_ =	swait.ge [sflag:s30], $0x2000  }
0x8a: {  	[sflag:s30] =	ssyncset.done $0x0  }
0x8b: {  	[sflag:s30] =	ssyncadd.s32 $0xFFFFE000  }
0x8c: {  	_ =	sfence.sel $0x180000  }
0x8d: {  	[bflag:$0x0] =	sbarrier.arrive $0xFFFF  }
0x8e: {  	_ =	strace $0x9000004A  }
0x8f: {  	s0 =	stileid.u32;
	[bflag:$0x2] =	sbarrier.arrive $0xFFFF  }
0x90: {  	p0 =	sne.s32 s0, $0x0;
	s0 =	rddreg [dreg:$0x2]  }
0x91: {  	s0 =	sadd.s32 @!p0 $0x100000, s0  }
0x92: {  	[sflag:s0] =	ssyncadd.tile.s32 @!p0 $0x1;
	_ =	shalt  }
.Lfunc_end2:
_tile_overlayer_lowered:
.L_overlay_start_2:
0x93: {  	(tag) =	ssettag $0x2  }
0x94: {  	s0 =	rddreg [dreg:$0x0];
	s2 =	stileid.u32  }
0x95: {  	s1 =	rddreg [dreg:$0x1];
	p0 =	sne.s32 s2, $0x0  }
0x96: {  	s3 =	rddreg [dreg:$0x2];
	[bflag:$0x3] =	sbarrier.arrive $0xFFFF;
	s2 =	simm.s32 @!p0 $0x1C07  }
0x97: {  	[timem:s3], [sflag:s2] =	dma.local @!p0 [hbm:s0], s1  }
0x98: {  	s0 =	simm.s32 @!p0 $0x7  }
0x99: {  	_ =	swait.ge @!p0 [sflag:s0], s1  }
0x9a: {  	s1 =	ssub.s32 @!p0 $0x0, s1;
	[sflag:s0] =	ssyncset.done @!p0 $0x0  }
0x9b: {  	[sflag:s0] =	ssyncadd.s32 @!p0 s1  }
0x9c: {  	[bflag:$0x3] =	sbarrier.arrive $0xFFFF  }
0x9d: {  	_ =	shalt  }

// kernel: kernel.7.cloned.1.call-start
scs
__scs_entry_jumppad:
0x0: {  	(pc) =	sbr.rel $0x88, $3  }
0x1: {  	(tag) =	ssettag $0x0;
	lr =	simm.s32 $0x1  }
0x2: {  	[smem:$0x3F94] =	sst lr;
	_ =	strace $0xD0000000  }
0x3: {  	_ = 	snop  }
0x4: {  	_ = 	snop  }
0x5: {  	_ = 	snop  }
0x6: {  	_ = 	snop  }
0x7: {  	_ = 	snop  }
__scs_overlays_trampoline_lowered:
0x8: {  	[smem:$0x3FA3] =	sst s0  }
0x9: {  	[smem:$0x3FA4] =	sst s1  }
0xa: {  	[smem:$0x3FA5] =	sst s2  }
0xb: {  	[smem:$0x3FA6] =	sst s3  }
0xc: {  	[smem:$0x3FA7] =	sst s4  }
0xd: {  	[smem:$0x3FA8] =	sst s5  }
0xe: {  	[smem:$0x3FA9] =	sst s6  }
0xf: {  	[smem:$0x3FAA] =	sst s7  }
0x10: {  	[smem:$0x3FAB] =	sst s8  }
0x11: {  	[smem:$0x3FAC] =	sst s9;
	s0 =	simm.s32 @!p0 $0x0  }
0x12: {  	s1 =	sld [smem:$0x3F92];
	s0 =	simm.s32 @p0 $0x1  }
0x13: {  	[smem:$0x3FAD] =	sst s0;
	s0 =	simm.s32 @!p1 $0x0  }
0x14: {  	s2 =	sld [smem:$0x3F91];
	s0 =	simm.s32 @p1 $0x1  }
0x15: {  	[smem:$0x3FAE] =	sst s0;
	s0 =	simm.s32 @!p2 $0x0  }
0x16: {  	s3 =	sld [smem:$0x3FDB];
	s0 =	simm.s32 @p2 $0x1  }
0x17: {  	s4 =	simm.s32 $0x1BF5;
	[smem:$0x3FB0] =	sst s0  }
0x18: {  	s0 =	sld [smem:$0x3F93];
	_ =	swait.ge [sflag:s4], $0x0  }
0x19: {  	s7 =	sld [smem:$0x3F94]  }
0x1a: {  	s8 =	sadd.s32 $0xFFFFE003, lr  }
0x1b: {  	s9 =	sadd.s32 $0xFFFFFEF7, lr;
	s5 =	simm.s32 $0xFFFFFFFF;
	p2 =	slt.u32 s8, $0xFFFFF086  }
0x1c: {  	p1 =	slt.u32 s9, $0xF7A;
	s5 =	simm.s32 @!p2 $0x0  }
0x1d: {  	s5 =	simm.s32 @p1 $0x1;
	p0 =	seq.s32 s7, s2  }
0x1e: {  	s7 =	smul.u32 @!p0 $0xF7A, s2;
	p2 =	seq.s32 @!p0 s5, $0x0  }
0x1f: {  	s9 =	smul.u32 $0xF7A, s1;
	s8 =	simm.s32 @!p0 $0x1BF5;
	p2 =	por !p2, p0  }
0x20: {  	[sflag:s8] =	ssyncset.s32 @!p0 $0xFFFFF086;
	s6 =	sadd.s32 @!p0 s3, s7;
	s7 =	simm.s32 @!p0 $0x108  }
0x21: {  	s3 =	sadd.s32 s3, s9;
	s6 =	sadd.s32 @!p0 $0x88, s6;
	s7 =	simm.s32 @p2 $0x1082  }
0x22: {  	[simem:s7], [sflag:s8] =	dma.local @!p0 [hbm:s6], $0xF7A  }
0x23: {  	s9 =	sor.u32 $0xD0000000, s2;
	s6 =	simm.s32 $0x108;
	_ =	swait.ge @!p0 [sflag:s8], $0x0  }
0x24: {  	s3 =	sadd.s32 $0x88, s3;
	s6 =	simm.s32 @!p1 $0x1082;
	[sflag:s4] =	ssyncset.s32 $0xFFFFF086  }
0x25: {  	[simem:s6], [sflag:s4] =	dma.local [hbm:s3], $0xF7A  }
0x26: {  	[smem:$0x3F94] =	sst s1;
	(tag) =	ssettag s2;
	_ =	strace s9  }
0x27: {  	s1 =	sld [smem:$0x3FA4]  }
0x28: {  	s2 =	sld [smem:$0x3FA5]  }
0x29: {  	s4 =	sld [smem:$0x3FA7]  }
0x2a: {  	p0 =	seq.s32 s5, $0x0;
	s5 =	sld [smem:$0x3FA8]  }
0x2b: {  	s6 =	sld [smem:$0x3FA9]  }
0x2c: {  	s7 =	sld [smem:$0x3FAA]  }
0x2d: {  	s3 =	simm.s32 $0x108;
	s8 =	sld [smem:$0x3FAB]  }
0x2e: {  	s3 =	simm.s32 @!p0 $0x1082;
	s9 =	sld [smem:$0x3FAC]  }
0x2f: {  	lr =	sadd.s32 s0, s3;
	s0 =	sld [smem:$0x3FA3]  }
0x30: {  	s3 =	sld [smem:$0x3FA6]  }
0x31: {  	[smem:$0x3FAF] =	sst s10  }
0x32: {  	s10 =	sld [smem:$0x3FAD];
	_ =	sdelay $0x3  }
0x33: {  	p0 =	seq.s32 s10, $0x1;
	s10 =	sld [smem:$0x3FAF];
	_ =	sdelay $0x3  }
0x34: {  	[smem:$0x3FAF] =	sst s10  }
0x35: {  	s10 =	sld [smem:$0x3FAE];
	_ =	sdelay $0x3  }
0x36: {  	p1 =	seq.s32 s10, $0x1;
	s10 =	sld [smem:$0x3FAF];
	_ =	sdelay $0x3  }
0x37: {  	[smem:$0x3FAF] =	sst s10  }
0x38: {  	s10 =	sld [smem:$0x3FB0]  }
0x39: {  	_ = 	snop;
	(pc) =	sbr.ind lr, $3  }
0x3a: {  	_ = 	snop  }
0x3b: {  	_ = 	snop  }
0x3c: {  	p2 =	seq.s32 s10, $0x1;
	s10 =	sld [smem:$0x3FAF]  }
0x3d: {  	_ =	shalt  }
0x3e: {  	_ =	shalt  }
0x3f: {  	_ =	shalt  }
0x40: {  	_ =	shalt  }
0x41: {  	_ =	shalt  }
0x42: {  	_ =	shalt  }
0x43: {  	_ =	shalt  }
0x44: {  	_ =	shalt  }
0x45: {  	_ =	shalt  }
0x46: {  	_ =	shalt  }
0x47: {  	_ =	shalt  }
0x48: {  	_ =	shalt  }
0x49: {  	_ =	shalt  }
0x4a: {  	_ =	shalt  }
0x4b: {  	_ =	shalt  }
0x4c: {  	_ =	shalt  }
0x4d: {  	_ =	shalt  }
0x4e: {  	_ =	shalt  }
0x4f: {  	_ =	shalt  }
0x50: {  	_ =	shalt  }
0x51: {  	_ =	shalt  }
0x52: {  	_ =	shalt  }
0x53: {  	_ =	shalt  }
0x54: {  	_ =	shalt  }
0x55: {  	_ =	shalt  }
0x56: {  	_ =	shalt  }
0x57: {  	_ =	shalt  }
0x58: {  	_ =	shalt  }
0x59: {  	_ =	shalt  }
0x5a: {  	_ =	shalt  }
0x5b: {  	_ =	shalt  }
0x5c: {  	_ =	shalt  }
0x5d: {  	_ =	shalt  }
0x5e: {  	_ =	shalt  }
0x5f: {  	_ =	shalt  }
0x60: {  	_ =	shalt  }
0x61: {  	_ =	shalt  }
0x62: {  	_ =	shalt  }
0x63: {  	_ =	shalt  }
0x64: {  	_ =	shalt  }
0x65: {  	_ =	shalt  }
0x66: {  	_ =	shalt  }
0x67: {  	_ =	shalt  }
0x68: {  	_ =	shalt  }
0x69: {  	_ =	shalt  }
0x6a: {  	_ =	shalt  }
0x6b: {  	_ =	shalt  }
0x6c: {  	_ =	shalt  }
0x6d: {  	_ =	shalt  }
0x6e: {  	_ =	shalt  }
0x6f: {  	_ =	shalt  }
0x70: {  	_ =	shalt  }
0x71: {  	_ =	shalt  }
0x72: {  	_ =	shalt  }
0x73: {  	_ =	shalt  }
0x74: {  	_ =	shalt  }
0x75: {  	_ =	shalt  }
0x76: {  	_ =	shalt  }
0x77: {  	_ =	shalt  }
0x78: {  	_ =	shalt  }
0x79: {  	_ =	shalt  }
0x7a: {  	_ =	shalt  }
0x7b: {  	_ =	shalt  }
0x7c: {  	_ =	shalt  }
0x7d: {  	_ =	shalt  }
0x7e: {  	_ =	shalt  }
0x7f: {  	_ =	shalt  }
0x80: {  	_ =	shalt  }
0x81: {  	_ =	shalt  }
0x82: {  	_ =	shalt  }
0x83: {  	_ =	shalt  }
0x84: {  	_ =	shalt  }
0x85: {  	_ =	shalt  }
0x86: {  	_ =	shalt  }
0x87: {  	_ =	shalt  }
.Lfunc_end0:
.L_simem_size_0:
called_computation_lowered:
.L_overlay_start_0:
0x88: {  	s2 =	sld [smem:$0x3FD9]  }
0x89: {  	s3 =	sld [smem:$0x3FFE];
	_ =	sdelay $0x1  }
0x8a: {  	s1 =	srdreg.scid  }
0x8b: {  	s0 =	sand.u32 $0x1, s1  }
0x8c: {  	s17 =	sshll.u32 s0, $0xA;
	s2 =	sadd.s32 s3, s2  }
0x8d: {  	s2 =	sadd.s32 s2, s17  }
0x8e: {  	[smem:$0x3FBB] =	sst s2  }
0x8f: {  	_ = 	snop  }
0x90: {  	s2 =	sld [smem:$0x3FD0];
	(tm) =	ssettm $0x1  }
0x91: {  	s18 =	sld [smem:$0x3FFB];
	_ =	sdelay $0x3  }
0x92: {  	_ =	strace s18  }
0x93: {  	s3 =	sld [smem:$0x3FFC];
	_ =	sdelay $0x3  }
0x94: {  	_ =	strace s3  }
0x95: {  	s3 =	sld [smem:$0x3FFD];
	_ =	sdelay $0x3  }
0x96: {  	_ =	strace s3  }
0x97: {  	_ =	strace $0x8FFFFFFF  }
0x98: {  	s19 =	sld [smem:$0x3FDB];
	_ =	sdelay $0x1  }
0x99: {  	s4 =	simm.s32 $_scs_section_size  }
0x9a: {  	s5 =	simm.s32 $_size__tile_overlayer_lowered;
	s6 =	simm.s32 $_tile_overlayer_lowered  }
0x9b: {  	s22 =	simm.s32 $0x1BFF;
	s21 =	sshll.u32 s6, $0x1;
	s3 =	sadd.s32 s4, s19  }
0x9c: {  	s7 =	simm.s32 $0x0;
	s20 =	sshll.u32 s5, $0x1;
	s5 =	sadd.s32 s21, s3  }
0x9d: {  	[timem:s7], [sflag:s22] =	dma.local [hbm:s5], s20  }
0x9e: {  	_ =	swait.ge [sflag:s22], s20  }
0x9f: {  	s4 =	ssub.s32 $0x0, s20;
	[sflag:s22] =	ssyncset.done $0x0  }
0xa0: {  	[sflag:s22] =	ssyncadd.s32 s4;
	_ =	sdelay $0x1  }
0xa1: {  	s23 =	simm.s32 $0x1B8B  }
0xa2: {  	_ =	swait.ge [sflag:s23], $0x1  }
0xa3: {  	[sflag:s23] =	ssyncset.done $0x0  }
0xa4: {  	s25 =	simm.s32 $0x1B8E;
	s24 =	sld [smem:$0x3FFE];
	[sflag:s23] =	ssyncadd.s32 $0xFFFFFFFF  }
0xa5: {  	s26 =	simm.s32 $execute0_lowered;
	[smem:$0x3FD2] =	sst s25  }
0xa6: {  	s5 =	sshll.u32 s26, $0x1;
	_ =	strace $0x80000046;
	[dreg:$0x1] =	wrdreg $0xFFFFFFFF  }
0xa7: {  	s28 =	simm.s32 $_size_execute0_lowered;
	s3 =	sadd.s32 s3, s5;
	[dreg:$0x0] =	wrdreg $0x0  }
0xa8: {  	s5 =	sshll.u32 s28, $0x1;
	[dreg:$0x2] =	wrdreg s3  }
0xa9: {  	[dreg:$0x3] =	wrdreg s5  }
0xaa: {  	[dreg:$0x4] =	wrdreg $0xC0  }
0xab: {  	_ =	task [dreg:s7], $0x5FFFF  }
0xac: {  	[dreg:$0x1] =	wrdreg $0xFFFFFFFF  }
0xad: {  	[dreg:$0x0] =	wrdreg $0x60  }
0xae: {  	[dreg:$0x2] =	wrdreg s2  }
0xaf: {  	[dreg:$0x3] =	wrdreg s24  }
0xb0: {  	[dreg:$0x4] =	wrdreg $0x9  }
0xb1: {  	_ =	task.clear_ibuf [dreg:s7], $0x5FFFF;
	_ =	strace $0x90000046  }
0xb2: {  	s29 =	simm.s32 $0x9;
	_ =	strace $0x80000048  }
0xb3: {  	_ =	swait.ge [sflag:s29], $0x1  }
0xb4: {  	[sflag:s29] =	ssyncadd.s32 $0xFFFFFFFF  }
0xb5: {  	_ =	strace $0x90000048  }
0xb6: {  	_ =	sfence  }
0xb7: {  	s30 =	sld [smem:$0x0];
	_ =	sdelay $0x2  }
0xb8: {  	s31 =	sshll.u32 s1, $0xD;
	s1 =	sshrl.u32 s1, $0x2  }
0xb9: {  	s3 =	sand.u32 $0x4000, s31;
	s1 =	sadd.s32 s1, s30  }
0xba: {  	s0 =	sor.u32 s3, s0;
	s1 =	sshll.u32 s1, $0x11  }
0xbb: {  	s0 =	sor.u32 s1, s0  }
0xbc: {  	s0 =	sadd.s32 $0x8F2B, s0  }
0xbd: {  	[sflag:s0] =	ssyncadd.remote.s32 $0x1  }
0xbe: {  	_ =	sfence.sel $0xFFFF  }
0xbf: {  	[dreg:$0x0] =	wrdreg $0xFFFFFFFF;
	(pc) =	sbr.abs _section_cstart, $3  }
0xc0: {  	[dreg:$0x1] =	wrdreg $0xFFFFFFFF  }
0xc1: {  	_ =	task.clear_ibuf [dreg:s7], $0x2FFFF;
	_ =	strace $0x9FFFFFFF  }
0xc2: {  	(tm) =	ssettm $0x7FFFFFFF  }
0xc3: {  	_ =	shalt  }
tec
execute0_lowered:
.L_overlay_start_1:
0x0: {  	(tag) =	ssettag $0x1  }
0x1: {  	s2 =	rddreg [dreg:$0x0]  }
0x2: {  	s0 =	srdreg.scid;
	s13 =	stileid.u32  }
0x3: {  	s1 =	rddreg [dreg:$0x1];
	s3 =	simm.s32 $0x0;
	s28 =	simm.s32 $0x5  }
0x4: {  	s29 =	simm.s32 $0x3;
	s30 =	simm.s32 $0x6;
	s31 =	simm.s32 $0x0  }
0x5: {  	s0 =	sand.u32 $0x1, s0;
	s4 =	sshll.u32 s13, $0x1;
	s8 =	smul.u32 $0x9300, s13  }
0x6: {  	[smem:$0x7FF] =	sst s3;
	s5 =	sor.u32 s0, s4;
	s10 =	smul.u32 $0x4980, s0  }
0x7: {  	_ =	strace $0x80000047;
	s16 =	ssub.s32 $0x2, s0;
	s0 =	smul.u32 $0x24C00, s0  }
0x8: {  	s4 =	sadd.s32 $0x4000, s1;
	s6 =	smul.u32 $0x4980, s5;
	s9 =	sshrl.u32 s16, $0x1  }
0x9: {  	s1 =	sadd.s32 $0x16600, s1;
	s7 =	smul.u32 $0x126000, s5;
	s11 =	ssub.s32 s16, s9  }
0xa: {  	s19 =	sadd.s32 s10, s8;
	s16 =	smul.u32 $0x49800, s13;
	s6 =	sshrl.u32 s6, $0x3  }
0xb: {  	s17 =	sshrl.u32 s7, $0x3;
	s22 =	sshll.u32 s19, $0x3;
	s11 =	smax.u32 s11, $0x1  }
0xc: {  	s25 =	sadd.s32 $0x280, s19;
	s14 =	sadd.s32 $0x200, s19;
	s5 =	sadd.s32 s4, s6  }
0xd: {  	s6 =	sadd.s32 s1, s17;
	s24 =	sadd.s32 s1, s22;
	s8 =	sshrl.u32 s25, $0x3  }
0xe: {  	s26 =	sshrl.u32 s14, $0x3;
	s1 =	sadd.s32 s16, s1;
	s17 =	sadd.s32 $0x180, s19  }
0xf: {  	s19 =	simm.s32 $0x80;
	s22 =	simm.s32 $0x100;
	s25 =	simm.s32 $0x4  }
0x10: {  	s18 =	sadd.s32 $0x10, s5;
	s20 =	sadd.s32 $0x20, s5;
	s21 =	sadd.s32 $0x24000, s6  }
0x11: {  	s23 =	sadd.s32 $0x24400, s6;
	s6 =	sadd.s32 $0x24800, s6;
	[dreg:$0x3] =	wrdreg s18  }
0x12: {  	s12 =	sadd.s32 $0x800, s24;
	s13 =	sadd.s32 s8, s4;
	[dreg:$0x4] =	wrdreg s20  }
0x13: {  	s14 =	sadd.s32 $0x400, s24;
	s15 =	sadd.s32 s26, s4;
	[dreg:$0x5] =	wrdreg s21  }
0x14: {  	s16 =	sadd.s32 s0, s1;
	s24 =	simm.s32 $0x1;
	[dreg:$0x6] =	wrdreg s23  }
0x15: {  	s26 =	simm.s32 $0x2;
	[dreg:$0x7] =	wrdreg s6;
	s18 =	simm.s32 $0x7  }
0x16: {  	s20 =	simm.s32 $0x180;
	s21 =	simm.s32 $0x2180;
	s23 =	simm.s32 $0x4180  }
.LBB2_1:
0x17: {  	[tilespmem:s3], [sflag:$0x7] =	stream.linear.gather [hbm4b:s5+s3], $0x80, $0x38;
	[tilespmem:$0x6180] =	vst v63  }
0x18: {  	_ =	swait.ge [sflag:s18], $0x80  }
0x19: {  	[sflag:s18] =	ssyncset.done $0x0  }
0x1a: {  	[sflag:s18] =	ssyncadd.s32 $0xFFFFFF80  }
0x1b: {  	[tilespmem:s20], [sflag:$0x1] =	stream.indirect.gather [hbm4b:s2+s19], $0x40, s3, s19, $0xb8;
	[tilespmem:$0x6180] =	vst v63  }
0x1c: {  	s0 =	rddreg [dreg:$0x3]  }
0x1d: {  	[tilespmem:s19], [sflag:$0x7] =	stream.linear.gather [hbm4b:s0+s3], $0x80, $0x38;
	[tilespmem:$0x6180] =	vst v63  }
0x1e: {  	_ =	swait.ge [sflag:s18], $0x80  }
0x1f: {  	[sflag:s18] =	ssyncset.done $0x0  }
0x20: {  	[sflag:s18] =	ssyncadd.s32 $0xFFFFFF80  }
0x21: {  	[tilespmem:s21], [sflag:$0x2] =	stream.indirect.gather [hbm4b:s2+s19], $0x40, s19, s19, $0xb8;
	[tilespmem:$0x6180] =	vst v63  }
0x22: {  	s6 =	rddreg [dreg:$0x4]  }
0x23: {  	[tilespmem:s22], [sflag:$0x7] =	stream.linear.gather [hbm4b:s6+s3], $0x80, $0x38;
	[tilespmem:$0x6180] =	vst v63  }
0x24: {  	_ =	swait.ge [sflag:s18], $0x80  }
0x25: {  	[sflag:s18] =	ssyncset.done $0x0  }
0x26: {  	[sflag:s18] =	ssyncadd.s32 $0xFFFFFF80  }
0x27: {  	[tilespmem:s23], [sflag:$0x3] =	stream.indirect.gather [hbm4b:s2+s19], $0x40, s22, s19, $0xb8;
	[tilespmem:$0x6180] =	vst v63  }
0x28: {  	_ =	swait.ge [sflag:s24], $0x2000  }
0x29: {  	[sflag:s24] =	ssyncset.done $0x0  }
0x2a: {  	s7 =	sadd.s32 $0x0, s16;
	s1 =	sshrl.u32 s17, $0x3;
	[sflag:s24] =	ssyncadd.s32 $0xFFFFE000  }
0x2b: {  	[hbm4b:s7+s3] =	stream.linear.scatter [tilespmem:s20], [sflag:$0x4], $0x2000, $0x38;
	[tilespmem:$0x6180] =	vst v63  }
0x2c: {  	s8 =	sadd.s32 s4, s1  }
0x2d: {  	[tilespmem:s3], [sflag:$0x7] =	stream.linear.gather [hbm4b:s8+s3], $0x80, $0x38;
	[tilespmem:$0x6180] =	vst v63  }
0x2e: {  	_ =	swait.ge [sflag:s18], $0x80  }
0x2f: {  	[sflag:s18] =	ssyncset.done $0x0  }
0x30: {  	[sflag:s18] =	ssyncadd.s32 $0xFFFFFF80  }
0x31: {  	_ =	swait.ge [sflag:s25], $0x2000  }
0x32: {  	[sflag:s25] =	ssyncset.done $0x0  }
0x33: {  	[sflag:s25] =	ssyncadd.s32 $0xFFFFE000  }
0x34: {  	[tilespmem:s20], [sflag:$0x1] =	stream.indirect.gather [hbm4b:s2+s19], $0x40, s3, s19, $0xb8;
	[tilespmem:$0x6180] =	vst v63  }
0x35: {  	_ =	swait.ge [sflag:s26], $0x2000  }
0x36: {  	[sflag:s26] =	ssyncset.done $0x0  }
0x37: {  	s9 =	sadd.s32 $0x0, s14;
	[sflag:s26] =	ssyncadd.s32 $0xFFFFE000  }
0x38: {  	[hbm4b:s9+s3] =	stream.linear.scatter [tilespmem:s21], [sflag:$0x5], $0x2000, $0x38;
	[tilespmem:$0x6180] =	vst v63  }
0x39: {  	_ = 	snop  }
0x3a: {  	[tilespmem:s19], [sflag:$0x7] =	stream.linear.gather [hbm4b:s15+s3], $0x80, $0x38;
	[tilespmem:$0x6180] =	vst v63  }
0x3b: {  	_ =	swait.ge [sflag:s18], $0x80  }
0x3c: {  	[sflag:s18] =	ssyncset.done $0x0  }
0x3d: {  	[sflag:s18] =	ssyncadd.s32 $0xFFFFFF80  }
0x3e: {  	_ =	swait.ge [sflag:s28], $0x2000  }
0x3f: {  	[sflag:s28] =	ssyncset.done $0x0  }
0x40: {  	[sflag:s28] =	ssyncadd.s32 $0xFFFFE000  }
0x41: {  	[tilespmem:s21], [sflag:$0x2] =	stream.indirect.gather [hbm4b:s2+s19], $0x40, s19, s19, $0xb8;
	[tilespmem:$0x6180] =	vst v63  }
0x42: {  	_ =	swait.ge [sflag:s29], $0x2000  }
0x43: {  	[sflag:s29] =	ssyncset.done $0x0  }
0x44: {  	s10 =	sadd.s32 $0x0, s12;
	[sflag:s29] =	ssyncadd.s32 $0xFFFFE000  }
0x45: {  	[hbm4b:s10+s3] =	stream.linear.scatter [tilespmem:s23], [sflag:$0x6], $0x2000, $0x38;
	[tilespmem:$0x6180] =	vst v63  }
0x46: {  	_ = 	snop  }
0x47: {  	[tilespmem:s22], [sflag:$0x7] =	stream.linear.gather [hbm4b:s13+s3], $0x80, $0x38;
	[tilespmem:$0x6180] =	vst v63  }
0x48: {  	_ =	swait.ge [sflag:s18], $0x80  }
0x49: {  	[sflag:s18] =	ssyncset.done $0x0  }
0x4a: {  	[sflag:s18] =	ssyncadd.s32 $0xFFFFFF80  }
0x4b: {  	_ =	swait.ge [sflag:s30], $0x2000  }
0x4c: {  	s1 =	simm.s32 $0xC00;
	s0 =	sadd.s32 $0x180, s17;
	[sflag:s30] =	ssyncset.done $0x0  }
0x4d: {  	s6 =	sadd.s32 $0x30, s13;
	s7 =	sadd.s32 $0x30, s15;
	[sflag:s30] =	ssyncadd.s32 $0xFFFFE000  }
.LBB2_2:
0x4e: {  	[tilespmem:s23], [sflag:$0x3] =	stream.indirect.gather [hbm4b:s2+s19], $0x40, s22, s19, $0xb8;
	[tilespmem:$0x6180] =	vst v63  }
0x4f: {  	s8 =	smov.u32 s1  }
0x50: {  	p0 =	sne.s32 s1, $0x23400;
	s1 =	sadd.s32 $0xC00, s1;
	_ =	swait.ge [sflag:s24], $0x2000  }
0x51: {  	[sflag:s24] =	ssyncset.done $0x0  }
0x52: {  	s10 =	sshrl.u32 s0, $0x3;
	s9 =	sadd.s32 s8, s16;
	[sflag:s24] =	ssyncadd.s32 $0xFFFFE000  }
0x53: {  	[hbm4b:s9+s3] =	stream.linear.scatter [tilespmem:s20], [sflag:$0x4], $0x2000, $0x38;
	[tilespmem:$0x6180] =	vst v63  }
0x54: {  	s9 =	sadd.s32 s4, s10  }
0x55: {  	[tilespmem:s3], [sflag:$0x7] =	stream.linear.gather [hbm4b:s9+s3], $0x80, $0x38;
	[tilespmem:$0x6180] =	vst v63  }
0x56: {  	_ =	swait.ge [sflag:s18], $0x80  }
0x57: {  	[sflag:s18] =	ssyncset.done $0x0  }
0x58: {  	[sflag:s18] =	ssyncadd.s32 $0xFFFFFF80  }
0x59: {  	_ =	swait.ge [sflag:s25], $0x2000  }
0x5a: {  	[sflag:s25] =	ssyncset.done $0x0  }
0x5b: {  	[sflag:s25] =	ssyncadd.s32 $0xFFFFE000  }
0x5c: {  	[tilespmem:s20], [sflag:$0x1] =	stream.indirect.gather [hbm4b:s2+s19], $0x40, s3, s19, $0xb8;
	[tilespmem:$0x6180] =	vst v63  }
0x5d: {  	_ =	swait.ge [sflag:s26], $0x2000  }
0x5e: {  	[sflag:s26] =	ssyncset.done $0x0  }
0x5f: {  	s9 =	sadd.s32 s8, s14;
	[sflag:s26] =	ssyncadd.s32 $0xFFFFE000  }
0x60: {  	[hbm4b:s9+s3] =	stream.linear.scatter [tilespmem:s21], [sflag:$0x5], $0x2000, $0x38;
	[tilespmem:$0x6180] =	vst v63  }
0x61: {  	_ = 	snop  }
0x62: {  	[tilespmem:s19], [sflag:$0x7] =	stream.linear.gather [hbm4b:s7+s3], $0x80, $0x38;
	[tilespmem:$0x6180] =	vst v63  }
0x63: {  	_ =	swait.ge [sflag:s18], $0x80  }
0x64: {  	[sflag:s18] =	ssyncset.done $0x0  }
0x65: {  	[sflag:s18] =	ssyncadd.s32 $0xFFFFFF80  }
0x66: {  	_ =	swait.ge [sflag:s28], $0x2000  }
0x67: {  	[sflag:s28] =	ssyncset.done $0x0  }
0x68: {  	[sflag:s28] =	ssyncadd.s32 $0xFFFFE000  }
0x69: {  	[tilespmem:s21], [sflag:$0x2] =	stream.indirect.gather [hbm4b:s2+s19], $0x40, s19, s19, $0xb8;
	[tilespmem:$0x6180] =	vst v63  }
0x6a: {  	_ =	swait.ge [sflag:s29], $0x2000  }
0x6b: {  	[sflag:s29] =	ssyncset.done $0x0  }
0x6c: {  	s8 =	sadd.s32 s8, s12;
	[sflag:s29] =	ssyncadd.s32 $0xFFFFE000  }
0x6d: {  	[hbm4b:s8+s3] =	stream.linear.scatter [tilespmem:s23], [sflag:$0x6], $0x2000, $0x38;
	[tilespmem:$0x6180] =	vst v63  }
0x6e: {  	_ = 	snop  }
0x6f: {  	[tilespmem:s22], [sflag:$0x7] =	stream.linear.gather [hbm4b:s6+s3], $0x80, $0x38;
	[tilespmem:$0x6180] =	vst v63  }
0x70: {  	_ =	swait.ge [sflag:s18], $0x80  }
.Ltmp0:
0x71: {  	[sflag:s18] =	ssyncset.done $0x0;
	(pc) =	sbr.rel @p0 .LBB2_2-.Ltmp0, $4  }
0x72: {  	[sflag:s18] =	ssyncadd.s32 $0xFFFFFF80  }
0x73: {  	_ =	swait.ge [sflag:s30], $0x2000  }
0x74: {  	s0 =	sadd.s32 $0x180, s0;
	[sflag:s30] =	ssyncset.done $0x0  }
0x75: {  	s7 =	sadd.s32 $0x30, s7;
	s6 =	sadd.s32 $0x30, s6;
	[sflag:s30] =	ssyncadd.s32 $0xFFFFE000  }
0x76: {  	[tilespmem:s23], [sflag:$0x3] =	stream.indirect.gather [hbm4b:s2+s19], $0x40, s22, s19, $0xb8;
	[tilespmem:$0x6180] =	vst v63  }
0x77: {  	_ =	swait.ge [sflag:s24], $0x2000  }
0x78: {  	[sflag:s24] =	ssyncset.done $0x0  }
0x79: {  	s0 =	rddreg [dreg:$0x5];
	[sflag:s24] =	ssyncadd.s32 $0xFFFFE000  }
0x7a: {  	[hbm4b:s0+s3] =	stream.linear.scatter [tilespmem:s20], [sflag:$0x4], $0x2000, $0x38;
	[tilespmem:$0x6180] =	vst v63  }
0x7b: {  	_ =	swait.ge [sflag:s25], $0x2000  }
0x7c: {  	[sflag:s25] =	ssyncset.done $0x0  }
0x7d: {  	[sflag:s25] =	ssyncadd.s32 $0xFFFFE000  }
0x7e: {  	_ =	swait.ge [sflag:s26], $0x2000  }
0x7f: {  	[sflag:s26] =	ssyncset.done $0x0  }
0x80: {  	s9 =	rddreg [dreg:$0x6];
	[sflag:s26] =	ssyncadd.s32 $0xFFFFE000  }
0x81: {  	[hbm4b:s9+s3] =	stream.linear.scatter [tilespmem:s21], [sflag:$0x5], $0x2000, $0x38;
	[tilespmem:$0x6180] =	vst v63  }
0x82: {  	_ =	swait.ge [sflag:s28], $0x2000  }
0x83: {  	[sflag:s28] =	ssyncset.done $0x0  }
0x84: {  	[sflag:s28] =	ssyncadd.s32 $0xFFFFE000  }
0x85: {  	s31 =	sadd.s32 $0x1, s31;
	_ =	swait.ge [sflag:s29], $0x2000  }
0x86: {  	p0 =	sne.s32 s31, s11;
	[sflag:s29] =	ssyncset.done $0x0  }
.Ltmp1:
0x87: {  	s10 =	rddreg [dreg:$0x7];
	[sflag:s29] =	ssyncadd.s32 $0xFFFFE000;
	(pc) =	sbr.rel @p0 .LBB2_1-.Ltmp1, $4  }
0x88: {  	[hbm4b:s10+s3] =	stream.linear.scatter [tilespmem:s23], [sflag:$0x6], $0x2000, $0x38;
	[tilespmem:$0x6180] =	vst v63  }
0x89: {  	_ =	swait.ge [sflag:s30], $0x2000  }
0x8a: {  	[sflag:s30] =	ssyncset.done $0x0  }
0x8b: {  	[sflag:s30] =	ssyncadd.s32 $0xFFFFE000  }
0x8c: {  	_ =	sfence.sel $0x180000  }
0x8d: {  	[bflag:$0x0] =	sbarrier.arrive $0xFFFF  }
0x8e: {  	_ =	strace $0x90000047  }
0x8f: {  	s0 =	stileid.u32;
	[bflag:$0x2] =	sbarrier.arrive $0xFFFF  }
0x90: {  	p0 =	sne.s32 s0, $0x0;
	s0 =	rddreg [dreg:$0x2]  }
0x91: {  	s0 =	sadd.s32 @!p0 $0x100000, s0  }
0x92: {  	[sflag:s0] =	ssyncadd.tile.s32 @!p0 $0x1;
	_ =	shalt  }
.Lfunc_end2:
_tile_overlayer_lowered:
.L_overlay_start_2:
0x93: {  	(tag) =	ssettag $0x2  }
0x94: {  	s0 =	rddreg [dreg:$0x0];
	s2 =	stileid.u32  }
0x95: {  	s1 =	rddreg [dreg:$0x1];
	p0 =	sne.s32 s2, $0x0  }
0x96: {  	s3 =	rddreg [dreg:$0x2];
	[bflag:$0x3] =	sbarrier.arrive $0xFFFF;
	s2 =	simm.s32 @!p0 $0x1C07  }
0x97: {  	[timem:s3], [sflag:s2] =	dma.local @!p0 [hbm:s0], s1  }
0x98: {  	s0 =	simm.s32 @!p0 $0x7  }
0x99: {  	_ =	swait.ge @!p0 [sflag:s0], s1  }
0x9a: {  	s1 =	ssub.s32 @!p0 $0x0, s1;
	[sflag:s0] =	ssyncset.done @!p0 $0x0  }
0x9b: {  	[sflag:s0] =	ssyncadd.s32 @!p0 s1  }
0x9c: {  	[bflag:$0x3] =	sbarrier.arrive $0xFFFF  }
0x9d: {  	_ =	shalt  }

</sc_bundles>
